<compile_context>
chip_gen: v7x
topology: tpu7x:2x2x1
jax: 0.10.2.dev20260603
libtpu: 0.0.44.dev20260713+nightly
codegen_flags: <defaults>
</compile_context>

<pallas_src>
import functools

import jax
import jax.numpy as jnp
import numpy as np
from jax import lax
from jax.experimental import pallas as pl
from jax.experimental.pallas import tpu as pltpu
from jax.experimental.pallas import tpu_sc as plsc

_NC = 2
_NS = 16
_L = 16

_CH = 64


def _edge_proj_body(a_ref, w_ref, b_ref, o_ref):
    d = w_ref.shape[1]
    h = d // 2
    y = (
        jnp.dot(a_ref[...], w_ref[...], preferred_element_type=jnp.float32)
        + b_ref[...]
    )
    iu = jax.lax.bitcast_convert_type(y[:, :h], jnp.int32)
    iv = jax.lax.bitcast_convert_type(y[:, h:], jnp.int32)
    ru = ((iu + 0x7FFF + ((iu >> 16) & 1)) >> 16) & 0xFFFF
    rv = ((iv + 0x7FFF + ((iv >> 16) & 1)) >> 16) & 0xFFFF
    o_ref[...] = ru | (rv << 16)


def _proj_body(x_ref, ws_ref, wd_ref, a_ref, w_ref, b_ref,
               ps_ref, pd_ref, o_ref):
    xb = x_ref[...]
    ps_ref[...] = jnp.dot(xb, ws_ref[...], preferred_element_type=jnp.float32)
    pd_ref[...] = jnp.dot(xb, wd_ref[...], preferred_element_type=jnp.float32)
    _edge_proj_body(a_ref, w_ref, b_ref, o_ref)


def _proj(x, w_src, w_dst, ea, w_e, b_msg):
    n, d = x.shape
    e, de = ea.shape
    grid = 25
    bn = n // grid
    be = e // grid
    return pl.pallas_call(
        _proj_body,
        grid=(grid,),
        in_specs=[
            pl.BlockSpec((bn, d), lambda i: (i, 0)),
            pl.BlockSpec((d, d), lambda i: (0, 0)),
            pl.BlockSpec((d, d), lambda i: (0, 0)),
            pl.BlockSpec((be, de), lambda i: (i, 0)),
            pl.BlockSpec((de, d), lambda i: (0, 0)),
            pl.BlockSpec((1, d), lambda i: (0, 0)),
        ],
        out_specs=[
            pl.BlockSpec((bn, d), lambda i: (i, 0)),
            pl.BlockSpec((bn, d), lambda i: (i, 0)),
            pl.BlockSpec((be, d // 2), lambda i: (i, 0)),
        ],
        out_shape=[
            jax.ShapeDtypeStruct((n, d), jnp.float32),
            jax.ShapeDtypeStruct((n, d), jnp.float32),
            jax.ShapeDtypeStruct((e, d // 2), jnp.int32),
        ],
    )(x, w_src, w_dst, ea, w_e, b_msg.reshape(1, d))


def _make_sc_agg(n, d, e):
    groups = d // _L
    e_core = e // _NC
    nchunks = e_core // _CH
    chunks_per_t = nchunks // _NS
    rem = nchunks % _NS
    njmax = chunks_per_t + (1 if rem else 0)
    n_pad = -(-n // (8 * _NS)) * (8 * _NS)
    rows_per_tile = n_pad // _NS
    zch = [64] * (rows_per_tile // 64)
    if rows_per_tile % 64:
        zch.append(rows_per_tile % 64)

    mesh = plsc.VectorSubcoreMesh(core_axis_name="c", subcore_axis_name="s")

    @functools.partial(
        pl.kernel,
        out_type=jax.ShapeDtypeStruct((_NC, n_pad, d), jnp.float32),
        mesh=mesh,
        scratch_types=[
            pltpu.VMEM((3, _CH), jnp.int32),
            pltpu.VMEM((3, _CH), jnp.int32),
            pltpu.VMEM((2, _CH, d), jnp.float32),
            pltpu.VMEM((2, _CH, d), jnp.float32),
            pltpu.VMEM((2, _CH, d // 2), jnp.int32),
            pltpu.VMEM_SHARED((n_pad, d), jnp.float32),
            pltpu.SemaphoreType.DMA,
            pltpu.SemaphoreType.DMA,
            pltpu.SemaphoreType.DMA,
            pltpu.SemaphoreType.DMA,
            pltpu.SemaphoreType.DMA,
            pltpu.SemaphoreType.DMA,
            pltpu.SemaphoreType.DMA,
        ],
    )
    def sc_agg(ps_hbm, pd_hbm, e_hbm, src_hbm, dst_hbm, out_hbm,
               srcv, dstv, abuf, bbuf, cbuf, aggsh,
               gsem0, gsem1, ssem0, ssem1, isem0, isem1, isem2):
        cid = lax.axis_index("c")
        sid = lax.axis_index("s")
        gsem = (gsem0, gsem1)
        ssem = (ssem0, ssem1)
        isem = (isem0, isem1, isem2)
        ebase = cid * e_core

        def zrow(r, _):
            for g in range(groups):
                abuf[0, r, pl.ds(g * _L, _L)] = jnp.zeros((_L,), jnp.float32)
            return 0

        lax.fori_loop(0, _CH, zrow, 0)
        r0 = 0
        for sz in zch:
            pltpu.sync_copy(
                abuf.at[0].at[pl.ds(0, sz)],
                aggsh.at[pl.ds(sid * rows_per_tile + r0, sz)],
            )
            r0 += sz
        plsc.subcore_barrier()

        nj = chunks_per_t + jnp.where(sid < rem, 1, 0)

        def idx_load(j, k):
            base = ebase + (sid + _NS * j) * _CH
            pltpu.async_copy(src_hbm.at[pl.ds(base, _CH)], srcv.at[k], isem[k])
            pltpu.async_copy(dst_hbm.at[pl.ds(base, _CH)], dstv.at[k], isem[k])

        def idx_wait(k):
            pltpu.make_async_copy(src_hbm.at[pl.ds(0, _CH)], srcv.at[k], isem[k]).wait()
            pltpu.make_async_copy(dst_hbm.at[pl.ds(0, _CH)], dstv.at[k], isem[k]).wait()

        def gather_start(j, k, b):
            base = ebase + (sid + _NS * j) * _CH
            pltpu.async_copy(ps_hbm.at[srcv.at[k]], abuf.at[b], gsem[b])
            pltpu.async_copy(pd_hbm.at[dstv.at[k]], bbuf.at[b], gsem[b])
            pltpu.async_copy(e_hbm.at[pl.ds(base, _CH)], cbuf.at[b], gsem[b])

        def gather_wait(b):
            pltpu.make_async_copy(ps_hbm.at[pl.ds(0, _CH)], abuf.at[b], gsem[b]).wait()
            pltpu.make_async_copy(ps_hbm.at[pl.ds(0, _CH)], bbuf.at[b], gsem[b]).wait()
            pltpu.make_async_copy(e_hbm.at[pl.ds(0, _CH)], cbuf.at[b], gsem[b]).wait()

        def scatter_start(k, b):
            pltpu.async_copy(abuf.at[b], aggsh.at[dstv.at[k]], ssem[b], add=True)

        def scatter_wait(b):
            pltpu.make_async_copy(ps_hbm.at[pl.ds(0, _CH)], abuf.at[b], ssem[b]).wait()

        idx_load(0, 0)

        @pl.when(nj > 1)
        def _():
            idx_load(1, 1)

        idx_wait(0)
        gather_start(0, 0, 0)

        def outer(j2, _):
            for u in range(6):
                j = j2 * 6 + u
                b = u % 2
                nb = 1 - b
                k = u % 3
                nk = (u + 1) % 3
                nnk = (u + 2) % 3

                @pl.when(j < nj)
                def _():
                    @pl.when(j + 1 < nj)
                    def _():
                        idx_wait(nk)

                        @pl.when(j >= 1)
                        def _():
                            scatter_wait(nb)

                        gather_start(j + 1, nk, nb)

                    @pl.when(j + 2 < nj)
                    def _():
                        idx_load(j + 2, nnk)

                    gather_wait(b)

                    def row(r, _):
                        for g in range(groups // 2):
                            ve = cbuf[b, r, pl.ds(g * _L, _L)]
                            lo = jax.lax.bitcast_convert_type(ve << 16, jnp.float32)
                            hi = jax.lax.bitcast_convert_type(ve & -65536, jnp.float32)
                            s0 = pl.ds(g * 2 * _L, _L)
                            s1 = pl.ds(g * 2 * _L + _L, _L)
                            v0 = abuf[b, r, s0] + bbuf[b, r, s0] + lo
                            v1 = abuf[b, r, s1] + bbuf[b, r, s1] + hi
                            abuf[b, r, s0] = jnp.maximum(v0, 0.0)
                            abuf[b, r, s1] = jnp.maximum(v1, 0.0)
                        return 0

                    lax.fori_loop(0, _CH, row, 0)
                    scatter_start(k, b)
            return 0

        lax.fori_loop(0, (njmax + 5) // 6, outer, 0)

        @pl.when(nj > 1)
        def _():
            scatter_wait(0)
            scatter_wait(1)

        @pl.when(nj == 1)
        def _():
            scatter_wait(0)

        plsc.subcore_barrier()

        r0 = 0
        for sz in zch:
            row0 = sid * rows_per_tile + r0
            pltpu.sync_copy(aggsh.at[pl.ds(row0, sz)], abuf.at[0].at[pl.ds(0, sz)])
            pltpu.sync_copy(abuf.at[0].at[pl.ds(0, sz)], out_hbm.at[cid, pl.ds(row0, sz)])
            r0 += sz

    return sc_agg


def _update_body(x_ref, part_ref, wx_ref, wa_ref, b_ref, o_ref):
    agg = part_ref[0] + part_ref[1]
    hv = (
        jnp.dot(x_ref[...], wx_ref[...], preferred_element_type=jnp.float32)
        + jnp.dot(agg, wa_ref[...], preferred_element_type=jnp.float32)
        + b_ref[...]
    )
    o_ref[...] = jnp.maximum(hv, 0.0)


def _update(x, part, w_x, w_a, b_upd):
    n, d = x.shape
    bn = 2000
    grid = n // bn
    return pl.pallas_call(
        _update_body,
        grid=(grid,),
        in_specs=[
            pl.BlockSpec((bn, d), lambda i: (i, 0)),
            pl.BlockSpec((_NC, bn, d), lambda i: (0, i, 0)),
            pl.BlockSpec((d, d), lambda i: (0, 0)),
            pl.BlockSpec((d, d), lambda i: (0, 0)),
            pl.BlockSpec((1, d), lambda i: (0, 0)),
        ],
        out_specs=pl.BlockSpec((bn, d), lambda i: (i, 0)),
        out_shape=jax.ShapeDtypeStruct((n, d), jnp.float32),
    )(x, part, w_x, w_a, b_upd.reshape(1, d))


def kernel(x, edge_index, edge_attr, W_msg, b_msg, W_upd, b_upd):
    n, d = x.shape
    e = edge_attr.shape[0]

    w_src = W_msg[:d]
    w_dst = W_msg[d:2 * d]
    lo_cols = np.concatenate(
        [np.arange(g * 32, g * 32 + 16) for g in range(d // 32)])
    hi_cols = lo_cols + 16
    perm = np.concatenate([lo_cols, hi_cols]).astype(np.int32)
    w_e = W_msg[2 * d:][:, perm]
    b_msg = b_msg[perm]
    w_x = W_upd[:d]
    w_a = W_upd[d:]

    src = edge_index[0]
    dst = edge_index[1]

    p_src, p_dst, e_proj = _proj(x, w_src, w_dst, edge_attr, w_e, b_msg)
    part = _make_sc_agg(n, d, e)(p_src, p_dst, e_proj, src, dst)
    return _update(x, part, w_x, w_a, b_upd)

# --- scband reference (transcript-rebuilt; emitter-appended) ---
"""Pipeline reference for scband-gnnmaterial-patch-model-35218731827626 (READ-ONLY COPY).

The authoritative reference and input builder live on the scoring server;
editing this copy changes nothing except your own understanding.
"""

import jax, jax.numpy as jnp
import numpy as np

N, E, D, DE = 10000, 320000, 128, 16

def setup_inputs(seed: int = 0) -> dict:
    key = jax.random.key(seed)
    ks = jax.random.split(key, 8)
    x = jax.random.normal(ks[0], (N, D), dtype=jnp.float32)
    edge_index = jax.random.randint(ks[1], (2, E), 0, N, dtype=jnp.int32)
    edge_attr = jax.random.normal(ks[2], (E, DE), dtype=jnp.float32)
    W_msg = jax.random.normal(ks[3], (2 * D + DE, D), dtype=jnp.float32) * (1.0 / np.sqrt(2 * D + DE))
    b_msg = jnp.zeros((D,), dtype=jnp.float32)
    W_upd = jax.random.normal(ks[4], (2 * D, D), dtype=jnp.float32) * (1.0 / np.sqrt(2 * D))
    b_upd = jnp.zeros((D,), dtype=jnp.float32)
    return {"x": x, "edge_index": edge_index, "edge_attr": edge_attr,
            "W_msg": W_msg, "b_msg": b_msg, "W_upd": W_upd, "b_upd": b_upd}

def reference(x, edge_index, edge_attr, W_msg, b_msg, W_upd, b_upd):
    # GNN material-patch message passing layer:
    # message MLP over [x_src, x_dst, edge_attr], scatter-add aggregation to dst,
    # node update MLP over [x, aggregated_messages].
    src = edge_index[0]
    dst = edge_index[1]
    x_src = jnp.take(x, src, axis=0)
    x_dst = jnp.take(x, dst, axis=0)
    m_in = jnp.concatenate([x_src, x_dst, edge_attr], axis=1)
    m = jax.nn.relu(m_in @ W_msg + b_msg)
    agg = jax.ops.segment_sum(m, dst, num_segments=x.shape[0])
    h_in = jnp.concatenate([x, agg], axis=1)
    h = jax.nn.relu(h_in @ W_upd + b_upd)
    return h

if __name__ == "__main__":
    import jax
    _d = setup_inputs()
    print(jax.jit(kernel)(*tuple(_d.values())))

</pallas_src>

<mosaic_0001>
#map = affine_map<(d0, d1) -> (0, 0)>
#map1 = affine_map<(d0, d1) -> (0)>
#map2 = affine_map<(d0, d1) -> (0, 0, 0)>
module attributes {stable_mosaic.version = 14 : i64} {
  func.func @sc_agg(%arg0: i32, %arg1: i32, %arg2: memref<10000x128xf32, #tpu.memory_space<hbm>>, %arg3: memref<10000x128xf32, #tpu.memory_space<hbm>>, %arg4: memref<320000x64xi32, #tpu.memory_space<hbm>>, %arg5: memref<320000xi32, #tpu.memory_space<hbm>>, %arg6: memref<320000xi32, #tpu.memory_space<hbm>>, %arg7: memref<2x10112x128xf32, #tpu.memory_space<hbm>>, %arg8: memref<3x64xi32, #tpu.memory_space<vmem>>, %arg9: memref<3x64xi32, #tpu.memory_space<vmem>>, %arg10: memref<2x64x128xf32, #tpu.memory_space<vmem>>, %arg11: memref<2x64x128xf32, #tpu.memory_space<vmem>>, %arg12: memref<2x64x64xi32, #tpu.memory_space<vmem>>, %arg13: memref<10112x128xf32, #tpu.memory_space<vmem_shared>>, %arg14: memref<!tpu.dma_semaphore, #tpu.memory_space<semaphore_mem>>, %arg15: memref<!tpu.dma_semaphore, #tpu.memory_space<semaphore_mem>>, %arg16: memref<!tpu.dma_semaphore, #tpu.memory_space<semaphore_mem>>, %arg17: memref<!tpu.dma_semaphore, #tpu.memory_space<semaphore_mem>>, %arg18: memref<!tpu.dma_semaphore, #tpu.memory_space<semaphore_mem>>, %arg19: memref<!tpu.dma_semaphore, #tpu.memory_space<semaphore_mem>>, %arg20: memref<!tpu.dma_semaphore, #tpu.memory_space<semaphore_mem>>) attributes {dimension_semantics = [#tpu.dimension_semantics<core_parallel>, #tpu.dimension_semantics<subcore_parallel>], iteration_bounds = array<i64: 2, 16>, scalar_prefetch = 0 : i64, scratch_operands = 13 : i64, tpu.core_type = #tpu.core_type<sc_vector_subcore>, window_params = [{transform_indices = #map}, {transform_indices = #map}, {transform_indices = #map}, {transform_indices = #map1}, {transform_indices = #map1}, {transform_indices = #map2}]} {
    %mul3A = arith.constant 160000 : i32
    %mul3A_0 = arith.muli %arg0, %mul3A : i32
    %scan3A = arith.constant 0 : i32
    %scan3A_1 = arith.constant 0 : i32
    %scan3A_2 = arith.constant 64 : i32
    %scan3A_3 = arith.addi %scan3A_1, %scan3A_2 : i32
    %scan3A_4 = arith.constant 1 : i32
    %scan3A_5 = scf.for %scan3A_223 = %scan3A_1 to %scan3A_3 step %scan3A_4 iter_args(%scan3A_224 = %scan3A) -> (i32)  : i32 {
      %broadcast_in_dim3A = arith.constant 0.000000e+00 : f32
      %broadcast_in_dim3A_225 = vector.broadcast %broadcast_in_dim3A : f32 to vector<16xf32>
      %swap3A = arith.constant 0 : i32
      %swap3A_226 = arith.index_cast %swap3A : i32 to index
      %swap3A_227 = arith.index_cast %scan3A_223 : i32 to index
      %swap3A_228 = arith.constant 0 : index
      %swap3A_229 = tpu.vector_load %arg10[%swap3A_226, %swap3A_227, %swap3A_228] {strides = array<i32>} : memref<2x64x128xf32, #tpu.memory_space<vmem>>, vector<1x1x16xf32>,
      %swap3A_230 = vector.shape_cast %swap3A_229 : vector<1x1x16xf32> to vector<16xf32>
      %swap3A_231 = vector.shape_cast %broadcast_in_dim3A_225 : vector<16xf32> to vector<1x1x16xf32>
      tpu.vector_store %arg10[%swap3A_226, %swap3A_227, %swap3A_228], %swap3A_231 {strides = array<i32>} : memref<2x64x128xf32, #tpu.memory_space<vmem>>, vector<1x1x16xf32>,
      %broadcast_in_dim3A_232 = arith.constant 0.000000e+00 : f32
      %broadcast_in_dim3A_233 = vector.broadcast %broadcast_in_dim3A_232 : f32 to vector<16xf32>
      %swap3A_234 = arith.constant 0 : i32
      %swap3A_235 = arith.index_cast %swap3A_234 : i32 to index
      %swap3A_236 = arith.index_cast %scan3A_223 : i32 to index
      %swap3A_237 = arith.constant 16 : index
      %swap3A_238 = tpu.vector_load %arg10[%swap3A_235, %swap3A_236, %swap3A_237] {strides = array<i32>} : memref<2x64x128xf32, #tpu.memory_space<vmem>>, vector<1x1x16xf32>,
      %swap3A_239 = vector.shape_cast %swap3A_238 : vector<1x1x16xf32> to vector<16xf32>
      %swap3A_240 = vector.shape_cast %broadcast_in_dim3A_233 : vector<16xf32> to vector<1x1x16xf32>
      tpu.vector_store %arg10[%swap3A_235, %swap3A_236, %swap3A_237], %swap3A_240 {strides = array<i32>} : memref<2x64x128xf32, #tpu.memory_space<vmem>>, vector<1x1x16xf32>,
      %broadcast_in_dim3A_241 = arith.constant 0.000000e+00 : f32
      %broadcast_in_dim3A_242 = vector.broadcast %broadcast_in_dim3A_241 : f32 to vector<16xf32>
      %swap3A_243 = arith.constant 0 : i32
      %swap3A_244 = arith.index_cast %swap3A_243 : i32 to index
      %swap3A_245 = arith.index_cast %scan3A_223 : i32 to index
      %swap3A_246 = arith.constant 32 : index
      %swap3A_247 = tpu.vector_load %arg10[%swap3A_244, %swap3A_245, %swap3A_246] {strides = array<i32>} : memref<2x64x128xf32, #tpu.memory_space<vmem>>, vector<1x1x16xf32>,
      %swap3A_248 = vector.shape_cast %swap3A_247 : vector<1x1x16xf32> to vector<16xf32>
      %swap3A_249 = vector.shape_cast %broadcast_in_dim3A_242 : vector<16xf32> to vector<1x1x16xf32>
      tpu.vector_store %arg10[%swap3A_244, %swap3A_245, %swap3A_246], %swap3A_249 {strides = array<i32>} : memref<2x64x128xf32, #tpu.memory_space<vmem>>, vector<1x1x16xf32>,
      %broadcast_in_dim3A_250 = arith.constant 0.000000e+00 : f32
      %broadcast_in_dim3A_251 = vector.broadcast %broadcast_in_dim3A_250 : f32 to vector<16xf32>
      %swap3A_252 = arith.constant 0 : i32
      %swap3A_253 = arith.index_cast %swap3A_252 : i32 to index
      %swap3A_254 = arith.index_cast %scan3A_223 : i32 to index
      %swap3A_255 = arith.constant 48 : index
      %swap3A_256 = tpu.vector_load %arg10[%swap3A_253, %swap3A_254, %swap3A_255] {strides = array<i32>} : memref<2x64x128xf32, #tpu.memory_space<vmem>>, vector<1x1x16xf32>,
      %swap3A_257 = vector.shape_cast %swap3A_256 : vector<1x1x16xf32> to vector<16xf32>
      %swap3A_258 = vector.shape_cast %broadcast_in_dim3A_251 : vector<16xf32> to vector<1x1x16xf32>
      tpu.vector_store %arg10[%swap3A_253, %swap3A_254, %swap3A_255], %swap3A_258 {strides = array<i32>} : memref<2x64x128xf32, #tpu.memory_space<vmem>>, vector<1x1x16xf32>,
      %broadcast_in_dim3A_259 = arith.constant 0.000000e+00 : f32
      %broadcast_in_dim3A_260 = vector.broadcast %broadcast_in_dim3A_259 : f32 to vector<16xf32>
      %swap3A_261 = arith.constant 0 : i32
      %swap3A_262 = arith.index_cast %swap3A_261 : i32 to index
      %swap3A_263 = arith.index_cast %scan3A_223 : i32 to index
      %swap3A_264 = arith.constant 64 : index
      %swap3A_265 = tpu.vector_load %arg10[%swap3A_262, %swap3A_263, %swap3A_264] {strides = array<i32>} : memref<2x64x128xf32, #tpu.memory_space<vmem>>, vector<1x1x16xf32>,
      %swap3A_266 = vector.shape_cast %swap3A_265 : vector<1x1x16xf32> to vector<16xf32>
      %swap3A_267 = vector.shape_cast %broadcast_in_dim3A_260 : vector<16xf32> to vector<1x1x16xf32>
      tpu.vector_store %arg10[%swap3A_262, %swap3A_263, %swap3A_264], %swap3A_267 {strides = array<i32>} : memref<2x64x128xf32, #tpu.memory_space<vmem>>, vector<1x1x16xf32>,
      %broadcast_in_dim3A_268 = arith.constant 0.000000e+00 : f32
      %broadcast_in_dim3A_269 = vector.broadcast %broadcast_in_dim3A_268 : f32 to vector<16xf32>
      %swap3A_270 = arith.constant 0 : i32
      %swap3A_271 = arith.index_cast %swap3A_270 : i32 to index
      %swap3A_272 = arith.index_cast %scan3A_223 : i32 to index
      %swap3A_273 = arith.constant 80 : index
      %swap3A_274 = tpu.vector_load %arg10[%swap3A_271, %swap3A_272, %swap3A_273] {strides = array<i32>} : memref<2x64x128xf32, #tpu.memory_space<vmem>>, vector<1x1x16xf32>,
      %swap3A_275 = vector.shape_cast %swap3A_274 : vector<1x1x16xf32> to vector<16xf32>
      %swap3A_276 = vector.shape_cast %broadcast_in_dim3A_269 : vector<16xf32> to vector<1x1x16xf32>
      tpu.vector_store %arg10[%swap3A_271, %swap3A_272, %swap3A_273], %swap3A_276 {strides = array<i32>} : memref<2x64x128xf32, #tpu.memory_space<vmem>>, vector<1x1x16xf32>,
      %broadcast_in_dim3A_277 = arith.constant 0.000000e+00 : f32
      %broadcast_in_dim3A_278 = vector.broadcast %broadcast_in_dim3A_277 : f32 to vector<16xf32>
      %swap3A_279 = arith.constant 0 : i32
      %swap3A_280 = arith.index_cast %swap3A_279 : i32 to index
      %swap3A_281 = arith.index_cast %scan3A_223 : i32 to index
      %swap3A_282 = arith.constant 96 : index
      %swap3A_283 = tpu.vector_load %arg10[%swap3A_280, %swap3A_281, %swap3A_282] {strides = array<i32>} : memref<2x64x128xf32, #tpu.memory_space<vmem>>, vector<1x1x16xf32>,
      %swap3A_284 = vector.shape_cast %swap3A_283 : vector<1x1x16xf32> to vector<16xf32>
      %swap3A_285 = vector.shape_cast %broadcast_in_dim3A_278 : vector<16xf32> to vector<1x1x16xf32>
      tpu.vector_store %arg10[%swap3A_280, %swap3A_281, %swap3A_282], %swap3A_285 {strides = array<i32>} : memref<2x64x128xf32, #tpu.memory_space<vmem>>, vector<1x1x16xf32>,
      %broadcast_in_dim3A_286 = arith.constant 0.000000e+00 : f32
      %broadcast_in_dim3A_287 = vector.broadcast %broadcast_in_dim3A_286 : f32 to vector<16xf32>
      %swap3A_288 = arith.constant 0 : i32
      %swap3A_289 = arith.index_cast %swap3A_288 : i32 to index
      %swap3A_290 = arith.index_cast %scan3A_223 : i32 to index
      %swap3A_291 = arith.constant 112 : index
      %swap3A_292 = tpu.vector_load %arg10[%swap3A_289, %swap3A_290, %swap3A_291] {strides = array<i32>} : memref<2x64x128xf32, #tpu.memory_space<vmem>>, vector<1x1x16xf32>,
      %swap3A_293 = vector.shape_cast %swap3A_292 : vector<1x1x16xf32> to vector<16xf32>
      %swap3A_294 = vector.shape_cast %broadcast_in_dim3A_287 : vector<16xf32> to vector<1x1x16xf32>
      tpu.vector_store %arg10[%swap3A_289, %swap3A_290, %swap3A_291], %swap3A_294 {strides = array<i32>} : memref<2x64x128xf32, #tpu.memory_space<vmem>>, vector<1x1x16xf32>,
      %scan3A_295 = arith.constant 0 : i32
      scf.yield %scan3A_295 : i32
    }
    %scan3A_6 = arith.constant 64 : i32
    %mul3A_7 = arith.constant 632 : i32
    %mul3A_8 = arith.muli %arg1, %mul3A_7 : i32
    %add3A = arith.constant 0 : i32
    %add3A_9 = arith.addi %mul3A_8, %add3A : i32
    %run_scoped3A = arith.constant 0 : i32
    "tpu.region"() ({
      %run_scoped3A_223 = tpu.sem_alloc : memref<!tpu.dma_semaphore, #tpu.memory_space<semaphore_mem>>
      %dma_start3A_224 = arith.constant 0 : i32
      %dma_start3A_225 = arith.constant 0 : i32
      %dma_start3A_226 = tpu.memref_slice %arg10[%run_scoped3A, %dma_start3A_224, %dma_start3A_225] : memref<2x64x128xf32, #tpu.memory_space<vmem>> -> memref<1x64x128xf32, #tpu.memory_space<vmem>>
      %dma_start3A_227 = tpu.memref_squeeze %dma_start3A_226 : memref<1x64x128xf32, #tpu.memory_space<vmem>> -> memref<64x128xf32, #tpu.memory_space<vmem>>
      %dma_start3A_228 = arith.constant 0 : i32
      %dma_start3A_229 = arith.constant 0 : i32
      %dma_start3A_230 = tpu.memref_slice %dma_start3A_227[%dma_start3A_228, %dma_start3A_229] : memref<64x128xf32, #tpu.memory_space<vmem>> -> memref<64x128xf32, #tpu.memory_space<vmem>>
      %dma_start3A_231 = arith.constant 0 : i32
      %dma_start3A_232 = tpu.memref_slice %arg13[%add3A_9, %dma_start3A_231] : memref<10112x128xf32, #tpu.memory_space<vmem_shared>> -> memref<64x128xf32, #tpu.memory_space<vmem_shared>>
      %dma_start3A_233 = arith.constant 0 : i32
      %dma_start3A_234 = tpu.memref_slice %arg13[%add3A_9, %dma_start3A_233] : memref<10112x128xf32, #tpu.memory_space<vmem_shared>> -> memref<64x128xf32, #tpu.memory_space<vmem_shared>>
      %dma_start3A_235 = arith.constant 0 : i32
      %dma_start3A_236 = arith.constant 0 : i32
      %dma_start3A_237 = tpu.memref_slice %arg10[%run_scoped3A, %dma_start3A_235, %dma_start3A_236] : memref<2x64x128xf32, #tpu.memory_space<vmem>> -> memref<1x64x128xf32, #tpu.memory_space<vmem>>
      %dma_start3A_238 = tpu.memref_squeeze %dma_start3A_237 : memref<1x64x128xf32, #tpu.memory_space<vmem>> -> memref<64x128xf32, #tpu.memory_space<vmem>>
      %dma_start3A_239 = arith.constant 0 : i32
      %dma_start3A_240 = arith.constant 0 : i32
      %dma_start3A_241 = tpu.memref_slice %dma_start3A_238[%dma_start3A_239, %dma_start3A_240] : memref<64x128xf32, #tpu.memory_space<vmem>> -> memref<64x128xf32, #tpu.memory_space<vmem>>
      tpu.enqueue_dma source(%dma_start3A_241 : memref<64x128xf32, #tpu.memory_space<vmem>>) target(%dma_start3A_234 : memref<64x128xf32, #tpu.memory_space<vmem_shared>>) target_semaphore(%run_scoped3A_223 : memref<!tpu.dma_semaphore, #tpu.memory_space<semaphore_mem>>)
      %dma_wait3A_242 = arith.constant 0 : i32
      %dma_wait3A_243 = arith.constant 0 : i32
      %dma_wait3A_244 = tpu.memref_slice %arg10[%run_scoped3A, %dma_wait3A_242, %dma_wait3A_243] : memref<2x64x128xf32, #tpu.memory_space<vmem>> -> memref<1x64x128xf32, #tpu.memory_space<vmem>>
      %dma_wait3A_245 = tpu.memref_squeeze %dma_wait3A_244 : memref<1x64x128xf32, #tpu.memory_space<vmem>> -> memref<64x128xf32, #tpu.memory_space<vmem>>
      %dma_wait3A_246 = arith.constant 0 : i32
      %dma_wait3A_247 = arith.constant 0 : i32
      %dma_wait3A_248 = tpu.memref_slice %dma_wait3A_245[%dma_wait3A_246, %dma_wait3A_247] : memref<64x128xf32, #tpu.memory_space<vmem>> -> memref<64x128xf32, #tpu.memory_space<vmem>>
      %dma_wait3A_249 = arith.constant 0 : i32
      %dma_wait3A_250 = tpu.memref_slice %arg13[%add3A_9, %dma_wait3A_249] : memref<10112x128xf32, #tpu.memory_space<vmem_shared>> -> memref<64x128xf32, #tpu.memory_space<vmem_shared>>
      %dma_wait3A_251 = arith.constant 0 : i32
      %dma_wait3A_252 = tpu.memref_slice %arg13[%add3A_9, %dma_wait3A_251] : memref<10112x128xf32, #tpu.memory_space<vmem_shared>> -> memref<64x128xf32, #tpu.memory_space<vmem_shared>>
      %dma_wait3A_253 = arith.constant 0 : i32
      %dma_wait3A_254 = arith.constant 0 : i32
      %dma_wait3A_255 = tpu.memref_slice %arg10[%run_scoped3A, %dma_wait3A_253, %dma_wait3A_254] : memref<2x64x128xf32, #tpu.memory_space<vmem>> -> memref<1x64x128xf32, #tpu.memory_space<vmem>>
      %dma_wait3A_256 = tpu.memref_squeeze %dma_wait3A_255 : memref<1x64x128xf32, #tpu.memory_space<vmem>> -> memref<64x128xf32, #tpu.memory_space<vmem>>
      %dma_wait3A_257 = arith.constant 0 : i32
      %dma_wait3A_258 = arith.constant 0 : i32
      %dma_wait3A_259 = tpu.memref_slice %dma_wait3A_256[%dma_wait3A_257, %dma_wait3A_258] : memref<64x128xf32, #tpu.memory_space<vmem>> -> memref<64x128xf32, #tpu.memory_space<vmem>>
      tpu.wait_dma2 semaphore(%run_scoped3A_223 : memref<!tpu.dma_semaphore, #tpu.memory_space<semaphore_mem>>) src(%dma_wait3A_259 : memref<64x128xf32, #tpu.memory_space<vmem>>) dst(%dma_wait3A_252 : memref<64x128xf32, #tpu.memory_space<vmem_shared>>)
      tpu.yield
    }) : () -> ()
    %mul3A_10 = arith.constant 632 : i32
    %mul3A_11 = arith.muli %arg1, %mul3A_10 : i32
    %add3A_12 = arith.constant 64 : i32
    %add3A_13 = arith.addi %mul3A_11, %add3A_12 : i32
    %run_scoped3A_14 = arith.constant 0 : i32
    "tpu.region"() ({
      %run_scoped3A_223 = tpu.sem_alloc : memref<!tpu.dma_semaphore, #tpu.memory_space<semaphore_mem>>
      %dma_start3A_224 = arith.constant 0 : i32
      %dma_start3A_225 = arith.constant 0 : i32
      %dma_start3A_226 = tpu.memref_slice %arg10[%run_scoped3A_14, %dma_start3A_224, %dma_start3A_225] : memref<2x64x128xf32, #tpu.memory_space<vmem>> -> memref<1x64x128xf32, #tpu.memory_space<vmem>>
      %dma_start3A_227 = tpu.memref_squeeze %dma_start3A_226 : memref<1x64x128xf32, #tpu.memory_space<vmem>> -> memref<64x128xf32, #tpu.memory_space<vmem>>
      %dma_start3A_228 = arith.constant 0 : i32
      %dma_start3A_229 = arith.constant 0 : i32
      %dma_start3A_230 = tpu.memref_slice %dma_start3A_227[%dma_start3A_228, %dma_start3A_229] : memref<64x128xf32, #tpu.memory_space<vmem>> -> memref<64x128xf32, #tpu.memory_space<vmem>>
      %dma_start3A_231 = arith.constant 0 : i32
      %dma_start3A_232 = tpu.memref_slice %arg13[%add3A_13, %dma_start3A_231] : memref<10112x128xf32, #tpu.memory_space<vmem_shared>> -> memref<64x128xf32, #tpu.memory_space<vmem_shared>>
      %dma_start3A_233 = arith.constant 0 : i32
      %dma_start3A_234 = tpu.memref_slice %arg13[%add3A_13, %dma_start3A_233] : memref<10112x128xf32, #tpu.memory_space<vmem_shared>> -> memref<64x128xf32, #tpu.memory_space<vmem_shared>>
      %dma_start3A_235 = arith.constant 0 : i32
      %dma_start3A_236 = arith.constant 0 : i32
      %dma_start3A_237 = tpu.memref_slice %arg10[%run_scoped3A_14, %dma_start3A_235, %dma_start3A_236] : memref<2x64x128xf32, #tpu.memory_space<vmem>> -> memref<1x64x128xf32, #tpu.memory_space<vmem>>
      %dma_start3A_238 = tpu.memref_squeeze %dma_start3A_237 : memref<1x64x128xf32, #tpu.memory_space<vmem>> -> memref<64x128xf32, #tpu.memory_space<vmem>>
      %dma_start3A_239 = arith.constant 0 : i32
      %dma_start3A_240 = arith.constant 0 : i32
      %dma_start3A_241 = tpu.memref_slice %dma_start3A_238[%dma_start3A_239, %dma_start3A_240] : memref<64x128xf32, #tpu.memory_space<vmem>> -> memref<64x128xf32, #tpu.memory_space<vmem>>
      tpu.enqueue_dma source(%dma_start3A_241 : memref<64x128xf32, #tpu.memory_space<vmem>>) target(%dma_start3A_234 : memref<64x128xf32, #tpu.memory_space<vmem_shared>>) target_semaphore(%run_scoped3A_223 : memref<!tpu.dma_semaphore, #tpu.memory_space<semaphore_mem>>)
      %dma_wait3A_242 = arith.constant 0 : i32
      %dma_wait3A_243 = arith.constant 0 : i32
      %dma_wait3A_244 = tpu.memref_slice %arg10[%run_scoped3A_14, %dma_wait3A_242, %dma_wait3A_243] : memref<2x64x128xf32, #tpu.memory_space<vmem>> -> memref<1x64x128xf32, #tpu.memory_space<vmem>>
      %dma_wait3A_245 = tpu.memref_squeeze %dma_wait3A_244 : memref<1x64x128xf32, #tpu.memory_space<vmem>> -> memref<64x128xf32, #tpu.memory_space<vmem>>
      %dma_wait3A_246 = arith.constant 0 : i32
      %dma_wait3A_247 = arith.constant 0 : i32
      %dma_wait3A_248 = tpu.memref_slice %dma_wait3A_245[%dma_wait3A_246, %dma_wait3A_247] : memref<64x128xf32, #tpu.memory_space<vmem>> -> memref<64x128xf32, #tpu.memory_space<vmem>>
      %dma_wait3A_249 = arith.constant 0 : i32
      %dma_wait3A_250 = tpu.memref_slice %arg13[%add3A_13, %dma_wait3A_249] : memref<10112x128xf32, #tpu.memory_space<vmem_shared>> -> memref<64x128xf32, #tpu.memory_space<vmem_shared>>
      %dma_wait3A_251 = arith.constant 0 : i32
      %dma_wait3A_252 = tpu.memref_slice %arg13[%add3A_13, %dma_wait3A_251] : memref<10112x128xf32, #tpu.memory_space<vmem_shared>> -> memref<64x128xf32, #tpu.memory_space<vmem_shared>>
      %dma_wait3A_253 = arith.constant 0 : i32
      %dma_wait3A_254 = arith.constant 0 : i32
      %dma_wait3A_255 = tpu.memref_slice %arg10[%run_scoped3A_14, %dma_wait3A_253, %dma_wait3A_254] : memref<2x64x128xf32, #tpu.memory_space<vmem>> -> memref<1x64x128xf32, #tpu.memory_space<vmem>>
      %dma_wait3A_256 = tpu.memref_squeeze %dma_wait3A_255 : memref<1x64x128xf32, #tpu.memory_space<vmem>> -> memref<64x128xf32, #tpu.memory_space<vmem>>
      %dma_wait3A_257 = arith.constant 0 : i32
      %dma_wait3A_258 = arith.constant 0 : i32
      %dma_wait3A_259 = tpu.memref_slice %dma_wait3A_256[%dma_wait3A_257, %dma_wait3A_258] : memref<64x128xf32, #tpu.memory_space<vmem>> -> memref<64x128xf32, #tpu.memory_space<vmem>>
      tpu.wait_dma2 semaphore(%run_scoped3A_223 : memref<!tpu.dma_semaphore, #tpu.memory_space<semaphore_mem>>) src(%dma_wait3A_259 : memref<64x128xf32, #tpu.memory_space<vmem>>) dst(%dma_wait3A_252 : memref<64x128xf32, #tpu.memory_space<vmem_shared>>)
      tpu.yield
    }) : () -> ()
    %mul3A_15 = arith.constant 632 : i32
    %mul3A_16 = arith.muli %arg1, %mul3A_15 : i32
    %add3A_17 = arith.constant 128 : i32
    %add3A_18 = arith.addi %mul3A_16, %add3A_17 : i32
    %run_scoped3A_19 = arith.constant 0 : i32
    "tpu.region"() ({
      %run_scoped3A_223 = tpu.sem_alloc : memref<!tpu.dma_semaphore, #tpu.memory_space<semaphore_mem>>
      %dma_start3A_224 = arith.constant 0 : i32
      %dma_start3A_225 = arith.constant 0 : i32
      %dma_start3A_226 = tpu.memref_slice %arg10[%run_scoped3A_19, %dma_start3A_224, %dma_start3A_225] : memref<2x64x128xf32, #tpu.memory_space<vmem>> -> memref<1x64x128xf32, #tpu.memory_space<vmem>>
      %dma_start3A_227 = tpu.memref_squeeze %dma_start3A_226 : memref<1x64x128xf32, #tpu.memory_space<vmem>> -> memref<64x128xf32, #tpu.memory_space<vmem>>
      %dma_start3A_228 = arith.constant 0 : i32
      %dma_start3A_229 = arith.constant 0 : i32
      %dma_start3A_230 = tpu.memref_slice %dma_start3A_227[%dma_start3A_228, %dma_start3A_229] : memref<64x128xf32, #tpu.memory_space<vmem>> -> memref<64x128xf32, #tpu.memory_space<vmem>>
      %dma_start3A_231 = arith.constant 0 : i32
      %dma_start3A_232 = tpu.memref_slice %arg13[%add3A_18, %dma_start3A_231] : memref<10112x128xf32, #tpu.memory_space<vmem_shared>> -> memref<64x128xf32, #tpu.memory_space<vmem_shared>>
      %dma_start3A_233 = arith.constant 0 : i32
      %dma_start3A_234 = tpu.memref_slice %arg13[%add3A_18, %dma_start3A_233] : memref<10112x128xf32, #tpu.memory_space<vmem_shared>> -> memref<64x128xf32, #tpu.memory_space<vmem_shared>>
      %dma_start3A_235 = arith.constant 0 : i32
      %dma_start3A_236 = arith.constant 0 : i32
      %dma_start3A_237 = tpu.memref_slice %arg10[%run_scoped3A_19, %dma_start3A_235, %dma_start3A_236] : memref<2x64x128xf32, #tpu.memory_space<vmem>> -> memref<1x64x128xf32, #tpu.memory_space<vmem>>
      %dma_start3A_238 = tpu.memref_squeeze %dma_start3A_237 : memref<1x64x128xf32, #tpu.memory_space<vmem>> -> memref<64x128xf32, #tpu.memory_space<vmem>>
      %dma_start3A_239 = arith.constant 0 : i32
      %dma_start3A_240 = arith.constant 0 : i32
      %dma_start3A_241 = tpu.memref_slice %dma_start3A_238[%dma_start3A_239, %dma_start3A_240] : memref<64x128xf32, #tpu.memory_space<vmem>> -> memref<64x128xf32, #tpu.memory_space<vmem>>
      tpu.enqueue_dma source(%dma_start3A_241 : memref<64x128xf32, #tpu.memory_space<vmem>>) target(%dma_start3A_234 : memref<64x128xf32, #tpu.memory_space<vmem_shared>>) target_semaphore(%run_scoped3A_223 : memref<!tpu.dma_semaphore, #tpu.memory_space<semaphore_mem>>)
      %dma_wait3A_242 = arith.constant 0 : i32
      %dma_wait3A_243 = arith.constant 0 : i32
      %dma_wait3A_244 = tpu.memref_slice %arg10[%run_scoped3A_19, %dma_wait3A_242, %dma_wait3A_243] : memref<2x64x128xf32, #tpu.memory_space<vmem>> -> memref<1x64x128xf32, #tpu.memory_space<vmem>>
      %dma_wait3A_245 = tpu.memref_squeeze %dma_wait3A_244 : memref<1x64x128xf32, #tpu.memory_space<vmem>> -> memref<64x128xf32, #tpu.memory_space<vmem>>
      %dma_wait3A_246 = arith.constant 0 : i32
      %dma_wait3A_247 = arith.constant 0 : i32
      %dma_wait3A_248 = tpu.memref_slice %dma_wait3A_245[%dma_wait3A_246, %dma_wait3A_247] : memref<64x128xf32, #tpu.memory_space<vmem>> -> memref<64x128xf32, #tpu.memory_space<vmem>>
      %dma_wait3A_249 = arith.constant 0 : i32
      %dma_wait3A_250 = tpu.memref_slice %arg13[%add3A_18, %dma_wait3A_249] : memref<10112x128xf32, #tpu.memory_space<vmem_shared>> -> memref<64x128xf32, #tpu.memory_space<vmem_shared>>
      %dma_wait3A_251 = arith.constant 0 : i32
      %dma_wait3A_252 = tpu.memref_slice %arg13[%add3A_18, %dma_wait3A_251] : memref<10112x128xf32, #tpu.memory_space<vmem_shared>> -> memref<64x128xf32, #tpu.memory_space<vmem_shared>>
      %dma_wait3A_253 = arith.constant 0 : i32
      %dma_wait3A_254 = arith.constant 0 : i32
      %dma_wait3A_255 = tpu.memref_slice %arg10[%run_scoped3A_19, %dma_wait3A_253, %dma_wait3A_254] : memref<2x64x128xf32, #tpu.memory_space<vmem>> -> memref<1x64x128xf32, #tpu.memory_space<vmem>>
      %dma_wait3A_256 = tpu.memref_squeeze %dma_wait3A_255 : memref<1x64x128xf32, #tpu.memory_space<vmem>> -> memref<64x128xf32, #tpu.memory_space<vmem>>
      %dma_wait3A_257 = arith.constant 0 : i32
      %dma_wait3A_258 = arith.constant 0 : i32
      %dma_wait3A_259 = tpu.memref_slice %dma_wait3A_256[%dma_wait3A_257, %dma_wait3A_258] : memref<64x128xf32, #tpu.memory_space<vmem>> -> memref<64x128xf32, #tpu.memory_space<vmem>>
      tpu.wait_dma2 semaphore(%run_scoped3A_223 : memref<!tpu.dma_semaphore, #tpu.memory_space<semaphore_mem>>) src(%dma_wait3A_259 : memref<64x128xf32, #tpu.memory_space<vmem>>) dst(%dma_wait3A_252 : memref<64x128xf32, #tpu.memory_space<vmem_shared>>)
      tpu.yield
    }) : () -> ()
    %mul3A_20 = arith.constant 632 : i32
    %mul3A_21 = arith.muli %arg1, %mul3A_20 : i32
    %add3A_22 = arith.constant 192 : i32
    %add3A_23 = arith.addi %mul3A_21, %add3A_22 : i32
    %run_scoped3A_24 = arith.constant 0 : i32
    "tpu.region"() ({
      %run_scoped3A_223 = tpu.sem_alloc : memref<!tpu.dma_semaphore, #tpu.memory_space<semaphore_mem>>
      %dma_start3A_224 = arith.constant 0 : i32
      %dma_start3A_225 = arith.constant 0 : i32
      %dma_start3A_226 = tpu.memref_slice %arg10[%run_scoped3A_24, %dma_start3A_224, %dma_start3A_225] : memref<2x64x128xf32, #tpu.memory_space<vmem>> -> memref<1x64x128xf32, #tpu.memory_space<vmem>>
      %dma_start3A_227 = tpu.memref_squeeze %dma_start3A_226 : memref<1x64x128xf32, #tpu.memory_space<vmem>> -> memref<64x128xf32, #tpu.memory_space<vmem>>
      %dma_start3A_228 = arith.constant 0 : i32
      %dma_start3A_229 = arith.constant 0 : i32
      %dma_start3A_230 = tpu.memref_slice %dma_start3A_227[%dma_start3A_228, %dma_start3A_229] : memref<64x128xf32, #tpu.memory_space<vmem>> -> memref<64x128xf32, #tpu.memory_space<vmem>>
      %dma_start3A_231 = arith.constant 0 : i32
      %dma_start3A_232 = tpu.memref_slice %arg13[%add3A_23, %dma_start3A_231] : memref<10112x128xf32, #tpu.memory_space<vmem_shared>> -> memref<64x128xf32, #tpu.memory_space<vmem_shared>>
      %dma_start3A_233 = arith.constant 0 : i32
      %dma_start3A_234 = tpu.memref_slice %arg13[%add3A_23, %dma_start3A_233] : memref<10112x128xf32, #tpu.memory_space<vmem_shared>> -> memref<64x128xf32, #tpu.memory_space<vmem_shared>>
      %dma_start3A_235 = arith.constant 0 : i32
      %dma_start3A_236 = arith.constant 0 : i32
      %dma_start3A_237 = tpu.memref_slice %arg10[%run_scoped3A_24, %dma_start3A_235, %dma_start3A_236] : memref<2x64x128xf32, #tpu.memory_space<vmem>> -> memref<1x64x128xf32, #tpu.memory_space<vmem>>
      %dma_start3A_238 = tpu.memref_squeeze %dma_start3A_237 : memref<1x64x128xf32, #tpu.memory_space<vmem>> -> memref<64x128xf32, #tpu.memory_space<vmem>>
      %dma_start3A_239 = arith.constant 0 : i32
      %dma_start3A_240 = arith.constant 0 : i32
      %dma_start3A_241 = tpu.memref_slice %dma_start3A_238[%dma_start3A_239, %dma_start3A_240] : memref<64x128xf32, #tpu.memory_space<vmem>> -> memref<64x128xf32, #tpu.memory_space<vmem>>
      tpu.enqueue_dma source(%dma_start3A_241 : memref<64x128xf32, #tpu.memory_space<vmem>>) target(%dma_start3A_234 : memref<64x128xf32, #tpu.memory_space<vmem_shared>>) target_semaphore(%run_scoped3A_223 : memref<!tpu.dma_semaphore, #tpu.memory_space<semaphore_mem>>)
      %dma_wait3A_242 = arith.constant 0 : i32
      %dma_wait3A_243 = arith.constant 0 : i32
      %dma_wait3A_244 = tpu.memref_slice %arg10[%run_scoped3A_24, %dma_wait3A_242, %dma_wait3A_243] : memref<2x64x128xf32, #tpu.memory_space<vmem>> -> memref<1x64x128xf32, #tpu.memory_space<vmem>>
      %dma_wait3A_245 = tpu.memref_squeeze %dma_wait3A_244 : memref<1x64x128xf32, #tpu.memory_space<vmem>> -> memref<64x128xf32, #tpu.memory_space<vmem>>
      %dma_wait3A_246 = arith.constant 0 : i32
      %dma_wait3A_247 = arith.constant 0 : i32
      %dma_wait3A_248 = tpu.memref_slice %dma_wait3A_245[%dma_wait3A_246, %dma_wait3A_247] : memref<64x128xf32, #tpu.memory_space<vmem>> -> memref<64x128xf32, #tpu.memory_space<vmem>>
      %dma_wait3A_249 = arith.constant 0 : i32
      %dma_wait3A_250 = tpu.memref_slice %arg13[%add3A_23, %dma_wait3A_249] : memref<10112x128xf32, #tpu.memory_space<vmem_shared>> -> memref<64x128xf32, #tpu.memory_space<vmem_shared>>
      %dma_wait3A_251 = arith.constant 0 : i32
      %dma_wait3A_252 = tpu.memref_slice %arg13[%add3A_23, %dma_wait3A_251] : memref<10112x128xf32, #tpu.memory_space<vmem_shared>> -> memref<64x128xf32, #tpu.memory_space<vmem_shared>>
      %dma_wait3A_253 = arith.constant 0 : i32
      %dma_wait3A_254 = arith.constant 0 : i32
      %dma_wait3A_255 = tpu.memref_slice %arg10[%run_scoped3A_24, %dma_wait3A_253, %dma_wait3A_254] : memref<2x64x128xf32, #tpu.memory_space<vmem>> -> memref<1x64x128xf32, #tpu.memory_space<vmem>>
      %dma_wait3A_256 = tpu.memref_squeeze %dma_wait3A_255 : memref<1x64x128xf32, #tpu.memory_space<vmem>> -> memref<64x128xf32, #tpu.memory_space<vmem>>
      %dma_wait3A_257 = arith.constant 0 : i32
      %dma_wait3A_258 = arith.constant 0 : i32
      %dma_wait3A_259 = tpu.memref_slice %dma_wait3A_256[%dma_wait3A_257, %dma_wait3A_258] : memref<64x128xf32, #tpu.memory_space<vmem>> -> memref<64x128xf32, #tpu.memory_space<vmem>>
      tpu.wait_dma2 semaphore(%run_scoped3A_223 : memref<!tpu.dma_semaphore, #tpu.memory_space<semaphore_mem>>) src(%dma_wait3A_259 : memref<64x128xf32, #tpu.memory_space<vmem>>) dst(%dma_wait3A_252 : memref<64x128xf32, #tpu.memory_space<vmem_shared>>)
      tpu.yield
    }) : () -> ()
    %mul3A_25 = arith.constant 632 : i32
    %mul3A_26 = arith.muli %arg1, %mul3A_25 : i32
    %add3A_27 = arith.constant 256 : i32
    %add3A_28 = arith.addi %mul3A_26, %add3A_27 : i32
    %run_scoped3A_29 = arith.constant 0 : i32
    "tpu.region"() ({
      %run_scoped3A_223 = tpu.sem_alloc : memref<!tpu.dma_semaphore, #tpu.memory_space<semaphore_mem>>
      %dma_start3A_224 = arith.constant 0 : i32
      %dma_start3A_225 = arith.constant 0 : i32
      %dma_start3A_226 = tpu.memref_slice %arg10[%run_scoped3A_29, %dma_start3A_224, %dma_start3A_225] : memref<2x64x128xf32, #tpu.memory_space<vmem>> -> memref<1x64x128xf32, #tpu.memory_space<vmem>>
      %dma_start3A_227 = tpu.memref_squeeze %dma_start3A_226 : memref<1x64x128xf32, #tpu.memory_space<vmem>> -> memref<64x128xf32, #tpu.memory_space<vmem>>
      %dma_start3A_228 = arith.constant 0 : i32
      %dma_start3A_229 = arith.constant 0 : i32
      %dma_start3A_230 = tpu.memref_slice %dma_start3A_227[%dma_start3A_228, %dma_start3A_229] : memref<64x128xf32, #tpu.memory_space<vmem>> -> memref<64x128xf32, #tpu.memory_space<vmem>>
      %dma_start3A_231 = arith.constant 0 : i32
      %dma_start3A_232 = tpu.memref_slice %arg13[%add3A_28, %dma_start3A_231] : memref<10112x128xf32, #tpu.memory_space<vmem_shared>> -> memref<64x128xf32, #tpu.memory_space<vmem_shared>>
      %dma_start3A_233 = arith.constant 0 : i32
      %dma_start3A_234 = tpu.memref_slice %arg13[%add3A_28, %dma_start3A_233] : memref<10112x128xf32, #tpu.memory_space<vmem_shared>> -> memref<64x128xf32, #tpu.memory_space<vmem_shared>>
      %dma_start3A_235 = arith.constant 0 : i32
      %dma_start3A_236 = arith.constant 0 : i32
      %dma_start3A_237 = tpu.memref_slice %arg10[%run_scoped3A_29, %dma_start3A_235, %dma_start3A_236] : memref<2x64x128xf32, #tpu.memory_space<vmem>> -> memref<1x64x128xf32, #tpu.memory_space<vmem>>
      %dma_start3A_238 = tpu.memref_squeeze %dma_start3A_237 : memref<1x64x128xf32, #tpu.memory_space<vmem>> -> memref<64x128xf32, #tpu.memory_space<vmem>>
      %dma_start3A_239 = arith.constant 0 : i32
      %dma_start3A_240 = arith.constant 0 : i32
      %dma_start3A_241 = tpu.memref_slice %dma_start3A_238[%dma_start3A_239, %dma_start3A_240] : memref<64x128xf32, #tpu.memory_space<vmem>> -> memref<64x128xf32, #tpu.memory_space<vmem>>
      tpu.enqueue_dma source(%dma_start3A_241 : memref<64x128xf32, #tpu.memory_space<vmem>>) target(%dma_start3A_234 : memref<64x128xf32, #tpu.memory_space<vmem_shared>>) target_semaphore(%run_scoped3A_223 : memref<!tpu.dma_semaphore, #tpu.memory_space<semaphore_mem>>)
      %dma_wait3A_242 = arith.constant 0 : i32
      %dma_wait3A_243 = arith.constant 0 : i32
      %dma_wait3A_244 = tpu.memref_slice %arg10[%run_scoped3A_29, %dma_wait3A_242, %dma_wait3A_243] : memref<2x64x128xf32, #tpu.memory_space<vmem>> -> memref<1x64x128xf32, #tpu.memory_space<vmem>>
      %dma_wait3A_245 = tpu.memref_squeeze %dma_wait3A_244 : memref<1x64x128xf32, #tpu.memory_space<vmem>> -> memref<64x128xf32, #tpu.memory_space<vmem>>
      %dma_wait3A_246 = arith.constant 0 : i32
      %dma_wait3A_247 = arith.constant 0 : i32
      %dma_wait3A_248 = tpu.memref_slice %dma_wait3A_245[%dma_wait3A_246, %dma_wait3A_247] : memref<64x128xf32, #tpu.memory_space<vmem>> -> memref<64x128xf32, #tpu.memory_space<vmem>>
      %dma_wait3A_249 = arith.constant 0 : i32
      %dma_wait3A_250 = tpu.memref_slice %arg13[%add3A_28, %dma_wait3A_249] : memref<10112x128xf32, #tpu.memory_space<vmem_shared>> -> memref<64x128xf32, #tpu.memory_space<vmem_shared>>
      %dma_wait3A_251 = arith.constant 0 : i32
      %dma_wait3A_252 = tpu.memref_slice %arg13[%add3A_28, %dma_wait3A_251] : memref<10112x128xf32, #tpu.memory_space<vmem_shared>> -> memref<64x128xf32, #tpu.memory_space<vmem_shared>>
      %dma_wait3A_253 = arith.constant 0 : i32
      %dma_wait3A_254 = arith.constant 0 : i32
      %dma_wait3A_255 = tpu.memref_slice %arg10[%run_scoped3A_29, %dma_wait3A_253, %dma_wait3A_254] : memref<2x64x128xf32, #tpu.memory_space<vmem>> -> memref<1x64x128xf32, #tpu.memory_space<vmem>>
      %dma_wait3A_256 = tpu.memref_squeeze %dma_wait3A_255 : memref<1x64x128xf32, #tpu.memory_space<vmem>> -> memref<64x128xf32, #tpu.memory_space<vmem>>
      %dma_wait3A_257 = arith.constant 0 : i32
      %dma_wait3A_258 = arith.constant 0 : i32
      %dma_wait3A_259 = tpu.memref_slice %dma_wait3A_256[%dma_wait3A_257, %dma_wait3A_258] : memref<64x128xf32, #tpu.memory_space<vmem>> -> memref<64x128xf32, #tpu.memory_space<vmem>>
      tpu.wait_dma2 semaphore(%run_scoped3A_223 : memref<!tpu.dma_semaphore, #tpu.memory_space<semaphore_mem>>) src(%dma_wait3A_259 : memref<64x128xf32, #tpu.memory_space<vmem>>) dst(%dma_wait3A_252 : memref<64x128xf32, #tpu.memory_space<vmem_shared>>)
      tpu.yield
    }) : () -> ()
    %mul3A_30 = arith.constant 632 : i32
    %mul3A_31 = arith.muli %arg1, %mul3A_30 : i32
    %add3A_32 = arith.constant 320 : i32
    %add3A_33 = arith.addi %mul3A_31, %add3A_32 : i32
    %run_scoped3A_34 = arith.constant 0 : i32
    "tpu.region"() ({
      %run_scoped3A_223 = tpu.sem_alloc : memref<!tpu.dma_semaphore, #tpu.memory_space<semaphore_mem>>
      %dma_start3A_224 = arith.constant 0 : i32
      %dma_start3A_225 = arith.constant 0 : i32
      %dma_start3A_226 = tpu.memref_slice %arg10[%run_scoped3A_34, %dma_start3A_224, %dma_start3A_225] : memref<2x64x128xf32, #tpu.memory_space<vmem>> -> memref<1x64x128xf32, #tpu.memory_space<vmem>>
      %dma_start3A_227 = tpu.memref_squeeze %dma_start3A_226 : memref<1x64x128xf32, #tpu.memory_space<vmem>> -> memref<64x128xf32, #tpu.memory_space<vmem>>
      %dma_start3A_228 = arith.constant 0 : i32
      %dma_start3A_229 = arith.constant 0 : i32
      %dma_start3A_230 = tpu.memref_slice %dma_start3A_227[%dma_start3A_228, %dma_start3A_229] : memref<64x128xf32, #tpu.memory_space<vmem>> -> memref<64x128xf32, #tpu.memory_space<vmem>>
      %dma_start3A_231 = arith.constant 0 : i32
      %dma_start3A_232 = tpu.memref_slice %arg13[%add3A_33, %dma_start3A_231] : memref<10112x128xf32, #tpu.memory_space<vmem_shared>> -> memref<64x128xf32, #tpu.memory_space<vmem_shared>>
      %dma_start3A_233 = arith.constant 0 : i32
      %dma_start3A_234 = tpu.memref_slice %arg13[%add3A_33, %dma_start3A_233] : memref<10112x128xf32, #tpu.memory_space<vmem_shared>> -> memref<64x128xf32, #tpu.memory_space<vmem_shared>>
      %dma_start3A_235 = arith.constant 0 : i32
      %dma_start3A_236 = arith.constant 0 : i32
      %dma_start3A_237 = tpu.memref_slice %arg10[%run_scoped3A_34, %dma_start3A_235, %dma_start3A_236] : memref<2x64x128xf32, #tpu.memory_space<vmem>> -> memref<1x64x128xf32, #tpu.memory_space<vmem>>
      %dma_start3A_238 = tpu.memref_squeeze %dma_start3A_237 : memref<1x64x128xf32, #tpu.memory_space<vmem>> -> memref<64x128xf32, #tpu.memory_space<vmem>>
      %dma_start3A_239 = arith.constant 0 : i32
      %dma_start3A_240 = arith.constant 0 : i32
      %dma_start3A_241 = tpu.memref_slice %dma_start3A_238[%dma_start3A_239, %dma_start3A_240] : memref<64x128xf32, #tpu.memory_space<vmem>> -> memref<64x128xf32, #tpu.memory_space<vmem>>
      tpu.enqueue_dma source(%dma_start3A_241 : memref<64x128xf32, #tpu.memory_space<vmem>>) target(%dma_start3A_234 : memref<64x128xf32, #tpu.memory_space<vmem_shared>>) target_semaphore(%run_scoped3A_223 : memref<!tpu.dma_semaphore, #tpu.memory_space<semaphore_mem>>)
      %dma_wait3A_242 = arith.constant 0 : i32
      %dma_wait3A_243 = arith.constant 0 : i32
      %dma_wait3A_244 = tpu.memref_slice %arg10[%run_scoped3A_34, %dma_wait3A_242, %dma_wait3A_243] : memref<2x64x128xf32, #tpu.memory_space<vmem>> -> memref<1x64x128xf32, #tpu.memory_space<vmem>>
      %dma_wait3A_245 = tpu.memref_squeeze %dma_wait3A_244 : memref<1x64x128xf32, #tpu.memory_space<vmem>> -> memref<64x128xf32, #tpu.memory_space<vmem>>
      %dma_wait3A_246 = arith.constant 0 : i32
      %dma_wait3A_247 = arith.constant 0 : i32
      %dma_wait3A_248 = tpu.memref_slice %dma_wait3A_245[%dma_wait3A_246, %dma_wait3A_247] : memref<64x128xf32, #tpu.memory_space<vmem>> -> memref<64x128xf32, #tpu.memory_space<vmem>>
      %dma_wait3A_249 = arith.constant 0 : i32
      %dma_wait3A_250 = tpu.memref_slice %arg13[%add3A_33, %dma_wait3A_249] : memref<10112x128xf32, #tpu.memory_space<vmem_shared>> -> memref<64x128xf32, #tpu.memory_space<vmem_shared>>
      %dma_wait3A_251 = arith.constant 0 : i32
      %dma_wait3A_252 = tpu.memref_slice %arg13[%add3A_33, %dma_wait3A_251] : memref<10112x128xf32, #tpu.memory_space<vmem_shared>> -> memref<64x128xf32, #tpu.memory_space<vmem_shared>>
      %dma_wait3A_253 = arith.constant 0 : i32
      %dma_wait3A_254 = arith.constant 0 : i32
      %dma_wait3A_255 = tpu.memref_slice %arg10[%run_scoped3A_34, %dma_wait3A_253, %dma_wait3A_254] : memref<2x64x128xf32, #tpu.memory_space<vmem>> -> memref<1x64x128xf32, #tpu.memory_space<vmem>>
      %dma_wait3A_256 = tpu.memref_squeeze %dma_wait3A_255 : memref<1x64x128xf32, #tpu.memory_space<vmem>> -> memref<64x128xf32, #tpu.memory_space<vmem>>
      %dma_wait3A_257 = arith.constant 0 : i32
      %dma_wait3A_258 = arith.constant 0 : i32
      %dma_wait3A_259 = tpu.memref_slice %dma_wait3A_256[%dma_wait3A_257, %dma_wait3A_258] : memref<64x128xf32, #tpu.memory_space<vmem>> -> memref<64x128xf32, #tpu.memory_space<vmem>>
      tpu.wait_dma2 semaphore(%run_scoped3A_223 : memref<!tpu.dma_semaphore, #tpu.memory_space<semaphore_mem>>) src(%dma_wait3A_259 : memref<64x128xf32, #tpu.memory_space<vmem>>) dst(%dma_wait3A_252 : memref<64x128xf32, #tpu.memory_space<vmem_shared>>)
      tpu.yield
    }) : () -> ()
    %mul3A_35 = arith.constant 632 : i32
    %mul3A_36 = arith.muli %arg1, %mul3A_35 : i32
    %add3A_37 = arith.constant 384 : i32
    %add3A_38 = arith.addi %mul3A_36, %add3A_37 : i32
    %run_scoped3A_39 = arith.constant 0 : i32
    "tpu.region"() ({
      %run_scoped3A_223 = tpu.sem_alloc : memref<!tpu.dma_semaphore, #tpu.memory_space<semaphore_mem>>
      %dma_start3A_224 = arith.constant 0 : i32
      %dma_start3A_225 = arith.constant 0 : i32
      %dma_start3A_226 = tpu.memref_slice %arg10[%run_scoped3A_39, %dma_start3A_224, %dma_start3A_225] : memref<2x64x128xf32, #tpu.memory_space<vmem>> -> memref<1x64x128xf32, #tpu.memory_space<vmem>>
      %dma_start3A_227 = tpu.memref_squeeze %dma_start3A_226 : memref<1x64x128xf32, #tpu.memory_space<vmem>> -> memref<64x128xf32, #tpu.memory_space<vmem>>
      %dma_start3A_228 = arith.constant 0 : i32
      %dma_start3A_229 = arith.constant 0 : i32
      %dma_start3A_230 = tpu.memref_slice %dma_start3A_227[%dma_start3A_228, %dma_start3A_229] : memref<64x128xf32, #tpu.memory_space<vmem>> -> memref<64x128xf32, #tpu.memory_space<vmem>>
      %dma_start3A_231 = arith.constant 0 : i32
      %dma_start3A_232 = tpu.memref_slice %arg13[%add3A_38, %dma_start3A_231] : memref<10112x128xf32, #tpu.memory_space<vmem_shared>> -> memref<64x128xf32, #tpu.memory_space<vmem_shared>>
      %dma_start3A_233 = arith.constant 0 : i32
      %dma_start3A_234 = tpu.memref_slice %arg13[%add3A_38, %dma_start3A_233] : memref<10112x128xf32, #tpu.memory_space<vmem_shared>> -> memref<64x128xf32, #tpu.memory_space<vmem_shared>>
      %dma_start3A_235 = arith.constant 0 : i32
      %dma_start3A_236 = arith.constant 0 : i32
      %dma_start3A_237 = tpu.memref_slice %arg10[%run_scoped3A_39, %dma_start3A_235, %dma_start3A_236] : memref<2x64x128xf32, #tpu.memory_space<vmem>> -> memref<1x64x128xf32, #tpu.memory_space<vmem>>
      %dma_start3A_238 = tpu.memref_squeeze %dma_start3A_237 : memref<1x64x128xf32, #tpu.memory_space<vmem>> -> memref<64x128xf32, #tpu.memory_space<vmem>>
      %dma_start3A_239 = arith.constant 0 : i32
      %dma_start3A_240 = arith.constant 0 : i32
      %dma_start3A_241 = tpu.memref_slice %dma_start3A_238[%dma_start3A_239, %dma_start3A_240] : memref<64x128xf32, #tpu.memory_space<vmem>> -> memref<64x128xf32, #tpu.memory_space<vmem>>
      tpu.enqueue_dma source(%dma_start3A_241 : memref<64x128xf32, #tpu.memory_space<vmem>>) target(%dma_start3A_234 : memref<64x128xf32, #tpu.memory_space<vmem_shared>>) target_semaphore(%run_scoped3A_223 : memref<!tpu.dma_semaphore, #tpu.memory_space<semaphore_mem>>)
      %dma_wait3A_242 = arith.constant 0 : i32
      %dma_wait3A_243 = arith.constant 0 : i32
      %dma_wait3A_244 = tpu.memref_slice %arg10[%run_scoped3A_39, %dma_wait3A_242, %dma_wait3A_243] : memref<2x64x128xf32, #tpu.memory_space<vmem>> -> memref<1x64x128xf32, #tpu.memory_space<vmem>>
      %dma_wait3A_245 = tpu.memref_squeeze %dma_wait3A_244 : memref<1x64x128xf32, #tpu.memory_space<vmem>> -> memref<64x128xf32, #tpu.memory_space<vmem>>
      %dma_wait3A_246 = arith.constant 0 : i32
      %dma_wait3A_247 = arith.constant 0 : i32
      %dma_wait3A_248 = tpu.memref_slice %dma_wait3A_245[%dma_wait3A_246, %dma_wait3A_247] : memref<64x128xf32, #tpu.memory_space<vmem>> -> memref<64x128xf32, #tpu.memory_space<vmem>>
      %dma_wait3A_249 = arith.constant 0 : i32
      %dma_wait3A_250 = tpu.memref_slice %arg13[%add3A_38, %dma_wait3A_249] : memref<10112x128xf32, #tpu.memory_space<vmem_shared>> -> memref<64x128xf32, #tpu.memory_space<vmem_shared>>
      %dma_wait3A_251 = arith.constant 0 : i32
      %dma_wait3A_252 = tpu.memref_slice %arg13[%add3A_38, %dma_wait3A_251] : memref<10112x128xf32, #tpu.memory_space<vmem_shared>> -> memref<64x128xf32, #tpu.memory_space<vmem_shared>>
      %dma_wait3A_253 = arith.constant 0 : i32
      %dma_wait3A_254 = arith.constant 0 : i32
      %dma_wait3A_255 = tpu.memref_slice %arg10[%run_scoped3A_39, %dma_wait3A_253, %dma_wait3A_254] : memref<2x64x128xf32, #tpu.memory_space<vmem>> -> memref<1x64x128xf32, #tpu.memory_space<vmem>>
      %dma_wait3A_256 = tpu.memref_squeeze %dma_wait3A_255 : memref<1x64x128xf32, #tpu.memory_space<vmem>> -> memref<64x128xf32, #tpu.memory_space<vmem>>
      %dma_wait3A_257 = arith.constant 0 : i32
      %dma_wait3A_258 = arith.constant 0 : i32
      %dma_wait3A_259 = tpu.memref_slice %dma_wait3A_256[%dma_wait3A_257, %dma_wait3A_258] : memref<64x128xf32, #tpu.memory_space<vmem>> -> memref<64x128xf32, #tpu.memory_space<vmem>>
      tpu.wait_dma2 semaphore(%run_scoped3A_223 : memref<!tpu.dma_semaphore, #tpu.memory_space<semaphore_mem>>) src(%dma_wait3A_259 : memref<64x128xf32, #tpu.memory_space<vmem>>) dst(%dma_wait3A_252 : memref<64x128xf32, #tpu.memory_space<vmem_shared>>)
      tpu.yield
    }) : () -> ()
    %mul3A_40 = arith.constant 632 : i32
    %mul3A_41 = arith.muli %arg1, %mul3A_40 : i32
    %add3A_42 = arith.constant 448 : i32
    %add3A_43 = arith.addi %mul3A_41, %add3A_42 : i32
    %run_scoped3A_44 = arith.constant 0 : i32
    "tpu.region"() ({
      %run_scoped3A_223 = tpu.sem_alloc : memref<!tpu.dma_semaphore, #tpu.memory_space<semaphore_mem>>
      %dma_start3A_224 = arith.constant 0 : i32
      %dma_start3A_225 = arith.constant 0 : i32
      %dma_start3A_226 = tpu.memref_slice %arg10[%run_scoped3A_44, %dma_start3A_224, %dma_start3A_225] : memref<2x64x128xf32, #tpu.memory_space<vmem>> -> memref<1x64x128xf32, #tpu.memory_space<vmem>>
      %dma_start3A_227 = tpu.memref_squeeze %dma_start3A_226 : memref<1x64x128xf32, #tpu.memory_space<vmem>> -> memref<64x128xf32, #tpu.memory_space<vmem>>
      %dma_start3A_228 = arith.constant 0 : i32
      %dma_start3A_229 = arith.constant 0 : i32
      %dma_start3A_230 = tpu.memref_slice %dma_start3A_227[%dma_start3A_228, %dma_start3A_229] : memref<64x128xf32, #tpu.memory_space<vmem>> -> memref<64x128xf32, #tpu.memory_space<vmem>>
      %dma_start3A_231 = arith.constant 0 : i32
      %dma_start3A_232 = tpu.memref_slice %arg13[%add3A_43, %dma_start3A_231] : memref<10112x128xf32, #tpu.memory_space<vmem_shared>> -> memref<64x128xf32, #tpu.memory_space<vmem_shared>>
      %dma_start3A_233 = arith.constant 0 : i32
      %dma_start3A_234 = tpu.memref_slice %arg13[%add3A_43, %dma_start3A_233] : memref<10112x128xf32, #tpu.memory_space<vmem_shared>> -> memref<64x128xf32, #tpu.memory_space<vmem_shared>>
      %dma_start3A_235 = arith.constant 0 : i32
      %dma_start3A_236 = arith.constant 0 : i32
      %dma_start3A_237 = tpu.memref_slice %arg10[%run_scoped3A_44, %dma_start3A_235, %dma_start3A_236] : memref<2x64x128xf32, #tpu.memory_space<vmem>> -> memref<1x64x128xf32, #tpu.memory_space<vmem>>
      %dma_start3A_238 = tpu.memref_squeeze %dma_start3A_237 : memref<1x64x128xf32, #tpu.memory_space<vmem>> -> memref<64x128xf32, #tpu.memory_space<vmem>>
      %dma_start3A_239 = arith.constant 0 : i32
      %dma_start3A_240 = arith.constant 0 : i32
      %dma_start3A_241 = tpu.memref_slice %dma_start3A_238[%dma_start3A_239, %dma_start3A_240] : memref<64x128xf32, #tpu.memory_space<vmem>> -> memref<64x128xf32, #tpu.memory_space<vmem>>
      tpu.enqueue_dma source(%dma_start3A_241 : memref<64x128xf32, #tpu.memory_space<vmem>>) target(%dma_start3A_234 : memref<64x128xf32, #tpu.memory_space<vmem_shared>>) target_semaphore(%run_scoped3A_223 : memref<!tpu.dma_semaphore, #tpu.memory_space<semaphore_mem>>)
      %dma_wait3A_242 = arith.constant 0 : i32
      %dma_wait3A_243 = arith.constant 0 : i32
      %dma_wait3A_244 = tpu.memref_slice %arg10[%run_scoped3A_44, %dma_wait3A_242, %dma_wait3A_243] : memref<2x64x128xf32, #tpu.memory_space<vmem>> -> memref<1x64x128xf32, #tpu.memory_space<vmem>>
      %dma_wait3A_245 = tpu.memref_squeeze %dma_wait3A_244 : memref<1x64x128xf32, #tpu.memory_space<vmem>> -> memref<64x128xf32, #tpu.memory_space<vmem>>
      %dma_wait3A_246 = arith.constant 0 : i32
      %dma_wait3A_247 = arith.constant 0 : i32
      %dma_wait3A_248 = tpu.memref_slice %dma_wait3A_245[%dma_wait3A_246, %dma_wait3A_247] : memref<64x128xf32, #tpu.memory_space<vmem>> -> memref<64x128xf32, #tpu.memory_space<vmem>>
      %dma_wait3A_249 = arith.constant 0 : i32
      %dma_wait3A_250 = tpu.memref_slice %arg13[%add3A_43, %dma_wait3A_249] : memref<10112x128xf32, #tpu.memory_space<vmem_shared>> -> memref<64x128xf32, #tpu.memory_space<vmem_shared>>
      %dma_wait3A_251 = arith.constant 0 : i32
      %dma_wait3A_252 = tpu.memref_slice %arg13[%add3A_43, %dma_wait3A_251] : memref<10112x128xf32, #tpu.memory_space<vmem_shared>> -> memref<64x128xf32, #tpu.memory_space<vmem_shared>>
      %dma_wait3A_253 = arith.constant 0 : i32
      %dma_wait3A_254 = arith.constant 0 : i32
      %dma_wait3A_255 = tpu.memref_slice %arg10[%run_scoped3A_44, %dma_wait3A_253, %dma_wait3A_254] : memref<2x64x128xf32, #tpu.memory_space<vmem>> -> memref<1x64x128xf32, #tpu.memory_space<vmem>>
      %dma_wait3A_256 = tpu.memref_squeeze %dma_wait3A_255 : memref<1x64x128xf32, #tpu.memory_space<vmem>> -> memref<64x128xf32, #tpu.memory_space<vmem>>
      %dma_wait3A_257 = arith.constant 0 : i32
      %dma_wait3A_258 = arith.constant 0 : i32
      %dma_wait3A_259 = tpu.memref_slice %dma_wait3A_256[%dma_wait3A_257, %dma_wait3A_258] : memref<64x128xf32, #tpu.memory_space<vmem>> -> memref<64x128xf32, #tpu.memory_space<vmem>>
      tpu.wait_dma2 semaphore(%run_scoped3A_223 : memref<!tpu.dma_semaphore, #tpu.memory_space<semaphore_mem>>) src(%dma_wait3A_259 : memref<64x128xf32, #tpu.memory_space<vmem>>) dst(%dma_wait3A_252 : memref<64x128xf32, #tpu.memory_space<vmem_shared>>)
      tpu.yield
    }) : () -> ()
    %mul3A_45 = arith.constant 632 : i32
    %mul3A_46 = arith.muli %arg1, %mul3A_45 : i32
    %add3A_47 = arith.constant 512 : i32
    %add3A_48 = arith.addi %mul3A_46, %add3A_47 : i32
    %run_scoped3A_49 = arith.constant 0 : i32
    "tpu.region"() ({
      %run_scoped3A_223 = tpu.sem_alloc : memref<!tpu.dma_semaphore, #tpu.memory_space<semaphore_mem>>
      %dma_start3A_224 = arith.constant 0 : i32
      %dma_start3A_225 = arith.constant 0 : i32
      %dma_start3A_226 = tpu.memref_slice %arg10[%run_scoped3A_49, %dma_start3A_224, %dma_start3A_225] : memref<2x64x128xf32, #tpu.memory_space<vmem>> -> memref<1x64x128xf32, #tpu.memory_space<vmem>>
      %dma_start3A_227 = tpu.memref_squeeze %dma_start3A_226 : memref<1x64x128xf32, #tpu.memory_space<vmem>> -> memref<64x128xf32, #tpu.memory_space<vmem>>
      %dma_start3A_228 = arith.constant 0 : i32
      %dma_start3A_229 = arith.constant 0 : i32
      %dma_start3A_230 = tpu.memref_slice %dma_start3A_227[%dma_start3A_228, %dma_start3A_229] : memref<64x128xf32, #tpu.memory_space<vmem>> -> memref<64x128xf32, #tpu.memory_space<vmem>>
      %dma_start3A_231 = arith.constant 0 : i32
      %dma_start3A_232 = tpu.memref_slice %arg13[%add3A_48, %dma_start3A_231] : memref<10112x128xf32, #tpu.memory_space<vmem_shared>> -> memref<64x128xf32, #tpu.memory_space<vmem_shared>>
      %dma_start3A_233 = arith.constant 0 : i32
      %dma_start3A_234 = tpu.memref_slice %arg13[%add3A_48, %dma_start3A_233] : memref<10112x128xf32, #tpu.memory_space<vmem_shared>> -> memref<64x128xf32, #tpu.memory_space<vmem_shared>>
      %dma_start3A_235 = arith.constant 0 : i32
      %dma_start3A_236 = arith.constant 0 : i32
      %dma_start3A_237 = tpu.memref_slice %arg10[%run_scoped3A_49, %dma_start3A_235, %dma_start3A_236] : memref<2x64x128xf32, #tpu.memory_space<vmem>> -> memref<1x64x128xf32, #tpu.memory_space<vmem>>
      %dma_start3A_238 = tpu.memref_squeeze %dma_start3A_237 : memref<1x64x128xf32, #tpu.memory_space<vmem>> -> memref<64x128xf32, #tpu.memory_space<vmem>>
      %dma_start3A_239 = arith.constant 0 : i32
      %dma_start3A_240 = arith.constant 0 : i32
      %dma_start3A_241 = tpu.memref_slice %dma_start3A_238[%dma_start3A_239, %dma_start3A_240] : memref<64x128xf32, #tpu.memory_space<vmem>> -> memref<64x128xf32, #tpu.memory_space<vmem>>
      tpu.enqueue_dma source(%dma_start3A_241 : memref<64x128xf32, #tpu.memory_space<vmem>>) target(%dma_start3A_234 : memref<64x128xf32, #tpu.memory_space<vmem_shared>>) target_semaphore(%run_scoped3A_223 : memref<!tpu.dma_semaphore, #tpu.memory_space<semaphore_mem>>)
      %dma_wait3A_242 = arith.constant 0 : i32
      %dma_wait3A_243 = arith.constant 0 : i32
      %dma_wait3A_244 = tpu.memref_slice %arg10[%run_scoped3A_49, %dma_wait3A_242, %dma_wait3A_243] : memref<2x64x128xf32, #tpu.memory_space<vmem>> -> memref<1x64x128xf32, #tpu.memory_space<vmem>>
      %dma_wait3A_245 = tpu.memref_squeeze %dma_wait3A_244 : memref<1x64x128xf32, #tpu.memory_space<vmem>> -> memref<64x128xf32, #tpu.memory_space<vmem>>
      %dma_wait3A_246 = arith.constant 0 : i32
      %dma_wait3A_247 = arith.constant 0 : i32
      %dma_wait3A_248 = tpu.memref_slice %dma_wait3A_245[%dma_wait3A_246, %dma_wait3A_247] : memref<64x128xf32, #tpu.memory_space<vmem>> -> memref<64x128xf32, #tpu.memory_space<vmem>>
      %dma_wait3A_249 = arith.constant 0 : i32
      %dma_wait3A_250 = tpu.memref_slice %arg13[%add3A_48, %dma_wait3A_249] : memref<10112x128xf32, #tpu.memory_space<vmem_shared>> -> memref<64x128xf32, #tpu.memory_space<vmem_shared>>
      %dma_wait3A_251 = arith.constant 0 : i32
      %dma_wait3A_252 = tpu.memref_slice %arg13[%add3A_48, %dma_wait3A_251] : memref<10112x128xf32, #tpu.memory_space<vmem_shared>> -> memref<64x128xf32, #tpu.memory_space<vmem_shared>>
      %dma_wait3A_253 = arith.constant 0 : i32
      %dma_wait3A_254 = arith.constant 0 : i32
      %dma_wait3A_255 = tpu.memref_slice %arg10[%run_scoped3A_49, %dma_wait3A_253, %dma_wait3A_254] : memref<2x64x128xf32, #tpu.memory_space<vmem>> -> memref<1x64x128xf32, #tpu.memory_space<vmem>>
      %dma_wait3A_256 = tpu.memref_squeeze %dma_wait3A_255 : memref<1x64x128xf32, #tpu.memory_space<vmem>> -> memref<64x128xf32, #tpu.memory_space<vmem>>
      %dma_wait3A_257 = arith.constant 0 : i32
      %dma_wait3A_258 = arith.constant 0 : i32
      %dma_wait3A_259 = tpu.memref_slice %dma_wait3A_256[%dma_wait3A_257, %dma_wait3A_258] : memref<64x128xf32, #tpu.memory_space<vmem>> -> memref<64x128xf32, #tpu.memory_space<vmem>>
      tpu.wait_dma2 semaphore(%run_scoped3A_223 : memref<!tpu.dma_semaphore, #tpu.memory_space<semaphore_mem>>) src(%dma_wait3A_259 : memref<64x128xf32, #tpu.memory_space<vmem>>) dst(%dma_wait3A_252 : memref<64x128xf32, #tpu.memory_space<vmem_shared>>)
      tpu.yield
    }) : () -> ()
    %mul3A_50 = arith.constant 632 : i32
    %mul3A_51 = arith.muli %arg1, %mul3A_50 : i32
    %add3A_52 = arith.constant 576 : i32
    %add3A_53 = arith.addi %mul3A_51, %add3A_52 : i32
    %run_scoped3A_54 = arith.constant 0 : i32
    "tpu.region"() ({
      %run_scoped3A_223 = tpu.sem_alloc : memref<!tpu.dma_semaphore, #tpu.memory_space<semaphore_mem>>
      %dma_start3A_224 = arith.constant 0 : i32
      %dma_start3A_225 = arith.constant 0 : i32
      %dma_start3A_226 = tpu.memref_slice %arg10[%run_scoped3A_54, %dma_start3A_224, %dma_start3A_225] : memref<2x64x128xf32, #tpu.memory_space<vmem>> -> memref<1x64x128xf32, #tpu.memory_space<vmem>>
      %dma_start3A_227 = tpu.memref_squeeze %dma_start3A_226 : memref<1x64x128xf32, #tpu.memory_space<vmem>> -> memref<64x128xf32, #tpu.memory_space<vmem>>
      %dma_start3A_228 = arith.constant 0 : i32
      %dma_start3A_229 = arith.constant 0 : i32
      %dma_start3A_230 = tpu.memref_slice %dma_start3A_227[%dma_start3A_228, %dma_start3A_229] : memref<64x128xf32, #tpu.memory_space<vmem>> -> memref<56x128xf32, #tpu.memory_space<vmem>>
      %dma_start3A_231 = arith.constant 0 : i32
      %dma_start3A_232 = tpu.memref_slice %arg13[%add3A_53, %dma_start3A_231] : memref<10112x128xf32, #tpu.memory_space<vmem_shared>> -> memref<56x128xf32, #tpu.memory_space<vmem_shared>>
      %dma_start3A_233 = arith.constant 0 : i32
      %dma_start3A_234 = tpu.memref_slice %arg13[%add3A_53, %dma_start3A_233] : memref<10112x128xf32, #tpu.memory_space<vmem_shared>> -> memref<56x128xf32, #tpu.memory_space<vmem_shared>>
      %dma_start3A_235 = arith.constant 0 : i32
      %dma_start3A_236 = arith.constant 0 : i32
      %dma_start3A_237 = tpu.memref_slice %arg10[%run_scoped3A_54, %dma_start3A_235, %dma_start3A_236] : memref<2x64x128xf32, #tpu.memory_space<vmem>> -> memref<1x64x128xf32, #tpu.memory_space<vmem>>
      %dma_start3A_238 = tpu.memref_squeeze %dma_start3A_237 : memref<1x64x128xf32, #tpu.memory_space<vmem>> -> memref<64x128xf32, #tpu.memory_space<vmem>>
      %dma_start3A_239 = arith.constant 0 : i32
      %dma_start3A_240 = arith.constant 0 : i32
      %dma_start3A_241 = tpu.memref_slice %dma_start3A_238[%dma_start3A_239, %dma_start3A_240] : memref<64x128xf32, #tpu.memory_space<vmem>> -> memref<56x128xf32, #tpu.memory_space<vmem>>
      tpu.enqueue_dma source(%dma_start3A_241 : memref<56x128xf32, #tpu.memory_space<vmem>>) target(%dma_start3A_234 : memref<56x128xf32, #tpu.memory_space<vmem_shared>>) target_semaphore(%run_scoped3A_223 : memref<!tpu.dma_semaphore, #tpu.memory_space<semaphore_mem>>)
      %dma_wait3A_242 = arith.constant 0 : i32
      %dma_wait3A_243 = arith.constant 0 : i32
      %dma_wait3A_244 = tpu.memref_slice %arg10[%run_scoped3A_54, %dma_wait3A_242, %dma_wait3A_243] : memref<2x64x128xf32, #tpu.memory_space<vmem>> -> memref<1x64x128xf32, #tpu.memory_space<vmem>>
      %dma_wait3A_245 = tpu.memref_squeeze %dma_wait3A_244 : memref<1x64x128xf32, #tpu.memory_space<vmem>> -> memref<64x128xf32, #tpu.memory_space<vmem>>
      %dma_wait3A_246 = arith.constant 0 : i32
      %dma_wait3A_247 = arith.constant 0 : i32
      %dma_wait3A_248 = tpu.memref_slice %dma_wait3A_245[%dma_wait3A_246, %dma_wait3A_247] : memref<64x128xf32, #tpu.memory_space<vmem>> -> memref<56x128xf32, #tpu.memory_space<vmem>>
      %dma_wait3A_249 = arith.constant 0 : i32
      %dma_wait3A_250 = tpu.memref_slice %arg13[%add3A_53, %dma_wait3A_249] : memref<10112x128xf32, #tpu.memory_space<vmem_shared>> -> memref<56x128xf32, #tpu.memory_space<vmem_shared>>
      %dma_wait3A_251 = arith.constant 0 : i32
      %dma_wait3A_252 = tpu.memref_slice %arg13[%add3A_53, %dma_wait3A_251] : memref<10112x128xf32, #tpu.memory_space<vmem_shared>> -> memref<56x128xf32, #tpu.memory_space<vmem_shared>>
      %dma_wait3A_253 = arith.constant 0 : i32
      %dma_wait3A_254 = arith.constant 0 : i32
      %dma_wait3A_255 = tpu.memref_slice %arg10[%run_scoped3A_54, %dma_wait3A_253, %dma_wait3A_254] : memref<2x64x128xf32, #tpu.memory_space<vmem>> -> memref<1x64x128xf32, #tpu.memory_space<vmem>>
      %dma_wait3A_256 = tpu.memref_squeeze %dma_wait3A_255 : memref<1x64x128xf32, #tpu.memory_space<vmem>> -> memref<64x128xf32, #tpu.memory_space<vmem>>
      %dma_wait3A_257 = arith.constant 0 : i32
      %dma_wait3A_258 = arith.constant 0 : i32
      %dma_wait3A_259 = tpu.memref_slice %dma_wait3A_256[%dma_wait3A_257, %dma_wait3A_258] : memref<64x128xf32, #tpu.memory_space<vmem>> -> memref<56x128xf32, #tpu.memory_space<vmem>>
      tpu.wait_dma2 semaphore(%run_scoped3A_223 : memref<!tpu.dma_semaphore, #tpu.memory_space<semaphore_mem>>) src(%dma_wait3A_259 : memref<56x128xf32, #tpu.memory_space<vmem>>) dst(%dma_wait3A_252 : memref<56x128xf32, #tpu.memory_space<vmem_shared>>)
      tpu.yield
    }) : () -> ()
    %barrier3A = arith.constant 0 : index
    tpu.barrier barrier_id(%barrier3A)
    %lt3A = arith.constant 4 : i32
    %lt3A_55 = arith.cmpi slt, %arg1, %lt3A : i32
    %jit3A = arith.constant 1 : i32
    %jit3A_56 = arith.constant 0 : i32
    %select_n3A = arith.select %lt3A_55, %jit3A, %jit3A_56 : i32
    %add3A_57 = arith.constant 156 : i32
    %add3A_58 = arith.addi %add3A_57, %select_n3A : i32
    %add3A_59 = arith.constant 0 : i32
    %add3A_60 = arith.addi %arg1, %add3A_59 : i32
    %mul3A_61 = arith.constant 64 : i32
    %mul3A_62 = arith.muli %add3A_60, %mul3A_61 : i32
    %add3A_63 = arith.addi %mul3A_0, %mul3A_62 : i32
    %dma_start3A = arith.constant 0 : i32
    %dma_start3A_64 = arith.constant 0 : i32
    %dma_start3A_65 = tpu.memref_slice %arg8[%dma_start3A, %dma_start3A_64] : memref<3x64xi32, #tpu.memory_space<vmem>> -> memref<1x64xi32, #tpu.memory_space<vmem>>
    %dma_start3A_66 = tpu.memref_squeeze %dma_start3A_65 : memref<1x64xi32, #tpu.memory_space<vmem>> -> memref<64xi32, #tpu.memory_space<vmem>>
    %dma_start3A_67 = tpu.memref_slice %arg5[%add3A_63] : memref<320000xi32, #tpu.memory_space<hbm>> -> memref<64xi32, #tpu.memory_space<hbm>>
    %dma_start3A_68 = arith.constant 0 : i32
    %dma_start3A_69 = tpu.memref_slice %arg8[%dma_start3A, %dma_start3A_68] : memref<3x64xi32, #tpu.memory_space<vmem>> -> memref<1x64xi32, #tpu.memory_space<vmem>>
    %dma_start3A_70 = tpu.memref_squeeze %dma_start3A_69 : memref<1x64xi32, #tpu.memory_space<vmem>> -> memref<64xi32, #tpu.memory_space<vmem>>
    %dma_start3A_71 = tpu.memref_slice %arg5[%add3A_63] : memref<320000xi32, #tpu.memory_space<hbm>> -> memref<64xi32, #tpu.memory_space<hbm>>
    tpu.enqueue_dma source(%dma_start3A_71 : memref<64xi32, #tpu.memory_space<hbm>>) target(%dma_start3A_70 : memref<64xi32, #tpu.memory_space<vmem>>) target_semaphore(%arg18 : memref<!tpu.dma_semaphore, #tpu.memory_space<semaphore_mem>>)
    %dma_start3A_72 = arith.constant 0 : i32
    %dma_start3A_73 = arith.constant 0 : i32
    %dma_start3A_74 = tpu.memref_slice %arg9[%dma_start3A_72, %dma_start3A_73] : memref<3x64xi32, #tpu.memory_space<vmem>> -> memref<1x64xi32, #tpu.memory_space<vmem>>
    %dma_start3A_75 = tpu.memref_squeeze %dma_start3A_74 : memref<1x64xi32, #tpu.memory_space<vmem>> -> memref<64xi32, #tpu.memory_space<vmem>>
    %dma_start3A_76 = tpu.memref_slice %arg6[%add3A_63] : memref<320000xi32, #tpu.memory_space<hbm>> -> memref<64xi32, #tpu.memory_space<hbm>>
    %dma_start3A_77 = arith.constant 0 : i32
    %dma_start3A_78 = tpu.memref_slice %arg9[%dma_start3A_72, %dma_start3A_77] : memref<3x64xi32, #tpu.memory_space<vmem>> -> memref<1x64xi32, #tpu.memory_space<vmem>>
    %dma_start3A_79 = tpu.memref_squeeze %dma_start3A_78 : memref<1x64xi32, #tpu.memory_space<vmem>> -> memref<64xi32, #tpu.memory_space<vmem>>
    %dma_start3A_80 = tpu.memref_slice %arg6[%add3A_63] : memref<320000xi32, #tpu.memory_space<hbm>> -> memref<64xi32, #tpu.memory_space<hbm>>
    tpu.enqueue_dma source(%dma_start3A_80 : memref<64xi32, #tpu.memory_space<hbm>>) target(%dma_start3A_79 : memref<64xi32, #tpu.memory_space<vmem>>) target_semaphore(%arg18 : memref<!tpu.dma_semaphore, #tpu.memory_space<semaphore_mem>>)
    %gt3A = arith.constant 1 : i32
    %gt3A_81 = arith.cmpi sgt, %add3A_58, %gt3A : i32
    %convert_element_type3A = arith.extui %gt3A_81 : i1 to i32
    %cond3A = arith.constant 0 : i32
    %cond3A_82 = arith.cmpi ne, %convert_element_type3A, %cond3A : i32
    scf.if %cond3A_82 {
      %add3A_223 = arith.constant 16 : i32
      %add3A_224 = arith.addi %arg1, %add3A_223 : i32
      %mul3A_225 = arith.constant 64 : i32
      %mul3A_226 = arith.muli %add3A_224, %mul3A_225 : i32
      %add3A_227 = arith.addi %mul3A_0, %mul3A_226 : i32
      %dma_start3A_228 = arith.constant 1 : i32
      %dma_start3A_229 = arith.constant 0 : i32
      %dma_start3A_230 = tpu.memref_slice %arg8[%dma_start3A_228, %dma_start3A_229] : memref<3x64xi32, #tpu.memory_space<vmem>> -> memref<1x64xi32, #tpu.memory_space<vmem>>
      %dma_start3A_231 = tpu.memref_squeeze %dma_start3A_230 : memref<1x64xi32, #tpu.memory_space<vmem>> -> memref<64xi32, #tpu.memory_space<vmem>>
      %dma_start3A_232 = tpu.memref_slice %arg5[%add3A_227] : memref<320000xi32, #tpu.memory_space<hbm>> -> memref<64xi32, #tpu.memory_space<hbm>>
      %dma_start3A_233 = arith.constant 0 : i32
      %dma_start3A_234 = tpu.memref_slice %arg8[%dma_start3A_228, %dma_start3A_233] : memref<3x64xi32, #tpu.memory_space<vmem>> -> memref<1x64xi32, #tpu.memory_space<vmem>>
      %dma_start3A_235 = tpu.memref_squeeze %dma_start3A_234 : memref<1x64xi32, #tpu.memory_space<vmem>> -> memref<64xi32, #tpu.memory_space<vmem>>
      %dma_start3A_236 = tpu.memref_slice %arg5[%add3A_227] : memref<320000xi32, #tpu.memory_space<hbm>> -> memref<64xi32, #tpu.memory_space<hbm>>
      tpu.enqueue_dma source(%dma_start3A_236 : memref<64xi32, #tpu.memory_space<hbm>>) target(%dma_start3A_235 : memref<64xi32, #tpu.memory_space<vmem>>) target_semaphore(%arg19 : memref<!tpu.dma_semaphore, #tpu.memory_space<semaphore_mem>>)
      %dma_start3A_237 = arith.constant 1 : i32
      %dma_start3A_238 = arith.constant 0 : i32
      %dma_start3A_239 = tpu.memref_slice %arg9[%dma_start3A_237, %dma_start3A_238] : memref<3x64xi32, #tpu.memory_space<vmem>> -> memref<1x64xi32, #tpu.memory_space<vmem>>
      %dma_start3A_240 = tpu.memref_squeeze %dma_start3A_239 : memref<1x64xi32, #tpu.memory_space<vmem>> -> memref<64xi32, #tpu.memory_space<vmem>>
      %dma_start3A_241 = tpu.memref_slice %arg6[%add3A_227] : memref<320000xi32, #tpu.memory_space<hbm>> -> memref<64xi32, #tpu.memory_space<hbm>>
      %dma_start3A_242 = arith.constant 0 : i32
      %dma_start3A_243 = tpu.memref_slice %arg9[%dma_start3A_237, %dma_start3A_242] : memref<3x64xi32, #tpu.memory_space<vmem>> -> memref<1x64xi32, #tpu.memory_space<vmem>>
      %dma_start3A_244 = tpu.memref_squeeze %dma_start3A_243 : memref<1x64xi32, #tpu.memory_space<vmem>> -> memref<64xi32, #tpu.memory_space<vmem>>
      %dma_start3A_245 = tpu.memref_slice %arg6[%add3A_227] : memref<320000xi32, #tpu.memory_space<hbm>> -> memref<64xi32, #tpu.memory_space<hbm>>
      tpu.enqueue_dma source(%dma_start3A_245 : memref<64xi32, #tpu.memory_space<hbm>>) target(%dma_start3A_244 : memref<64xi32, #tpu.memory_space<vmem>>) target_semaphore(%arg19 : memref<!tpu.dma_semaphore, #tpu.memory_space<semaphore_mem>>)
    } else {
    }
    %dma_wait3A = arith.constant 0 : i32
    %dma_wait3A_83 = arith.constant 0 : i32
    %dma_wait3A_84 = tpu.memref_slice %arg8[%dma_wait3A, %dma_wait3A_83] : memref<3x64xi32, #tpu.memory_space<vmem>> -> memref<1x64xi32, #tpu.memory_space<vmem>>
    %dma_wait3A_85 = tpu.memref_squeeze %dma_wait3A_84 : memref<1x64xi32, #tpu.memory_space<vmem>> -> memref<64xi32, #tpu.memory_space<vmem>>
    %dma_wait3A_86 = arith.constant 0 : i32
    %dma_wait3A_87 = tpu.memref_slice %arg5[%dma_wait3A_86] : memref<320000xi32, #tpu.memory_space<hbm>> -> memref<64xi32, #tpu.memory_space<hbm>>
    %dma_wait3A_88 = arith.constant 0 : i32
    %dma_wait3A_89 = tpu.memref_slice %arg8[%dma_wait3A, %dma_wait3A_88] : memref<3x64xi32, #tpu.memory_space<vmem>> -> memref<1x64xi32, #tpu.memory_space<vmem>>
    %dma_wait3A_90 = tpu.memref_squeeze %dma_wait3A_89 : memref<1x64xi32, #tpu.memory_space<vmem>> -> memref<64xi32, #tpu.memory_space<vmem>>
    %dma_wait3A_91 = arith.constant 0 : i32
    %dma_wait3A_92 = tpu.memref_slice %arg5[%dma_wait3A_91] : memref<320000xi32, #tpu.memory_space<hbm>> -> memref<64xi32, #tpu.memory_space<hbm>>
    tpu.wait_dma2 semaphore(%arg18 : memref<!tpu.dma_semaphore, #tpu.memory_space<semaphore_mem>>) src(%dma_wait3A_92 : memref<64xi32, #tpu.memory_space<hbm>>) dst(%dma_wait3A_90 : memref<64xi32, #tpu.memory_space<vmem>>)
    %dma_wait3A_93 = arith.constant 0 : i32
    %dma_wait3A_94 = arith.constant 0 : i32
    %dma_wait3A_95 = tpu.memref_slice %arg9[%dma_wait3A_93, %dma_wait3A_94] : memref<3x64xi32, #tpu.memory_space<vmem>> -> memref<1x64xi32, #tpu.memory_space<vmem>>
    %dma_wait3A_96 = tpu.memref_squeeze %dma_wait3A_95 : memref<1x64xi32, #tpu.memory_space<vmem>> -> memref<64xi32, #tpu.memory_space<vmem>>
    %dma_wait3A_97 = arith.constant 0 : i32
    %dma_wait3A_98 = tpu.memref_slice %arg6[%dma_wait3A_97] : memref<320000xi32, #tpu.memory_space<hbm>> -> memref<64xi32, #tpu.memory_space<hbm>>
    %dma_wait3A_99 = arith.constant 0 : i32
    %dma_wait3A_100 = tpu.memref_slice %arg9[%dma_wait3A_93, %dma_wait3A_99] : memref<3x64xi32, #tpu.memory_space<vmem>> -> memref<1x64xi32, #tpu.memory_space<vmem>>
    %dma_wait3A_101 = tpu.memref_squeeze %dma_wait3A_100 : memref<1x64xi32, #tpu.memory_space<vmem>> -> memref<64xi32, #tpu.memory_space<vmem>>
    %dma_wait3A_102 = arith.constant 0 : i32
    %dma_wait3A_103 = tpu.memref_slice %arg6[%dma_wait3A_102] : memref<320000xi32, #tpu.memory_space<hbm>> -> memref<64xi32, #tpu.memory_space<hbm>>
    tpu.wait_dma2 semaphore(%arg18 : memref<!tpu.dma_semaphore, #tpu.memory_space<semaphore_mem>>) src(%dma_wait3A_103 : memref<64xi32, #tpu.memory_space<hbm>>) dst(%dma_wait3A_101 : memref<64xi32, #tpu.memory_space<vmem>>)
    %add3A_104 = arith.constant 0 : i32
    %add3A_105 = arith.addi %arg1, %add3A_104 : i32
    %mul3A_106 = arith.constant 64 : i32
    %mul3A_107 = arith.muli %add3A_105, %mul3A_106 : i32
    %add3A_108 = arith.addi %mul3A_0, %mul3A_107 : i32
    %dma_start3A_109 = arith.constant 0 : i32
    %dma_start3A_110 = arith.constant 0 : i32
    %dma_start3A_111 = arith.constant 0 : i32
    %dma_start3A_112 = arith.constant 0 : i32
    %dma_start3A_113 = tpu.memref_slice %arg10[%dma_start3A_110, %dma_start3A_111, %dma_start3A_112] : memref<2x64x128xf32, #tpu.memory_space<vmem>> -> memref<1x64x128xf32, #tpu.memory_space<vmem>>
    %dma_start3A_114 = tpu.memref_squeeze %dma_start3A_113 : memref<1x64x128xf32, #tpu.memory_space<vmem>> -> memref<64x128xf32, #tpu.memory_space<vmem>>
    %dma_start3A_115 = arith.constant 0 : i32
    %dma_start3A_116 = tpu.memref_slice %arg8[%dma_start3A_109, %dma_start3A_115] : memref<3x64xi32, #tpu.memory_space<vmem>> -> memref<1x64xi32, #tpu.memory_space<vmem>>
    %dma_start3A_117 = tpu.memref_squeeze %dma_start3A_116 : memref<1x64xi32, #tpu.memory_space<vmem>> -> memref<64xi32, #tpu.memory_space<vmem>>
    %dma_start3A_118 = arith.constant 0 : i32
    %dma_start3A_119 = arith.constant 0 : i32
    %dma_start3A_120 = tpu.memref_slice %arg2[%dma_start3A_118, %dma_start3A_119] : memref<10000x128xf32, #tpu.memory_space<hbm>> -> memref<10000x128xf32, #tpu.memory_space<hbm>>
    tpu.enqueue_indirect_dma source(%dma_start3A_120 : memref<10000x128xf32, #tpu.memory_space<hbm>>) target(%dma_start3A_114 : memref<64x128xf32, #tpu.memory_space<vmem>>) offsets(%dma_start3A_117 : memref<64xi32, #tpu.memory_space<vmem>>) semaphore(%arg14 : memref<!tpu.dma_semaphore, #tpu.memory_space<semaphore_mem>>)
    %dma_start3A_121 = arith.constant 0 : i32
    %dma_start3A_122 = arith.constant 0 : i32
    %dma_start3A_123 = arith.constant 0 : i32
    %dma_start3A_124 = arith.constant 0 : i32
    %dma_start3A_125 = tpu.memref_slice %arg11[%dma_start3A_122, %dma_start3A_123, %dma_start3A_124] : memref<2x64x128xf32, #tpu.memory_space<vmem>> -> memref<1x64x128xf32, #tpu.memory_space<vmem>>
    %dma_start3A_126 = tpu.memref_squeeze %dma_start3A_125 : memref<1x64x128xf32, #tpu.memory_space<vmem>> -> memref<64x128xf32, #tpu.memory_space<vmem>>
    %dma_start3A_127 = arith.constant 0 : i32
    %dma_start3A_128 = tpu.memref_slice %arg9[%dma_start3A_121, %dma_start3A_127] : memref<3x64xi32, #tpu.memory_space<vmem>> -> memref<1x64xi32, #tpu.memory_space<vmem>>
    %dma_start3A_129 = tpu.memref_squeeze %dma_start3A_128 : memref<1x64xi32, #tpu.memory_space<vmem>> -> memref<64xi32, #tpu.memory_space<vmem>>
    %dma_start3A_130 = arith.constant 0 : i32
    %dma_start3A_131 = arith.constant 0 : i32
    %dma_start3A_132 = tpu.memref_slice %arg3[%dma_start3A_130, %dma_start3A_131] : memref<10000x128xf32, #tpu.memory_space<hbm>> -> memref<10000x128xf32, #tpu.memory_space<hbm>>
    tpu.enqueue_indirect_dma source(%dma_start3A_132 : memref<10000x128xf32, #tpu.memory_space<hbm>>) target(%dma_start3A_126 : memref<64x128xf32, #tpu.memory_space<vmem>>) offsets(%dma_start3A_129 : memref<64xi32, #tpu.memory_space<vmem>>) semaphore(%arg14 : memref<!tpu.dma_semaphore, #tpu.memory_space<semaphore_mem>>)
    %dma_start3A_133 = arith.constant 0 : i32
    %dma_start3A_134 = arith.constant 0 : i32
    %dma_start3A_135 = arith.constant 0 : i32
    %dma_start3A_136 = tpu.memref_slice %arg12[%dma_start3A_133, %dma_start3A_134, %dma_start3A_135] : memref<2x64x64xi32, #tpu.memory_space<vmem>> -> memref<1x64x64xi32, #tpu.memory_space<vmem>>
    %dma_start3A_137 = tpu.memref_squeeze %dma_start3A_136 : memref<1x64x64xi32, #tpu.memory_space<vmem>> -> memref<64x64xi32, #tpu.memory_space<vmem>>
    %dma_start3A_138 = arith.constant 0 : i32
    %dma_start3A_139 = tpu.memref_slice %arg4[%add3A_108, %dma_start3A_138] : memref<320000x64xi32, #tpu.memory_space<hbm>> -> memref<64x64xi32, #tpu.memory_space<hbm>>
    %dma_start3A_140 = arith.constant 0 : i32
    %dma_start3A_141 = arith.constant 0 : i32
    %dma_start3A_142 = tpu.memref_slice %arg12[%dma_start3A_133, %dma_start3A_140, %dma_start3A_141] : memref<2x64x64xi32, #tpu.memory_space<vmem>> -> memref<1x64x64xi32, #tpu.memory_space<vmem>>
    %dma_start3A_143 = tpu.memref_squeeze %dma_start3A_142 : memref<1x64x64xi32, #tpu.memory_space<vmem>> -> memref<64x64xi32, #tpu.memory_space<vmem>>
    %dma_start3A_144 = arith.constant 0 : i32
    %dma_start3A_145 = tpu.memref_slice %arg4[%add3A_108, %dma_start3A_144] : memref<320000x64xi32, #tpu.memory_space<hbm>> -> memref<64x64xi32, #tpu.memory_space<hbm>>
    tpu.enqueue_dma source(%dma_start3A_145 : memref<64x64xi32, #tpu.memory_space<hbm>>) target(%dma_start3A_143 : memref<64x64xi32, #tpu.memory_space<vmem>>) target_semaphore(%arg14 : memref<!tpu.dma_semaphore, #tpu.memory_space<semaphore_mem>>)
    %scan3A_146 = arith.constant 0 : i32
    %scan3A_147 = arith.constant 0 : i32
    %scan3A_148 = arith.constant 27 : i32
    %scan3A_149 = arith.addi %scan3A_147, %scan3A_148 : i32
    %scan3A_150 = arith.constant 1 : i32
    %scan3A_151 = scf.for %scan3A_223 = %scan3A_147 to %scan3A_149 step %scan3A_150 iter_args(%scan3A_224 = %scan3A_146) -> (i32)  : i32 {
      %mul3A_225 = arith.constant 6 : i32
      %mul3A_226 = arith.muli %scan3A_223, %mul3A_225 : i32
      %add3A_227 = arith.constant 0 : i32
      %add3A_228 = arith.addi %mul3A_226, %add3A_227 : i32
      %lt3A_229 = arith.cmpi slt, %add3A_228, %add3A_58 : i32
      %convert_element_type3A_230 = arith.extui %lt3A_229 : i1 to i32
      %cond3A_231 = arith.constant 0 : i32
      %cond3A_232 = arith.cmpi ne, %convert_element_type3A_230, %cond3A_231 : i32
      scf.if %cond3A_232 {
        %add3A_274 = arith.constant 1 : i32
        %add3A_275 = arith.addi %add3A_228, %add3A_274 : i32
        %lt3A_276 = arith.cmpi slt, %add3A_275, %add3A_58 : i32
        %convert_element_type3A_277 = arith.extui %lt3A_276 : i1 to i32
        %cond3A_278 = arith.constant 0 : i32
        %cond3A_279 = arith.cmpi ne, %convert_element_type3A_277, %cond3A_278 : i32
        scf.if %cond3A_279 {
          %dma_wait3A_350 = arith.constant 1 : i32
          %dma_wait3A_351 = arith.constant 0 : i32
          %dma_wait3A_352 = tpu.memref_slice %arg8[%dma_wait3A_350, %dma_wait3A_351] : memref<3x64xi32, #tpu.memory_space<vmem>> -> memref<1x64xi32, #tpu.memory_space<vmem>>
          %dma_wait3A_353 = tpu.memref_squeeze %dma_wait3A_352 : memref<1x64xi32, #tpu.memory_space<vmem>> -> memref<64xi32, #tpu.memory_space<vmem>>
          %dma_wait3A_354 = arith.constant 0 : i32
          %dma_wait3A_355 = tpu.memref_slice %arg5[%dma_wait3A_354] : memref<320000xi32, #tpu.memory_space<hbm>> -> memref<64xi32, #tpu.memory_space<hbm>>
          %dma_wait3A_356 = arith.constant 0 : i32
          %dma_wait3A_357 = tpu.memref_slice %arg8[%dma_wait3A_350, %dma_wait3A_356] : memref<3x64xi32, #tpu.memory_space<vmem>> -> memref<1x64xi32, #tpu.memory_space<vmem>>
          %dma_wait3A_358 = tpu.memref_squeeze %dma_wait3A_357 : memref<1x64xi32, #tpu.memory_space<vmem>> -> memref<64xi32, #tpu.memory_space<vmem>>
          %dma_wait3A_359 = arith.constant 0 : i32
          %dma_wait3A_360 = tpu.memref_slice %arg5[%dma_wait3A_359] : memref<320000xi32, #tpu.memory_space<hbm>> -> memref<64xi32, #tpu.memory_space<hbm>>
          tpu.wait_dma2 semaphore(%arg19 : memref<!tpu.dma_semaphore, #tpu.memory_space<semaphore_mem>>) src(%dma_wait3A_360 : memref<64xi32, #tpu.memory_space<hbm>>) dst(%dma_wait3A_358 : memref<64xi32, #tpu.memory_space<vmem>>)
          %dma_wait3A_361 = arith.constant 1 : i32
          %dma_wait3A_362 = arith.constant 0 : i32
          %dma_wait3A_363 = tpu.memref_slice %arg9[%dma_wait3A_361, %dma_wait3A_362] : memref<3x64xi32, #tpu.memory_space<vmem>> -> memref<1x64xi32, #tpu.memory_space<vmem>>
          %dma_wait3A_364 = tpu.memref_squeeze %dma_wait3A_363 : memref<1x64xi32, #tpu.memory_space<vmem>> -> memref<64xi32, #tpu.memory_space<vmem>>
          %dma_wait3A_365 = arith.constant 0 : i32
          %dma_wait3A_366 = tpu.memref_slice %arg6[%dma_wait3A_365] : memref<320000xi32, #tpu.memory_space<hbm>> -> memref<64xi32, #tpu.memory_space<hbm>>
          %dma_wait3A_367 = arith.constant 0 : i32
          %dma_wait3A_368 = tpu.memref_slice %arg9[%dma_wait3A_361, %dma_wait3A_367] : memref<3x64xi32, #tpu.memory_space<vmem>> -> memref<1x64xi32, #tpu.memory_space<vmem>>
          %dma_wait3A_369 = tpu.memref_squeeze %dma_wait3A_368 : memref<1x64xi32, #tpu.memory_space<vmem>> -> memref<64xi32, #tpu.memory_space<vmem>>
          %dma_wait3A_370 = arith.constant 0 : i32
          %dma_wait3A_371 = tpu.memref_slice %arg6[%dma_wait3A_370] : memref<320000xi32, #tpu.memory_space<hbm>> -> memref<64xi32, #tpu.memory_space<hbm>>
          tpu.wait_dma2 semaphore(%arg19 : memref<!tpu.dma_semaphore, #tpu.memory_space<semaphore_mem>>) src(%dma_wait3A_371 : memref<64xi32, #tpu.memory_space<hbm>>) dst(%dma_wait3A_369 : memref<64xi32, #tpu.memory_space<vmem>>)
          %ge3A = arith.constant 1 : i32
          %ge3A_372 = arith.cmpi sge, %add3A_228, %ge3A : i32
          %convert_element_type3A_373 = arith.extui %ge3A_372 : i1 to i32
          %cond3A_374 = arith.constant 0 : i32
          %cond3A_375 = arith.cmpi ne, %convert_element_type3A_373, %cond3A_374 : i32
          scf.if %cond3A_375 {
            %dma_wait3A_421 = arith.constant 1 : i32
            %dma_wait3A_422 = arith.constant 0 : i32
            %dma_wait3A_423 = arith.constant 0 : i32
            %dma_wait3A_424 = tpu.memref_slice %arg10[%dma_wait3A_421, %dma_wait3A_422, %dma_wait3A_423] : memref<2x64x128xf32, #tpu.memory_space<vmem>> -> memref<1x64x128xf32, #tpu.memory_space<vmem>>
            %dma_wait3A_425 = tpu.memref_squeeze %dma_wait3A_424 : memref<1x64x128xf32, #tpu.memory_space<vmem>> -> memref<64x128xf32, #tpu.memory_space<vmem>>
            %dma_wait3A_426 = arith.constant 0 : i32
            %dma_wait3A_427 = arith.constant 0 : i32
            %dma_wait3A_428 = tpu.memref_slice %arg2[%dma_wait3A_426, %dma_wait3A_427] : memref<10000x128xf32, #tpu.memory_space<hbm>> -> memref<64x128xf32, #tpu.memory_space<hbm>>
            %dma_wait3A_429 = arith.constant 0 : i32
            %dma_wait3A_430 = arith.constant 0 : i32
            %dma_wait3A_431 = tpu.memref_slice %arg10[%dma_wait3A_421, %dma_wait3A_429, %dma_wait3A_430] : memref<2x64x128xf32, #tpu.memory_space<vmem>> -> memref<1x64x128xf32, #tpu.memory_space<vmem>>
            %dma_wait3A_432 = tpu.memref_squeeze %dma_wait3A_431 : memref<1x64x128xf32, #tpu.memory_space<vmem>> -> memref<64x128xf32, #tpu.memory_space<vmem>>
            %dma_wait3A_433 = arith.constant 0 : i32
            %dma_wait3A_434 = arith.constant 0 : i32
            %dma_wait3A_435 = tpu.memref_slice %arg2[%dma_wait3A_433, %dma_wait3A_434] : memref<10000x128xf32, #tpu.memory_space<hbm>> -> memref<64x128xf32, #tpu.memory_space<hbm>>
            tpu.wait_dma2 semaphore(%arg17 : memref<!tpu.dma_semaphore, #tpu.memory_space<semaphore_mem>>) src(%dma_wait3A_435 : memref<64x128xf32, #tpu.memory_space<hbm>>) dst(%dma_wait3A_432 : memref<64x128xf32, #tpu.memory_space<vmem>>)
          } else {
          }
          %add3A_376 = arith.constant 1 : i32
          %add3A_377 = arith.addi %add3A_228, %add3A_376 : i32
          %mul3A_378 = arith.constant 16 : i32
          %mul3A_379 = arith.muli %mul3A_378, %add3A_377 : i32
          %add3A_380 = arith.addi %arg1, %mul3A_379 : i32
          %mul3A_381 = arith.constant 64 : i32
          %mul3A_382 = arith.muli %add3A_380, %mul3A_381 : i32
          %add3A_383 = arith.addi %mul3A_0, %mul3A_382 : i32
          %dma_start3A_384 = arith.constant 1 : i32
          %dma_start3A_385 = arith.constant 1 : i32
          %dma_start3A_386 = arith.constant 0 : i32
          %dma_start3A_387 = arith.constant 0 : i32
          %dma_start3A_388 = tpu.memref_slice %arg10[%dma_start3A_385, %dma_start3A_386, %dma_start3A_387] : memref<2x64x128xf32, #tpu.memory_space<vmem>> -> memref<1x64x128xf32, #tpu.memory_space<vmem>>
          %dma_start3A_389 = tpu.memref_squeeze %dma_start3A_388 : memref<1x64x128xf32, #tpu.memory_space<vmem>> -> memref<64x128xf32, #tpu.memory_space<vmem>>
          %dma_start3A_390 = arith.constant 0 : i32
          %dma_start3A_391 = tpu.memref_slice %arg8[%dma_start3A_384, %dma_start3A_390] : memref<3x64xi32, #tpu.memory_space<vmem>> -> memref<1x64xi32, #tpu.memory_space<vmem>>
          %dma_start3A_392 = tpu.memref_squeeze %dma_start3A_391 : memref<1x64xi32, #tpu.memory_space<vmem>> -> memref<64xi32, #tpu.memory_space<vmem>>
          %dma_start3A_393 = arith.constant 0 : i32
          %dma_start3A_394 = arith.constant 0 : i32
          %dma_start3A_395 = tpu.memref_slice %arg2[%dma_start3A_393, %dma_start3A_394] : memref<10000x128xf32, #tpu.memory_space<hbm>> -> memref<10000x128xf32, #tpu.memory_space<hbm>>
          tpu.enqueue_indirect_dma source(%dma_start3A_395 : memref<10000x128xf32, #tpu.memory_space<hbm>>) target(%dma_start3A_389 : memref<64x128xf32, #tpu.memory_space<vmem>>) offsets(%dma_start3A_392 : memref<64xi32, #tpu.memory_space<vmem>>) semaphore(%arg15 : memref<!tpu.dma_semaphore, #tpu.memory_space<semaphore_mem>>)
          %dma_start3A_396 = arith.constant 1 : i32
          %dma_start3A_397 = arith.constant 1 : i32
          %dma_start3A_398 = arith.constant 0 : i32
          %dma_start3A_399 = arith.constant 0 : i32
          %dma_start3A_400 = tpu.memref_slice %arg11[%dma_start3A_397, %dma_start3A_398, %dma_start3A_399] : memref<2x64x128xf32, #tpu.memory_space<vmem>> -> memref<1x64x128xf32, #tpu.memory_space<vmem>>
          %dma_start3A_401 = tpu.memref_squeeze %dma_start3A_400 : memref<1x64x128xf32, #tpu.memory_space<vmem>> -> memref<64x128xf32, #tpu.memory_space<vmem>>
          %dma_start3A_402 = arith.constant 0 : i32
          %dma_start3A_403 = tpu.memref_slice %arg9[%dma_start3A_396, %dma_start3A_402] : memref<3x64xi32, #tpu.memory_space<vmem>> -> memref<1x64xi32, #tpu.memory_space<vmem>>
          %dma_start3A_404 = tpu.memref_squeeze %dma_start3A_403 : memref<1x64xi32, #tpu.memory_space<vmem>> -> memref<64xi32, #tpu.memory_space<vmem>>
          %dma_start3A_405 = arith.constant 0 : i32
          %dma_start3A_406 = arith.constant 0 : i32
          %dma_start3A_407 = tpu.memref_slice %arg3[%dma_start3A_405, %dma_start3A_406] : memref<10000x128xf32, #tpu.memory_space<hbm>> -> memref<10000x128xf32, #tpu.memory_space<hbm>>
          tpu.enqueue_indirect_dma source(%dma_start3A_407 : memref<10000x128xf32, #tpu.memory_space<hbm>>) target(%dma_start3A_401 : memref<64x128xf32, #tpu.memory_space<vmem>>) offsets(%dma_start3A_404 : memref<64xi32, #tpu.memory_space<vmem>>) semaphore(%arg15 : memref<!tpu.dma_semaphore, #tpu.memory_space<semaphore_mem>>)
          %dma_start3A_408 = arith.constant 1 : i32
          %dma_start3A_409 = arith.constant 0 : i32
          %dma_start3A_410 = arith.constant 0 : i32
          %dma_start3A_411 = tpu.memref_slice %arg12[%dma_start3A_408, %dma_start3A_409, %dma_start3A_410] : memref<2x64x64xi32, #tpu.memory_space<vmem>> -> memref<1x64x64xi32, #tpu.memory_space<vmem>>
          %dma_start3A_412 = tpu.memref_squeeze %dma_start3A_411 : memref<1x64x64xi32, #tpu.memory_space<vmem>> -> memref<64x64xi32, #tpu.memory_space<vmem>>
          %dma_start3A_413 = arith.constant 0 : i32
          %dma_start3A_414 = tpu.memref_slice %arg4[%add3A_383, %dma_start3A_413] : memref<320000x64xi32, #tpu.memory_space<hbm>> -> memref<64x64xi32, #tpu.memory_space<hbm>>
          %dma_start3A_415 = arith.constant 0 : i32
          %dma_start3A_416 = arith.constant 0 : i32
          %dma_start3A_417 = tpu.memref_slice %arg12[%dma_start3A_408, %dma_start3A_415, %dma_start3A_416] : memref<2x64x64xi32, #tpu.memory_space<vmem>> -> memref<1x64x64xi32, #tpu.memory_space<vmem>>
          %dma_start3A_418 = tpu.memref_squeeze %dma_start3A_417 : memref<1x64x64xi32, #tpu.memory_space<vmem>> -> memref<64x64xi32, #tpu.memory_space<vmem>>
          %dma_start3A_419 = arith.constant 0 : i32
          %dma_start3A_420 = tpu.memref_slice %arg4[%add3A_383, %dma_start3A_419] : memref<320000x64xi32, #tpu.memory_space<hbm>> -> memref<64x64xi32, #tpu.memory_space<hbm>>
          tpu.enqueue_dma source(%dma_start3A_420 : memref<64x64xi32, #tpu.memory_space<hbm>>) target(%dma_start3A_418 : memref<64x64xi32, #tpu.memory_space<vmem>>) target_semaphore(%arg15 : memref<!tpu.dma_semaphore, #tpu.memory_space<semaphore_mem>>)
        } else {
        }
        %add3A_280 = arith.constant 2 : i32
        %add3A_281 = arith.addi %add3A_228, %add3A_280 : i32
        %lt3A_282 = arith.cmpi slt, %add3A_281, %add3A_58 : i32
        %convert_element_type3A_283 = arith.extui %lt3A_282 : i1 to i32
        %cond3A_284 = arith.constant 0 : i32
        %cond3A_285 = arith.cmpi ne, %convert_element_type3A_283, %cond3A_284 : i32
        scf.if %cond3A_285 {
          %add3A_350 = arith.constant 2 : i32
          %add3A_351 = arith.addi %add3A_228, %add3A_350 : i32
          %mul3A_352 = arith.constant 16 : i32
          %mul3A_353 = arith.muli %mul3A_352, %add3A_351 : i32
          %add3A_354 = arith.addi %arg1, %mul3A_353 : i32
          %mul3A_355 = arith.constant 64 : i32
          %mul3A_356 = arith.muli %add3A_354, %mul3A_355 : i32
          %add3A_357 = arith.addi %mul3A_0, %mul3A_356 : i32
          %dma_start3A_358 = arith.constant 2 : i32
          %dma_start3A_359 = arith.constant 0 : i32
          %dma_start3A_360 = tpu.memref_slice %arg8[%dma_start3A_358, %dma_start3A_359] : memref<3x64xi32, #tpu.memory_space<vmem>> -> memref<1x64xi32, #tpu.memory_space<vmem>>
          %dma_start3A_361 = tpu.memref_squeeze %dma_start3A_360 : memref<1x64xi32, #tpu.memory_space<vmem>> -> memref<64xi32, #tpu.memory_space<vmem>>
          %dma_start3A_362 = tpu.memref_slice %arg5[%add3A_357] : memref<320000xi32, #tpu.memory_space<hbm>> -> memref<64xi32, #tpu.memory_space<hbm>>
          %dma_start3A_363 = arith.constant 0 : i32
          %dma_start3A_364 = tpu.memref_slice %arg8[%dma_start3A_358, %dma_start3A_363] : memref<3x64xi32, #tpu.memory_space<vmem>> -> memref<1x64xi32, #tpu.memory_space<vmem>>
          %dma_start3A_365 = tpu.memref_squeeze %dma_start3A_364 : memref<1x64xi32, #tpu.memory_space<vmem>> -> memref<64xi32, #tpu.memory_space<vmem>>
          %dma_start3A_366 = tpu.memref_slice %arg5[%add3A_357] : memref<320000xi32, #tpu.memory_space<hbm>> -> memref<64xi32, #tpu.memory_space<hbm>>
          tpu.enqueue_dma source(%dma_start3A_366 : memref<64xi32, #tpu.memory_space<hbm>>) target(%dma_start3A_365 : memref<64xi32, #tpu.memory_space<vmem>>) target_semaphore(%arg20 : memref<!tpu.dma_semaphore, #tpu.memory_space<semaphore_mem>>)
          %dma_start3A_367 = arith.constant 2 : i32
          %dma_start3A_368 = arith.constant 0 : i32
          %dma_start3A_369 = tpu.memref_slice %arg9[%dma_start3A_367, %dma_start3A_368] : memref<3x64xi32, #tpu.memory_space<vmem>> -> memref<1x64xi32, #tpu.memory_space<vmem>>
          %dma_start3A_370 = tpu.memref_squeeze %dma_start3A_369 : memref<1x64xi32, #tpu.memory_space<vmem>> -> memref<64xi32, #tpu.memory_space<vmem>>
          %dma_start3A_371 = tpu.memref_slice %arg6[%add3A_357] : memref<320000xi32, #tpu.memory_space<hbm>> -> memref<64xi32, #tpu.memory_space<hbm>>
          %dma_start3A_372 = arith.constant 0 : i32
          %dma_start3A_373 = tpu.memref_slice %arg9[%dma_start3A_367, %dma_start3A_372] : memref<3x64xi32, #tpu.memory_space<vmem>> -> memref<1x64xi32, #tpu.memory_space<vmem>>
          %dma_start3A_374 = tpu.memref_squeeze %dma_start3A_373 : memref<1x64xi32, #tpu.memory_space<vmem>> -> memref<64xi32, #tpu.memory_space<vmem>>
          %dma_start3A_375 = tpu.memref_slice %arg6[%add3A_357] : memref<320000xi32, #tpu.memory_space<hbm>> -> memref<64xi32, #tpu.memory_space<hbm>>
          tpu.enqueue_dma source(%dma_start3A_375 : memref<64xi32, #tpu.memory_space<hbm>>) target(%dma_start3A_374 : memref<64xi32, #tpu.memory_space<vmem>>) target_semaphore(%arg20 : memref<!tpu.dma_semaphore, #tpu.memory_space<semaphore_mem>>)
        } else {
        }
        %dma_wait3A_286 = arith.constant 0 : i32
        %dma_wait3A_287 = arith.constant 0 : i32
        %dma_wait3A_288 = arith.constant 0 : i32
        %dma_wait3A_289 = tpu.memref_slice %arg10[%dma_wait3A_286, %dma_wait3A_287, %dma_wait3A_288] : memref<2x64x128xf32, #tpu.memory_space<vmem>> -> memref<1x64x128xf32, #tpu.memory_space<vmem>>
        %dma_wait3A_290 = tpu.memref_squeeze %dma_wait3A_289 : memref<1x64x128xf32, #tpu.memory_space<vmem>> -> memref<64x128xf32, #tpu.memory_space<vmem>>
        %dma_wait3A_291 = arith.constant 0 : i32
        %dma_wait3A_292 = arith.constant 0 : i32
        %dma_wait3A_293 = tpu.memref_slice %arg2[%dma_wait3A_291, %dma_wait3A_292] : memref<10000x128xf32, #tpu.memory_space<hbm>> -> memref<64x128xf32, #tpu.memory_space<hbm>>
        %dma_wait3A_294 = arith.constant 0 : i32
        %dma_wait3A_295 = arith.constant 0 : i32
        %dma_wait3A_296 = tpu.memref_slice %arg10[%dma_wait3A_286, %dma_wait3A_294, %dma_wait3A_295] : memref<2x64x128xf32, #tpu.memory_space<vmem>> -> memref<1x64x128xf32, #tpu.memory_space<vmem>>
        %dma_wait3A_297 = tpu.memref_squeeze %dma_wait3A_296 : memref<1x64x128xf32, #tpu.memory_space<vmem>> -> memref<64x128xf32, #tpu.memory_space<vmem>>
        %dma_wait3A_298 = arith.constant 0 : i32
        %dma_wait3A_299 = arith.constant 0 : i32
        %dma_wait3A_300 = tpu.memref_slice %arg2[%dma_wait3A_298, %dma_wait3A_299] : memref<10000x128xf32, #tpu.memory_space<hbm>> -> memref<64x128xf32, #tpu.memory_space<hbm>>
        tpu.wait_dma2 semaphore(%arg14 : memref<!tpu.dma_semaphore, #tpu.memory_space<semaphore_mem>>) src(%dma_wait3A_300 : memref<64x128xf32, #tpu.memory_space<hbm>>) dst(%dma_wait3A_297 : memref<64x128xf32, #tpu.memory_space<vmem>>)
        %dma_wait3A_301 = arith.constant 0 : i32
        %dma_wait3A_302 = arith.constant 0 : i32
        %dma_wait3A_303 = arith.constant 0 : i32
        %dma_wait3A_304 = tpu.memref_slice %arg11[%dma_wait3A_301, %dma_wait3A_302, %dma_wait3A_303] : memref<2x64x128xf32, #tpu.memory_space<vmem>> -> memref<1x64x128xf32, #tpu.memory_space<vmem>>
        %dma_wait3A_305 = tpu.memref_squeeze %dma_wait3A_304 : memref<1x64x128xf32, #tpu.memory_space<vmem>> -> memref<64x128xf32, #tpu.memory_space<vmem>>
        %dma_wait3A_306 = arith.constant 0 : i32
        %dma_wait3A_307 = arith.constant 0 : i32
        %dma_wait3A_308 = tpu.memref_slice %arg2[%dma_wait3A_306, %dma_wait3A_307] : memref<10000x128xf32, #tpu.memory_space<hbm>> -> memref<64x128xf32, #tpu.memory_space<hbm>>
        %dma_wait3A_309 = arith.constant 0 : i32
        %dma_wait3A_310 = arith.constant 0 : i32
        %dma_wait3A_311 = tpu.memref_slice %arg11[%dma_wait3A_301, %dma_wait3A_309, %dma_wait3A_310] : memref<2x64x128xf32, #tpu.memory_space<vmem>> -> memref<1x64x128xf32, #tpu.memory_space<vmem>>
        %dma_wait3A_312 = tpu.memref_squeeze %dma_wait3A_311 : memref<1x64x128xf32, #tpu.memory_space<vmem>> -> memref<64x128xf32, #tpu.memory_space<vmem>>
        %dma_wait3A_313 = arith.constant 0 : i32
        %dma_wait3A_314 = arith.constant 0 : i32
        %dma_wait3A_315 = tpu.memref_slice %arg2[%dma_wait3A_313, %dma_wait3A_314] : memref<10000x128xf32, #tpu.memory_space<hbm>> -> memref<64x128xf32, #tpu.memory_space<hbm>>
        tpu.wait_dma2 semaphore(%arg14 : memref<!tpu.dma_semaphore, #tpu.memory_space<semaphore_mem>>) src(%dma_wait3A_315 : memref<64x128xf32, #tpu.memory_space<hbm>>) dst(%dma_wait3A_312 : memref<64x128xf32, #tpu.memory_space<vmem>>)
        %dma_wait3A_316 = arith.constant 0 : i32
        %dma_wait3A_317 = arith.constant 0 : i32
        %dma_wait3A_318 = arith.constant 0 : i32
        %dma_wait3A_319 = tpu.memref_slice %arg12[%dma_wait3A_316, %dma_wait3A_317, %dma_wait3A_318] : memref<2x64x64xi32, #tpu.memory_space<vmem>> -> memref<1x64x64xi32, #tpu.memory_space<vmem>>
        %dma_wait3A_320 = tpu.memref_squeeze %dma_wait3A_319 : memref<1x64x64xi32, #tpu.memory_space<vmem>> -> memref<64x64xi32, #tpu.memory_space<vmem>>
        %dma_wait3A_321 = arith.constant 0 : i32
        %dma_wait3A_322 = arith.constant 0 : i32
        %dma_wait3A_323 = tpu.memref_slice %arg4[%dma_wait3A_321, %dma_wait3A_322] : memref<320000x64xi32, #tpu.memory_space<hbm>> -> memref<64x64xi32, #tpu.memory_space<hbm>>
        %dma_wait3A_324 = arith.constant 0 : i32
        %dma_wait3A_325 = arith.constant 0 : i32
        %dma_wait3A_326 = tpu.memref_slice %arg12[%dma_wait3A_316, %dma_wait3A_324, %dma_wait3A_325] : memref<2x64x64xi32, #tpu.memory_space<vmem>> -> memref<1x64x64xi32, #tpu.memory_space<vmem>>
        %dma_wait3A_327 = tpu.memref_squeeze %dma_wait3A_326 : memref<1x64x64xi32, #tpu.memory_space<vmem>> -> memref<64x64xi32, #tpu.memory_space<vmem>>
        %dma_wait3A_328 = arith.constant 0 : i32
        %dma_wait3A_329 = arith.constant 0 : i32
        %dma_wait3A_330 = tpu.memref_slice %arg4[%dma_wait3A_328, %dma_wait3A_329] : memref<320000x64xi32, #tpu.memory_space<hbm>> -> memref<64x64xi32, #tpu.memory_space<hbm>>
        tpu.wait_dma2 semaphore(%arg14 : memref<!tpu.dma_semaphore, #tpu.memory_space<semaphore_mem>>) src(%dma_wait3A_330 : memref<64x64xi32, #tpu.memory_space<hbm>>) dst(%dma_wait3A_327 : memref<64x64xi32, #tpu.memory_space<vmem>>)
        %scan3A_331 = arith.constant 0 : i32
        %scan3A_332 = arith.constant 0 : i32
        %scan3A_333 = arith.constant 64 : i32
        %scan3A_334 = arith.addi %scan3A_332, %scan3A_333 : i32
        %scan3A_335 = arith.constant 1 : i32
        %scan3A_336 = scf.for %scan3A_350 = %scan3A_332 to %scan3A_334 step %scan3A_335 iter_args(%scan3A_351 = %scan3A_331) -> (i32)  : i32 {
          %get3A = arith.constant 0 : i32
          %get3A_352 = arith.index_cast %get3A : i32 to index
          %get3A_353 = arith.index_cast %scan3A_350 : i32 to index
          %get3A_354 = arith.constant 0 : index
          %get3A_355 = tpu.vector_load %arg12[%get3A_352, %get3A_353, %get3A_354] {strides = array<i32>} : memref<2x64x64xi32, #tpu.memory_space<vmem>>, vector<1x1x16xi32>,
          %get3A_356 = vector.shape_cast %get3A_355 : vector<1x1x16xi32> to vector<16xi32>
          %shift_left3A = arith.constant 16 : i32
          %shift_left3A_357 = vector.broadcast %shift_left3A : i32 to vector<16xi32>
          %shift_left3A_358 = arith.shli %get3A_356, %shift_left3A_357 : vector<16xi32>
          %bitcast_convert_type3A = tpu.bitcast %shift_left3A_358 : vector<16xi32> -> vector<16xf32>
          %and3A = arith.constant -65536 : i32
          %and3A_359 = vector.broadcast %and3A : i32 to vector<16xi32>
          %and3A_360 = arith.andi %get3A_356, %and3A_359 : vector<16xi32>
          %bitcast_convert_type3A_361 = tpu.bitcast %and3A_360 : vector<16xi32> -> vector<16xf32>
          %get3A_362 = arith.constant 0 : i32
          %get3A_363 = arith.index_cast %get3A_362 : i32 to index
          %get3A_364 = arith.index_cast %scan3A_350 : i32 to index
          %get3A_365 = arith.constant 0 : index
          %get3A_366 = tpu.vector_load %arg10[%get3A_363, %get3A_364, %get3A_365] {strides = array<i32>} : memref<2x64x128xf32, #tpu.memory_space<vmem>>, vector<1x1x16xf32>,
          %get3A_367 = vector.shape_cast %get3A_366 : vector<1x1x16xf32> to vector<16xf32>
          %get3A_368 = arith.constant 0 : i32
          %get3A_369 = arith.index_cast %get3A_368 : i32 to index
          %get3A_370 = arith.index_cast %scan3A_350 : i32 to index
          %get3A_371 = arith.constant 0 : index
          %get3A_372 = tpu.vector_load %arg11[%get3A_369, %get3A_370, %get3A_371] {strides = array<i32>} : memref<2x64x128xf32, #tpu.memory_space<vmem>>, vector<1x1x16xf32>,
          %get3A_373 = vector.shape_cast %get3A_372 : vector<1x1x16xf32> to vector<16xf32>
          %add3A_374 = arith.addf %get3A_367, %get3A_373 : vector<16xf32>
          %add3A_375 = arith.addf %add3A_374, %bitcast_convert_type3A : vector<16xf32>
          %get3A_376 = arith.constant 0 : i32
          %get3A_377 = arith.index_cast %get3A_376 : i32 to index
          %get3A_378 = arith.index_cast %scan3A_350 : i32 to index
          %get3A_379 = arith.constant 16 : index
          %get3A_380 = tpu.vector_load %arg10[%get3A_377, %get3A_378, %get3A_379] {strides = array<i32>} : memref<2x64x128xf32, #tpu.memory_space<vmem>>, vector<1x1x16xf32>,
          %get3A_381 = vector.shape_cast %get3A_380 : vector<1x1x16xf32> to vector<16xf32>
          %get3A_382 = arith.constant 0 : i32
          %get3A_383 = arith.index_cast %get3A_382 : i32 to index
          %get3A_384 = arith.index_cast %scan3A_350 : i32 to index
          %get3A_385 = arith.constant 16 : index
          %get3A_386 = tpu.vector_load %arg11[%get3A_383, %get3A_384, %get3A_385] {strides = array<i32>} : memref<2x64x128xf32, #tpu.memory_space<vmem>>, vector<1x1x16xf32>,
          %get3A_387 = vector.shape_cast %get3A_386 : vector<1x1x16xf32> to vector<16xf32>
          %add3A_388 = arith.addf %get3A_381, %get3A_387 : vector<16xf32>
          %add3A_389 = arith.addf %add3A_388, %bitcast_convert_type3A_361 : vector<16xf32>
          %max3A = arith.constant 0.000000e+00 : f32
          %max3A_390 = vector.broadcast %max3A : f32 to vector<16xf32>
          %max3A_391 = arith.maximumf %add3A_375, %max3A_390 : vector<16xf32>
          %swap3A = arith.constant 0 : i32
          %swap3A_392 = arith.index_cast %swap3A : i32 to index
          %swap3A_393 = arith.index_cast %scan3A_350 : i32 to index
          %swap3A_394 = arith.constant 0 : index
          %swap3A_395 = tpu.vector_load %arg10[%swap3A_392, %swap3A_393, %swap3A_394] {strides = array<i32>} : memref<2x64x128xf32, #tpu.memory_space<vmem>>, vector<1x1x16xf32>,
          %swap3A_396 = vector.shape_cast %swap3A_395 : vector<1x1x16xf32> to vector<16xf32>
          %swap3A_397 = vector.shape_cast %max3A_391 : vector<16xf32> to vector<1x1x16xf32>
          tpu.vector_store %arg10[%swap3A_392, %swap3A_393, %swap3A_394], %swap3A_397 {strides = array<i32>} : memref<2x64x128xf32, #tpu.memory_space<vmem>>, vector<1x1x16xf32>,
          %max3A_398 = arith.constant 0.000000e+00 : f32
          %max3A_399 = vector.broadcast %max3A_398 : f32 to vector<16xf32>
          %max3A_400 = arith.maximumf %add3A_389, %max3A_399 : vector<16xf32>
          %swap3A_401 = arith.constant 0 : i32
          %swap3A_402 = arith.index_cast %swap3A_401 : i32 to index
          %swap3A_403 = arith.index_cast %scan3A_350 : i32 to index
          %swap3A_404 = arith.constant 16 : index
          %swap3A_405 = tpu.vector_load %arg10[%swap3A_402, %swap3A_403, %swap3A_404] {strides = array<i32>} : memref<2x64x128xf32, #tpu.memory_space<vmem>>, vector<1x1x16xf32>,
          %swap3A_406 = vector.shape_cast %swap3A_405 : vector<1x1x16xf32> to vector<16xf32>
          %swap3A_407 = vector.shape_cast %max3A_400 : vector<16xf32> to vector<1x1x16xf32>
          tpu.vector_store %arg10[%swap3A_402, %swap3A_403, %swap3A_404], %swap3A_407 {strides = array<i32>} : memref<2x64x128xf32, #tpu.memory_space<vmem>>, vector<1x1x16xf32>,
          %get3A_408 = arith.constant 0 : i32
          %get3A_409 = arith.index_cast %get3A_408 : i32 to index
          %get3A_410 = arith.index_cast %scan3A_350 : i32 to index
          %get3A_411 = arith.constant 16 : index
          %get3A_412 = tpu.vector_load %arg12[%get3A_409, %get3A_410, %get3A_411] {strides = array<i32>} : memref<2x64x64xi32, #tpu.memory_space<vmem>>, vector<1x1x16xi32>,
          %get3A_413 = vector.shape_cast %get3A_412 : vector<1x1x16xi32> to vector<16xi32>
          %shift_left3A_414 = arith.constant 16 : i32
          %shift_left3A_415 = vector.broadcast %shift_left3A_414 : i32 to vector<16xi32>
          %shift_left3A_416 = arith.shli %get3A_413, %shift_left3A_415 : vector<16xi32>
          %bitcast_convert_type3A_417 = tpu.bitcast %shift_left3A_416 : vector<16xi32> -> vector<16xf32>
          %and3A_418 = arith.constant -65536 : i32
          %and3A_419 = vector.broadcast %and3A_418 : i32 to vector<16xi32>
          %and3A_420 = arith.andi %get3A_413, %and3A_419 : vector<16xi32>
          %bitcast_convert_type3A_421 = tpu.bitcast %and3A_420 : vector<16xi32> -> vector<16xf32>
          %get3A_422 = arith.constant 0 : i32
          %get3A_423 = arith.index_cast %get3A_422 : i32 to index
          %get3A_424 = arith.index_cast %scan3A_350 : i32 to index
          %get3A_425 = arith.constant 32 : index
          %get3A_426 = tpu.vector_load %arg10[%get3A_423, %get3A_424, %get3A_425] {strides = array<i32>} : memref<2x64x128xf32, #tpu.memory_space<vmem>>, vector<1x1x16xf32>,
          %get3A_427 = vector.shape_cast %get3A_426 : vector<1x1x16xf32> to vector<16xf32>
          %get3A_428 = arith.constant 0 : i32
          %get3A_429 = arith.index_cast %get3A_428 : i32 to index
          %get3A_430 = arith.index_cast %scan3A_350 : i32 to index
          %get3A_431 = arith.constant 32 : index
          %get3A_432 = tpu.vector_load %arg11[%get3A_429, %get3A_430, %get3A_431] {strides = array<i32>} : memref<2x64x128xf32, #tpu.memory_space<vmem>>, vector<1x1x16xf32>,
          %get3A_433 = vector.shape_cast %get3A_432 : vector<1x1x16xf32> to vector<16xf32>
          %add3A_434 = arith.addf %get3A_427, %get3A_433 : vector<16xf32>
          %add3A_435 = arith.addf %add3A_434, %bitcast_convert_type3A_417 : vector<16xf32>
          %get3A_436 = arith.constant 0 : i32
          %get3A_437 = arith.index_cast %get3A_436 : i32 to index
          %get3A_438 = arith.index_cast %scan3A_350 : i32 to index
          %get3A_439 = arith.constant 48 : index
          %get3A_440 = tpu.vector_load %arg10[%get3A_437, %get3A_438, %get3A_439] {strides = array<i32>} : memref<2x64x128xf32, #tpu.memory_space<vmem>>, vector<1x1x16xf32>,
          %get3A_441 = vector.shape_cast %get3A_440 : vector<1x1x16xf32> to vector<16xf32>
          %get3A_442 = arith.constant 0 : i32
          %get3A_443 = arith.index_cast %get3A_442 : i32 to index
          %get3A_444 = arith.index_cast %scan3A_350 : i32 to index
          %get3A_445 = arith.constant 48 : index
          %get3A_446 = tpu.vector_load %arg11[%get3A_443, %get3A_444, %get3A_445] {strides = array<i32>} : memref<2x64x128xf32, #tpu.memory_space<vmem>>, vector<1x1x16xf32>,
          %get3A_447 = vector.shape_cast %get3A_446 : vector<1x1x16xf32> to vector<16xf32>
          %add3A_448 = arith.addf %get3A_441, %get3A_447 : vector<16xf32>
          %add3A_449 = arith.addf %add3A_448, %bitcast_convert_type3A_421 : vector<16xf32>
          %max3A_450 = arith.constant 0.000000e+00 : f32
          %max3A_451 = vector.broadcast %max3A_450 : f32 to vector<16xf32>
          %max3A_452 = arith.maximumf %add3A_435, %max3A_451 : vector<16xf32>
          %swap3A_453 = arith.constant 0 : i32
          %swap3A_454 = arith.index_cast %swap3A_453 : i32 to index
          %swap3A_455 = arith.index_cast %scan3A_350 : i32 to index
          %swap3A_456 = arith.constant 32 : index
          %swap3A_457 = tpu.vector_load %arg10[%swap3A_454, %swap3A_455, %swap3A_456] {strides = array<i32>} : memref<2x64x128xf32, #tpu.memory_space<vmem>>, vector<1x1x16xf32>,
          %swap3A_458 = vector.shape_cast %swap3A_457 : vector<1x1x16xf32> to vector<16xf32>
          %swap3A_459 = vector.shape_cast %max3A_452 : vector<16xf32> to vector<1x1x16xf32>
          tpu.vector_store %arg10[%swap3A_454, %swap3A_455, %swap3A_456], %swap3A_459 {strides = array<i32>} : memref<2x64x128xf32, #tpu.memory_space<vmem>>, vector<1x1x16xf32>,
          %max3A_460 = arith.constant 0.000000e+00 : f32
          %max3A_461 = vector.broadcast %max3A_460 : f32 to vector<16xf32>
          %max3A_462 = arith.maximumf %add3A_449, %max3A_461 : vector<16xf32>
          %swap3A_463 = arith.constant 0 : i32
          %swap3A_464 = arith.index_cast %swap3A_463 : i32 to index
          %swap3A_465 = arith.index_cast %scan3A_350 : i32 to index
          %swap3A_466 = arith.constant 48 : index
          %swap3A_467 = tpu.vector_load %arg10[%swap3A_464, %swap3A_465, %swap3A_466] {strides = array<i32>} : memref<2x64x128xf32, #tpu.memory_space<vmem>>, vector<1x1x16xf32>,
          %swap3A_468 = vector.shape_cast %swap3A_467 : vector<1x1x16xf32> to vector<16xf32>
          %swap3A_469 = vector.shape_cast %max3A_462 : vector<16xf32> to vector<1x1x16xf32>
          tpu.vector_store %arg10[%swap3A_464, %swap3A_465, %swap3A_466], %swap3A_469 {strides = array<i32>} : memref<2x64x128xf32, #tpu.memory_space<vmem>>, vector<1x1x16xf32>,
          %get3A_470 = arith.constant 0 : i32
          %get3A_471 = arith.index_cast %get3A_470 : i32 to index
          %get3A_472 = arith.index_cast %scan3A_350 : i32 to index
          %get3A_473 = arith.constant 32 : index
          %get3A_474 = tpu.vector_load %arg12[%get3A_471, %get3A_472, %get3A_473] {strides = array<i32>} : memref<2x64x64xi32, #tpu.memory_space<vmem>>, vector<1x1x16xi32>,
          %get3A_475 = vector.shape_cast %get3A_474 : vector<1x1x16xi32> to vector<16xi32>
          %shift_left3A_476 = arith.constant 16 : i32
          %shift_left3A_477 = vector.broadcast %shift_left3A_476 : i32 to vector<16xi32>
          %shift_left3A_478 = arith.shli %get3A_475, %shift_left3A_477 : vector<16xi32>
          %bitcast_convert_type3A_479 = tpu.bitcast %shift_left3A_478 : vector<16xi32> -> vector<16xf32>
          %and3A_480 = arith.constant -65536 : i32
          %and3A_481 = vector.broadcast %and3A_480 : i32 to vector<16xi32>
          %and3A_482 = arith.andi %get3A_475, %and3A_481 : vector<16xi32>
          %bitcast_convert_type3A_483 = tpu.bitcast %and3A_482 : vector<16xi32> -> vector<16xf32>
          %get3A_484 = arith.constant 0 : i32
          %get3A_485 = arith.index_cast %get3A_484 : i32 to index
          %get3A_486 = arith.index_cast %scan3A_350 : i32 to index
          %get3A_487 = arith.constant 64 : index
          %get3A_488 = tpu.vector_load %arg10[%get3A_485, %get3A_486, %get3A_487] {strides = array<i32>} : memref<2x64x128xf32, #tpu.memory_space<vmem>>, vector<1x1x16xf32>,
          %get3A_489 = vector.shape_cast %get3A_488 : vector<1x1x16xf32> to vector<16xf32>
          %get3A_490 = arith.constant 0 : i32
          %get3A_491 = arith.index_cast %get3A_490 : i32 to index
          %get3A_492 = arith.index_cast %scan3A_350 : i32 to index
          %get3A_493 = arith.constant 64 : index
          %get3A_494 = tpu.vector_load %arg11[%get3A_491, %get3A_492, %get3A_493] {strides = array<i32>} : memref<2x64x128xf32, #tpu.memory_space<vmem>>, vector<1x1x16xf32>,
          %get3A_495 = vector.shape_cast %get3A_494 : vector<1x1x16xf32> to vector<16xf32>
          %add3A_496 = arith.addf %get3A_489, %get3A_495 : vector<16xf32>
          %add3A_497 = arith.addf %add3A_496, %bitcast_convert_type3A_479 : vector<16xf32>
          %get3A_498 = arith.constant 0 : i32
          %get3A_499 = arith.index_cast %get3A_498 : i32 to index
          %get3A_500 = arith.index_cast %scan3A_350 : i32 to index
          %get3A_501 = arith.constant 80 : index
          %get3A_502 = tpu.vector_load %arg10[%get3A_499, %get3A_500, %get3A_501] {strides = array<i32>} : memref<2x64x128xf32, #tpu.memory_space<vmem>>, vector<1x1x16xf32>,
          %get3A_503 = vector.shape_cast %get3A_502 : vector<1x1x16xf32> to vector<16xf32>
          %get3A_504 = arith.constant 0 : i32
          %get3A_505 = arith.index_cast %get3A_504 : i32 to index
          %get3A_506 = arith.index_cast %scan3A_350 : i32 to index
          %get3A_507 = arith.constant 80 : index
          %get3A_508 = tpu.vector_load %arg11[%get3A_505, %get3A_506, %get3A_507] {strides = array<i32>} : memref<2x64x128xf32, #tpu.memory_space<vmem>>, vector<1x1x16xf32>,
          %get3A_509 = vector.shape_cast %get3A_508 : vector<1x1x16xf32> to vector<16xf32>
          %add3A_510 = arith.addf %get3A_503, %get3A_509 : vector<16xf32>
          %add3A_511 = arith.addf %add3A_510, %bitcast_convert_type3A_483 : vector<16xf32>
          %max3A_512 = arith.constant 0.000000e+00 : f32
          %max3A_513 = vector.broadcast %max3A_512 : f32 to vector<16xf32>
          %max3A_514 = arith.maximumf %add3A_497, %max3A_513 : vector<16xf32>
          %swap3A_515 = arith.constant 0 : i32
          %swap3A_516 = arith.index_cast %swap3A_515 : i32 to index
          %swap3A_517 = arith.index_cast %scan3A_350 : i32 to index
          %swap3A_518 = arith.constant 64 : index
          %swap3A_519 = tpu.vector_load %arg10[%swap3A_516, %swap3A_517, %swap3A_518] {strides = array<i32>} : memref<2x64x128xf32, #tpu.memory_space<vmem>>, vector<1x1x16xf32>,
          %swap3A_520 = vector.shape_cast %swap3A_519 : vector<1x1x16xf32> to vector<16xf32>
          %swap3A_521 = vector.shape_cast %max3A_514 : vector<16xf32> to vector<1x1x16xf32>
          tpu.vector_store %arg10[%swap3A_516, %swap3A_517, %swap3A_518], %swap3A_521 {strides = array<i32>} : memref<2x64x128xf32, #tpu.memory_space<vmem>>, vector<1x1x16xf32>,
          %max3A_522 = arith.constant 0.000000e+00 : f32
          %max3A_523 = vector.broadcast %max3A_522 : f32 to vector<16xf32>
          %max3A_524 = arith.maximumf %add3A_511, %max3A_523 : vector<16xf32>
          %swap3A_525 = arith.constant 0 : i32
          %swap3A_526 = arith.index_cast %swap3A_525 : i32 to index
          %swap3A_527 = arith.index_cast %scan3A_350 : i32 to index
          %swap3A_528 = arith.constant 80 : index
          %swap3A_529 = tpu.vector_load %arg10[%swap3A_526, %swap3A_527, %swap3A_528] {strides = array<i32>} : memref<2x64x128xf32, #tpu.memory_space<vmem>>, vector<1x1x16xf32>,
          %swap3A_530 = vector.shape_cast %swap3A_529 : vector<1x1x16xf32> to vector<16xf32>
          %swap3A_531 = vector.shape_cast %max3A_524 : vector<16xf32> to vector<1x1x16xf32>
          tpu.vector_store %arg10[%swap3A_526, %swap3A_527, %swap3A_528], %swap3A_531 {strides = array<i32>} : memref<2x64x128xf32, #tpu.memory_space<vmem>>, vector<1x1x16xf32>,
          %get3A_532 = arith.constant 0 : i32
          %get3A_533 = arith.index_cast %get3A_532 : i32 to index
          %get3A_534 = arith.index_cast %scan3A_350 : i32 to index
          %get3A_535 = arith.constant 48 : index
          %get3A_536 = tpu.vector_load %arg12[%get3A_533, %get3A_534, %get3A_535] {strides = array<i32>} : memref<2x64x64xi32, #tpu.memory_space<vmem>>, vector<1x1x16xi32>,
          %get3A_537 = vector.shape_cast %get3A_536 : vector<1x1x16xi32> to vector<16xi32>
          %shift_left3A_538 = arith.constant 16 : i32
          %shift_left3A_539 = vector.broadcast %shift_left3A_538 : i32 to vector<16xi32>
          %shift_left3A_540 = arith.shli %get3A_537, %shift_left3A_539 : vector<16xi32>
          %bitcast_convert_type3A_541 = tpu.bitcast %shift_left3A_540 : vector<16xi32> -> vector<16xf32>
          %and3A_542 = arith.constant -65536 : i32
          %and3A_543 = vector.broadcast %and3A_542 : i32 to vector<16xi32>
          %and3A_544 = arith.andi %get3A_537, %and3A_543 : vector<16xi32>
          %bitcast_convert_type3A_545 = tpu.bitcast %and3A_544 : vector<16xi32> -> vector<16xf32>
          %get3A_546 = arith.constant 0 : i32
          %get3A_547 = arith.index_cast %get3A_546 : i32 to index
          %get3A_548 = arith.index_cast %scan3A_350 : i32 to index
          %get3A_549 = arith.constant 96 : index
          %get3A_550 = tpu.vector_load %arg10[%get3A_547, %get3A_548, %get3A_549] {strides = array<i32>} : memref<2x64x128xf32, #tpu.memory_space<vmem>>, vector<1x1x16xf32>,
          %get3A_551 = vector.shape_cast %get3A_550 : vector<1x1x16xf32> to vector<16xf32>
          %get3A_552 = arith.constant 0 : i32
          %get3A_553 = arith.index_cast %get3A_552 : i32 to index
          %get3A_554 = arith.index_cast %scan3A_350 : i32 to index
          %get3A_555 = arith.constant 96 : index
          %get3A_556 = tpu.vector_load %arg11[%get3A_553, %get3A_554, %get3A_555] {strides = array<i32>} : memref<2x64x128xf32, #tpu.memory_space<vmem>>, vector<1x1x16xf32>,
          %get3A_557 = vector.shape_cast %get3A_556 : vector<1x1x16xf32> to vector<16xf32>
          %add3A_558 = arith.addf %get3A_551, %get3A_557 : vector<16xf32>
          %add3A_559 = arith.addf %add3A_558, %bitcast_convert_type3A_541 : vector<16xf32>
          %get3A_560 = arith.constant 0 : i32
          %get3A_561 = arith.index_cast %get3A_560 : i32 to index
          %get3A_562 = arith.index_cast %scan3A_350 : i32 to index
          %get3A_563 = arith.constant 112 : index
          %get3A_564 = tpu.vector_load %arg10[%get3A_561, %get3A_562, %get3A_563] {strides = array<i32>} : memref<2x64x128xf32, #tpu.memory_space<vmem>>, vector<1x1x16xf32>,
          %get3A_565 = vector.shape_cast %get3A_564 : vector<1x1x16xf32> to vector<16xf32>
          %get3A_566 = arith.constant 0 : i32
          %get3A_567 = arith.index_cast %get3A_566 : i32 to index
          %get3A_568 = arith.index_cast %scan3A_350 : i32 to index
          %get3A_569 = arith.constant 112 : index
          %get3A_570 = tpu.vector_load %arg11[%get3A_567, %get3A_568, %get3A_569] {strides = array<i32>} : memref<2x64x128xf32, #tpu.memory_space<vmem>>, vector<1x1x16xf32>,
          %get3A_571 = vector.shape_cast %get3A_570 : vector<1x1x16xf32> to vector<16xf32>
          %add3A_572 = arith.addf %get3A_565, %get3A_571 : vector<16xf32>
          %add3A_573 = arith.addf %add3A_572, %bitcast_convert_type3A_545 : vector<16xf32>
          %max3A_574 = arith.constant 0.000000e+00 : f32
          %max3A_575 = vector.broadcast %max3A_574 : f32 to vector<16xf32>
          %max3A_576 = arith.maximumf %add3A_559, %max3A_575 : vector<16xf32>
          %swap3A_577 = arith.constant 0 : i32
          %swap3A_578 = arith.index_cast %swap3A_577 : i32 to index
          %swap3A_579 = arith.index_cast %scan3A_350 : i32 to index
          %swap3A_580 = arith.constant 96 : index
          %swap3A_581 = tpu.vector_load %arg10[%swap3A_578, %swap3A_579, %swap3A_580] {strides = array<i32>} : memref<2x64x128xf32, #tpu.memory_space<vmem>>, vector<1x1x16xf32>,
          %swap3A_582 = vector.shape_cast %swap3A_581 : vector<1x1x16xf32> to vector<16xf32>
          %swap3A_583 = vector.shape_cast %max3A_576 : vector<16xf32> to vector<1x1x16xf32>
          tpu.vector_store %arg10[%swap3A_578, %swap3A_579, %swap3A_580], %swap3A_583 {strides = array<i32>} : memref<2x64x128xf32, #tpu.memory_space<vmem>>, vector<1x1x16xf32>,
          %max3A_584 = arith.constant 0.000000e+00 : f32
          %max3A_585 = vector.broadcast %max3A_584 : f32 to vector<16xf32>
          %max3A_586 = arith.maximumf %add3A_573, %max3A_585 : vector<16xf32>
          %swap3A_587 = arith.constant 0 : i32
          %swap3A_588 = arith.index_cast %swap3A_587 : i32 to index
          %swap3A_589 = arith.index_cast %scan3A_350 : i32 to index
          %swap3A_590 = arith.constant 112 : index
          %swap3A_591 = tpu.vector_load %arg10[%swap3A_588, %swap3A_589, %swap3A_590] {strides = array<i32>} : memref<2x64x128xf32, #tpu.memory_space<vmem>>, vector<1x1x16xf32>,
          %swap3A_592 = vector.shape_cast %swap3A_591 : vector<1x1x16xf32> to vector<16xf32>
          %swap3A_593 = vector.shape_cast %max3A_586 : vector<16xf32> to vector<1x1x16xf32>
          tpu.vector_store %arg10[%swap3A_588, %swap3A_589, %swap3A_590], %swap3A_593 {strides = array<i32>} : memref<2x64x128xf32, #tpu.memory_space<vmem>>, vector<1x1x16xf32>,
          %scan3A_594 = arith.constant 0 : i32
          scf.yield %scan3A_594 : i32
        }
        %scan3A_337 = arith.constant 64 : i32
        %dma_start3A_338 = arith.constant 0 : i32
        %dma_start3A_339 = arith.constant 0 : i32
        %dma_start3A_340 = arith.constant 0 : i32
        %dma_start3A_341 = arith.constant 0 : i32
        %dma_start3A_342 = tpu.memref_slice %arg10[%dma_start3A_338, %dma_start3A_340, %dma_start3A_341] : memref<2x64x128xf32, #tpu.memory_space<vmem>> -> memref<1x64x128xf32, #tpu.memory_space<vmem>>
        %dma_start3A_343 = tpu.memref_squeeze %dma_start3A_342 : memref<1x64x128xf32, #tpu.memory_space<vmem>> -> memref<64x128xf32, #tpu.memory_space<vmem>>
        %dma_start3A_344 = arith.constant 0 : i32
        %dma_start3A_345 = tpu.memref_slice %arg9[%dma_start3A_339, %dma_start3A_344] : memref<3x64xi32, #tpu.memory_space<vmem>> -> memref<1x64xi32, #tpu.memory_space<vmem>>
        %dma_start3A_346 = tpu.memref_squeeze %dma_start3A_345 : memref<1x64xi32, #tpu.memory_space<vmem>> -> memref<64xi32, #tpu.memory_space<vmem>>
        %dma_start3A_347 = arith.constant 0 : i32
        %dma_start3A_348 = arith.constant 0 : i32
        %dma_start3A_349 = tpu.memref_slice %arg13[%dma_start3A_347, %dma_start3A_348] : memref<10112x128xf32, #tpu.memory_space<vmem_shared>> -> memref<10112x128xf32, #tpu.memory_space<vmem_shared>>
        tpu.enqueue_indirect_dma source(%dma_start3A_343 : memref<64x128xf32, #tpu.memory_space<vmem>>) target(%dma_start3A_349 : memref<10112x128xf32, #tpu.memory_space<vmem_shared>>) offsets(%dma_start3A_346 : memref<64xi32, #tpu.memory_space<vmem>>) semaphore(%arg16 : memref<!tpu.dma_semaphore, #tpu.memory_space<semaphore_mem>>) {add = true}
      } else {
      }
      %mul3A_233 = arith.constant 6 : i32
      %mul3A_234 = arith.muli %scan3A_223, %mul3A_233 : i32
      %add3A_235 = arith.constant 1 : i32
      %add3A_236 = arith.addi %mul3A_234, %add3A_235 : i32
      %lt3A_237 = arith.cmpi slt, %add3A_236, %add3A_58 : i32
      %convert_element_type3A_238 = arith.extui %lt3A_237 : i1 to i32
      %cond3A_239 = arith.constant 0 : i32
      %cond3A_240 = arith.cmpi ne, %convert_element_type3A_238, %cond3A_239 : i32
      scf.if %cond3A_240 {
        %add3A_274 = arith.constant 1 : i32
        %add3A_275 = arith.addi %add3A_236, %add3A_274 : i32
        %lt3A_276 = arith.cmpi slt, %add3A_275, %add3A_58 : i32
        %convert_element_type3A_277 = arith.extui %lt3A_276 : i1 to i32
        %cond3A_278 = arith.constant 0 : i32
        %cond3A_279 = arith.cmpi ne, %convert_element_type3A_277, %cond3A_278 : i32
        scf.if %cond3A_279 {
          %dma_wait3A_350 = arith.constant 2 : i32
          %dma_wait3A_351 = arith.constant 0 : i32
          %dma_wait3A_352 = tpu.memref_slice %arg8[%dma_wait3A_350, %dma_wait3A_351] : memref<3x64xi32, #tpu.memory_space<vmem>> -> memref<1x64xi32, #tpu.memory_space<vmem>>
          %dma_wait3A_353 = tpu.memref_squeeze %dma_wait3A_352 : memref<1x64xi32, #tpu.memory_space<vmem>> -> memref<64xi32, #tpu.memory_space<vmem>>
          %dma_wait3A_354 = arith.constant 0 : i32
          %dma_wait3A_355 = tpu.memref_slice %arg5[%dma_wait3A_354] : memref<320000xi32, #tpu.memory_space<hbm>> -> memref<64xi32, #tpu.memory_space<hbm>>
          %dma_wait3A_356 = arith.constant 0 : i32
          %dma_wait3A_357 = tpu.memref_slice %arg8[%dma_wait3A_350, %dma_wait3A_356] : memref<3x64xi32, #tpu.memory_space<vmem>> -> memref<1x64xi32, #tpu.memory_space<vmem>>
          %dma_wait3A_358 = tpu.memref_squeeze %dma_wait3A_357 : memref<1x64xi32, #tpu.memory_space<vmem>> -> memref<64xi32, #tpu.memory_space<vmem>>
          %dma_wait3A_359 = arith.constant 0 : i32
          %dma_wait3A_360 = tpu.memref_slice %arg5[%dma_wait3A_359] : memref<320000xi32, #tpu.memory_space<hbm>> -> memref<64xi32, #tpu.memory_space<hbm>>
          tpu.wait_dma2 semaphore(%arg20 : memref<!tpu.dma_semaphore, #tpu.memory_space<semaphore_mem>>) src(%dma_wait3A_360 : memref<64xi32, #tpu.memory_space<hbm>>) dst(%dma_wait3A_358 : memref<64xi32, #tpu.memory_space<vmem>>)
          %dma_wait3A_361 = arith.constant 2 : i32
          %dma_wait3A_362 = arith.constant 0 : i32
          %dma_wait3A_363 = tpu.memref_slice %arg9[%dma_wait3A_361, %dma_wait3A_362] : memref<3x64xi32, #tpu.memory_space<vmem>> -> memref<1x64xi32, #tpu.memory_space<vmem>>
          %dma_wait3A_364 = tpu.memref_squeeze %dma_wait3A_363 : memref<1x64xi32, #tpu.memory_space<vmem>> -> memref<64xi32, #tpu.memory_space<vmem>>
          %dma_wait3A_365 = arith.constant 0 : i32
          %dma_wait3A_366 = tpu.memref_slice %arg6[%dma_wait3A_365] : memref<320000xi32, #tpu.memory_space<hbm>> -> memref<64xi32, #tpu.memory_space<hbm>>
          %dma_wait3A_367 = arith.constant 0 : i32
          %dma_wait3A_368 = tpu.memref_slice %arg9[%dma_wait3A_361, %dma_wait3A_367] : memref<3x64xi32, #tpu.memory_space<vmem>> -> memref<1x64xi32, #tpu.memory_space<vmem>>
          %dma_wait3A_369 = tpu.memref_squeeze %dma_wait3A_368 : memref<1x64xi32, #tpu.memory_space<vmem>> -> memref<64xi32, #tpu.memory_space<vmem>>
          %dma_wait3A_370 = arith.constant 0 : i32
          %dma_wait3A_371 = tpu.memref_slice %arg6[%dma_wait3A_370] : memref<320000xi32, #tpu.memory_space<hbm>> -> memref<64xi32, #tpu.memory_space<hbm>>
          tpu.wait_dma2 semaphore(%arg20 : memref<!tpu.dma_semaphore, #tpu.memory_space<semaphore_mem>>) src(%dma_wait3A_371 : memref<64xi32, #tpu.memory_space<hbm>>) dst(%dma_wait3A_369 : memref<64xi32, #tpu.memory_space<vmem>>)
          %ge3A = arith.constant 1 : i32
          %ge3A_372 = arith.cmpi sge, %add3A_236, %ge3A : i32
          %convert_element_type3A_373 = arith.extui %ge3A_372 : i1 to i32
          %cond3A_374 = arith.constant 0 : i32
          %cond3A_375 = arith.cmpi ne, %convert_element_type3A_373, %cond3A_374 : i32
          scf.if %cond3A_375 {
            %dma_wait3A_421 = arith.constant 0 : i32
            %dma_wait3A_422 = arith.constant 0 : i32
            %dma_wait3A_423 = arith.constant 0 : i32
            %dma_wait3A_424 = tpu.memref_slice %arg10[%dma_wait3A_421, %dma_wait3A_422, %dma_wait3A_423] : memref<2x64x128xf32, #tpu.memory_space<vmem>> -> memref<1x64x128xf32, #tpu.memory_space<vmem>>
            %dma_wait3A_425 = tpu.memref_squeeze %dma_wait3A_424 : memref<1x64x128xf32, #tpu.memory_space<vmem>> -> memref<64x128xf32, #tpu.memory_space<vmem>>
            %dma_wait3A_426 = arith.constant 0 : i32
            %dma_wait3A_427 = arith.constant 0 : i32
            %dma_wait3A_428 = tpu.memref_slice %arg2[%dma_wait3A_426, %dma_wait3A_427] : memref<10000x128xf32, #tpu.memory_space<hbm>> -> memref<64x128xf32, #tpu.memory_space<hbm>>
            %dma_wait3A_429 = arith.constant 0 : i32
            %dma_wait3A_430 = arith.constant 0 : i32
            %dma_wait3A_431 = tpu.memref_slice %arg10[%dma_wait3A_421, %dma_wait3A_429, %dma_wait3A_430] : memref<2x64x128xf32, #tpu.memory_space<vmem>> -> memref<1x64x128xf32, #tpu.memory_space<vmem>>
            %dma_wait3A_432 = tpu.memref_squeeze %dma_wait3A_431 : memref<1x64x128xf32, #tpu.memory_space<vmem>> -> memref<64x128xf32, #tpu.memory_space<vmem>>
            %dma_wait3A_433 = arith.constant 0 : i32
            %dma_wait3A_434 = arith.constant 0 : i32
            %dma_wait3A_435 = tpu.memref_slice %arg2[%dma_wait3A_433, %dma_wait3A_434] : memref<10000x128xf32, #tpu.memory_space<hbm>> -> memref<64x128xf32, #tpu.memory_space<hbm>>
            tpu.wait_dma2 semaphore(%arg16 : memref<!tpu.dma_semaphore, #tpu.memory_space<semaphore_mem>>) src(%dma_wait3A_435 : memref<64x128xf32, #tpu.memory_space<hbm>>) dst(%dma_wait3A_432 : memref<64x128xf32, #tpu.memory_space<vmem>>)
          } else {
          }
          %add3A_376 = arith.constant 1 : i32
          %add3A_377 = arith.addi %add3A_236, %add3A_376 : i32
          %mul3A_378 = arith.constant 16 : i32
          %mul3A_379 = arith.muli %mul3A_378, %add3A_377 : i32
          %add3A_380 = arith.addi %arg1, %mul3A_379 : i32
          %mul3A_381 = arith.constant 64 : i32
          %mul3A_382 = arith.muli %add3A_380, %mul3A_381 : i32
          %add3A_383 = arith.addi %mul3A_0, %mul3A_382 : i32
          %dma_start3A_384 = arith.constant 2 : i32
          %dma_start3A_385 = arith.constant 0 : i32
          %dma_start3A_386 = arith.constant 0 : i32
          %dma_start3A_387 = arith.constant 0 : i32
          %dma_start3A_388 = tpu.memref_slice %arg10[%dma_start3A_385, %dma_start3A_386, %dma_start3A_387] : memref<2x64x128xf32, #tpu.memory_space<vmem>> -> memref<1x64x128xf32, #tpu.memory_space<vmem>>
          %dma_start3A_389 = tpu.memref_squeeze %dma_start3A_388 : memref<1x64x128xf32, #tpu.memory_space<vmem>> -> memref<64x128xf32, #tpu.memory_space<vmem>>
          %dma_start3A_390 = arith.constant 0 : i32
          %dma_start3A_391 = tpu.memref_slice %arg8[%dma_start3A_384, %dma_start3A_390] : memref<3x64xi32, #tpu.memory_space<vmem>> -> memref<1x64xi32, #tpu.memory_space<vmem>>
          %dma_start3A_392 = tpu.memref_squeeze %dma_start3A_391 : memref<1x64xi32, #tpu.memory_space<vmem>> -> memref<64xi32, #tpu.memory_space<vmem>>
          %dma_start3A_393 = arith.constant 0 : i32
          %dma_start3A_394 = arith.constant 0 : i32
          %dma_start3A_395 = tpu.memref_slice %arg2[%dma_start3A_393, %dma_start3A_394] : memref<10000x128xf32, #tpu.memory_space<hbm>> -> memref<10000x128xf32, #tpu.memory_space<hbm>>
          tpu.enqueue_indirect_dma source(%dma_start3A_395 : memref<10000x128xf32, #tpu.memory_space<hbm>>) target(%dma_start3A_389 : memref<64x128xf32, #tpu.memory_space<vmem>>) offsets(%dma_start3A_392 : memref<64xi32, #tpu.memory_space<vmem>>) semaphore(%arg14 : memref<!tpu.dma_semaphore, #tpu.memory_space<semaphore_mem>>)
          %dma_start3A_396 = arith.constant 2 : i32
          %dma_start3A_397 = arith.constant 0 : i32
          %dma_start3A_398 = arith.constant 0 : i32
          %dma_start3A_399 = arith.constant 0 : i32
          %dma_start3A_400 = tpu.memref_slice %arg11[%dma_start3A_397, %dma_start3A_398, %dma_start3A_399] : memref<2x64x128xf32, #tpu.memory_space<vmem>> -> memref<1x64x128xf32, #tpu.memory_space<vmem>>
          %dma_start3A_401 = tpu.memref_squeeze %dma_start3A_400 : memref<1x64x128xf32, #tpu.memory_space<vmem>> -> memref<64x128xf32, #tpu.memory_space<vmem>>
          %dma_start3A_402 = arith.constant 0 : i32
          %dma_start3A_403 = tpu.memref_slice %arg9[%dma_start3A_396, %dma_start3A_402] : memref<3x64xi32, #tpu.memory_space<vmem>> -> memref<1x64xi32, #tpu.memory_space<vmem>>
          %dma_start3A_404 = tpu.memref_squeeze %dma_start3A_403 : memref<1x64xi32, #tpu.memory_space<vmem>> -> memref<64xi32, #tpu.memory_space<vmem>>
          %dma_start3A_405 = arith.constant 0 : i32
          %dma_start3A_406 = arith.constant 0 : i32
          %dma_start3A_407 = tpu.memref_slice %arg3[%dma_start3A_405, %dma_start3A_406] : memref<10000x128xf32, #tpu.memory_space<hbm>> -> memref<10000x128xf32, #tpu.memory_space<hbm>>
          tpu.enqueue_indirect_dma source(%dma_start3A_407 : memref<10000x128xf32, #tpu.memory_space<hbm>>) target(%dma_start3A_401 : memref<64x128xf32, #tpu.memory_space<vmem>>) offsets(%dma_start3A_404 : memref<64xi32, #tpu.memory_space<vmem>>) semaphore(%arg14 : memref<!tpu.dma_semaphore, #tpu.memory_space<semaphore_mem>>)
          %dma_start3A_408 = arith.constant 0 : i32
          %dma_start3A_409 = arith.constant 0 : i32
          %dma_start3A_410 = arith.constant 0 : i32
          %dma_start3A_411 = tpu.memref_slice %arg12[%dma_start3A_408, %dma_start3A_409, %dma_start3A_410] : memref<2x64x64xi32, #tpu.memory_space<vmem>> -> memref<1x64x64xi32, #tpu.memory_space<vmem>>
          %dma_start3A_412 = tpu.memref_squeeze %dma_start3A_411 : memref<1x64x64xi32, #tpu.memory_space<vmem>> -> memref<64x64xi32, #tpu.memory_space<vmem>>
          %dma_start3A_413 = arith.constant 0 : i32
          %dma_start3A_414 = tpu.memref_slice %arg4[%add3A_383, %dma_start3A_413] : memref<320000x64xi32, #tpu.memory_space<hbm>> -> memref<64x64xi32, #tpu.memory_space<hbm>>
          %dma_start3A_415 = arith.constant 0 : i32
          %dma_start3A_416 = arith.constant 0 : i32
          %dma_start3A_417 = tpu.memref_slice %arg12[%dma_start3A_408, %dma_start3A_415, %dma_start3A_416] : memref<2x64x64xi32, #tpu.memory_space<vmem>> -> memref<1x64x64xi32, #tpu.memory_space<vmem>>
          %dma_start3A_418 = tpu.memref_squeeze %dma_start3A_417 : memref<1x64x64xi32, #tpu.memory_space<vmem>> -> memref<64x64xi32, #tpu.memory_space<vmem>>
          %dma_start3A_419 = arith.constant 0 : i32
          %dma_start3A_420 = tpu.memref_slice %arg4[%add3A_383, %dma_start3A_419] : memref<320000x64xi32, #tpu.memory_space<hbm>> -> memref<64x64xi32, #tpu.memory_space<hbm>>
          tpu.enqueue_dma source(%dma_start3A_420 : memref<64x64xi32, #tpu.memory_space<hbm>>) target(%dma_start3A_418 : memref<64x64xi32, #tpu.memory_space<vmem>>) target_semaphore(%arg14 : memref<!tpu.dma_semaphore, #tpu.memory_space<semaphore_mem>>)
        } else {
        }
        %add3A_280 = arith.constant 2 : i32
        %add3A_281 = arith.addi %add3A_236, %add3A_280 : i32
        %lt3A_282 = arith.cmpi slt, %add3A_281, %add3A_58 : i32
        %convert_element_type3A_283 = arith.extui %lt3A_282 : i1 to i32
        %cond3A_284 = arith.constant 0 : i32
        %cond3A_285 = arith.cmpi ne, %convert_element_type3A_283, %cond3A_284 : i32
        scf.if %cond3A_285 {
          %add3A_350 = arith.constant 2 : i32
          %add3A_351 = arith.addi %add3A_236, %add3A_350 : i32
          %mul3A_352 = arith.constant 16 : i32
          %mul3A_353 = arith.muli %mul3A_352, %add3A_351 : i32
          %add3A_354 = arith.addi %arg1, %mul3A_353 : i32
          %mul3A_355 = arith.constant 64 : i32
          %mul3A_356 = arith.muli %add3A_354, %mul3A_355 : i32
          %add3A_357 = arith.addi %mul3A_0, %mul3A_356 : i32
          %dma_start3A_358 = arith.constant 0 : i32
          %dma_start3A_359 = arith.constant 0 : i32
          %dma_start3A_360 = tpu.memref_slice %arg8[%dma_start3A_358, %dma_start3A_359] : memref<3x64xi32, #tpu.memory_space<vmem>> -> memref<1x64xi32, #tpu.memory_space<vmem>>
          %dma_start3A_361 = tpu.memref_squeeze %dma_start3A_360 : memref<1x64xi32, #tpu.memory_space<vmem>> -> memref<64xi32, #tpu.memory_space<vmem>>
          %dma_start3A_362 = tpu.memref_slice %arg5[%add3A_357] : memref<320000xi32, #tpu.memory_space<hbm>> -> memref<64xi32, #tpu.memory_space<hbm>>
          %dma_start3A_363 = arith.constant 0 : i32
          %dma_start3A_364 = tpu.memref_slice %arg8[%dma_start3A_358, %dma_start3A_363] : memref<3x64xi32, #tpu.memory_space<vmem>> -> memref<1x64xi32, #tpu.memory_space<vmem>>
          %dma_start3A_365 = tpu.memref_squeeze %dma_start3A_364 : memref<1x64xi32, #tpu.memory_space<vmem>> -> memref<64xi32, #tpu.memory_space<vmem>>
          %dma_start3A_366 = tpu.memref_slice %arg5[%add3A_357] : memref<320000xi32, #tpu.memory_space<hbm>> -> memref<64xi32, #tpu.memory_space<hbm>>
          tpu.enqueue_dma source(%dma_start3A_366 : memref<64xi32, #tpu.memory_space<hbm>>) target(%dma_start3A_365 : memref<64xi32, #tpu.memory_space<vmem>>) target_semaphore(%arg18 : memref<!tpu.dma_semaphore, #tpu.memory_space<semaphore_mem>>)
          %dma_start3A_367 = arith.constant 0 : i32
          %dma_start3A_368 = arith.constant 0 : i32
          %dma_start3A_369 = tpu.memref_slice %arg9[%dma_start3A_367, %dma_start3A_368] : memref<3x64xi32, #tpu.memory_space<vmem>> -> memref<1x64xi32, #tpu.memory_space<vmem>>
          %dma_start3A_370 = tpu.memref_squeeze %dma_start3A_369 : memref<1x64xi32, #tpu.memory_space<vmem>> -> memref<64xi32, #tpu.memory_space<vmem>>
          %dma_start3A_371 = tpu.memref_slice %arg6[%add3A_357] : memref<320000xi32, #tpu.memory_space<hbm>> -> memref<64xi32, #tpu.memory_space<hbm>>
          %dma_start3A_372 = arith.constant 0 : i32
          %dma_start3A_373 = tpu.memref_slice %arg9[%dma_start3A_367, %dma_start3A_372] : memref<3x64xi32, #tpu.memory_space<vmem>> -> memref<1x64xi32, #tpu.memory_space<vmem>>
          %dma_start3A_374 = tpu.memref_squeeze %dma_start3A_373 : memref<1x64xi32, #tpu.memory_space<vmem>> -> memref<64xi32, #tpu.memory_space<vmem>>
          %dma_start3A_375 = tpu.memref_slice %arg6[%add3A_357] : memref<320000xi32, #tpu.memory_space<hbm>> -> memref<64xi32, #tpu.memory_space<hbm>>
          tpu.enqueue_dma source(%dma_start3A_375 : memref<64xi32, #tpu.memory_space<hbm>>) target(%dma_start3A_374 : memref<64xi32, #tpu.memory_space<vmem>>) target_semaphore(%arg18 : memref<!tpu.dma_semaphore, #tpu.memory_space<semaphore_mem>>)
        } else {
        }
        %dma_wait3A_286 = arith.constant 1 : i32
        %dma_wait3A_287 = arith.constant 0 : i32
        %dma_wait3A_288 = arith.constant 0 : i32
        %dma_wait3A_289 = tpu.memref_slice %arg10[%dma_wait3A_286, %dma_wait3A_287, %dma_wait3A_288] : memref<2x64x128xf32, #tpu.memory_space<vmem>> -> memref<1x64x128xf32, #tpu.memory_space<vmem>>
        %dma_wait3A_290 = tpu.memref_squeeze %dma_wait3A_289 : memref<1x64x128xf32, #tpu.memory_space<vmem>> -> memref<64x128xf32, #tpu.memory_space<vmem>>
        %dma_wait3A_291 = arith.constant 0 : i32
        %dma_wait3A_292 = arith.constant 0 : i32
        %dma_wait3A_293 = tpu.memref_slice %arg2[%dma_wait3A_291, %dma_wait3A_292] : memref<10000x128xf32, #tpu.memory_space<hbm>> -> memref<64x128xf32, #tpu.memory_space<hbm>>
        %dma_wait3A_294 = arith.constant 0 : i32
        %dma_wait3A_295 = arith.constant 0 : i32
        %dma_wait3A_296 = tpu.memref_slice %arg10[%dma_wait3A_286, %dma_wait3A_294, %dma_wait3A_295] : memref<2x64x128xf32, #tpu.memory_space<vmem>> -> memref<1x64x128xf32, #tpu.memory_space<vmem>>
        %dma_wait3A_297 = tpu.memref_squeeze %dma_wait3A_296 : memref<1x64x128xf32, #tpu.memory_space<vmem>> -> memref<64x128xf32, #tpu.memory_space<vmem>>
        %dma_wait3A_298 = arith.constant 0 : i32
        %dma_wait3A_299 = arith.constant 0 : i32
        %dma_wait3A_300 = tpu.memref_slice %arg2[%dma_wait3A_298, %dma_wait3A_299] : memref<10000x128xf32, #tpu.memory_space<hbm>> -> memref<64x128xf32, #tpu.memory_space<hbm>>
        tpu.wait_dma2 semaphore(%arg15 : memref<!tpu.dma_semaphore, #tpu.memory_space<semaphore_mem>>) src(%dma_wait3A_300 : memref<64x128xf32, #tpu.memory_space<hbm>>) dst(%dma_wait3A_297 : memref<64x128xf32, #tpu.memory_space<vmem>>)
        %dma_wait3A_301 = arith.constant 1 : i32
        %dma_wait3A_302 = arith.constant 0 : i32
        %dma_wait3A_303 = arith.constant 0 : i32
        %dma_wait3A_304 = tpu.memref_slice %arg11[%dma_wait3A_301, %dma_wait3A_302, %dma_wait3A_303] : memref<2x64x128xf32, #tpu.memory_space<vmem>> -> memref<1x64x128xf32, #tpu.memory_space<vmem>>
        %dma_wait3A_305 = tpu.memref_squeeze %dma_wait3A_304 : memref<1x64x128xf32, #tpu.memory_space<vmem>> -> memref<64x128xf32, #tpu.memory_space<vmem>>
        %dma_wait3A_306 = arith.constant 0 : i32
        %dma_wait3A_307 = arith.constant 0 : i32
        %dma_wait3A_308 = tpu.memref_slice %arg2[%dma_wait3A_306, %dma_wait3A_307] : memref<10000x128xf32, #tpu.memory_space<hbm>> -> memref<64x128xf32, #tpu.memory_space<hbm>>
        %dma_wait3A_309 = arith.constant 0 : i32
        %dma_wait3A_310 = arith.constant 0 : i32
        %dma_wait3A_311 = tpu.memref_slice %arg11[%dma_wait3A_301, %dma_wait3A_309, %dma_wait3A_310] : memref<2x64x128xf32, #tpu.memory_space<vmem>> -> memref<1x64x128xf32, #tpu.memory_space<vmem>>
        %dma_wait3A_312 = tpu.memref_squeeze %dma_wait3A_311 : memref<1x64x128xf32, #tpu.memory_space<vmem>> -> memref<64x128xf32, #tpu.memory_space<vmem>>
        %dma_wait3A_313 = arith.constant 0 : i32
        %dma_wait3A_314 = arith.constant 0 : i32
        %dma_wait3A_315 = tpu.memref_slice %arg2[%dma_wait3A_313, %dma_wait3A_314] : memref<10000x128xf32, #tpu.memory_space<hbm>> -> memref<64x128xf32, #tpu.memory_space<hbm>>
        tpu.wait_dma2 semaphore(%arg15 : memref<!tpu.dma_semaphore, #tpu.memory_space<semaphore_mem>>) src(%dma_wait3A_315 : memref<64x128xf32, #tpu.memory_space<hbm>>) dst(%dma_wait3A_312 : memref<64x128xf32, #tpu.memory_space<vmem>>)
        %dma_wait3A_316 = arith.constant 1 : i32
        %dma_wait3A_317 = arith.constant 0 : i32
        %dma_wait3A_318 = arith.constant 0 : i32
        %dma_wait3A_319 = tpu.memref_slice %arg12[%dma_wait3A_316, %dma_wait3A_317, %dma_wait3A_318] : memref<2x64x64xi32, #tpu.memory_space<vmem>> -> memref<1x64x64xi32, #tpu.memory_space<vmem>>
        %dma_wait3A_320 = tpu.memref_squeeze %dma_wait3A_319 : memref<1x64x64xi32, #tpu.memory_space<vmem>> -> memref<64x64xi32, #tpu.memory_space<vmem>>
        %dma_wait3A_321 = arith.constant 0 : i32
        %dma_wait3A_322 = arith.constant 0 : i32
        %dma_wait3A_323 = tpu.memref_slice %arg4[%dma_wait3A_321, %dma_wait3A_322] : memref<320000x64xi32, #tpu.memory_space<hbm>> -> memref<64x64xi32, #tpu.memory_space<hbm>>
        %dma_wait3A_324 = arith.constant 0 : i32
        %dma_wait3A_325 = arith.constant 0 : i32
        %dma_wait3A_326 = tpu.memref_slice %arg12[%dma_wait3A_316, %dma_wait3A_324, %dma_wait3A_325] : memref<2x64x64xi32, #tpu.memory_space<vmem>> -> memref<1x64x64xi32, #tpu.memory_space<vmem>>
        %dma_wait3A_327 = tpu.memref_squeeze %dma_wait3A_326 : memref<1x64x64xi32, #tpu.memory_space<vmem>> -> memref<64x64xi32, #tpu.memory_space<vmem>>
        %dma_wait3A_328 = arith.constant 0 : i32
        %dma_wait3A_329 = arith.constant 0 : i32
        %dma_wait3A_330 = tpu.memref_slice %arg4[%dma_wait3A_328, %dma_wait3A_329] : memref<320000x64xi32, #tpu.memory_space<hbm>> -> memref<64x64xi32, #tpu.memory_space<hbm>>
        tpu.wait_dma2 semaphore(%arg15 : memref<!tpu.dma_semaphore, #tpu.memory_space<semaphore_mem>>) src(%dma_wait3A_330 : memref<64x64xi32, #tpu.memory_space<hbm>>) dst(%dma_wait3A_327 : memref<64x64xi32, #tpu.memory_space<vmem>>)
        %scan3A_331 = arith.constant 0 : i32
        %scan3A_332 = arith.constant 0 : i32
        %scan3A_333 = arith.constant 64 : i32
        %scan3A_334 = arith.addi %scan3A_332, %scan3A_333 : i32
        %scan3A_335 = arith.constant 1 : i32
        %scan3A_336 = scf.for %scan3A_350 = %scan3A_332 to %scan3A_334 step %scan3A_335 iter_args(%scan3A_351 = %scan3A_331) -> (i32)  : i32 {
          %get3A = arith.constant 1 : i32
          %get3A_352 = arith.index_cast %get3A : i32 to index
          %get3A_353 = arith.index_cast %scan3A_350 : i32 to index
          %get3A_354 = arith.constant 0 : index
          %get3A_355 = tpu.vector_load %arg12[%get3A_352, %get3A_353, %get3A_354] {strides = array<i32>} : memref<2x64x64xi32, #tpu.memory_space<vmem>>, vector<1x1x16xi32>,
          %get3A_356 = vector.shape_cast %get3A_355 : vector<1x1x16xi32> to vector<16xi32>
          %shift_left3A = arith.constant 16 : i32
          %shift_left3A_357 = vector.broadcast %shift_left3A : i32 to vector<16xi32>
          %shift_left3A_358 = arith.shli %get3A_356, %shift_left3A_357 : vector<16xi32>
          %bitcast_convert_type3A = tpu.bitcast %shift_left3A_358 : vector<16xi32> -> vector<16xf32>
          %and3A = arith.constant -65536 : i32
          %and3A_359 = vector.broadcast %and3A : i32 to vector<16xi32>
          %and3A_360 = arith.andi %get3A_356, %and3A_359 : vector<16xi32>
          %bitcast_convert_type3A_361 = tpu.bitcast %and3A_360 : vector<16xi32> -> vector<16xf32>
          %get3A_362 = arith.constant 1 : i32
          %get3A_363 = arith.index_cast %get3A_362 : i32 to index
          %get3A_364 = arith.index_cast %scan3A_350 : i32 to index
          %get3A_365 = arith.constant 0 : index
          %get3A_366 = tpu.vector_load %arg10[%get3A_363, %get3A_364, %get3A_365] {strides = array<i32>} : memref<2x64x128xf32, #tpu.memory_space<vmem>>, vector<1x1x16xf32>,
          %get3A_367 = vector.shape_cast %get3A_366 : vector<1x1x16xf32> to vector<16xf32>
          %get3A_368 = arith.constant 1 : i32
          %get3A_369 = arith.index_cast %get3A_368 : i32 to index
          %get3A_370 = arith.index_cast %scan3A_350 : i32 to index
          %get3A_371 = arith.constant 0 : index
          %get3A_372 = tpu.vector_load %arg11[%get3A_369, %get3A_370, %get3A_371] {strides = array<i32>} : memref<2x64x128xf32, #tpu.memory_space<vmem>>, vector<1x1x16xf32>,
          %get3A_373 = vector.shape_cast %get3A_372 : vector<1x1x16xf32> to vector<16xf32>
          %add3A_374 = arith.addf %get3A_367, %get3A_373 : vector<16xf32>
          %add3A_375 = arith.addf %add3A_374, %bitcast_convert_type3A : vector<16xf32>
          %get3A_376 = arith.constant 1 : i32
          %get3A_377 = arith.index_cast %get3A_376 : i32 to index
          %get3A_378 = arith.index_cast %scan3A_350 : i32 to index
          %get3A_379 = arith.constant 16 : index
          %get3A_380 = tpu.vector_load %arg10[%get3A_377, %get3A_378, %get3A_379] {strides = array<i32>} : memref<2x64x128xf32, #tpu.memory_space<vmem>>, vector<1x1x16xf32>,
          %get3A_381 = vector.shape_cast %get3A_380 : vector<1x1x16xf32> to vector<16xf32>
          %get3A_382 = arith.constant 1 : i32
          %get3A_383 = arith.index_cast %get3A_382 : i32 to index
          %get3A_384 = arith.index_cast %scan3A_350 : i32 to index
          %get3A_385 = arith.constant 16 : index
          %get3A_386 = tpu.vector_load %arg11[%get3A_383, %get3A_384, %get3A_385] {strides = array<i32>} : memref<2x64x128xf32, #tpu.memory_space<vmem>>, vector<1x1x16xf32>,
          %get3A_387 = vector.shape_cast %get3A_386 : vector<1x1x16xf32> to vector<16xf32>
          %add3A_388 = arith.addf %get3A_381, %get3A_387 : vector<16xf32>
          %add3A_389 = arith.addf %add3A_388, %bitcast_convert_type3A_361 : vector<16xf32>
          %max3A = arith.constant 0.000000e+00 : f32
          %max3A_390 = vector.broadcast %max3A : f32 to vector<16xf32>
          %max3A_391 = arith.maximumf %add3A_375, %max3A_390 : vector<16xf32>
          %swap3A = arith.constant 1 : i32
          %swap3A_392 = arith.index_cast %swap3A : i32 to index
          %swap3A_393 = arith.index_cast %scan3A_350 : i32 to index
          %swap3A_394 = arith.constant 0 : index
          %swap3A_395 = tpu.vector_load %arg10[%swap3A_392, %swap3A_393, %swap3A_394] {strides = array<i32>} : memref<2x64x128xf32, #tpu.memory_space<vmem>>, vector<1x1x16xf32>,
          %swap3A_396 = vector.shape_cast %swap3A_395 : vector<1x1x16xf32> to vector<16xf32>
          %swap3A_397 = vector.shape_cast %max3A_391 : vector<16xf32> to vector<1x1x16xf32>
          tpu.vector_store %arg10[%swap3A_392, %swap3A_393, %swap3A_394], %swap3A_397 {strides = array<i32>} : memref<2x64x128xf32, #tpu.memory_space<vmem>>, vector<1x1x16xf32>,
          %max3A_398 = arith.constant 0.000000e+00 : f32
          %max3A_399 = vector.broadcast %max3A_398 : f32 to vector<16xf32>
          %max3A_400 = arith.maximumf %add3A_389, %max3A_399 : vector<16xf32>
          %swap3A_401 = arith.constant 1 : i32
          %swap3A_402 = arith.index_cast %swap3A_401 : i32 to index
          %swap3A_403 = arith.index_cast %scan3A_350 : i32 to index
          %swap3A_404 = arith.constant 16 : index
          %swap3A_405 = tpu.vector_load %arg10[%swap3A_402, %swap3A_403, %swap3A_404] {strides = array<i32>} : memref<2x64x128xf32, #tpu.memory_space<vmem>>, vector<1x1x16xf32>,
          %swap3A_406 = vector.shape_cast %swap3A_405 : vector<1x1x16xf32> to vector<16xf32>
          %swap3A_407 = vector.shape_cast %max3A_400 : vector<16xf32> to vector<1x1x16xf32>
          tpu.vector_store %arg10[%swap3A_402, %swap3A_403, %swap3A_404], %swap3A_407 {strides = array<i32>} : memref<2x64x128xf32, #tpu.memory_space<vmem>>, vector<1x1x16xf32>,
          %get3A_408 = arith.constant 1 : i32
          %get3A_409 = arith.index_cast %get3A_408 : i32 to index
          %get3A_410 = arith.index_cast %scan3A_350 : i32 to index
          %get3A_411 = arith.constant 16 : index
          %get3A_412 = tpu.vector_load %arg12[%get3A_409, %get3A_410, %get3A_411] {strides = array<i32>} : memref<2x64x64xi32, #tpu.memory_space<vmem>>, vector<1x1x16xi32>,
          %get3A_413 = vector.shape_cast %get3A_412 : vector<1x1x16xi32> to vector<16xi32>
          %shift_left3A_414 = arith.constant 16 : i32
          %shift_left3A_415 = vector.broadcast %shift_left3A_414 : i32 to vector<16xi32>
          %shift_left3A_416 = arith.shli %get3A_413, %shift_left3A_415 : vector<16xi32>
          %bitcast_convert_type3A_417 = tpu.bitcast %shift_left3A_416 : vector<16xi32> -> vector<16xf32>
          %and3A_418 = arith.constant -65536 : i32
          %and3A_419 = vector.broadcast %and3A_418 : i32 to vector<16xi32>
          %and3A_420 = arith.andi %get3A_413, %and3A_419 : vector<16xi32>
          %bitcast_convert_type3A_421 = tpu.bitcast %and3A_420 : vector<16xi32> -> vector<16xf32>
          %get3A_422 = arith.constant 1 : i32
          %get3A_423 = arith.index_cast %get3A_422 : i32 to index
          %get3A_424 = arith.index_cast %scan3A_350 : i32 to index
          %get3A_425 = arith.constant 32 : index
          %get3A_426 = tpu.vector_load %arg10[%get3A_423, %get3A_424, %get3A_425] {strides = array<i32>} : memref<2x64x128xf32, #tpu.memory_space<vmem>>, vector<1x1x16xf32>,
          %get3A_427 = vector.shape_cast %get3A_426 : vector<1x1x16xf32> to vector<16xf32>
          %get3A_428 = arith.constant 1 : i32
          %get3A_429 = arith.index_cast %get3A_428 : i32 to index
          %get3A_430 = arith.index_cast %scan3A_350 : i32 to index
          %get3A_431 = arith.constant 32 : index
          %get3A_432 = tpu.vector_load %arg11[%get3A_429, %get3A_430, %get3A_431] {strides = array<i32>} : memref<2x64x128xf32, #tpu.memory_space<vmem>>, vector<1x1x16xf32>,
          %get3A_433 = vector.shape_cast %get3A_432 : vector<1x1x16xf32> to vector<16xf32>
          %add3A_434 = arith.addf %get3A_427, %get3A_433 : vector<16xf32>
          %add3A_435 = arith.addf %add3A_434, %bitcast_convert_type3A_417 : vector<16xf32>
          %get3A_436 = arith.constant 1 : i32
          %get3A_437 = arith.index_cast %get3A_436 : i32 to index
          %get3A_438 = arith.index_cast %scan3A_350 : i32 to index
          %get3A_439 = arith.constant 48 : index
          %get3A_440 = tpu.vector_load %arg10[%get3A_437, %get3A_438, %get3A_439] {strides = array<i32>} : memref<2x64x128xf32, #tpu.memory_space<vmem>>, vector<1x1x16xf32>,
          %get3A_441 = vector.shape_cast %get3A_440 : vector<1x1x16xf32> to vector<16xf32>
          %get3A_442 = arith.constant 1 : i32
          %get3A_443 = arith.index_cast %get3A_442 : i32 to index
          %get3A_444 = arith.index_cast %scan3A_350 : i32 to index
          %get3A_445 = arith.constant 48 : index
          %get3A_446 = tpu.vector_load %arg11[%get3A_443, %get3A_444, %get3A_445] {strides = array<i32>} : memref<2x64x128xf32, #tpu.memory_space<vmem>>, vector<1x1x16xf32>,
          %get3A_447 = vector.shape_cast %get3A_446 : vector<1x1x16xf32> to vector<16xf32>
          %add3A_448 = arith.addf %get3A_441, %get3A_447 : vector<16xf32>
          %add3A_449 = arith.addf %add3A_448, %bitcast_convert_type3A_421 : vector<16xf32>
          %max3A_450 = arith.constant 0.000000e+00 : f32
          %max3A_451 = vector.broadcast %max3A_450 : f32 to vector<16xf32>
          %max3A_452 = arith.maximumf %add3A_435, %max3A_451 : vector<16xf32>
          %swap3A_453 = arith.constant 1 : i32
          %swap3A_454 = arith.index_cast %swap3A_453 : i32 to index
          %swap3A_455 = arith.index_cast %scan3A_350 : i32 to index
          %swap3A_456 = arith.constant 32 : index
          %swap3A_457 = tpu.vector_load %arg10[%swap3A_454, %swap3A_455, %swap3A_456] {strides = array<i32>} : memref<2x64x128xf32, #tpu.memory_space<vmem>>, vector<1x1x16xf32>,
          %swap3A_458 = vector.shape_cast %swap3A_457 : vector<1x1x16xf32> to vector<16xf32>
          %swap3A_459 = vector.shape_cast %max3A_452 : vector<16xf32> to vector<1x1x16xf32>
          tpu.vector_store %arg10[%swap3A_454, %swap3A_455, %swap3A_456], %swap3A_459 {strides = array<i32>} : memref<2x64x128xf32, #tpu.memory_space<vmem>>, vector<1x1x16xf32>,
          %max3A_460 = arith.constant 0.000000e+00 : f32
          %max3A_461 = vector.broadcast %max3A_460 : f32 to vector<16xf32>
          %max3A_462 = arith.maximumf %add3A_449, %max3A_461 : vector<16xf32>
          %swap3A_463 = arith.constant 1 : i32
          %swap3A_464 = arith.index_cast %swap3A_463 : i32 to index
          %swap3A_465 = arith.index_cast %scan3A_350 : i32 to index
          %swap3A_466 = arith.constant 48 : index
          %swap3A_467 = tpu.vector_load %arg10[%swap3A_464, %swap3A_465, %swap3A_466] {strides = array<i32>} : memref<2x64x128xf32, #tpu.memory_space<vmem>>, vector<1x1x16xf32>,
          %swap3A_468 = vector.shape_cast %swap3A_467 : vector<1x1x16xf32> to vector<16xf32>
          %swap3A_469 = vector.shape_cast %max3A_462 : vector<16xf32> to vector<1x1x16xf32>
          tpu.vector_store %arg10[%swap3A_464, %swap3A_465, %swap3A_466], %swap3A_469 {strides = array<i32>} : memref<2x64x128xf32, #tpu.memory_space<vmem>>, vector<1x1x16xf32>,
          %get3A_470 = arith.constant 1 : i32
          %get3A_471 = arith.index_cast %get3A_470 : i32 to index
          %get3A_472 = arith.index_cast %scan3A_350 : i32 to index
          %get3A_473 = arith.constant 32 : index
          %get3A_474 = tpu.vector_load %arg12[%get3A_471, %get3A_472, %get3A_473] {strides = array<i32>} : memref<2x64x64xi32, #tpu.memory_space<vmem>>, vector<1x1x16xi32>,
          %get3A_475 = vector.shape_cast %get3A_474 : vector<1x1x16xi32> to vector<16xi32>
          %shift_left3A_476 = arith.constant 16 : i32
          %shift_left3A_477 = vector.broadcast %shift_left3A_476 : i32 to vector<16xi32>
          %shift_left3A_478 = arith.shli %get3A_475, %shift_left3A_477 : vector<16xi32>
          %bitcast_convert_type3A_479 = tpu.bitcast %shift_left3A_478 : vector<16xi32> -> vector<16xf32>
          %and3A_480 = arith.constant -65536 : i32
          %and3A_481 = vector.broadcast %and3A_480 : i32 to vector<16xi32>
          %and3A_482 = arith.andi %get3A_475, %and3A_481 : vector<16xi32>
          %bitcast_convert_type3A_483 = tpu.bitcast %and3A_482 : vector<16xi32> -> vector<16xf32>
          %get3A_484 = arith.constant 1 : i32
          %get3A_485 = arith.index_cast %get3A_484 : i32 to index
          %get3A_486 = arith.index_cast %scan3A_350 : i32 to index
          %get3A_487 = arith.constant 64 : index
          %get3A_488 = tpu.vector_load %arg10[%get3A_485, %get3A_486, %get3A_487] {strides = array<i32>} : memref<2x64x128xf32, #tpu.memory_space<vmem>>, vector<1x1x16xf32>,
          %get3A_489 = vector.shape_cast %get3A_488 : vector<1x1x16xf32> to vector<16xf32>
          %get3A_490 = arith.constant 1 : i32
          %get3A_491 = arith.index_cast %get3A_490 : i32 to index
          %get3A_492 = arith.index_cast %scan3A_350 : i32 to index
          %get3A_493 = arith.constant 64 : index
          %get3A_494 = tpu.vector_load %arg11[%get3A_491, %get3A_492, %get3A_493] {strides = array<i32>} : memref<2x64x128xf32, #tpu.memory_space<vmem>>, vector<1x1x16xf32>,
          %get3A_495 = vector.shape_cast %get3A_494 : vector<1x1x16xf32> to vector<16xf32>
          %add3A_496 = arith.addf %get3A_489, %get3A_495 : vector<16xf32>
          %add3A_497 = arith.addf %add3A_496, %bitcast_convert_type3A_479 : vector<16xf32>
          %get3A_498 = arith.constant 1 : i32
          %get3A_499 = arith.index_cast %get3A_498 : i32 to index
          %get3A_500 = arith.index_cast %scan3A_350 : i32 to index
          %get3A_501 = arith.constant 80 : index
          %get3A_502 = tpu.vector_load %arg10[%get3A_499, %get3A_500, %get3A_501] {strides = array<i32>} : memref<2x64x128xf32, #tpu.memory_space<vmem>>, vector<1x1x16xf32>,
          %get3A_503 = vector.shape_cast %get3A_502 : vector<1x1x16xf32> to vector<16xf32>
          %get3A_504 = arith.constant 1 : i32
          %get3A_505 = arith.index_cast %get3A_504 : i32 to index
          %get3A_506 = arith.index_cast %scan3A_350 : i32 to index
          %get3A_507 = arith.constant 80 : index
          %get3A_508 = tpu.vector_load %arg11[%get3A_505, %get3A_506, %get3A_507] {strides = array<i32>} : memref<2x64x128xf32, #tpu.memory_space<vmem>>, vector<1x1x16xf32>,
          %get3A_509 = vector.shape_cast %get3A_508 : vector<1x1x16xf32> to vector<16xf32>
          %add3A_510 = arith.addf %get3A_503, %get3A_509 : vector<16xf32>
          %add3A_511 = arith.addf %add3A_510, %bitcast_convert_type3A_483 : vector<16xf32>
          %max3A_512 = arith.constant 0.000000e+00 : f32
          %max3A_513 = vector.broadcast %max3A_512 : f32 to vector<16xf32>
          %max3A_514 = arith.maximumf %add3A_497, %max3A_513 : vector<16xf32>
          %swap3A_515 = arith.constant 1 : i32
          %swap3A_516 = arith.index_cast %swap3A_515 : i32 to index
          %swap3A_517 = arith.index_cast %scan3A_350 : i32 to index
          %swap3A_518 = arith.constant 64 : index
          %swap3A_519 = tpu.vector_load %arg10[%swap3A_516, %swap3A_517, %swap3A_518] {strides = array<i32>} : memref<2x64x128xf32, #tpu.memory_space<vmem>>, vector<1x1x16xf32>,
          %swap3A_520 = vector.shape_cast %swap3A_519 : vector<1x1x16xf32> to vector<16xf32>
          %swap3A_521 = vector.shape_cast %max3A_514 : vector<16xf32> to vector<1x1x16xf32>
          tpu.vector_store %arg10[%swap3A_516, %swap3A_517, %swap3A_518], %swap3A_521 {strides = array<i32>} : memref<2x64x128xf32, #tpu.memory_space<vmem>>, vector<1x1x16xf32>,
          %max3A_522 = arith.constant 0.000000e+00 : f32
          %max3A_523 = vector.broadcast %max3A_522 : f32 to vector<16xf32>
          %max3A_524 = arith.maximumf %add3A_511, %max3A_523 : vector<16xf32>
          %swap3A_525 = arith.constant 1 : i32
          %swap3A_526 = arith.index_cast %swap3A_525 : i32 to index
          %swap3A_527 = arith.index_cast %scan3A_350 : i32 to index
          %swap3A_528 = arith.constant 80 : index
          %swap3A_529 = tpu.vector_load %arg10[%swap3A_526, %swap3A_527, %swap3A_528] {strides = array<i32>} : memref<2x64x128xf32, #tpu.memory_space<vmem>>, vector<1x1x16xf32>,
          %swap3A_530 = vector.shape_cast %swap3A_529 : vector<1x1x16xf32> to vector<16xf32>
          %swap3A_531 = vector.shape_cast %max3A_524 : vector<16xf32> to vector<1x1x16xf32>
          tpu.vector_store %arg10[%swap3A_526, %swap3A_527, %swap3A_528], %swap3A_531 {strides = array<i32>} : memref<2x64x128xf32, #tpu.memory_space<vmem>>, vector<1x1x16xf32>,
          %get3A_532 = arith.constant 1 : i32
          %get3A_533 = arith.index_cast %get3A_532 : i32 to index
          %get3A_534 = arith.index_cast %scan3A_350 : i32 to index
          %get3A_535 = arith.constant 48 : index
          %get3A_536 = tpu.vector_load %arg12[%get3A_533, %get3A_534, %get3A_535] {strides = array<i32>} : memref<2x64x64xi32, #tpu.memory_space<vmem>>, vector<1x1x16xi32>,
          %get3A_537 = vector.shape_cast %get3A_536 : vector<1x1x16xi32> to vector<16xi32>
          %shift_left3A_538 = arith.constant 16 : i32
          %shift_left3A_539 = vector.broadcast %shift_left3A_538 : i32 to vector<16xi32>
          %shift_left3A_540 = arith.shli %get3A_537, %shift_left3A_539 : vector<16xi32>
          %bitcast_convert_type3A_541 = tpu.bitcast %shift_left3A_540 : vector<16xi32> -> vector<16xf32>
          %and3A_542 = arith.constant -65536 : i32
          %and3A_543 = vector.broadcast %and3A_542 : i32 to vector<16xi32>
          %and3A_544 = arith.andi %get3A_537, %and3A_543 : vector<16xi32>
          %bitcast_convert_type3A_545 = tpu.bitcast %and3A_544 : vector<16xi32> -> vector<16xf32>
          %get3A_546 = arith.constant 1 : i32
          %get3A_547 = arith.index_cast %get3A_546 : i32 to index
          %get3A_548 = arith.index_cast %scan3A_350 : i32 to index
          %get3A_549 = arith.constant 96 : index
          %get3A_550 = tpu.vector_load %arg10[%get3A_547, %get3A_548, %get3A_549] {strides = array<i32>} : memref<2x64x128xf32, #tpu.memory_space<vmem>>, vector<1x1x16xf32>,
          %get3A_551 = vector.shape_cast %get3A_550 : vector<1x1x16xf32> to vector<16xf32>
          %get3A_552 = arith.constant 1 : i32
          %get3A_553 = arith.index_cast %get3A_552 : i32 to index
          %get3A_554 = arith.index_cast %scan3A_350 : i32 to index
          %get3A_555 = arith.constant 96 : index
          %get3A_556 = tpu.vector_load %arg11[%get3A_553, %get3A_554, %get3A_555] {strides = array<i32>} : memref<2x64x128xf32, #tpu.memory_space<vmem>>, vector<1x1x16xf32>,
          %get3A_557 = vector.shape_cast %get3A_556 : vector<1x1x16xf32> to vector<16xf32>
          %add3A_558 = arith.addf %get3A_551, %get3A_557 : vector<16xf32>
          %add3A_559 = arith.addf %add3A_558, %bitcast_convert_type3A_541 : vector<16xf32>
          %get3A_560 = arith.constant 1 : i32
          %get3A_561 = arith.index_cast %get3A_560 : i32 to index
          %get3A_562 = arith.index_cast %scan3A_350 : i32 to index
          %get3A_563 = arith.constant 112 : index
          %get3A_564 = tpu.vector_load %arg10[%get3A_561, %get3A_562, %get3A_563] {strides = array<i32>} : memref<2x64x128xf32, #tpu.memory_space<vmem>>, vector<1x1x16xf32>,
          %get3A_565 = vector.shape_cast %get3A_564 : vector<1x1x16xf32> to vector<16xf32>
          %get3A_566 = arith.constant 1 : i32
          %get3A_567 = arith.index_cast %get3A_566 : i32 to index
          %get3A_568 = arith.index_cast %scan3A_350 : i32 to index
          %get3A_569 = arith.constant 112 : index
          %get3A_570 = tpu.vector_load %arg11[%get3A_567, %get3A_568, %get3A_569] {strides = array<i32>} : memref<2x64x128xf32, #tpu.memory_space<vmem>>, vector<1x1x16xf32>,
          %get3A_571 = vector.shape_cast %get3A_570 : vector<1x1x16xf32> to vector<16xf32>
          %add3A_572 = arith.addf %get3A_565, %get3A_571 : vector<16xf32>
          %add3A_573 = arith.addf %add3A_572, %bitcast_convert_type3A_545 : vector<16xf32>
          %max3A_574 = arith.constant 0.000000e+00 : f32
          %max3A_575 = vector.broadcast %max3A_574 : f32 to vector<16xf32>
          %max3A_576 = arith.maximumf %add3A_559, %max3A_575 : vector<16xf32>
          %swap3A_577 = arith.constant 1 : i32
          %swap3A_578 = arith.index_cast %swap3A_577 : i32 to index
          %swap3A_579 = arith.index_cast %scan3A_350 : i32 to index
          %swap3A_580 = arith.constant 96 : index
          %swap3A_581 = tpu.vector_load %arg10[%swap3A_578, %swap3A_579, %swap3A_580] {strides = array<i32>} : memref<2x64x128xf32, #tpu.memory_space<vmem>>, vector<1x1x16xf32>,
          %swap3A_582 = vector.shape_cast %swap3A_581 : vector<1x1x16xf32> to vector<16xf32>
          %swap3A_583 = vector.shape_cast %max3A_576 : vector<16xf32> to vector<1x1x16xf32>
          tpu.vector_store %arg10[%swap3A_578, %swap3A_579, %swap3A_580], %swap3A_583 {strides = array<i32>} : memref<2x64x128xf32, #tpu.memory_space<vmem>>, vector<1x1x16xf32>,
          %max3A_584 = arith.constant 0.000000e+00 : f32
          %max3A_585 = vector.broadcast %max3A_584 : f32 to vector<16xf32>
          %max3A_586 = arith.maximumf %add3A_573, %max3A_585 : vector<16xf32>
          %swap3A_587 = arith.constant 1 : i32
          %swap3A_588 = arith.index_cast %swap3A_587 : i32 to index
          %swap3A_589 = arith.index_cast %scan3A_350 : i32 to index
          %swap3A_590 = arith.constant 112 : index
          %swap3A_591 = tpu.vector_load %arg10[%swap3A_588, %swap3A_589, %swap3A_590] {strides = array<i32>} : memref<2x64x128xf32, #tpu.memory_space<vmem>>, vector<1x1x16xf32>,
          %swap3A_592 = vector.shape_cast %swap3A_591 : vector<1x1x16xf32> to vector<16xf32>
          %swap3A_593 = vector.shape_cast %max3A_586 : vector<16xf32> to vector<1x1x16xf32>
          tpu.vector_store %arg10[%swap3A_588, %swap3A_589, %swap3A_590], %swap3A_593 {strides = array<i32>} : memref<2x64x128xf32, #tpu.memory_space<vmem>>, vector<1x1x16xf32>,
          %scan3A_594 = arith.constant 0 : i32
          scf.yield %scan3A_594 : i32
        }
        %scan3A_337 = arith.constant 64 : i32
        %dma_start3A_338 = arith.constant 1 : i32
        %dma_start3A_339 = arith.constant 1 : i32
        %dma_start3A_340 = arith.constant 0 : i32
        %dma_start3A_341 = arith.constant 0 : i32
        %dma_start3A_342 = tpu.memref_slice %arg10[%dma_start3A_338, %dma_start3A_340, %dma_start3A_341] : memref<2x64x128xf32, #tpu.memory_space<vmem>> -> memref<1x64x128xf32, #tpu.memory_space<vmem>>
        %dma_start3A_343 = tpu.memref_squeeze %dma_start3A_342 : memref<1x64x128xf32, #tpu.memory_space<vmem>> -> memref<64x128xf32, #tpu.memory_space<vmem>>
        %dma_start3A_344 = arith.constant 0 : i32
        %dma_start3A_345 = tpu.memref_slice %arg9[%dma_start3A_339, %dma_start3A_344] : memref<3x64xi32, #tpu.memory_space<vmem>> -> memref<1x64xi32, #tpu.memory_space<vmem>>
        %dma_start3A_346 = tpu.memref_squeeze %dma_start3A_345 : memref<1x64xi32, #tpu.memory_space<vmem>> -> memref<64xi32, #tpu.memory_space<vmem>>
        %dma_start3A_347 = arith.constant 0 : i32
        %dma_start3A_348 = arith.constant 0 : i32
        %dma_start3A_349 = tpu.memref_slice %arg13[%dma_start3A_347, %dma_start3A_348] : memref<10112x128xf32, #tpu.memory_space<vmem_shared>> -> memref<10112x128xf32, #tpu.memory_space<vmem_shared>>
        tpu.enqueue_indirect_dma source(%dma_start3A_343 : memref<64x128xf32, #tpu.memory_space<vmem>>) target(%dma_start3A_349 : memref<10112x128xf32, #tpu.memory_space<vmem_shared>>) offsets(%dma_start3A_346 : memref<64xi32, #tpu.memory_space<vmem>>) semaphore(%arg17 : memref<!tpu.dma_semaphore, #tpu.memory_space<semaphore_mem>>) {add = true}
      } else {
      }
      %mul3A_241 = arith.constant 6 : i32
      %mul3A_242 = arith.muli %scan3A_223, %mul3A_241 : i32
      %add3A_243 = arith.constant 2 : i32
      %add3A_244 = arith.addi %mul3A_242, %add3A_243 : i32
      %lt3A_245 = arith.cmpi slt, %add3A_244, %add3A_58 : i32
      %convert_element_type3A_246 = arith.extui %lt3A_245 : i1 to i32
      %cond3A_247 = arith.constant 0 : i32
      %cond3A_248 = arith.cmpi ne, %convert_element_type3A_246, %cond3A_247 : i32
      scf.if %cond3A_248 {
        %add3A_274 = arith.constant 1 : i32
        %add3A_275 = arith.addi %add3A_244, %add3A_274 : i32
        %lt3A_276 = arith.cmpi slt, %add3A_275, %add3A_58 : i32
        %convert_element_type3A_277 = arith.extui %lt3A_276 : i1 to i32
        %cond3A_278 = arith.constant 0 : i32
        %cond3A_279 = arith.cmpi ne, %convert_element_type3A_277, %cond3A_278 : i32
        scf.if %cond3A_279 {
          %dma_wait3A_350 = arith.constant 0 : i32
          %dma_wait3A_351 = arith.constant 0 : i32
          %dma_wait3A_352 = tpu.memref_slice %arg8[%dma_wait3A_350, %dma_wait3A_351] : memref<3x64xi32, #tpu.memory_space<vmem>> -> memref<1x64xi32, #tpu.memory_space<vmem>>
          %dma_wait3A_353 = tpu.memref_squeeze %dma_wait3A_352 : memref<1x64xi32, #tpu.memory_space<vmem>> -> memref<64xi32, #tpu.memory_space<vmem>>
          %dma_wait3A_354 = arith.constant 0 : i32
          %dma_wait3A_355 = tpu.memref_slice %arg5[%dma_wait3A_354] : memref<320000xi32, #tpu.memory_space<hbm>> -> memref<64xi32, #tpu.memory_space<hbm>>
          %dma_wait3A_356 = arith.constant 0 : i32
          %dma_wait3A_357 = tpu.memref_slice %arg8[%dma_wait3A_350, %dma_wait3A_356] : memref<3x64xi32, #tpu.memory_space<vmem>> -> memref<1x64xi32, #tpu.memory_space<vmem>>
          %dma_wait3A_358 = tpu.memref_squeeze %dma_wait3A_357 : memref<1x64xi32, #tpu.memory_space<vmem>> -> memref<64xi32, #tpu.memory_space<vmem>>
          %dma_wait3A_359 = arith.constant 0 : i32
          %dma_wait3A_360 = tpu.memref_slice %arg5[%dma_wait3A_359] : memref<320000xi32, #tpu.memory_space<hbm>> -> memref<64xi32, #tpu.memory_space<hbm>>
          tpu.wait_dma2 semaphore(%arg18 : memref<!tpu.dma_semaphore, #tpu.memory_space<semaphore_mem>>) src(%dma_wait3A_360 : memref<64xi32, #tpu.memory_space<hbm>>) dst(%dma_wait3A_358 : memref<64xi32, #tpu.memory_space<vmem>>)
          %dma_wait3A_361 = arith.constant 0 : i32
          %dma_wait3A_362 = arith.constant 0 : i32
          %dma_wait3A_363 = tpu.memref_slice %arg9[%dma_wait3A_361, %dma_wait3A_362] : memref<3x64xi32, #tpu.memory_space<vmem>> -> memref<1x64xi32, #tpu.memory_space<vmem>>
          %dma_wait3A_364 = tpu.memref_squeeze %dma_wait3A_363 : memref<1x64xi32, #tpu.memory_space<vmem>> -> memref<64xi32, #tpu.memory_space<vmem>>
          %dma_wait3A_365 = arith.constant 0 : i32
          %dma_wait3A_366 = tpu.memref_slice %arg6[%dma_wait3A_365] : memref<320000xi32, #tpu.memory_space<hbm>> -> memref<64xi32, #tpu.memory_space<hbm>>
          %dma_wait3A_367 = arith.constant 0 : i32
          %dma_wait3A_368 = tpu.memref_slice %arg9[%dma_wait3A_361, %dma_wait3A_367] : memref<3x64xi32, #tpu.memory_space<vmem>> -> memref<1x64xi32, #tpu.memory_space<vmem>>
          %dma_wait3A_369 = tpu.memref_squeeze %dma_wait3A_368 : memref<1x64xi32, #tpu.memory_space<vmem>> -> memref<64xi32, #tpu.memory_space<vmem>>
          %dma_wait3A_370 = arith.constant 0 : i32
          %dma_wait3A_371 = tpu.memref_slice %arg6[%dma_wait3A_370] : memref<320000xi32, #tpu.memory_space<hbm>> -> memref<64xi32, #tpu.memory_space<hbm>>
          tpu.wait_dma2 semaphore(%arg18 : memref<!tpu.dma_semaphore, #tpu.memory_space<semaphore_mem>>) src(%dma_wait3A_371 : memref<64xi32, #tpu.memory_space<hbm>>) dst(%dma_wait3A_369 : memref<64xi32, #tpu.memory_space<vmem>>)
          %ge3A = arith.constant 1 : i32
          %ge3A_372 = arith.cmpi sge, %add3A_244, %ge3A : i32
          %convert_element_type3A_373 = arith.extui %ge3A_372 : i1 to i32
          %cond3A_374 = arith.constant 0 : i32
          %cond3A_375 = arith.cmpi ne, %convert_element_type3A_373, %cond3A_374 : i32
          scf.if %cond3A_375 {
            %dma_wait3A_421 = arith.constant 1 : i32
            %dma_wait3A_422 = arith.constant 0 : i32
            %dma_wait3A_423 = arith.constant 0 : i32
            %dma_wait3A_424 = tpu.memref_slice %arg10[%dma_wait3A_421, %dma_wait3A_422, %dma_wait3A_423] : memref<2x64x128xf32, #tpu.memory_space<vmem>> -> memref<1x64x128xf32, #tpu.memory_space<vmem>>
            %dma_wait3A_425 = tpu.memref_squeeze %dma_wait3A_424 : memref<1x64x128xf32, #tpu.memory_space<vmem>> -> memref<64x128xf32, #tpu.memory_space<vmem>>
            %dma_wait3A_426 = arith.constant 0 : i32
            %dma_wait3A_427 = arith.constant 0 : i32
            %dma_wait3A_428 = tpu.memref_slice %arg2[%dma_wait3A_426, %dma_wait3A_427] : memref<10000x128xf32, #tpu.memory_space<hbm>> -> memref<64x128xf32, #tpu.memory_space<hbm>>
            %dma_wait3A_429 = arith.constant 0 : i32
            %dma_wait3A_430 = arith.constant 0 : i32
            %dma_wait3A_431 = tpu.memref_slice %arg10[%dma_wait3A_421, %dma_wait3A_429, %dma_wait3A_430] : memref<2x64x128xf32, #tpu.memory_space<vmem>> -> memref<1x64x128xf32, #tpu.memory_space<vmem>>
            %dma_wait3A_432 = tpu.memref_squeeze %dma_wait3A_431 : memref<1x64x128xf32, #tpu.memory_space<vmem>> -> memref<64x128xf32, #tpu.memory_space<vmem>>
            %dma_wait3A_433 = arith.constant 0 : i32
            %dma_wait3A_434 = arith.constant 0 : i32
            %dma_wait3A_435 = tpu.memref_slice %arg2[%dma_wait3A_433, %dma_wait3A_434] : memref<10000x128xf32, #tpu.memory_space<hbm>> -> memref<64x128xf32, #tpu.memory_space<hbm>>
            tpu.wait_dma2 semaphore(%arg17 : memref<!tpu.dma_semaphore, #tpu.memory_space<semaphore_mem>>) src(%dma_wait3A_435 : memref<64x128xf32, #tpu.memory_space<hbm>>) dst(%dma_wait3A_432 : memref<64x128xf32, #tpu.memory_space<vmem>>)
          } else {
          }
          %add3A_376 = arith.constant 1 : i32
          %add3A_377 = arith.addi %add3A_244, %add3A_376 : i32
          %mul3A_378 = arith.constant 16 : i32
          %mul3A_379 = arith.muli %mul3A_378, %add3A_377 : i32
          %add3A_380 = arith.addi %arg1, %mul3A_379 : i32
          %mul3A_381 = arith.constant 64 : i32
          %mul3A_382 = arith.muli %add3A_380, %mul3A_381 : i32
          %add3A_383 = arith.addi %mul3A_0, %mul3A_382 : i32
          %dma_start3A_384 = arith.constant 0 : i32
          %dma_start3A_385 = arith.constant 1 : i32
          %dma_start3A_386 = arith.constant 0 : i32
          %dma_start3A_387 = arith.constant 0 : i32
          %dma_start3A_388 = tpu.memref_slice %arg10[%dma_start3A_385, %dma_start3A_386, %dma_start3A_387] : memref<2x64x128xf32, #tpu.memory_space<vmem>> -> memref<1x64x128xf32, #tpu.memory_space<vmem>>
          %dma_start3A_389 = tpu.memref_squeeze %dma_start3A_388 : memref<1x64x128xf32, #tpu.memory_space<vmem>> -> memref<64x128xf32, #tpu.memory_space<vmem>>
          %dma_start3A_390 = arith.constant 0 : i32
          %dma_start3A_391 = tpu.memref_slice %arg8[%dma_start3A_384, %dma_start3A_390] : memref<3x64xi32, #tpu.memory_space<vmem>> -> memref<1x64xi32, #tpu.memory_space<vmem>>
          %dma_start3A_392 = tpu.memref_squeeze %dma_start3A_391 : memref<1x64xi32, #tpu.memory_space<vmem>> -> memref<64xi32, #tpu.memory_space<vmem>>
          %dma_start3A_393 = arith.constant 0 : i32
          %dma_start3A_394 = arith.constant 0 : i32
          %dma_start3A_395 = tpu.memref_slice %arg2[%dma_start3A_393, %dma_start3A_394] : memref<10000x128xf32, #tpu.memory_space<hbm>> -> memref<10000x128xf32, #tpu.memory_space<hbm>>
          tpu.enqueue_indirect_dma source(%dma_start3A_395 : memref<10000x128xf32, #tpu.memory_space<hbm>>) target(%dma_start3A_389 : memref<64x128xf32, #tpu.memory_space<vmem>>) offsets(%dma_start3A_392 : memref<64xi32, #tpu.memory_space<vmem>>) semaphore(%arg15 : memref<!tpu.dma_semaphore, #tpu.memory_space<semaphore_mem>>)
          %dma_start3A_396 = arith.constant 0 : i32
          %dma_start3A_397 = arith.constant 1 : i32
          %dma_start3A_398 = arith.constant 0 : i32
          %dma_start3A_399 = arith.constant 0 : i32
          %dma_start3A_400 = tpu.memref_slice %arg11[%dma_start3A_397, %dma_start3A_398, %dma_start3A_399] : memref<2x64x128xf32, #tpu.memory_space<vmem>> -> memref<1x64x128xf32, #tpu.memory_space<vmem>>
          %dma_start3A_401 = tpu.memref_squeeze %dma_start3A_400 : memref<1x64x128xf32, #tpu.memory_space<vmem>> -> memref<64x128xf32, #tpu.memory_space<vmem>>
          %dma_start3A_402 = arith.constant 0 : i32
          %dma_start3A_403 = tpu.memref_slice %arg9[%dma_start3A_396, %dma_start3A_402] : memref<3x64xi32, #tpu.memory_space<vmem>> -> memref<1x64xi32, #tpu.memory_space<vmem>>
          %dma_start3A_404 = tpu.memref_squeeze %dma_start3A_403 : memref<1x64xi32, #tpu.memory_space<vmem>> -> memref<64xi32, #tpu.memory_space<vmem>>
          %dma_start3A_405 = arith.constant 0 : i32
          %dma_start3A_406 = arith.constant 0 : i32
          %dma_start3A_407 = tpu.memref_slice %arg3[%dma_start3A_405, %dma_start3A_406] : memref<10000x128xf32, #tpu.memory_space<hbm>> -> memref<10000x128xf32, #tpu.memory_space<hbm>>
          tpu.enqueue_indirect_dma source(%dma_start3A_407 : memref<10000x128xf32, #tpu.memory_space<hbm>>) target(%dma_start3A_401 : memref<64x128xf32, #tpu.memory_space<vmem>>) offsets(%dma_start3A_404 : memref<64xi32, #tpu.memory_space<vmem>>) semaphore(%arg15 : memref<!tpu.dma_semaphore, #tpu.memory_space<semaphore_mem>>)
          %dma_start3A_408 = arith.constant 1 : i32
          %dma_start3A_409 = arith.constant 0 : i32
          %dma_start3A_410 = arith.constant 0 : i32
          %dma_start3A_411 = tpu.memref_slice %arg12[%dma_start3A_408, %dma_start3A_409, %dma_start3A_410] : memref<2x64x64xi32, #tpu.memory_space<vmem>> -> memref<1x64x64xi32, #tpu.memory_space<vmem>>
          %dma_start3A_412 = tpu.memref_squeeze %dma_start3A_411 : memref<1x64x64xi32, #tpu.memory_space<vmem>> -> memref<64x64xi32, #tpu.memory_space<vmem>>
          %dma_start3A_413 = arith.constant 0 : i32
          %dma_start3A_414 = tpu.memref_slice %arg4[%add3A_383, %dma_start3A_413] : memref<320000x64xi32, #tpu.memory_space<hbm>> -> memref<64x64xi32, #tpu.memory_space<hbm>>
          %dma_start3A_415 = arith.constant 0 : i32
          %dma_start3A_416 = arith.constant 0 : i32
          %dma_start3A_417 = tpu.memref_slice %arg12[%dma_start3A_408, %dma_start3A_415, %dma_start3A_416] : memref<2x64x64xi32, #tpu.memory_space<vmem>> -> memref<1x64x64xi32, #tpu.memory_space<vmem>>
          %dma_start3A_418 = tpu.memref_squeeze %dma_start3A_417 : memref<1x64x64xi32, #tpu.memory_space<vmem>> -> memref<64x64xi32, #tpu.memory_space<vmem>>
          %dma_start3A_419 = arith.constant 0 : i32
          %dma_start3A_420 = tpu.memref_slice %arg4[%add3A_383, %dma_start3A_419] : memref<320000x64xi32, #tpu.memory_space<hbm>> -> memref<64x64xi32, #tpu.memory_space<hbm>>
          tpu.enqueue_dma source(%dma_start3A_420 : memref<64x64xi32, #tpu.memory_space<hbm>>) target(%dma_start3A_418 : memref<64x64xi32, #tpu.memory_space<vmem>>) target_semaphore(%arg15 : memref<!tpu.dma_semaphore, #tpu.memory_space<semaphore_mem>>)
        } else {
        }
        %add3A_280 = arith.constant 2 : i32
        %add3A_281 = arith.addi %add3A_244, %add3A_280 : i32
        %lt3A_282 = arith.cmpi slt, %add3A_281, %add3A_58 : i32
        %convert_element_type3A_283 = arith.extui %lt3A_282 : i1 to i32
        %cond3A_284 = arith.constant 0 : i32
        %cond3A_285 = arith.cmpi ne, %convert_element_type3A_283, %cond3A_284 : i32
        scf.if %cond3A_285 {
          %add3A_350 = arith.constant 2 : i32
          %add3A_351 = arith.addi %add3A_244, %add3A_350 : i32
          %mul3A_352 = arith.constant 16 : i32
          %mul3A_353 = arith.muli %mul3A_352, %add3A_351 : i32
          %add3A_354 = arith.addi %arg1, %mul3A_353 : i32
          %mul3A_355 = arith.constant 64 : i32
          %mul3A_356 = arith.muli %add3A_354, %mul3A_355 : i32
          %add3A_357 = arith.addi %mul3A_0, %mul3A_356 : i32
          %dma_start3A_358 = arith.constant 1 : i32
          %dma_start3A_359 = arith.constant 0 : i32
          %dma_start3A_360 = tpu.memref_slice %arg8[%dma_start3A_358, %dma_start3A_359] : memref<3x64xi32, #tpu.memory_space<vmem>> -> memref<1x64xi32, #tpu.memory_space<vmem>>
          %dma_start3A_361 = tpu.memref_squeeze %dma_start3A_360 : memref<1x64xi32, #tpu.memory_space<vmem>> -> memref<64xi32, #tpu.memory_space<vmem>>
          %dma_start3A_362 = tpu.memref_slice %arg5[%add3A_357] : memref<320000xi32, #tpu.memory_space<hbm>> -> memref<64xi32, #tpu.memory_space<hbm>>
          %dma_start3A_363 = arith.constant 0 : i32
          %dma_start3A_364 = tpu.memref_slice %arg8[%dma_start3A_358, %dma_start3A_363] : memref<3x64xi32, #tpu.memory_space<vmem>> -> memref<1x64xi32, #tpu.memory_space<vmem>>
          %dma_start3A_365 = tpu.memref_squeeze %dma_start3A_364 : memref<1x64xi32, #tpu.memory_space<vmem>> -> memref<64xi32, #tpu.memory_space<vmem>>
          %dma_start3A_366 = tpu.memref_slice %arg5[%add3A_357] : memref<320000xi32, #tpu.memory_space<hbm>> -> memref<64xi32, #tpu.memory_space<hbm>>
          tpu.enqueue_dma source(%dma_start3A_366 : memref<64xi32, #tpu.memory_space<hbm>>) target(%dma_start3A_365 : memref<64xi32, #tpu.memory_space<vmem>>) target_semaphore(%arg19 : memref<!tpu.dma_semaphore, #tpu.memory_space<semaphore_mem>>)
          %dma_start3A_367 = arith.constant 1 : i32
          %dma_start3A_368 = arith.constant 0 : i32
          %dma_start3A_369 = tpu.memref_slice %arg9[%dma_start3A_367, %dma_start3A_368] : memref<3x64xi32, #tpu.memory_space<vmem>> -> memref<1x64xi32, #tpu.memory_space<vmem>>
          %dma_start3A_370 = tpu.memref_squeeze %dma_start3A_369 : memref<1x64xi32, #tpu.memory_space<vmem>> -> memref<64xi32, #tpu.memory_space<vmem>>
          %dma_start3A_371 = tpu.memref_slice %arg6[%add3A_357] : memref<320000xi32, #tpu.memory_space<hbm>> -> memref<64xi32, #tpu.memory_space<hbm>>
          %dma_start3A_372 = arith.constant 0 : i32
          %dma_start3A_373 = tpu.memref_slice %arg9[%dma_start3A_367, %dma_start3A_372] : memref<3x64xi32, #tpu.memory_space<vmem>> -> memref<1x64xi32, #tpu.memory_space<vmem>>
          %dma_start3A_374 = tpu.memref_squeeze %dma_start3A_373 : memref<1x64xi32, #tpu.memory_space<vmem>> -> memref<64xi32, #tpu.memory_space<vmem>>
          %dma_start3A_375 = tpu.memref_slice %arg6[%add3A_357] : memref<320000xi32, #tpu.memory_space<hbm>> -> memref<64xi32, #tpu.memory_space<hbm>>
          tpu.enqueue_dma source(%dma_start3A_375 : memref<64xi32, #tpu.memory_space<hbm>>) target(%dma_start3A_374 : memref<64xi32, #tpu.memory_space<vmem>>) target_semaphore(%arg19 : memref<!tpu.dma_semaphore, #tpu.memory_space<semaphore_mem>>)
        } else {
        }
        %dma_wait3A_286 = arith.constant 0 : i32
        %dma_wait3A_287 = arith.constant 0 : i32
        %dma_wait3A_288 = arith.constant 0 : i32
        %dma_wait3A_289 = tpu.memref_slice %arg10[%dma_wait3A_286, %dma_wait3A_287, %dma_wait3A_288] : memref<2x64x128xf32, #tpu.memory_space<vmem>> -> memref<1x64x128xf32, #tpu.memory_space<vmem>>
        %dma_wait3A_290 = tpu.memref_squeeze %dma_wait3A_289 : memref<1x64x128xf32, #tpu.memory_space<vmem>> -> memref<64x128xf32, #tpu.memory_space<vmem>>
        %dma_wait3A_291 = arith.constant 0 : i32
        %dma_wait3A_292 = arith.constant 0 : i32
        %dma_wait3A_293 = tpu.memref_slice %arg2[%dma_wait3A_291, %dma_wait3A_292] : memref<10000x128xf32, #tpu.memory_space<hbm>> -> memref<64x128xf32, #tpu.memory_space<hbm>>
        %dma_wait3A_294 = arith.constant 0 : i32
        %dma_wait3A_295 = arith.constant 0 : i32
        %dma_wait3A_296 = tpu.memref_slice %arg10[%dma_wait3A_286, %dma_wait3A_294, %dma_wait3A_295] : memref<2x64x128xf32, #tpu.memory_space<vmem>> -> memref<1x64x128xf32, #tpu.memory_space<vmem>>
        %dma_wait3A_297 = tpu.memref_squeeze %dma_wait3A_296 : memref<1x64x128xf32, #tpu.memory_space<vmem>> -> memref<64x128xf32, #tpu.memory_space<vmem>>
        %dma_wait3A_298 = arith.constant 0 : i32
        %dma_wait3A_299 = arith.constant 0 : i32
        %dma_wait3A_300 = tpu.memref_slice %arg2[%dma_wait3A_298, %dma_wait3A_299] : memref<10000x128xf32, #tpu.memory_space<hbm>> -> memref<64x128xf32, #tpu.memory_space<hbm>>
        tpu.wait_dma2 semaphore(%arg14 : memref<!tpu.dma_semaphore, #tpu.memory_space<semaphore_mem>>) src(%dma_wait3A_300 : memref<64x128xf32, #tpu.memory_space<hbm>>) dst(%dma_wait3A_297 : memref<64x128xf32, #tpu.memory_space<vmem>>)
        %dma_wait3A_301 = arith.constant 0 : i32
        %dma_wait3A_302 = arith.constant 0 : i32
        %dma_wait3A_303 = arith.constant 0 : i32
        %dma_wait3A_304 = tpu.memref_slice %arg11[%dma_wait3A_301, %dma_wait3A_302, %dma_wait3A_303] : memref<2x64x128xf32, #tpu.memory_space<vmem>> -> memref<1x64x128xf32, #tpu.memory_space<vmem>>
        %dma_wait3A_305 = tpu.memref_squeeze %dma_wait3A_304 : memref<1x64x128xf32, #tpu.memory_space<vmem>> -> memref<64x128xf32, #tpu.memory_space<vmem>>
        %dma_wait3A_306 = arith.constant 0 : i32
        %dma_wait3A_307 = arith.constant 0 : i32
        %dma_wait3A_308 = tpu.memref_slice %arg2[%dma_wait3A_306, %dma_wait3A_307] : memref<10000x128xf32, #tpu.memory_space<hbm>> -> memref<64x128xf32, #tpu.memory_space<hbm>>
        %dma_wait3A_309 = arith.constant 0 : i32
        %dma_wait3A_310 = arith.constant 0 : i32
        %dma_wait3A_311 = tpu.memref_slice %arg11[%dma_wait3A_301, %dma_wait3A_309, %dma_wait3A_310] : memref<2x64x128xf32, #tpu.memory_space<vmem>> -> memref<1x64x128xf32, #tpu.memory_space<vmem>>
        %dma_wait3A_312 = tpu.memref_squeeze %dma_wait3A_311 : memref<1x64x128xf32, #tpu.memory_space<vmem>> -> memref<64x128xf32, #tpu.memory_space<vmem>>
        %dma_wait3A_313 = arith.constant 0 : i32
        %dma_wait3A_314 = arith.constant 0 : i32
        %dma_wait3A_315 = tpu.memref_slice %arg2[%dma_wait3A_313, %dma_wait3A_314] : memref<10000x128xf32, #tpu.memory_space<hbm>> -> memref<64x128xf32, #tpu.memory_space<hbm>>
        tpu.wait_dma2 semaphore(%arg14 : memref<!tpu.dma_semaphore, #tpu.memory_space<semaphore_mem>>) src(%dma_wait3A_315 : memref<64x128xf32, #tpu.memory_space<hbm>>) dst(%dma_wait3A_312 : memref<64x128xf32, #tpu.memory_space<vmem>>)
        %dma_wait3A_316 = arith.constant 0 : i32
        %dma_wait3A_317 = arith.constant 0 : i32
        %dma_wait3A_318 = arith.constant 0 : i32
        %dma_wait3A_319 = tpu.memref_slice %arg12[%dma_wait3A_316, %dma_wait3A_317, %dma_wait3A_318] : memref<2x64x64xi32, #tpu.memory_space<vmem>> -> memref<1x64x64xi32, #tpu.memory_space<vmem>>
        %dma_wait3A_320 = tpu.memref_squeeze %dma_wait3A_319 : memref<1x64x64xi32, #tpu.memory_space<vmem>> -> memref<64x64xi32, #tpu.memory_space<vmem>>
        %dma_wait3A_321 = arith.constant 0 : i32
        %dma_wait3A_322 = arith.constant 0 : i32
        %dma_wait3A_323 = tpu.memref_slice %arg4[%dma_wait3A_321, %dma_wait3A_322] : memref<320000x64xi32, #tpu.memory_space<hbm>> -> memref<64x64xi32, #tpu.memory_space<hbm>>
        %dma_wait3A_324 = arith.constant 0 : i32
        %dma_wait3A_325 = arith.constant 0 : i32
        %dma_wait3A_326 = tpu.memref_slice %arg12[%dma_wait3A_316, %dma_wait3A_324, %dma_wait3A_325] : memref<2x64x64xi32, #tpu.memory_space<vmem>> -> memref<1x64x64xi32, #tpu.memory_space<vmem>>
        %dma_wait3A_327 = tpu.memref_squeeze %dma_wait3A_326 : memref<1x64x64xi32, #tpu.memory_space<vmem>> -> memref<64x64xi32, #tpu.memory_space<vmem>>
        %dma_wait3A_328 = arith.constant 0 : i32
        %dma_wait3A_329 = arith.constant 0 : i32
        %dma_wait3A_330 = tpu.memref_slice %arg4[%dma_wait3A_328, %dma_wait3A_329] : memref<320000x64xi32, #tpu.memory_space<hbm>> -> memref<64x64xi32, #tpu.memory_space<hbm>>
        tpu.wait_dma2 semaphore(%arg14 : memref<!tpu.dma_semaphore, #tpu.memory_space<semaphore_mem>>) src(%dma_wait3A_330 : memref<64x64xi32, #tpu.memory_space<hbm>>) dst(%dma_wait3A_327 : memref<64x64xi32, #tpu.memory_space<vmem>>)
        %scan3A_331 = arith.constant 0 : i32
        %scan3A_332 = arith.constant 0 : i32
        %scan3A_333 = arith.constant 64 : i32
        %scan3A_334 = arith.addi %scan3A_332, %scan3A_333 : i32
        %scan3A_335 = arith.constant 1 : i32
        %scan3A_336 = scf.for %scan3A_350 = %scan3A_332 to %scan3A_334 step %scan3A_335 iter_args(%scan3A_351 = %scan3A_331) -> (i32)  : i32 {
          %get3A = arith.constant 0 : i32
          %get3A_352 = arith.index_cast %get3A : i32 to index
          %get3A_353 = arith.index_cast %scan3A_350 : i32 to index
          %get3A_354 = arith.constant 0 : index
          %get3A_355 = tpu.vector_load %arg12[%get3A_352, %get3A_353, %get3A_354] {strides = array<i32>} : memref<2x64x64xi32, #tpu.memory_space<vmem>>, vector<1x1x16xi32>,
          %get3A_356 = vector.shape_cast %get3A_355 : vector<1x1x16xi32> to vector<16xi32>
          %shift_left3A = arith.constant 16 : i32
          %shift_left3A_357 = vector.broadcast %shift_left3A : i32 to vector<16xi32>
          %shift_left3A_358 = arith.shli %get3A_356, %shift_left3A_357 : vector<16xi32>
          %bitcast_convert_type3A = tpu.bitcast %shift_left3A_358 : vector<16xi32> -> vector<16xf32>
          %and3A = arith.constant -65536 : i32
          %and3A_359 = vector.broadcast %and3A : i32 to vector<16xi32>
          %and3A_360 = arith.andi %get3A_356, %and3A_359 : vector<16xi32>
          %bitcast_convert_type3A_361 = tpu.bitcast %and3A_360 : vector<16xi32> -> vector<16xf32>
          %get3A_362 = arith.constant 0 : i32
          %get3A_363 = arith.index_cast %get3A_362 : i32 to index
          %get3A_364 = arith.index_cast %scan3A_350 : i32 to index
          %get3A_365 = arith.constant 0 : index
          %get3A_366 = tpu.vector_load %arg10[%get3A_363, %get3A_364, %get3A_365] {strides = array<i32>} : memref<2x64x128xf32, #tpu.memory_space<vmem>>, vector<1x1x16xf32>,
          %get3A_367 = vector.shape_cast %get3A_366 : vector<1x1x16xf32> to vector<16xf32>
          %get3A_368 = arith.constant 0 : i32
          %get3A_369 = arith.index_cast %get3A_368 : i32 to index
          %get3A_370 = arith.index_cast %scan3A_350 : i32 to index
          %get3A_371 = arith.constant 0 : index
          %get3A_372 = tpu.vector_load %arg11[%get3A_369, %get3A_370, %get3A_371] {strides = array<i32>} : memref<2x64x128xf32, #tpu.memory_space<vmem>>, vector<1x1x16xf32>,
          %get3A_373 = vector.shape_cast %get3A_372 : vector<1x1x16xf32> to vector<16xf32>
          %add3A_374 = arith.addf %get3A_367, %get3A_373 : vector<16xf32>
          %add3A_375 = arith.addf %add3A_374, %bitcast_convert_type3A : vector<16xf32>
          %get3A_376 = arith.constant 0 : i32
          %get3A_377 = arith.index_cast %get3A_376 : i32 to index
          %get3A_378 = arith.index_cast %scan3A_350 : i32 to index
          %get3A_379 = arith.constant 16 : index
          %get3A_380 = tpu.vector_load %arg10[%get3A_377, %get3A_378, %get3A_379] {strides = array<i32>} : memref<2x64x128xf32, #tpu.memory_space<vmem>>, vector<1x1x16xf32>,
          %get3A_381 = vector.shape_cast %get3A_380 : vector<1x1x16xf32> to vector<16xf32>
          %get3A_382 = arith.constant 0 : i32
          %get3A_383 = arith.index_cast %get3A_382 : i32 to index
          %get3A_384 = arith.index_cast %scan3A_350 : i32 to index
          %get3A_385 = arith.constant 16 : index
          %get3A_386 = tpu.vector_load %arg11[%get3A_383, %get3A_384, %get3A_385] {strides = array<i32>} : memref<2x64x128xf32, #tpu.memory_space<vmem>>, vector<1x1x16xf32>,
          %get3A_387 = vector.shape_cast %get3A_386 : vector<1x1x16xf32> to vector<16xf32>
          %add3A_388 = arith.addf %get3A_381, %get3A_387 : vector<16xf32>
          %add3A_389 = arith.addf %add3A_388, %bitcast_convert_type3A_361 : vector<16xf32>
          %max3A = arith.constant 0.000000e+00 : f32
          %max3A_390 = vector.broadcast %max3A : f32 to vector<16xf32>
          %max3A_391 = arith.maximumf %add3A_375, %max3A_390 : vector<16xf32>
          %swap3A = arith.constant 0 : i32
          %swap3A_392 = arith.index_cast %swap3A : i32 to index
          %swap3A_393 = arith.index_cast %scan3A_350 : i32 to index
          %swap3A_394 = arith.constant 0 : index
          %swap3A_395 = tpu.vector_load %arg10[%swap3A_392, %swap3A_393, %swap3A_394] {strides = array<i32>} : memref<2x64x128xf32, #tpu.memory_space<vmem>>, vector<1x1x16xf32>,
          %swap3A_396 = vector.shape_cast %swap3A_395 : vector<1x1x16xf32> to vector<16xf32>
          %swap3A_397 = vector.shape_cast %max3A_391 : vector<16xf32> to vector<1x1x16xf32>
          tpu.vector_store %arg10[%swap3A_392, %swap3A_393, %swap3A_394], %swap3A_397 {strides = array<i32>} : memref<2x64x128xf32, #tpu.memory_space<vmem>>, vector<1x1x16xf32>,
          %max3A_398 = arith.constant 0.000000e+00 : f32
          %max3A_399 = vector.broadcast %max3A_398 : f32 to vector<16xf32>
          %max3A_400 = arith.maximumf %add3A_389, %max3A_399 : vector<16xf32>
          %swap3A_401 = arith.constant 0 : i32
          %swap3A_402 = arith.index_cast %swap3A_401 : i32 to index
          %swap3A_403 = arith.index_cast %scan3A_350 : i32 to index
          %swap3A_404 = arith.constant 16 : index
          %swap3A_405 = tpu.vector_load %arg10[%swap3A_402, %swap3A_403, %swap3A_404] {strides = array<i32>} : memref<2x64x128xf32, #tpu.memory_space<vmem>>, vector<1x1x16xf32>,
          %swap3A_406 = vector.shape_cast %swap3A_405 : vector<1x1x16xf32> to vector<16xf32>
          %swap3A_407 = vector.shape_cast %max3A_400 : vector<16xf32> to vector<1x1x16xf32>
          tpu.vector_store %arg10[%swap3A_402, %swap3A_403, %swap3A_404], %swap3A_407 {strides = array<i32>} : memref<2x64x128xf32, #tpu.memory_space<vmem>>, vector<1x1x16xf32>,
          %get3A_408 = arith.constant 0 : i32
          %get3A_409 = arith.index_cast %get3A_408 : i32 to index
          %get3A_410 = arith.index_cast %scan3A_350 : i32 to index
          %get3A_411 = arith.constant 16 : index
          %get3A_412 = tpu.vector_load %arg12[%get3A_409, %get3A_410, %get3A_411] {strides = array<i32>} : memref<2x64x64xi32, #tpu.memory_space<vmem>>, vector<1x1x16xi32>,
          %get3A_413 = vector.shape_cast %get3A_412 : vector<1x1x16xi32> to vector<16xi32>
          %shift_left3A_414 = arith.constant 16 : i32
          %shift_left3A_415 = vector.broadcast %shift_left3A_414 : i32 to vector<16xi32>
          %shift_left3A_416 = arith.shli %get3A_413, %shift_left3A_415 : vector<16xi32>
          %bitcast_convert_type3A_417 = tpu.bitcast %shift_left3A_416 : vector<16xi32> -> vector<16xf32>
          %and3A_418 = arith.constant -65536 : i32
          %and3A_419 = vector.broadcast %and3A_418 : i32 to vector<16xi32>
          %and3A_420 = arith.andi %get3A_413, %and3A_419 : vector<16xi32>
          %bitcast_convert_type3A_421 = tpu.bitcast %and3A_420 : vector<16xi32> -> vector<16xf32>
          %get3A_422 = arith.constant 0 : i32
          %get3A_423 = arith.index_cast %get3A_422 : i32 to index
          %get3A_424 = arith.index_cast %scan3A_350 : i32 to index
          %get3A_425 = arith.constant 32 : index
          %get3A_426 = tpu.vector_load %arg10[%get3A_423, %get3A_424, %get3A_425] {strides = array<i32>} : memref<2x64x128xf32, #tpu.memory_space<vmem>>, vector<1x1x16xf32>,
          %get3A_427 = vector.shape_cast %get3A_426 : vector<1x1x16xf32> to vector<16xf32>
          %get3A_428 = arith.constant 0 : i32
          %get3A_429 = arith.index_cast %get3A_428 : i32 to index
          %get3A_430 = arith.index_cast %scan3A_350 : i32 to index
          %get3A_431 = arith.constant 32 : index
          %get3A_432 = tpu.vector_load %arg11[%get3A_429, %get3A_430, %get3A_431] {strides = array<i32>} : memref<2x64x128xf32, #tpu.memory_space<vmem>>, vector<1x1x16xf32>,
          %get3A_433 = vector.shape_cast %get3A_432 : vector<1x1x16xf32> to vector<16xf32>
          %add3A_434 = arith.addf %get3A_427, %get3A_433 : vector<16xf32>
          %add3A_435 = arith.addf %add3A_434, %bitcast_convert_type3A_417 : vector<16xf32>
          %get3A_436 = arith.constant 0 : i32
          %get3A_437 = arith.index_cast %get3A_436 : i32 to index
          %get3A_438 = arith.index_cast %scan3A_350 : i32 to index
          %get3A_439 = arith.constant 48 : index
          %get3A_440 = tpu.vector_load %arg10[%get3A_437, %get3A_438, %get3A_439] {strides = array<i32>} : memref<2x64x128xf32, #tpu.memory_space<vmem>>, vector<1x1x16xf32>,
          %get3A_441 = vector.shape_cast %get3A_440 : vector<1x1x16xf32> to vector<16xf32>
          %get3A_442 = arith.constant 0 : i32
          %get3A_443 = arith.index_cast %get3A_442 : i32 to index
          %get3A_444 = arith.index_cast %scan3A_350 : i32 to index
          %get3A_445 = arith.constant 48 : index
          %get3A_446 = tpu.vector_load %arg11[%get3A_443, %get3A_444, %get3A_445] {strides = array<i32>} : memref<2x64x128xf32, #tpu.memory_space<vmem>>, vector<1x1x16xf32>,
          %get3A_447 = vector.shape_cast %get3A_446 : vector<1x1x16xf32> to vector<16xf32>
          %add3A_448 = arith.addf %get3A_441, %get3A_447 : vector<16xf32>
          %add3A_449 = arith.addf %add3A_448, %bitcast_convert_type3A_421 : vector<16xf32>
          %max3A_450 = arith.constant 0.000000e+00 : f32
          %max3A_451 = vector.broadcast %max3A_450 : f32 to vector<16xf32>
          %max3A_452 = arith.maximumf %add3A_435, %max3A_451 : vector<16xf32>
          %swap3A_453 = arith.constant 0 : i32
          %swap3A_454 = arith.index_cast %swap3A_453 : i32 to index
          %swap3A_455 = arith.index_cast %scan3A_350 : i32 to index
          %swap3A_456 = arith.constant 32 : index
          %swap3A_457 = tpu.vector_load %arg10[%swap3A_454, %swap3A_455, %swap3A_456] {strides = array<i32>} : memref<2x64x128xf32, #tpu.memory_space<vmem>>, vector<1x1x16xf32>,
          %swap3A_458 = vector.shape_cast %swap3A_457 : vector<1x1x16xf32> to vector<16xf32>
          %swap3A_459 = vector.shape_cast %max3A_452 : vector<16xf32> to vector<1x1x16xf32>
          tpu.vector_store %arg10[%swap3A_454, %swap3A_455, %swap3A_456], %swap3A_459 {strides = array<i32>} : memref<2x64x128xf32, #tpu.memory_space<vmem>>, vector<1x1x16xf32>,
          %max3A_460 = arith.constant 0.000000e+00 : f32
          %max3A_461 = vector.broadcast %max3A_460 : f32 to vector<16xf32>
          %max3A_462 = arith.maximumf %add3A_449, %max3A_461 : vector<16xf32>
          %swap3A_463 = arith.constant 0 : i32
          %swap3A_464 = arith.index_cast %swap3A_463 : i32 to index
          %swap3A_465 = arith.index_cast %scan3A_350 : i32 to index
          %swap3A_466 = arith.constant 48 : index
          %swap3A_467 = tpu.vector_load %arg10[%swap3A_464, %swap3A_465, %swap3A_466] {strides = array<i32>} : memref<2x64x128xf32, #tpu.memory_space<vmem>>, vector<1x1x16xf32>,
          %swap3A_468 = vector.shape_cast %swap3A_467 : vector<1x1x16xf32> to vector<16xf32>
          %swap3A_469 = vector.shape_cast %max3A_462 : vector<16xf32> to vector<1x1x16xf32>
          tpu.vector_store %arg10[%swap3A_464, %swap3A_465, %swap3A_466], %swap3A_469 {strides = array<i32>} : memref<2x64x128xf32, #tpu.memory_space<vmem>>, vector<1x1x16xf32>,
          %get3A_470 = arith.constant 0 : i32
          %get3A_471 = arith.index_cast %get3A_470 : i32 to index
          %get3A_472 = arith.index_cast %scan3A_350 : i32 to index
          %get3A_473 = arith.constant 32 : index
          %get3A_474 = tpu.vector_load %arg12[%get3A_471, %get3A_472, %get3A_473] {strides = array<i32>} : memref<2x64x64xi32, #tpu.memory_space<vmem>>, vector<1x1x16xi32>,
          %get3A_475 = vector.shape_cast %get3A_474 : vector<1x1x16xi32> to vector<16xi32>
          %shift_left3A_476 = arith.constant 16 : i32
          %shift_left3A_477 = vector.broadcast %shift_left3A_476 : i32 to vector<16xi32>
          %shift_left3A_478 = arith.shli %get3A_475, %shift_left3A_477 : vector<16xi32>
          %bitcast_convert_type3A_479 = tpu.bitcast %shift_left3A_478 : vector<16xi32> -> vector<16xf32>
          %and3A_480 = arith.constant -65536 : i32
          %and3A_481 = vector.broadcast %and3A_480 : i32 to vector<16xi32>
          %and3A_482 = arith.andi %get3A_475, %and3A_481 : vector<16xi32>
          %bitcast_convert_type3A_483 = tpu.bitcast %and3A_482 : vector<16xi32> -> vector<16xf32>
          %get3A_484 = arith.constant 0 : i32
          %get3A_485 = arith.index_cast %get3A_484 : i32 to index
          %get3A_486 = arith.index_cast %scan3A_350 : i32 to index
          %get3A_487 = arith.constant 64 : index
          %get3A_488 = tpu.vector_load %arg10[%get3A_485, %get3A_486, %get3A_487] {strides = array<i32>} : memref<2x64x128xf32, #tpu.memory_space<vmem>>, vector<1x1x16xf32>,
          %get3A_489 = vector.shape_cast %get3A_488 : vector<1x1x16xf32> to vector<16xf32>
          %get3A_490 = arith.constant 0 : i32
          %get3A_491 = arith.index_cast %get3A_490 : i32 to index
          %get3A_492 = arith.index_cast %scan3A_350 : i32 to index
          %get3A_493 = arith.constant 64 : index
          %get3A_494 = tpu.vector_load %arg11[%get3A_491, %get3A_492, %get3A_493] {strides = array<i32>} : memref<2x64x128xf32, #tpu.memory_space<vmem>>, vector<1x1x16xf32>,
          %get3A_495 = vector.shape_cast %get3A_494 : vector<1x1x16xf32> to vector<16xf32>
          %add3A_496 = arith.addf %get3A_489, %get3A_495 : vector<16xf32>
          %add3A_497 = arith.addf %add3A_496, %bitcast_convert_type3A_479 : vector<16xf32>
          %get3A_498 = arith.constant 0 : i32
          %get3A_499 = arith.index_cast %get3A_498 : i32 to index
          %get3A_500 = arith.index_cast %scan3A_350 : i32 to index
          %get3A_501 = arith.constant 80 : index
          %get3A_502 = tpu.vector_load %arg10[%get3A_499, %get3A_500, %get3A_501] {strides = array<i32>} : memref<2x64x128xf32, #tpu.memory_space<vmem>>, vector<1x1x16xf32>,
          %get3A_503 = vector.shape_cast %get3A_502 : vector<1x1x16xf32> to vector<16xf32>
          %get3A_504 = arith.constant 0 : i32
          %get3A_505 = arith.index_cast %get3A_504 : i32 to index
          %get3A_506 = arith.index_cast %scan3A_350 : i32 to index
          %get3A_507 = arith.constant 80 : index
          %get3A_508 = tpu.vector_load %arg11[%get3A_505, %get3A_506, %get3A_507] {strides = array<i32>} : memref<2x64x128xf32, #tpu.memory_space<vmem>>, vector<1x1x16xf32>,
          %get3A_509 = vector.shape_cast %get3A_508 : vector<1x1x16xf32> to vector<16xf32>
          %add3A_510 = arith.addf %get3A_503, %get3A_509 : vector<16xf32>
          %add3A_511 = arith.addf %add3A_510, %bitcast_convert_type3A_483 : vector<16xf32>
          %max3A_512 = arith.constant 0.000000e+00 : f32
          %max3A_513 = vector.broadcast %max3A_512 : f32 to vector<16xf32>
          %max3A_514 = arith.maximumf %add3A_497, %max3A_513 : vector<16xf32>
          %swap3A_515 = arith.constant 0 : i32
          %swap3A_516 = arith.index_cast %swap3A_515 : i32 to index
          %swap3A_517 = arith.index_cast %scan3A_350 : i32 to index
          %swap3A_518 = arith.constant 64 : index
          %swap3A_519 = tpu.vector_load %arg10[%swap3A_516, %swap3A_517, %swap3A_518] {strides = array<i32>} : memref<2x64x128xf32, #tpu.memory_space<vmem>>, vector<1x1x16xf32>,
          %swap3A_520 = vector.shape_cast %swap3A_519 : vector<1x1x16xf32> to vector<16xf32>
          %swap3A_521 = vector.shape_cast %max3A_514 : vector<16xf32> to vector<1x1x16xf32>
          tpu.vector_store %arg10[%swap3A_516, %swap3A_517, %swap3A_518], %swap3A_521 {strides = array<i32>} : memref<2x64x128xf32, #tpu.memory_space<vmem>>, vector<1x1x16xf32>,
          %max3A_522 = arith.constant 0.000000e+00 : f32
          %max3A_523 = vector.broadcast %max3A_522 : f32 to vector<16xf32>
          %max3A_524 = arith.maximumf %add3A_511, %max3A_523 : vector<16xf32>
          %swap3A_525 = arith.constant 0 : i32
          %swap3A_526 = arith.index_cast %swap3A_525 : i32 to index
          %swap3A_527 = arith.index_cast %scan3A_350 : i32 to index
          %swap3A_528 = arith.constant 80 : index
          %swap3A_529 = tpu.vector_load %arg10[%swap3A_526, %swap3A_527, %swap3A_528] {strides = array<i32>} : memref<2x64x128xf32, #tpu.memory_space<vmem>>, vector<1x1x16xf32>,
          %swap3A_530 = vector.shape_cast %swap3A_529 : vector<1x1x16xf32> to vector<16xf32>
          %swap3A_531 = vector.shape_cast %max3A_524 : vector<16xf32> to vector<1x1x16xf32>
          tpu.vector_store %arg10[%swap3A_526, %swap3A_527, %swap3A_528], %swap3A_531 {strides = array<i32>} : memref<2x64x128xf32, #tpu.memory_space<vmem>>, vector<1x1x16xf32>,
          %get3A_532 = arith.constant 0 : i32
          %get3A_533 = arith.index_cast %get3A_532 : i32 to index
          %get3A_534 = arith.index_cast %scan3A_350 : i32 to index
          %get3A_535 = arith.constant 48 : index
          %get3A_536 = tpu.vector_load %arg12[%get3A_533, %get3A_534, %get3A_535] {strides = array<i32>} : memref<2x64x64xi32, #tpu.memory_space<vmem>>, vector<1x1x16xi32>,
          %get3A_537 = vector.shape_cast %get3A_536 : vector<1x1x16xi32> to vector<16xi32>
          %shift_left3A_538 = arith.constant 16 : i32
          %shift_left3A_539 = vector.broadcast %shift_left3A_538 : i32 to vector<16xi32>
          %shift_left3A_540 = arith.shli %get3A_537, %shift_left3A_539 : vector<16xi32>
          %bitcast_convert_type3A_541 = tpu.bitcast %shift_left3A_540 : vector<16xi32> -> vector<16xf32>
          %and3A_542 = arith.constant -65536 : i32
          %and3A_543 = vector.broadcast %and3A_542 : i32 to vector<16xi32>
          %and3A_544 = arith.andi %get3A_537, %and3A_543 : vector<16xi32>
          %bitcast_convert_type3A_545 = tpu.bitcast %and3A_544 : vector<16xi32> -> vector<16xf32>
          %get3A_546 = arith.constant 0 : i32
          %get3A_547 = arith.index_cast %get3A_546 : i32 to index
          %get3A_548 = arith.index_cast %scan3A_350 : i32 to index
          %get3A_549 = arith.constant 96 : index
          %get3A_550 = tpu.vector_load %arg10[%get3A_547, %get3A_548, %get3A_549] {strides = array<i32>} : memref<2x64x128xf32, #tpu.memory_space<vmem>>, vector<1x1x16xf32>,
          %get3A_551 = vector.shape_cast %get3A_550 : vector<1x1x16xf32> to vector<16xf32>
          %get3A_552 = arith.constant 0 : i32
          %get3A_553 = arith.index_cast %get3A_552 : i32 to index
          %get3A_554 = arith.index_cast %scan3A_350 : i32 to index
          %get3A_555 = arith.constant 96 : index
          %get3A_556 = tpu.vector_load %arg11[%get3A_553, %get3A_554, %get3A_555] {strides = array<i32>} : memref<2x64x128xf32, #tpu.memory_space<vmem>>, vector<1x1x16xf32>,
          %get3A_557 = vector.shape_cast %get3A_556 : vector<1x1x16xf32> to vector<16xf32>
          %add3A_558 = arith.addf %get3A_551, %get3A_557 : vector<16xf32>
          %add3A_559 = arith.addf %add3A_558, %bitcast_convert_type3A_541 : vector<16xf32>
          %get3A_560 = arith.constant 0 : i32
          %get3A_561 = arith.index_cast %get3A_560 : i32 to index
          %get3A_562 = arith.index_cast %scan3A_350 : i32 to index
          %get3A_563 = arith.constant 112 : index
          %get3A_564 = tpu.vector_load %arg10[%get3A_561, %get3A_562, %get3A_563] {strides = array<i32>} : memref<2x64x128xf32, #tpu.memory_space<vmem>>, vector<1x1x16xf32>,
          %get3A_565 = vector.shape_cast %get3A_564 : vector<1x1x16xf32> to vector<16xf32>
          %get3A_566 = arith.constant 0 : i32
          %get3A_567 = arith.index_cast %get3A_566 : i32 to index
          %get3A_568 = arith.index_cast %scan3A_350 : i32 to index
          %get3A_569 = arith.constant 112 : index
          %get3A_570 = tpu.vector_load %arg11[%get3A_567, %get3A_568, %get3A_569] {strides = array<i32>} : memref<2x64x128xf32, #tpu.memory_space<vmem>>, vector<1x1x16xf32>,
          %get3A_571 = vector.shape_cast %get3A_570 : vector<1x1x16xf32> to vector<16xf32>
          %add3A_572 = arith.addf %get3A_565, %get3A_571 : vector<16xf32>
          %add3A_573 = arith.addf %add3A_572, %bitcast_convert_type3A_545 : vector<16xf32>
          %max3A_574 = arith.constant 0.000000e+00 : f32
          %max3A_575 = vector.broadcast %max3A_574 : f32 to vector<16xf32>
          %max3A_576 = arith.maximumf %add3A_559, %max3A_575 : vector<16xf32>
          %swap3A_577 = arith.constant 0 : i32
          %swap3A_578 = arith.index_cast %swap3A_577 : i32 to index
          %swap3A_579 = arith.index_cast %scan3A_350 : i32 to index
          %swap3A_580 = arith.constant 96 : index
          %swap3A_581 = tpu.vector_load %arg10[%swap3A_578, %swap3A_579, %swap3A_580] {strides = array<i32>} : memref<2x64x128xf32, #tpu.memory_space<vmem>>, vector<1x1x16xf32>,
          %swap3A_582 = vector.shape_cast %swap3A_581 : vector<1x1x16xf32> to vector<16xf32>
          %swap3A_583 = vector.shape_cast %max3A_576 : vector<16xf32> to vector<1x1x16xf32>
          tpu.vector_store %arg10[%swap3A_578, %swap3A_579, %swap3A_580], %swap3A_583 {strides = array<i32>} : memref<2x64x128xf32, #tpu.memory_space<vmem>>, vector<1x1x16xf32>,
          %max3A_584 = arith.constant 0.000000e+00 : f32
          %max3A_585 = vector.broadcast %max3A_584 : f32 to vector<16xf32>
          %max3A_586 = arith.maximumf %add3A_573, %max3A_585 : vector<16xf32>
          %swap3A_587 = arith.constant 0 : i32
          %swap3A_588 = arith.index_cast %swap3A_587 : i32 to index
          %swap3A_589 = arith.index_cast %scan3A_350 : i32 to index
          %swap3A_590 = arith.constant 112 : index
          %swap3A_591 = tpu.vector_load %arg10[%swap3A_588, %swap3A_589, %swap3A_590] {strides = array<i32>} : memref<2x64x128xf32, #tpu.memory_space<vmem>>, vector<1x1x16xf32>,
          %swap3A_592 = vector.shape_cast %swap3A_591 : vector<1x1x16xf32> to vector<16xf32>
          %swap3A_593 = vector.shape_cast %max3A_586 : vector<16xf32> to vector<1x1x16xf32>
          tpu.vector_store %arg10[%swap3A_588, %swap3A_589, %swap3A_590], %swap3A_593 {strides = array<i32>} : memref<2x64x128xf32, #tpu.memory_space<vmem>>, vector<1x1x16xf32>,
          %scan3A_594 = arith.constant 0 : i32
          scf.yield %scan3A_594 : i32
        }
        %scan3A_337 = arith.constant 64 : i32
        %dma_start3A_338 = arith.constant 0 : i32
        %dma_start3A_339 = arith.constant 2 : i32
        %dma_start3A_340 = arith.constant 0 : i32
        %dma_start3A_341 = arith.constant 0 : i32
        %dma_start3A_342 = tpu.memref_slice %arg10[%dma_start3A_338, %dma_start3A_340, %dma_start3A_341] : memref<2x64x128xf32, #tpu.memory_space<vmem>> -> memref<1x64x128xf32, #tpu.memory_space<vmem>>
        %dma_start3A_343 = tpu.memref_squeeze %dma_start3A_342 : memref<1x64x128xf32, #tpu.memory_space<vmem>> -> memref<64x128xf32, #tpu.memory_space<vmem>>
        %dma_start3A_344 = arith.constant 0 : i32
        %dma_start3A_345 = tpu.memref_slice %arg9[%dma_start3A_339, %dma_start3A_344] : memref<3x64xi32, #tpu.memory_space<vmem>> -> memref<1x64xi32, #tpu.memory_space<vmem>>
        %dma_start3A_346 = tpu.memref_squeeze %dma_start3A_345 : memref<1x64xi32, #tpu.memory_space<vmem>> -> memref<64xi32, #tpu.memory_space<vmem>>
        %dma_start3A_347 = arith.constant 0 : i32
        %dma_start3A_348 = arith.constant 0 : i32
        %dma_start3A_349 = tpu.memref_slice %arg13[%dma_start3A_347, %dma_start3A_348] : memref<10112x128xf32, #tpu.memory_space<vmem_shared>> -> memref<10112x128xf32, #tpu.memory_space<vmem_shared>>
        tpu.enqueue_indirect_dma source(%dma_start3A_343 : memref<64x128xf32, #tpu.memory_space<vmem>>) target(%dma_start3A_349 : memref<10112x128xf32, #tpu.memory_space<vmem_shared>>) offsets(%dma_start3A_346 : memref<64xi32, #tpu.memory_space<vmem>>) semaphore(%arg16 : memref<!tpu.dma_semaphore, #tpu.memory_space<semaphore_mem>>) {add = true}
      } else {
      }
      %mul3A_249 = arith.constant 6 : i32
      %mul3A_250 = arith.muli %scan3A_223, %mul3A_249 : i32
      %add3A_251 = arith.constant 3 : i32
      %add3A_252 = arith.addi %mul3A_250, %add3A_251 : i32
      %lt3A_253 = arith.cmpi slt, %add3A_252, %add3A_58 : i32
      %convert_element_type3A_254 = arith.extui %lt3A_253 : i1 to i32
      %cond3A_255 = arith.constant 0 : i32
      %cond3A_256 = arith.cmpi ne, %convert_element_type3A_254, %cond3A_255 : i32
      scf.if %cond3A_256 {
        %add3A_274 = arith.constant 1 : i32
        %add3A_275 = arith.addi %add3A_252, %add3A_274 : i32
        %lt3A_276 = arith.cmpi slt, %add3A_275, %add3A_58 : i32
        %convert_element_type3A_277 = arith.extui %lt3A_276 : i1 to i32
        %cond3A_278 = arith.constant 0 : i32
        %cond3A_279 = arith.cmpi ne, %convert_element_type3A_277, %cond3A_278 : i32
        scf.if %cond3A_279 {
          %dma_wait3A_350 = arith.constant 1 : i32
          %dma_wait3A_351 = arith.constant 0 : i32
          %dma_wait3A_352 = tpu.memref_slice %arg8[%dma_wait3A_350, %dma_wait3A_351] : memref<3x64xi32, #tpu.memory_space<vmem>> -> memref<1x64xi32, #tpu.memory_space<vmem>>
          %dma_wait3A_353 = tpu.memref_squeeze %dma_wait3A_352 : memref<1x64xi32, #tpu.memory_space<vmem>> -> memref<64xi32, #tpu.memory_space<vmem>>
          %dma_wait3A_354 = arith.constant 0 : i32
          %dma_wait3A_355 = tpu.memref_slice %arg5[%dma_wait3A_354] : memref<320000xi32, #tpu.memory_space<hbm>> -> memref<64xi32, #tpu.memory_space<hbm>>
          %dma_wait3A_356 = arith.constant 0 : i32
          %dma_wait3A_357 = tpu.memref_slice %arg8[%dma_wait3A_350, %dma_wait3A_356] : memref<3x64xi32, #tpu.memory_space<vmem>> -> memref<1x64xi32, #tpu.memory_space<vmem>>
          %dma_wait3A_358 = tpu.memref_squeeze %dma_wait3A_357 : memref<1x64xi32, #tpu.memory_space<vmem>> -> memref<64xi32, #tpu.memory_space<vmem>>
          %dma_wait3A_359 = arith.constant 0 : i32
          %dma_wait3A_360 = tpu.memref_slice %arg5[%dma_wait3A_359] : memref<320000xi32, #tpu.memory_space<hbm>> -> memref<64xi32, #tpu.memory_space<hbm>>
          tpu.wait_dma2 semaphore(%arg19 : memref<!tpu.dma_semaphore, #tpu.memory_space<semaphore_mem>>) src(%dma_wait3A_360 : memref<64xi32, #tpu.memory_space<hbm>>) dst(%dma_wait3A_358 : memref<64xi32, #tpu.memory_space<vmem>>)
          %dma_wait3A_361 = arith.constant 1 : i32
          %dma_wait3A_362 = arith.constant 0 : i32
          %dma_wait3A_363 = tpu.memref_slice %arg9[%dma_wait3A_361, %dma_wait3A_362] : memref<3x64xi32, #tpu.memory_space<vmem>> -> memref<1x64xi32, #tpu.memory_space<vmem>>
          %dma_wait3A_364 = tpu.memref_squeeze %dma_wait3A_363 : memref<1x64xi32, #tpu.memory_space<vmem>> -> memref<64xi32, #tpu.memory_space<vmem>>
          %dma_wait3A_365 = arith.constant 0 : i32
          %dma_wait3A_366 = tpu.memref_slice %arg6[%dma_wait3A_365] : memref<320000xi32, #tpu.memory_space<hbm>> -> memref<64xi32, #tpu.memory_space<hbm>>
          %dma_wait3A_367 = arith.constant 0 : i32
          %dma_wait3A_368 = tpu.memref_slice %arg9[%dma_wait3A_361, %dma_wait3A_367] : memref<3x64xi32, #tpu.memory_space<vmem>> -> memref<1x64xi32, #tpu.memory_space<vmem>>
          %dma_wait3A_369 = tpu.memref_squeeze %dma_wait3A_368 : memref<1x64xi32, #tpu.memory_space<vmem>> -> memref<64xi32, #tpu.memory_space<vmem>>
          %dma_wait3A_370 = arith.constant 0 : i32
          %dma_wait3A_371 = tpu.memref_slice %arg6[%dma_wait3A_370] : memref<320000xi32, #tpu.memory_space<hbm>> -> memref<64xi32, #tpu.memory_space<hbm>>
          tpu.wait_dma2 semaphore(%arg19 : memref<!tpu.dma_semaphore, #tpu.memory_space<semaphore_mem>>) src(%dma_wait3A_371 : memref<64xi32, #tpu.memory_space<hbm>>) dst(%dma_wait3A_369 : memref<64xi32, #tpu.memory_space<vmem>>)
          %ge3A = arith.constant 1 : i32
          %ge3A_372 = arith.cmpi sge, %add3A_252, %ge3A : i32
          %convert_element_type3A_373 = arith.extui %ge3A_372 : i1 to i32
          %cond3A_374 = arith.constant 0 : i32
          %cond3A_375 = arith.cmpi ne, %convert_element_type3A_373, %cond3A_374 : i32
          scf.if %cond3A_375 {
            %dma_wait3A_421 = arith.constant 0 : i32
            %dma_wait3A_422 = arith.constant 0 : i32
            %dma_wait3A_423 = arith.constant 0 : i32
            %dma_wait3A_424 = tpu.memref_slice %arg10[%dma_wait3A_421, %dma_wait3A_422, %dma_wait3A_423] : memref<2x64x128xf32, #tpu.memory_space<vmem>> -> memref<1x64x128xf32, #tpu.memory_space<vmem>>
            %dma_wait3A_425 = tpu.memref_squeeze %dma_wait3A_424 : memref<1x64x128xf32, #tpu.memory_space<vmem>> -> memref<64x128xf32, #tpu.memory_space<vmem>>
            %dma_wait3A_426 = arith.constant 0 : i32
            %dma_wait3A_427 = arith.constant 0 : i32
            %dma_wait3A_428 = tpu.memref_slice %arg2[%dma_wait3A_426, %dma_wait3A_427] : memref<10000x128xf32, #tpu.memory_space<hbm>> -> memref<64x128xf32, #tpu.memory_space<hbm>>
            %dma_wait3A_429 = arith.constant 0 : i32
            %dma_wait3A_430 = arith.constant 0 : i32
            %dma_wait3A_431 = tpu.memref_slice %arg10[%dma_wait3A_421, %dma_wait3A_429, %dma_wait3A_430] : memref<2x64x128xf32, #tpu.memory_space<vmem>> -> memref<1x64x128xf32, #tpu.memory_space<vmem>>
            %dma_wait3A_432 = tpu.memref_squeeze %dma_wait3A_431 : memref<1x64x128xf32, #tpu.memory_space<vmem>> -> memref<64x128xf32, #tpu.memory_space<vmem>>
            %dma_wait3A_433 = arith.constant 0 : i32
            %dma_wait3A_434 = arith.constant 0 : i32
            %dma_wait3A_435 = tpu.memref_slice %arg2[%dma_wait3A_433, %dma_wait3A_434] : memref<10000x128xf32, #tpu.memory_space<hbm>> -> memref<64x128xf32, #tpu.memory_space<hbm>>
            tpu.wait_dma2 semaphore(%arg16 : memref<!tpu.dma_semaphore, #tpu.memory_space<semaphore_mem>>) src(%dma_wait3A_435 : memref<64x128xf32, #tpu.memory_space<hbm>>) dst(%dma_wait3A_432 : memref<64x128xf32, #tpu.memory_space<vmem>>)
          } else {
          }
          %add3A_376 = arith.constant 1 : i32
          %add3A_377 = arith.addi %add3A_252, %add3A_376 : i32
          %mul3A_378 = arith.constant 16 : i32
          %mul3A_379 = arith.muli %mul3A_378, %add3A_377 : i32
          %add3A_380 = arith.addi %arg1, %mul3A_379 : i32
          %mul3A_381 = arith.constant 64 : i32
          %mul3A_382 = arith.muli %add3A_380, %mul3A_381 : i32
          %add3A_383 = arith.addi %mul3A_0, %mul3A_382 : i32
          %dma_start3A_384 = arith.constant 1 : i32
          %dma_start3A_385 = arith.constant 0 : i32
          %dma_start3A_386 = arith.constant 0 : i32
          %dma_start3A_387 = arith.constant 0 : i32
          %dma_start3A_388 = tpu.memref_slice %arg10[%dma_start3A_385, %dma_start3A_386, %dma_start3A_387] : memref<2x64x128xf32, #tpu.memory_space<vmem>> -> memref<1x64x128xf32, #tpu.memory_space<vmem>>
          %dma_start3A_389 = tpu.memref_squeeze %dma_start3A_388 : memref<1x64x128xf32, #tpu.memory_space<vmem>> -> memref<64x128xf32, #tpu.memory_space<vmem>>
          %dma_start3A_390 = arith.constant 0 : i32
          %dma_start3A_391 = tpu.memref_slice %arg8[%dma_start3A_384, %dma_start3A_390] : memref<3x64xi32, #tpu.memory_space<vmem>> -> memref<1x64xi32, #tpu.memory_space<vmem>>
          %dma_start3A_392 = tpu.memref_squeeze %dma_start3A_391 : memref<1x64xi32, #tpu.memory_space<vmem>> -> memref<64xi32, #tpu.memory_space<vmem>>
          %dma_start3A_393 = arith.constant 0 : i32
          %dma_start3A_394 = arith.constant 0 : i32
          %dma_start3A_395 = tpu.memref_slice %arg2[%dma_start3A_393, %dma_start3A_394] : memref<10000x128xf32, #tpu.memory_space<hbm>> -> memref<10000x128xf32, #tpu.memory_space<hbm>>
          tpu.enqueue_indirect_dma source(%dma_start3A_395 : memref<10000x128xf32, #tpu.memory_space<hbm>>) target(%dma_start3A_389 : memref<64x128xf32, #tpu.memory_space<vmem>>) offsets(%dma_start3A_392 : memref<64xi32, #tpu.memory_space<vmem>>) semaphore(%arg14 : memref<!tpu.dma_semaphore, #tpu.memory_space<semaphore_mem>>)
          %dma_start3A_396 = arith.constant 1 : i32
          %dma_start3A_397 = arith.constant 0 : i32
          %dma_start3A_398 = arith.constant 0 : i32
          %dma_start3A_399 = arith.constant 0 : i32
          %dma_start3A_400 = tpu.memref_slice %arg11[%dma_start3A_397, %dma_start3A_398, %dma_start3A_399] : memref<2x64x128xf32, #tpu.memory_space<vmem>> -> memref<1x64x128xf32, #tpu.memory_space<vmem>>
          %dma_start3A_401 = tpu.memref_squeeze %dma_start3A_400 : memref<1x64x128xf32, #tpu.memory_space<vmem>> -> memref<64x128xf32, #tpu.memory_space<vmem>>
          %dma_start3A_402 = arith.constant 0 : i32
          %dma_start3A_403 = tpu.memref_slice %arg9[%dma_start3A_396, %dma_start3A_402] : memref<3x64xi32, #tpu.memory_space<vmem>> -> memref<1x64xi32, #tpu.memory_space<vmem>>
          %dma_start3A_404 = tpu.memref_squeeze %dma_start3A_403 : memref<1x64xi32, #tpu.memory_space<vmem>> -> memref<64xi32, #tpu.memory_space<vmem>>
          %dma_start3A_405 = arith.constant 0 : i32
          %dma_start3A_406 = arith.constant 0 : i32
          %dma_start3A_407 = tpu.memref_slice %arg3[%dma_start3A_405, %dma_start3A_406] : memref<10000x128xf32, #tpu.memory_space<hbm>> -> memref<10000x128xf32, #tpu.memory_space<hbm>>
          tpu.enqueue_indirect_dma source(%dma_start3A_407 : memref<10000x128xf32, #tpu.memory_space<hbm>>) target(%dma_start3A_401 : memref<64x128xf32, #tpu.memory_space<vmem>>) offsets(%dma_start3A_404 : memref<64xi32, #tpu.memory_space<vmem>>) semaphore(%arg14 : memref<!tpu.dma_semaphore, #tpu.memory_space<semaphore_mem>>)
          %dma_start3A_408 = arith.constant 0 : i32
          %dma_start3A_409 = arith.constant 0 : i32
          %dma_start3A_410 = arith.constant 0 : i32
          %dma_start3A_411 = tpu.memref_slice %arg12[%dma_start3A_408, %dma_start3A_409, %dma_start3A_410] : memref<2x64x64xi32, #tpu.memory_space<vmem>> -> memref<1x64x64xi32, #tpu.memory_space<vmem>>
          %dma_start3A_412 = tpu.memref_squeeze %dma_start3A_411 : memref<1x64x64xi32, #tpu.memory_space<vmem>> -> memref<64x64xi32, #tpu.memory_space<vmem>>
          %dma_start3A_413 = arith.constant 0 : i32
          %dma_start3A_414 = tpu.memref_slice %arg4[%add3A_383, %dma_start3A_413] : memref<320000x64xi32, #tpu.memory_space<hbm>> -> memref<64x64xi32, #tpu.memory_space<hbm>>
          %dma_start3A_415 = arith.constant 0 : i32
          %dma_start3A_416 = arith.constant 0 : i32
          %dma_start3A_417 = tpu.memref_slice %arg12[%dma_start3A_408, %dma_start3A_415, %dma_start3A_416] : memref<2x64x64xi32, #tpu.memory_space<vmem>> -> memref<1x64x64xi32, #tpu.memory_space<vmem>>
          %dma_start3A_418 = tpu.memref_squeeze %dma_start3A_417 : memref<1x64x64xi32, #tpu.memory_space<vmem>> -> memref<64x64xi32, #tpu.memory_space<vmem>>
          %dma_start3A_419 = arith.constant 0 : i32
          %dma_start3A_420 = tpu.memref_slice %arg4[%add3A_383, %dma_start3A_419] : memref<320000x64xi32, #tpu.memory_space<hbm>> -> memref<64x64xi32, #tpu.memory_space<hbm>>
          tpu.enqueue_dma source(%dma_start3A_420 : memref<64x64xi32, #tpu.memory_space<hbm>>) target(%dma_start3A_418 : memref<64x64xi32, #tpu.memory_space<vmem>>) target_semaphore(%arg14 : memref<!tpu.dma_semaphore, #tpu.memory_space<semaphore_mem>>)
        } else {
        }
        %add3A_280 = arith.constant 2 : i32
        %add3A_281 = arith.addi %add3A_252, %add3A_280 : i32
        %lt3A_282 = arith.cmpi slt, %add3A_281, %add3A_58 : i32
        %convert_element_type3A_283 = arith.extui %lt3A_282 : i1 to i32
        %cond3A_284 = arith.constant 0 : i32
        %cond3A_285 = arith.cmpi ne, %convert_element_type3A_283, %cond3A_284 : i32
        scf.if %cond3A_285 {
          %add3A_350 = arith.constant 2 : i32
          %add3A_351 = arith.addi %add3A_252, %add3A_350 : i32
          %mul3A_352 = arith.constant 16 : i32
          %mul3A_353 = arith.muli %mul3A_352, %add3A_351 : i32
          %add3A_354 = arith.addi %arg1, %mul3A_353 : i32
          %mul3A_355 = arith.constant 64 : i32
          %mul3A_356 = arith.muli %add3A_354, %mul3A_355 : i32
          %add3A_357 = arith.addi %mul3A_0, %mul3A_356 : i32
          %dma_start3A_358 = arith.constant 2 : i32
          %dma_start3A_359 = arith.constant 0 : i32
          %dma_start3A_360 = tpu.memref_slice %arg8[%dma_start3A_358, %dma_start3A_359] : memref<3x64xi32, #tpu.memory_space<vmem>> -> memref<1x64xi32, #tpu.memory_space<vmem>>
          %dma_start3A_361 = tpu.memref_squeeze %dma_start3A_360 : memref<1x64xi32, #tpu.memory_space<vmem>> -> memref<64xi32, #tpu.memory_space<vmem>>
          %dma_start3A_362 = tpu.memref_slice %arg5[%add3A_357] : memref<320000xi32, #tpu.memory_space<hbm>> -> memref<64xi32, #tpu.memory_space<hbm>>
          %dma_start3A_363 = arith.constant 0 : i32
          %dma_start3A_364 = tpu.memref_slice %arg8[%dma_start3A_358, %dma_start3A_363] : memref<3x64xi32, #tpu.memory_space<vmem>> -> memref<1x64xi32, #tpu.memory_space<vmem>>
          %dma_start3A_365 = tpu.memref_squeeze %dma_start3A_364 : memref<1x64xi32, #tpu.memory_space<vmem>> -> memref<64xi32, #tpu.memory_space<vmem>>
          %dma_start3A_366 = tpu.memref_slice %arg5[%add3A_357] : memref<320000xi32, #tpu.memory_space<hbm>> -> memref<64xi32, #tpu.memory_space<hbm>>
          tpu.enqueue_dma source(%dma_start3A_366 : memref<64xi32, #tpu.memory_space<hbm>>) target(%dma_start3A_365 : memref<64xi32, #tpu.memory_space<vmem>>) target_semaphore(%arg20 : memref<!tpu.dma_semaphore, #tpu.memory_space<semaphore_mem>>)
          %dma_start3A_367 = arith.constant 2 : i32
          %dma_start3A_368 = arith.constant 0 : i32
          %dma_start3A_369 = tpu.memref_slice %arg9[%dma_start3A_367, %dma_start3A_368] : memref<3x64xi32, #tpu.memory_space<vmem>> -> memref<1x64xi32, #tpu.memory_space<vmem>>
          %dma_start3A_370 = tpu.memref_squeeze %dma_start3A_369 : memref<1x64xi32, #tpu.memory_space<vmem>> -> memref<64xi32, #tpu.memory_space<vmem>>
          %dma_start3A_371 = tpu.memref_slice %arg6[%add3A_357] : memref<320000xi32, #tpu.memory_space<hbm>> -> memref<64xi32, #tpu.memory_space<hbm>>
          %dma_start3A_372 = arith.constant 0 : i32
          %dma_start3A_373 = tpu.memref_slice %arg9[%dma_start3A_367, %dma_start3A_372] : memref<3x64xi32, #tpu.memory_space<vmem>> -> memref<1x64xi32, #tpu.memory_space<vmem>>
          %dma_start3A_374 = tpu.memref_squeeze %dma_start3A_373 : memref<1x64xi32, #tpu.memory_space<vmem>> -> memref<64xi32, #tpu.memory_space<vmem>>
          %dma_start3A_375 = tpu.memref_slice %arg6[%add3A_357] : memref<320000xi32, #tpu.memory_space<hbm>> -> memref<64xi32, #tpu.memory_space<hbm>>
          tpu.enqueue_dma source(%dma_start3A_375 : memref<64xi32, #tpu.memory_space<hbm>>) target(%dma_start3A_374 : memref<64xi32, #tpu.memory_space<vmem>>) target_semaphore(%arg20 : memref<!tpu.dma_semaphore, #tpu.memory_space<semaphore_mem>>)
        } else {
        }
        %dma_wait3A_286 = arith.constant 1 : i32
        %dma_wait3A_287 = arith.constant 0 : i32
        %dma_wait3A_288 = arith.constant 0 : i32
        %dma_wait3A_289 = tpu.memref_slice %arg10[%dma_wait3A_286, %dma_wait3A_287, %dma_wait3A_288] : memref<2x64x128xf32, #tpu.memory_space<vmem>> -> memref<1x64x128xf32, #tpu.memory_space<vmem>>
        %dma_wait3A_290 = tpu.memref_squeeze %dma_wait3A_289 : memref<1x64x128xf32, #tpu.memory_space<vmem>> -> memref<64x128xf32, #tpu.memory_space<vmem>>
        %dma_wait3A_291 = arith.constant 0 : i32
        %dma_wait3A_292 = arith.constant 0 : i32
        %dma_wait3A_293 = tpu.memref_slice %arg2[%dma_wait3A_291, %dma_wait3A_292] : memref<10000x128xf32, #tpu.memory_space<hbm>> -> memref<64x128xf32, #tpu.memory_space<hbm>>
        %dma_wait3A_294 = arith.constant 0 : i32
        %dma_wait3A_295 = arith.constant 0 : i32
        %dma_wait3A_296 = tpu.memref_slice %arg10[%dma_wait3A_286, %dma_wait3A_294, %dma_wait3A_295] : memref<2x64x128xf32, #tpu.memory_space<vmem>> -> memref<1x64x128xf32, #tpu.memory_space<vmem>>
        %dma_wait3A_297 = tpu.memref_squeeze %dma_wait3A_296 : memref<1x64x128xf32, #tpu.memory_space<vmem>> -> memref<64x128xf32, #tpu.memory_space<vmem>>
        %dma_wait3A_298 = arith.constant 0 : i32
        %dma_wait3A_299 = arith.constant 0 : i32
        %dma_wait3A_300 = tpu.memref_slice %arg2[%dma_wait3A_298, %dma_wait3A_299] : memref<10000x128xf32, #tpu.memory_space<hbm>> -> memref<64x128xf32, #tpu.memory_space<hbm>>
        tpu.wait_dma2 semaphore(%arg15 : memref<!tpu.dma_semaphore, #tpu.memory_space<semaphore_mem>>) src(%dma_wait3A_300 : memref<64x128xf32, #tpu.memory_space<hbm>>) dst(%dma_wait3A_297 : memref<64x128xf32, #tpu.memory_space<vmem>>)
        %dma_wait3A_301 = arith.constant 1 : i32
        %dma_wait3A_302 = arith.constant 0 : i32
        %dma_wait3A_303 = arith.constant 0 : i32
        %dma_wait3A_304 = tpu.memref_slice %arg11[%dma_wait3A_301, %dma_wait3A_302, %dma_wait3A_303] : memref<2x64x128xf32, #tpu.memory_space<vmem>> -> memref<1x64x128xf32, #tpu.memory_space<vmem>>
        %dma_wait3A_305 = tpu.memref_squeeze %dma_wait3A_304 : memref<1x64x128xf32, #tpu.memory_space<vmem>> -> memref<64x128xf32, #tpu.memory_space<vmem>>
        %dma_wait3A_306 = arith.constant 0 : i32
        %dma_wait3A_307 = arith.constant 0 : i32
        %dma_wait3A_308 = tpu.memref_slice %arg2[%dma_wait3A_306, %dma_wait3A_307] : memref<10000x128xf32, #tpu.memory_space<hbm>> -> memref<64x128xf32, #tpu.memory_space<hbm>>
        %dma_wait3A_309 = arith.constant 0 : i32
        %dma_wait3A_310 = arith.constant 0 : i32
        %dma_wait3A_311 = tpu.memref_slice %arg11[%dma_wait3A_301, %dma_wait3A_309, %dma_wait3A_310] : memref<2x64x128xf32, #tpu.memory_space<vmem>> -> memref<1x64x128xf32, #tpu.memory_space<vmem>>
        %dma_wait3A_312 = tpu.memref_squeeze %dma_wait3A_311 : memref<1x64x128xf32, #tpu.memory_space<vmem>> -> memref<64x128xf32, #tpu.memory_space<vmem>>
        %dma_wait3A_313 = arith.constant 0 : i32
        %dma_wait3A_314 = arith.constant 0 : i32
        %dma_wait3A_315 = tpu.memref_slice %arg2[%dma_wait3A_313, %dma_wait3A_314] : memref<10000x128xf32, #tpu.memory_space<hbm>> -> memref<64x128xf32, #tpu.memory_space<hbm>>
        tpu.wait_dma2 semaphore(%arg15 : memref<!tpu.dma_semaphore, #tpu.memory_space<semaphore_mem>>) src(%dma_wait3A_315 : memref<64x128xf32, #tpu.memory_space<hbm>>) dst(%dma_wait3A_312 : memref<64x128xf32, #tpu.memory_space<vmem>>)
        %dma_wait3A_316 = arith.constant 1 : i32
        %dma_wait3A_317 = arith.constant 0 : i32
        %dma_wait3A_318 = arith.constant 0 : i32
        %dma_wait3A_319 = tpu.memref_slice %arg12[%dma_wait3A_316, %dma_wait3A_317, %dma_wait3A_318] : memref<2x64x64xi32, #tpu.memory_space<vmem>> -> memref<1x64x64xi32, #tpu.memory_space<vmem>>
        %dma_wait3A_320 = tpu.memref_squeeze %dma_wait3A_319 : memref<1x64x64xi32, #tpu.memory_space<vmem>> -> memref<64x64xi32, #tpu.memory_space<vmem>>
        %dma_wait3A_321 = arith.constant 0 : i32
        %dma_wait3A_322 = arith.constant 0 : i32
        %dma_wait3A_323 = tpu.memref_slice %arg4[%dma_wait3A_321, %dma_wait3A_322] : memref<320000x64xi32, #tpu.memory_space<hbm>> -> memref<64x64xi32, #tpu.memory_space<hbm>>
        %dma_wait3A_324 = arith.constant 0 : i32
        %dma_wait3A_325 = arith.constant 0 : i32
        %dma_wait3A_326 = tpu.memref_slice %arg12[%dma_wait3A_316, %dma_wait3A_324, %dma_wait3A_325] : memref<2x64x64xi32, #tpu.memory_space<vmem>> -> memref<1x64x64xi32, #tpu.memory_space<vmem>>
        %dma_wait3A_327 = tpu.memref_squeeze %dma_wait3A_326 : memref<1x64x64xi32, #tpu.memory_space<vmem>> -> memref<64x64xi32, #tpu.memory_space<vmem>>
        %dma_wait3A_328 = arith.constant 0 : i32
        %dma_wait3A_329 = arith.constant 0 : i32
        %dma_wait3A_330 = tpu.memref_slice %arg4[%dma_wait3A_328, %dma_wait3A_329] : memref<320000x64xi32, #tpu.memory_space<hbm>> -> memref<64x64xi32, #tpu.memory_space<hbm>>
        tpu.wait_dma2 semaphore(%arg15 : memref<!tpu.dma_semaphore, #tpu.memory_space<semaphore_mem>>) src(%dma_wait3A_330 : memref<64x64xi32, #tpu.memory_space<hbm>>) dst(%dma_wait3A_327 : memref<64x64xi32, #tpu.memory_space<vmem>>)
        %scan3A_331 = arith.constant 0 : i32
        %scan3A_332 = arith.constant 0 : i32
        %scan3A_333 = arith.constant 64 : i32
        %scan3A_334 = arith.addi %scan3A_332, %scan3A_333 : i32
        %scan3A_335 = arith.constant 1 : i32
        %scan3A_336 = scf.for %scan3A_350 = %scan3A_332 to %scan3A_334 step %scan3A_335 iter_args(%scan3A_351 = %scan3A_331) -> (i32)  : i32 {
          %get3A = arith.constant 1 : i32
          %get3A_352 = arith.index_cast %get3A : i32 to index
          %get3A_353 = arith.index_cast %scan3A_350 : i32 to index
          %get3A_354 = arith.constant 0 : index
          %get3A_355 = tpu.vector_load %arg12[%get3A_352, %get3A_353, %get3A_354] {strides = array<i32>} : memref<2x64x64xi32, #tpu.memory_space<vmem>>, vector<1x1x16xi32>,
          %get3A_356 = vector.shape_cast %get3A_355 : vector<1x1x16xi32> to vector<16xi32>
          %shift_left3A = arith.constant 16 : i32
          %shift_left3A_357 = vector.broadcast %shift_left3A : i32 to vector<16xi32>
          %shift_left3A_358 = arith.shli %get3A_356, %shift_left3A_357 : vector<16xi32>
          %bitcast_convert_type3A = tpu.bitcast %shift_left3A_358 : vector<16xi32> -> vector<16xf32>
          %and3A = arith.constant -65536 : i32
          %and3A_359 = vector.broadcast %and3A : i32 to vector<16xi32>
          %and3A_360 = arith.andi %get3A_356, %and3A_359 : vector<16xi32>
          %bitcast_convert_type3A_361 = tpu.bitcast %and3A_360 : vector<16xi32> -> vector<16xf32>
          %get3A_362 = arith.constant 1 : i32
          %get3A_363 = arith.index_cast %get3A_362 : i32 to index
          %get3A_364 = arith.index_cast %scan3A_350 : i32 to index
          %get3A_365 = arith.constant 0 : index
          %get3A_366 = tpu.vector_load %arg10[%get3A_363, %get3A_364, %get3A_365] {strides = array<i32>} : memref<2x64x128xf32, #tpu.memory_space<vmem>>, vector<1x1x16xf32>,
          %get3A_367 = vector.shape_cast %get3A_366 : vector<1x1x16xf32> to vector<16xf32>
          %get3A_368 = arith.constant 1 : i32
          %get3A_369 = arith.index_cast %get3A_368 : i32 to index
          %get3A_370 = arith.index_cast %scan3A_350 : i32 to index
          %get3A_371 = arith.constant 0 : index
          %get3A_372 = tpu.vector_load %arg11[%get3A_369, %get3A_370, %get3A_371] {strides = array<i32>} : memref<2x64x128xf32, #tpu.memory_space<vmem>>, vector<1x1x16xf32>,
          %get3A_373 = vector.shape_cast %get3A_372 : vector<1x1x16xf32> to vector<16xf32>
          %add3A_374 = arith.addf %get3A_367, %get3A_373 : vector<16xf32>
          %add3A_375 = arith.addf %add3A_374, %bitcast_convert_type3A : vector<16xf32>
          %get3A_376 = arith.constant 1 : i32
          %get3A_377 = arith.index_cast %get3A_376 : i32 to index
          %get3A_378 = arith.index_cast %scan3A_350 : i32 to index
          %get3A_379 = arith.constant 16 : index
          %get3A_380 = tpu.vector_load %arg10[%get3A_377, %get3A_378, %get3A_379] {strides = array<i32>} : memref<2x64x128xf32, #tpu.memory_space<vmem>>, vector<1x1x16xf32>,
          %get3A_381 = vector.shape_cast %get3A_380 : vector<1x1x16xf32> to vector<16xf32>
          %get3A_382 = arith.constant 1 : i32
          %get3A_383 = arith.index_cast %get3A_382 : i32 to index
          %get3A_384 = arith.index_cast %scan3A_350 : i32 to index
          %get3A_385 = arith.constant 16 : index
          %get3A_386 = tpu.vector_load %arg11[%get3A_383, %get3A_384, %get3A_385] {strides = array<i32>} : memref<2x64x128xf32, #tpu.memory_space<vmem>>, vector<1x1x16xf32>,
          %get3A_387 = vector.shape_cast %get3A_386 : vector<1x1x16xf32> to vector<16xf32>
          %add3A_388 = arith.addf %get3A_381, %get3A_387 : vector<16xf32>
          %add3A_389 = arith.addf %add3A_388, %bitcast_convert_type3A_361 : vector<16xf32>
          %max3A = arith.constant 0.000000e+00 : f32
          %max3A_390 = vector.broadcast %max3A : f32 to vector<16xf32>
          %max3A_391 = arith.maximumf %add3A_375, %max3A_390 : vector<16xf32>
          %swap3A = arith.constant 1 : i32
          %swap3A_392 = arith.index_cast %swap3A : i32 to index
          %swap3A_393 = arith.index_cast %scan3A_350 : i32 to index
          %swap3A_394 = arith.constant 0 : index
          %swap3A_395 = tpu.vector_load %arg10[%swap3A_392, %swap3A_393, %swap3A_394] {strides = array<i32>} : memref<2x64x128xf32, #tpu.memory_space<vmem>>, vector<1x1x16xf32>,
          %swap3A_396 = vector.shape_cast %swap3A_395 : vector<1x1x16xf32> to vector<16xf32>
          %swap3A_397 = vector.shape_cast %max3A_391 : vector<16xf32> to vector<1x1x16xf32>
          tpu.vector_store %arg10[%swap3A_392, %swap3A_393, %swap3A_394], %swap3A_397 {strides = array<i32>} : memref<2x64x128xf32, #tpu.memory_space<vmem>>, vector<1x1x16xf32>,
          %max3A_398 = arith.constant 0.000000e+00 : f32
          %max3A_399 = vector.broadcast %max3A_398 : f32 to vector<16xf32>
          %max3A_400 = arith.maximumf %add3A_389, %max3A_399 : vector<16xf32>
          %swap3A_401 = arith.constant 1 : i32
          %swap3A_402 = arith.index_cast %swap3A_401 : i32 to index
          %swap3A_403 = arith.index_cast %scan3A_350 : i32 to index
          %swap3A_404 = arith.constant 16 : index
          %swap3A_405 = tpu.vector_load %arg10[%swap3A_402, %swap3A_403, %swap3A_404] {strides = array<i32>} : memref<2x64x128xf32, #tpu.memory_space<vmem>>, vector<1x1x16xf32>,
          %swap3A_406 = vector.shape_cast %swap3A_405 : vector<1x1x16xf32> to vector<16xf32>
          %swap3A_407 = vector.shape_cast %max3A_400 : vector<16xf32> to vector<1x1x16xf32>
          tpu.vector_store %arg10[%swap3A_402, %swap3A_403, %swap3A_404], %swap3A_407 {strides = array<i32>} : memref<2x64x128xf32, #tpu.memory_space<vmem>>, vector<1x1x16xf32>,
          %get3A_408 = arith.constant 1 : i32
          %get3A_409 = arith.index_cast %get3A_408 : i32 to index
          %get3A_410 = arith.index_cast %scan3A_350 : i32 to index
          %get3A_411 = arith.constant 16 : index
          %get3A_412 = tpu.vector_load %arg12[%get3A_409, %get3A_410, %get3A_411] {strides = array<i32>} : memref<2x64x64xi32, #tpu.memory_space<vmem>>, vector<1x1x16xi32>,
          %get3A_413 = vector.shape_cast %get3A_412 : vector<1x1x16xi32> to vector<16xi32>
          %shift_left3A_414 = arith.constant 16 : i32
          %shift_left3A_415 = vector.broadcast %shift_left3A_414 : i32 to vector<16xi32>
          %shift_left3A_416 = arith.shli %get3A_413, %shift_left3A_415 : vector<16xi32>
          %bitcast_convert_type3A_417 = tpu.bitcast %shift_left3A_416 : vector<16xi32> -> vector<16xf32>
          %and3A_418 = arith.constant -65536 : i32
          %and3A_419 = vector.broadcast %and3A_418 : i32 to vector<16xi32>
          %and3A_420 = arith.andi %get3A_413, %and3A_419 : vector<16xi32>
          %bitcast_convert_type3A_421 = tpu.bitcast %and3A_420 : vector<16xi32> -> vector<16xf32>
          %get3A_422 = arith.constant 1 : i32
          %get3A_423 = arith.index_cast %get3A_422 : i32 to index
          %get3A_424 = arith.index_cast %scan3A_350 : i32 to index
          %get3A_425 = arith.constant 32 : index
          %get3A_426 = tpu.vector_load %arg10[%get3A_423, %get3A_424, %get3A_425] {strides = array<i32>} : memref<2x64x128xf32, #tpu.memory_space<vmem>>, vector<1x1x16xf32>,
          %get3A_427 = vector.shape_cast %get3A_426 : vector<1x1x16xf32> to vector<16xf32>
          %get3A_428 = arith.constant 1 : i32
          %get3A_429 = arith.index_cast %get3A_428 : i32 to index
          %get3A_430 = arith.index_cast %scan3A_350 : i32 to index
          %get3A_431 = arith.constant 32 : index
          %get3A_432 = tpu.vector_load %arg11[%get3A_429, %get3A_430, %get3A_431] {strides = array<i32>} : memref<2x64x128xf32, #tpu.memory_space<vmem>>, vector<1x1x16xf32>,
          %get3A_433 = vector.shape_cast %get3A_432 : vector<1x1x16xf32> to vector<16xf32>
          %add3A_434 = arith.addf %get3A_427, %get3A_433 : vector<16xf32>
          %add3A_435 = arith.addf %add3A_434, %bitcast_convert_type3A_417 : vector<16xf32>
          %get3A_436 = arith.constant 1 : i32
          %get3A_437 = arith.index_cast %get3A_436 : i32 to index
          %get3A_438 = arith.index_cast %scan3A_350 : i32 to index
          %get3A_439 = arith.constant 48 : index
          %get3A_440 = tpu.vector_load %arg10[%get3A_437, %get3A_438, %get3A_439] {strides = array<i32>} : memref<2x64x128xf32, #tpu.memory_space<vmem>>, vector<1x1x16xf32>,
          %get3A_441 = vector.shape_cast %get3A_440 : vector<1x1x16xf32> to vector<16xf32>
          %get3A_442 = arith.constant 1 : i32
          %get3A_443 = arith.index_cast %get3A_442 : i32 to index
          %get3A_444 = arith.index_cast %scan3A_350 : i32 to index
          %get3A_445 = arith.constant 48 : index
          %get3A_446 = tpu.vector_load %arg11[%get3A_443, %get3A_444, %get3A_445] {strides = array<i32>} : memref<2x64x128xf32, #tpu.memory_space<vmem>>, vector<1x1x16xf32>,
          %get3A_447 = vector.shape_cast %get3A_446 : vector<1x1x16xf32> to vector<16xf32>
          %add3A_448 = arith.addf %get3A_441, %get3A_447 : vector<16xf32>
          %add3A_449 = arith.addf %add3A_448, %bitcast_convert_type3A_421 : vector<16xf32>
          %max3A_450 = arith.constant 0.000000e+00 : f32
          %max3A_451 = vector.broadcast %max3A_450 : f32 to vector<16xf32>
          %max3A_452 = arith.maximumf %add3A_435, %max3A_451 : vector<16xf32>
          %swap3A_453 = arith.constant 1 : i32
          %swap3A_454 = arith.index_cast %swap3A_453 : i32 to index
          %swap3A_455 = arith.index_cast %scan3A_350 : i32 to index
          %swap3A_456 = arith.constant 32 : index
          %swap3A_457 = tpu.vector_load %arg10[%swap3A_454, %swap3A_455, %swap3A_456] {strides = array<i32>} : memref<2x64x128xf32, #tpu.memory_space<vmem>>, vector<1x1x16xf32>,
          %swap3A_458 = vector.shape_cast %swap3A_457 : vector<1x1x16xf32> to vector<16xf32>
          %swap3A_459 = vector.shape_cast %max3A_452 : vector<16xf32> to vector<1x1x16xf32>
          tpu.vector_store %arg10[%swap3A_454, %swap3A_455, %swap3A_456], %swap3A_459 {strides = array<i32>} : memref<2x64x128xf32, #tpu.memory_space<vmem>>, vector<1x1x16xf32>,
          %max3A_460 = arith.constant 0.000000e+00 : f32
          %max3A_461 = vector.broadcast %max3A_460 : f32 to vector<16xf32>
          %max3A_462 = arith.maximumf %add3A_449, %max3A_461 : vector<16xf32>
          %swap3A_463 = arith.constant 1 : i32
          %swap3A_464 = arith.index_cast %swap3A_463 : i32 to index
          %swap3A_465 = arith.index_cast %scan3A_350 : i32 to index
          %swap3A_466 = arith.constant 48 : index
          %swap3A_467 = tpu.vector_load %arg10[%swap3A_464, %swap3A_465, %swap3A_466] {strides = array<i32>} : memref<2x64x128xf32, #tpu.memory_space<vmem>>, vector<1x1x16xf32>,
          %swap3A_468 = vector.shape_cast %swap3A_467 : vector<1x1x16xf32> to vector<16xf32>
          %swap3A_469 = vector.shape_cast %max3A_462 : vector<16xf32> to vector<1x1x16xf32>
          tpu.vector_store %arg10[%swap3A_464, %swap3A_465, %swap3A_466], %swap3A_469 {strides = array<i32>} : memref<2x64x128xf32, #tpu.memory_space<vmem>>, vector<1x1x16xf32>,
          %get3A_470 = arith.constant 1 : i32
          %get3A_471 = arith.index_cast %get3A_470 : i32 to index
          %get3A_472 = arith.index_cast %scan3A_350 : i32 to index
          %get3A_473 = arith.constant 32 : index
          %get3A_474 = tpu.vector_load %arg12[%get3A_471, %get3A_472, %get3A_473] {strides = array<i32>} : memref<2x64x64xi32, #tpu.memory_space<vmem>>, vector<1x1x16xi32>,
          %get3A_475 = vector.shape_cast %get3A_474 : vector<1x1x16xi32> to vector<16xi32>
          %shift_left3A_476 = arith.constant 16 : i32
          %shift_left3A_477 = vector.broadcast %shift_left3A_476 : i32 to vector<16xi32>
          %shift_left3A_478 = arith.shli %get3A_475, %shift_left3A_477 : vector<16xi32>
          %bitcast_convert_type3A_479 = tpu.bitcast %shift_left3A_478 : vector<16xi32> -> vector<16xf32>
          %and3A_480 = arith.constant -65536 : i32
          %and3A_481 = vector.broadcast %and3A_480 : i32 to vector<16xi32>
          %and3A_482 = arith.andi %get3A_475, %and3A_481 : vector<16xi32>
          %bitcast_convert_type3A_483 = tpu.bitcast %and3A_482 : vector<16xi32> -> vector<16xf32>
          %get3A_484 = arith.constant 1 : i32
          %get3A_485 = arith.index_cast %get3A_484 : i32 to index
          %get3A_486 = arith.index_cast %scan3A_350 : i32 to index
          %get3A_487 = arith.constant 64 : index
          %get3A_488 = tpu.vector_load %arg10[%get3A_485, %get3A_486, %get3A_487] {strides = array<i32>} : memref<2x64x128xf32, #tpu.memory_space<vmem>>, vector<1x1x16xf32>,
          %get3A_489 = vector.shape_cast %get3A_488 : vector<1x1x16xf32> to vector<16xf32>
          %get3A_490 = arith.constant 1 : i32
          %get3A_491 = arith.index_cast %get3A_490 : i32 to index
          %get3A_492 = arith.index_cast %scan3A_350 : i32 to index
          %get3A_493 = arith.constant 64 : index
          %get3A_494 = tpu.vector_load %arg11[%get3A_491, %get3A_492, %get3A_493] {strides = array<i32>} : memref<2x64x128xf32, #tpu.memory_space<vmem>>, vector<1x1x16xf32>,
          %get3A_495 = vector.shape_cast %get3A_494 : vector<1x1x16xf32> to vector<16xf32>
          %add3A_496 = arith.addf %get3A_489, %get3A_495 : vector<16xf32>
          %add3A_497 = arith.addf %add3A_496, %bitcast_convert_type3A_479 : vector<16xf32>
          %get3A_498 = arith.constant 1 : i32
          %get3A_499 = arith.index_cast %get3A_498 : i32 to index
          %get3A_500 = arith.index_cast %scan3A_350 : i32 to index
          %get3A_501 = arith.constant 80 : index
          %get3A_502 = tpu.vector_load %arg10[%get3A_499, %get3A_500, %get3A_501] {strides = array<i32>} : memref<2x64x128xf32, #tpu.memory_space<vmem>>, vector<1x1x16xf32>,
          %get3A_503 = vector.shape_cast %get3A_502 : vector<1x1x16xf32> to vector<16xf32>
          %get3A_504 = arith.constant 1 : i32
          %get3A_505 = arith.index_cast %get3A_504 : i32 to index
          %get3A_506 = arith.index_cast %scan3A_350 : i32 to index
          %get3A_507 = arith.constant 80 : index
          %get3A_508 = tpu.vector_load %arg11[%get3A_505, %get3A_506, %get3A_507] {strides = array<i32>} : memref<2x64x128xf32, #tpu.memory_space<vmem>>, vector<1x1x16xf32>,
          %get3A_509 = vector.shape_cast %get3A_508 : vector<1x1x16xf32> to vector<16xf32>
          %add3A_510 = arith.addf %get3A_503, %get3A_509 : vector<16xf32>
          %add3A_511 = arith.addf %add3A_510, %bitcast_convert_type3A_483 : vector<16xf32>
          %max3A_512 = arith.constant 0.000000e+00 : f32
          %max3A_513 = vector.broadcast %max3A_512 : f32 to vector<16xf32>
          %max3A_514 = arith.maximumf %add3A_497, %max3A_513 : vector<16xf32>
          %swap3A_515 = arith.constant 1 : i32
          %swap3A_516 = arith.index_cast %swap3A_515 : i32 to index
          %swap3A_517 = arith.index_cast %scan3A_350 : i32 to index
          %swap3A_518 = arith.constant 64 : index
          %swap3A_519 = tpu.vector_load %arg10[%swap3A_516, %swap3A_517, %swap3A_518] {strides = array<i32>} : memref<2x64x128xf32, #tpu.memory_space<vmem>>, vector<1x1x16xf32>,
          %swap3A_520 = vector.shape_cast %swap3A_519 : vector<1x1x16xf32> to vector<16xf32>
          %swap3A_521 = vector.shape_cast %max3A_514 : vector<16xf32> to vector<1x1x16xf32>
          tpu.vector_store %arg10[%swap3A_516, %swap3A_517, %swap3A_518], %swap3A_521 {strides = array<i32>} : memref<2x64x128xf32, #tpu.memory_space<vmem>>, vector<1x1x16xf32>,
          %max3A_522 = arith.constant 0.000000e+00 : f32
          %max3A_523 = vector.broadcast %max3A_522 : f32 to vector<16xf32>
          %max3A_524 = arith.maximumf %add3A_511, %max3A_523 : vector<16xf32>
          %swap3A_525 = arith.constant 1 : i32
          %swap3A_526 = arith.index_cast %swap3A_525 : i32 to index
          %swap3A_527 = arith.index_cast %scan3A_350 : i32 to index
          %swap3A_528 = arith.constant 80 : index
          %swap3A_529 = tpu.vector_load %arg10[%swap3A_526, %swap3A_527, %swap3A_528] {strides = array<i32>} : memref<2x64x128xf32, #tpu.memory_space<vmem>>, vector<1x1x16xf32>,
          %swap3A_530 = vector.shape_cast %swap3A_529 : vector<1x1x16xf32> to vector<16xf32>
          %swap3A_531 = vector.shape_cast %max3A_524 : vector<16xf32> to vector<1x1x16xf32>
          tpu.vector_store %arg10[%swap3A_526, %swap3A_527, %swap3A_528], %swap3A_531 {strides = array<i32>} : memref<2x64x128xf32, #tpu.memory_space<vmem>>, vector<1x1x16xf32>,
          %get3A_532 = arith.constant 1 : i32
          %get3A_533 = arith.index_cast %get3A_532 : i32 to index
          %get3A_534 = arith.index_cast %scan3A_350 : i32 to index
          %get3A_535 = arith.constant 48 : index
          %get3A_536 = tpu.vector_load %arg12[%get3A_533, %get3A_534, %get3A_535] {strides = array<i32>} : memref<2x64x64xi32, #tpu.memory_space<vmem>>, vector<1x1x16xi32>,
          %get3A_537 = vector.shape_cast %get3A_536 : vector<1x1x16xi32> to vector<16xi32>
          %shift_left3A_538 = arith.constant 16 : i32
          %shift_left3A_539 = vector.broadcast %shift_left3A_538 : i32 to vector<16xi32>
          %shift_left3A_540 = arith.shli %get3A_537, %shift_left3A_539 : vector<16xi32>
          %bitcast_convert_type3A_541 = tpu.bitcast %shift_left3A_540 : vector<16xi32> -> vector<16xf32>
          %and3A_542 = arith.constant -65536 : i32
          %and3A_543 = vector.broadcast %and3A_542 : i32 to vector<16xi32>
          %and3A_544 = arith.andi %get3A_537, %and3A_543 : vector<16xi32>
          %bitcast_convert_type3A_545 = tpu.bitcast %and3A_544 : vector<16xi32> -> vector<16xf32>
          %get3A_546 = arith.constant 1 : i32
          %get3A_547 = arith.index_cast %get3A_546 : i32 to index
          %get3A_548 = arith.index_cast %scan3A_350 : i32 to index
          %get3A_549 = arith.constant 96 : index
          %get3A_550 = tpu.vector_load %arg10[%get3A_547, %get3A_548, %get3A_549] {strides = array<i32>} : memref<2x64x128xf32, #tpu.memory_space<vmem>>, vector<1x1x16xf32>,
          %get3A_551 = vector.shape_cast %get3A_550 : vector<1x1x16xf32> to vector<16xf32>
          %get3A_552 = arith.constant 1 : i32
          %get3A_553 = arith.index_cast %get3A_552 : i32 to index
          %get3A_554 = arith.index_cast %scan3A_350 : i32 to index
          %get3A_555 = arith.constant 96 : index
          %get3A_556 = tpu.vector_load %arg11[%get3A_553, %get3A_554, %get3A_555] {strides = array<i32>} : memref<2x64x128xf32, #tpu.memory_space<vmem>>, vector<1x1x16xf32>,
          %get3A_557 = vector.shape_cast %get3A_556 : vector<1x1x16xf32> to vector<16xf32>
          %add3A_558 = arith.addf %get3A_551, %get3A_557 : vector<16xf32>
          %add3A_559 = arith.addf %add3A_558, %bitcast_convert_type3A_541 : vector<16xf32>
          %get3A_560 = arith.constant 1 : i32
          %get3A_561 = arith.index_cast %get3A_560 : i32 to index
          %get3A_562 = arith.index_cast %scan3A_350 : i32 to index
          %get3A_563 = arith.constant 112 : index
          %get3A_564 = tpu.vector_load %arg10[%get3A_561, %get3A_562, %get3A_563] {strides = array<i32>} : memref<2x64x128xf32, #tpu.memory_space<vmem>>, vector<1x1x16xf32>,
          %get3A_565 = vector.shape_cast %get3A_564 : vector<1x1x16xf32> to vector<16xf32>
          %get3A_566 = arith.constant 1 : i32
          %get3A_567 = arith.index_cast %get3A_566 : i32 to index
          %get3A_568 = arith.index_cast %scan3A_350 : i32 to index
          %get3A_569 = arith.constant 112 : index
          %get3A_570 = tpu.vector_load %arg11[%get3A_567, %get3A_568, %get3A_569] {strides = array<i32>} : memref<2x64x128xf32, #tpu.memory_space<vmem>>, vector<1x1x16xf32>,
          %get3A_571 = vector.shape_cast %get3A_570 : vector<1x1x16xf32> to vector<16xf32>
          %add3A_572 = arith.addf %get3A_565, %get3A_571 : vector<16xf32>
          %add3A_573 = arith.addf %add3A_572, %bitcast_convert_type3A_545 : vector<16xf32>
          %max3A_574 = arith.constant 0.000000e+00 : f32
          %max3A_575 = vector.broadcast %max3A_574 : f32 to vector<16xf32>
          %max3A_576 = arith.maximumf %add3A_559, %max3A_575 : vector<16xf32>
          %swap3A_577 = arith.constant 1 : i32
          %swap3A_578 = arith.index_cast %swap3A_577 : i32 to index
          %swap3A_579 = arith.index_cast %scan3A_350 : i32 to index
          %swap3A_580 = arith.constant 96 : index
          %swap3A_581 = tpu.vector_load %arg10[%swap3A_578, %swap3A_579, %swap3A_580] {strides = array<i32>} : memref<2x64x128xf32, #tpu.memory_space<vmem>>, vector<1x1x16xf32>,
          %swap3A_582 = vector.shape_cast %swap3A_581 : vector<1x1x16xf32> to vector<16xf32>
          %swap3A_583 = vector.shape_cast %max3A_576 : vector<16xf32> to vector<1x1x16xf32>
          tpu.vector_store %arg10[%swap3A_578, %swap3A_579, %swap3A_580], %swap3A_583 {strides = array<i32>} : memref<2x64x128xf32, #tpu.memory_space<vmem>>, vector<1x1x16xf32>,
          %max3A_584 = arith.constant 0.000000e+00 : f32
          %max3A_585 = vector.broadcast %max3A_584 : f32 to vector<16xf32>
          %max3A_586 = arith.maximumf %add3A_573, %max3A_585 : vector<16xf32>
          %swap3A_587 = arith.constant 1 : i32
          %swap3A_588 = arith.index_cast %swap3A_587 : i32 to index
          %swap3A_589 = arith.index_cast %scan3A_350 : i32 to index
          %swap3A_590 = arith.constant 112 : index
          %swap3A_591 = tpu.vector_load %arg10[%swap3A_588, %swap3A_589, %swap3A_590] {strides = array<i32>} : memref<2x64x128xf32, #tpu.memory_space<vmem>>, vector<1x1x16xf32>,
          %swap3A_592 = vector.shape_cast %swap3A_591 : vector<1x1x16xf32> to vector<16xf32>
          %swap3A_593 = vector.shape_cast %max3A_586 : vector<16xf32> to vector<1x1x16xf32>
          tpu.vector_store %arg10[%swap3A_588, %swap3A_589, %swap3A_590], %swap3A_593 {strides = array<i32>} : memref<2x64x128xf32, #tpu.memory_space<vmem>>, vector<1x1x16xf32>,
          %scan3A_594 = arith.constant 0 : i32
          scf.yield %scan3A_594 : i32
        }
        %scan3A_337 = arith.constant 64 : i32
        %dma_start3A_338 = arith.constant 1 : i32
        %dma_start3A_339 = arith.constant 0 : i32
        %dma_start3A_340 = arith.constant 0 : i32
        %dma_start3A_341 = arith.constant 0 : i32
        %dma_start3A_342 = tpu.memref_slice %arg10[%dma_start3A_338, %dma_start3A_340, %dma_start3A_341] : memref<2x64x128xf32, #tpu.memory_space<vmem>> -> memref<1x64x128xf32, #tpu.memory_space<vmem>>
        %dma_start3A_343 = tpu.memref_squeeze %dma_start3A_342 : memref<1x64x128xf32, #tpu.memory_space<vmem>> -> memref<64x128xf32, #tpu.memory_space<vmem>>
        %dma_start3A_344 = arith.constant 0 : i32
        %dma_start3A_345 = tpu.memref_slice %arg9[%dma_start3A_339, %dma_start3A_344] : memref<3x64xi32, #tpu.memory_space<vmem>> -> memref<1x64xi32, #tpu.memory_space<vmem>>
        %dma_start3A_346 = tpu.memref_squeeze %dma_start3A_345 : memref<1x64xi32, #tpu.memory_space<vmem>> -> memref<64xi32, #tpu.memory_space<vmem>>
        %dma_start3A_347 = arith.constant 0 : i32
        %dma_start3A_348 = arith.constant 0 : i32
        %dma_start3A_349 = tpu.memref_slice %arg13[%dma_start3A_347, %dma_start3A_348] : memref<10112x128xf32, #tpu.memory_space<vmem_shared>> -> memref<10112x128xf32, #tpu.memory_space<vmem_shared>>
        tpu.enqueue_indirect_dma source(%dma_start3A_343 : memref<64x128xf32, #tpu.memory_space<vmem>>) target(%dma_start3A_349 : memref<10112x128xf32, #tpu.memory_space<vmem_shared>>) offsets(%dma_start3A_346 : memref<64xi32, #tpu.memory_space<vmem>>) semaphore(%arg17 : memref<!tpu.dma_semaphore, #tpu.memory_space<semaphore_mem>>) {add = true}
      } else {
      }
      %mul3A_257 = arith.constant 6 : i32
      %mul3A_258 = arith.muli %scan3A_223, %mul3A_257 : i32
      %add3A_259 = arith.constant 4 : i32
      %add3A_260 = arith.addi %mul3A_258, %add3A_259 : i32
      %lt3A_261 = arith.cmpi slt, %add3A_260, %add3A_58 : i32
      %convert_element_type3A_262 = arith.extui %lt3A_261 : i1 to i32
      %cond3A_263 = arith.constant 0 : i32
      %cond3A_264 = arith.cmpi ne, %convert_element_type3A_262, %cond3A_263 : i32
      scf.if %cond3A_264 {
        %add3A_274 = arith.constant 1 : i32
        %add3A_275 = arith.addi %add3A_260, %add3A_274 : i32
        %lt3A_276 = arith.cmpi slt, %add3A_275, %add3A_58 : i32
        %convert_element_type3A_277 = arith.extui %lt3A_276 : i1 to i32
        %cond3A_278 = arith.constant 0 : i32
        %cond3A_279 = arith.cmpi ne, %convert_element_type3A_277, %cond3A_278 : i32
        scf.if %cond3A_279 {
          %dma_wait3A_350 = arith.constant 2 : i32
          %dma_wait3A_351 = arith.constant 0 : i32
          %dma_wait3A_352 = tpu.memref_slice %arg8[%dma_wait3A_350, %dma_wait3A_351] : memref<3x64xi32, #tpu.memory_space<vmem>> -> memref<1x64xi32, #tpu.memory_space<vmem>>
          %dma_wait3A_353 = tpu.memref_squeeze %dma_wait3A_352 : memref<1x64xi32, #tpu.memory_space<vmem>> -> memref<64xi32, #tpu.memory_space<vmem>>
          %dma_wait3A_354 = arith.constant 0 : i32
          %dma_wait3A_355 = tpu.memref_slice %arg5[%dma_wait3A_354] : memref<320000xi32, #tpu.memory_space<hbm>> -> memref<64xi32, #tpu.memory_space<hbm>>
          %dma_wait3A_356 = arith.constant 0 : i32
          %dma_wait3A_357 = tpu.memref_slice %arg8[%dma_wait3A_350, %dma_wait3A_356] : memref<3x64xi32, #tpu.memory_space<vmem>> -> memref<1x64xi32, #tpu.memory_space<vmem>>
          %dma_wait3A_358 = tpu.memref_squeeze %dma_wait3A_357 : memref<1x64xi32, #tpu.memory_space<vmem>> -> memref<64xi32, #tpu.memory_space<vmem>>
          %dma_wait3A_359 = arith.constant 0 : i32
          %dma_wait3A_360 = tpu.memref_slice %arg5[%dma_wait3A_359] : memref<320000xi32, #tpu.memory_space<hbm>> -> memref<64xi32, #tpu.memory_space<hbm>>
          tpu.wait_dma2 semaphore(%arg20 : memref<!tpu.dma_semaphore, #tpu.memory_space<semaphore_mem>>) src(%dma_wait3A_360 : memref<64xi32, #tpu.memory_space<hbm>>) dst(%dma_wait3A_358 : memref<64xi32, #tpu.memory_space<vmem>>)
          %dma_wait3A_361 = arith.constant 2 : i32
          %dma_wait3A_362 = arith.constant 0 : i32
          %dma_wait3A_363 = tpu.memref_slice %arg9[%dma_wait3A_361, %dma_wait3A_362] : memref<3x64xi32, #tpu.memory_space<vmem>> -> memref<1x64xi32, #tpu.memory_space<vmem>>
          %dma_wait3A_364 = tpu.memref_squeeze %dma_wait3A_363 : memref<1x64xi32, #tpu.memory_space<vmem>> -> memref<64xi32, #tpu.memory_space<vmem>>
          %dma_wait3A_365 = arith.constant 0 : i32
          %dma_wait3A_366 = tpu.memref_slice %arg6[%dma_wait3A_365] : memref<320000xi32, #tpu.memory_space<hbm>> -> memref<64xi32, #tpu.memory_space<hbm>>
          %dma_wait3A_367 = arith.constant 0 : i32
          %dma_wait3A_368 = tpu.memref_slice %arg9[%dma_wait3A_361, %dma_wait3A_367] : memref<3x64xi32, #tpu.memory_space<vmem>> -> memref<1x64xi32, #tpu.memory_space<vmem>>
          %dma_wait3A_369 = tpu.memref_squeeze %dma_wait3A_368 : memref<1x64xi32, #tpu.memory_space<vmem>> -> memref<64xi32, #tpu.memory_space<vmem>>
          %dma_wait3A_370 = arith.constant 0 : i32
          %dma_wait3A_371 = tpu.memref_slice %arg6[%dma_wait3A_370] : memref<320000xi32, #tpu.memory_space<hbm>> -> memref<64xi32, #tpu.memory_space<hbm>>
          tpu.wait_dma2 semaphore(%arg20 : memref<!tpu.dma_semaphore, #tpu.memory_space<semaphore_mem>>) src(%dma_wait3A_371 : memref<64xi32, #tpu.memory_space<hbm>>) dst(%dma_wait3A_369 : memref<64xi32, #tpu.memory_space<vmem>>)
          %ge3A = arith.constant 1 : i32
          %ge3A_372 = arith.cmpi sge, %add3A_260, %ge3A : i32
          %convert_element_type3A_373 = arith.extui %ge3A_372 : i1 to i32
          %cond3A_374 = arith.constant 0 : i32
          %cond3A_375 = arith.cmpi ne, %convert_element_type3A_373, %cond3A_374 : i32
          scf.if %cond3A_375 {
            %dma_wait3A_421 = arith.constant 1 : i32
            %dma_wait3A_422 = arith.constant 0 : i32
            %dma_wait3A_423 = arith.constant 0 : i32
            %dma_wait3A_424 = tpu.memref_slice %arg10[%dma_wait3A_421, %dma_wait3A_422, %dma_wait3A_423] : memref<2x64x128xf32, #tpu.memory_space<vmem>> -> memref<1x64x128xf32, #tpu.memory_space<vmem>>
            %dma_wait3A_425 = tpu.memref_squeeze %dma_wait3A_424 : memref<1x64x128xf32, #tpu.memory_space<vmem>> -> memref<64x128xf32, #tpu.memory_space<vmem>>
            %dma_wait3A_426 = arith.constant 0 : i32
            %dma_wait3A_427 = arith.constant 0 : i32
            %dma_wait3A_428 = tpu.memref_slice %arg2[%dma_wait3A_426, %dma_wait3A_427] : memref<10000x128xf32, #tpu.memory_space<hbm>> -> memref<64x128xf32, #tpu.memory_space<hbm>>
            %dma_wait3A_429 = arith.constant 0 : i32
            %dma_wait3A_430 = arith.constant 0 : i32
            %dma_wait3A_431 = tpu.memref_slice %arg10[%dma_wait3A_421, %dma_wait3A_429, %dma_wait3A_430] : memref<2x64x128xf32, #tpu.memory_space<vmem>> -> memref<1x64x128xf32, #tpu.memory_space<vmem>>
            %dma_wait3A_432 = tpu.memref_squeeze %dma_wait3A_431 : memref<1x64x128xf32, #tpu.memory_space<vmem>> -> memref<64x128xf32, #tpu.memory_space<vmem>>
            %dma_wait3A_433 = arith.constant 0 : i32
            %dma_wait3A_434 = arith.constant 0 : i32
            %dma_wait3A_435 = tpu.memref_slice %arg2[%dma_wait3A_433, %dma_wait3A_434] : memref<10000x128xf32, #tpu.memory_space<hbm>> -> memref<64x128xf32, #tpu.memory_space<hbm>>
            tpu.wait_dma2 semaphore(%arg17 : memref<!tpu.dma_semaphore, #tpu.memory_space<semaphore_mem>>) src(%dma_wait3A_435 : memref<64x128xf32, #tpu.memory_space<hbm>>) dst(%dma_wait3A_432 : memref<64x128xf32, #tpu.memory_space<vmem>>)
          } else {
          }
          %add3A_376 = arith.constant 1 : i32
          %add3A_377 = arith.addi %add3A_260, %add3A_376 : i32
          %mul3A_378 = arith.constant 16 : i32
          %mul3A_379 = arith.muli %mul3A_378, %add3A_377 : i32
          %add3A_380 = arith.addi %arg1, %mul3A_379 : i32
          %mul3A_381 = arith.constant 64 : i32
          %mul3A_382 = arith.muli %add3A_380, %mul3A_381 : i32
          %add3A_383 = arith.addi %mul3A_0, %mul3A_382 : i32
          %dma_start3A_384 = arith.constant 2 : i32
          %dma_start3A_385 = arith.constant 1 : i32
          %dma_start3A_386 = arith.constant 0 : i32
          %dma_start3A_387 = arith.constant 0 : i32
          %dma_start3A_388 = tpu.memref_slice %arg10[%dma_start3A_385, %dma_start3A_386, %dma_start3A_387] : memref<2x64x128xf32, #tpu.memory_space<vmem>> -> memref<1x64x128xf32, #tpu.memory_space<vmem>>
          %dma_start3A_389 = tpu.memref_squeeze %dma_start3A_388 : memref<1x64x128xf32, #tpu.memory_space<vmem>> -> memref<64x128xf32, #tpu.memory_space<vmem>>
          %dma_start3A_390 = arith.constant 0 : i32
          %dma_start3A_391 = tpu.memref_slice %arg8[%dma_start3A_384, %dma_start3A_390] : memref<3x64xi32, #tpu.memory_space<vmem>> -> memref<1x64xi32, #tpu.memory_space<vmem>>
          %dma_start3A_392 = tpu.memref_squeeze %dma_start3A_391 : memref<1x64xi32, #tpu.memory_space<vmem>> -> memref<64xi32, #tpu.memory_space<vmem>>
          %dma_start3A_393 = arith.constant 0 : i32
          %dma_start3A_394 = arith.constant 0 : i32
          %dma_start3A_395 = tpu.memref_slice %arg2[%dma_start3A_393, %dma_start3A_394] : memref<10000x128xf32, #tpu.memory_space<hbm>> -> memref<10000x128xf32, #tpu.memory_space<hbm>>
          tpu.enqueue_indirect_dma source(%dma_start3A_395 : memref<10000x128xf32, #tpu.memory_space<hbm>>) target(%dma_start3A_389 : memref<64x128xf32, #tpu.memory_space<vmem>>) offsets(%dma_start3A_392 : memref<64xi32, #tpu.memory_space<vmem>>) semaphore(%arg15 : memref<!tpu.dma_semaphore, #tpu.memory_space<semaphore_mem>>)
          %dma_start3A_396 = arith.constant 2 : i32
          %dma_start3A_397 = arith.constant 1 : i32
          %dma_start3A_398 = arith.constant 0 : i32
          %dma_start3A_399 = arith.constant 0 : i32
          %dma_start3A_400 = tpu.memref_slice %arg11[%dma_start3A_397, %dma_start3A_398, %dma_start3A_399] : memref<2x64x128xf32, #tpu.memory_space<vmem>> -> memref<1x64x128xf32, #tpu.memory_space<vmem>>
          %dma_start3A_401 = tpu.memref_squeeze %dma_start3A_400 : memref<1x64x128xf32, #tpu.memory_space<vmem>> -> memref<64x128xf32, #tpu.memory_space<vmem>>
          %dma_start3A_402 = arith.constant 0 : i32
          %dma_start3A_403 = tpu.memref_slice %arg9[%dma_start3A_396, %dma_start3A_402] : memref<3x64xi32, #tpu.memory_space<vmem>> -> memref<1x64xi32, #tpu.memory_space<vmem>>
          %dma_start3A_404 = tpu.memref_squeeze %dma_start3A_403 : memref<1x64xi32, #tpu.memory_space<vmem>> -> memref<64xi32, #tpu.memory_space<vmem>>
          %dma_start3A_405 = arith.constant 0 : i32
          %dma_start3A_406 = arith.constant 0 : i32
          %dma_start3A_407 = tpu.memref_slice %arg3[%dma_start3A_405, %dma_start3A_406] : memref<10000x128xf32, #tpu.memory_space<hbm>> -> memref<10000x128xf32, #tpu.memory_space<hbm>>
          tpu.enqueue_indirect_dma source(%dma_start3A_407 : memref<10000x128xf32, #tpu.memory_space<hbm>>) target(%dma_start3A_401 : memref<64x128xf32, #tpu.memory_space<vmem>>) offsets(%dma_start3A_404 : memref<64xi32, #tpu.memory_space<vmem>>) semaphore(%arg15 : memref<!tpu.dma_semaphore, #tpu.memory_space<semaphore_mem>>)
          %dma_start3A_408 = arith.constant 1 : i32
          %dma_start3A_409 = arith.constant 0 : i32
          %dma_start3A_410 = arith.constant 0 : i32
          %dma_start3A_411 = tpu.memref_slice %arg12[%dma_start3A_408, %dma_start3A_409, %dma_start3A_410] : memref<2x64x64xi32, #tpu.memory_space<vmem>> -> memref<1x64x64xi32, #tpu.memory_space<vmem>>
          %dma_start3A_412 = tpu.memref_squeeze %dma_start3A_411 : memref<1x64x64xi32, #tpu.memory_space<vmem>> -> memref<64x64xi32, #tpu.memory_space<vmem>>
          %dma_start3A_413 = arith.constant 0 : i32
          %dma_start3A_414 = tpu.memref_slice %arg4[%add3A_383, %dma_start3A_413] : memref<320000x64xi32, #tpu.memory_space<hbm>> -> memref<64x64xi32, #tpu.memory_space<hbm>>
          %dma_start3A_415 = arith.constant 0 : i32
          %dma_start3A_416 = arith.constant 0 : i32
          %dma_start3A_417 = tpu.memref_slice %arg12[%dma_start3A_408, %dma_start3A_415, %dma_start3A_416] : memref<2x64x64xi32, #tpu.memory_space<vmem>> -> memref<1x64x64xi32, #tpu.memory_space<vmem>>
          %dma_start3A_418 = tpu.memref_squeeze %dma_start3A_417 : memref<1x64x64xi32, #tpu.memory_space<vmem>> -> memref<64x64xi32, #tpu.memory_space<vmem>>
          %dma_start3A_419 = arith.constant 0 : i32
          %dma_start3A_420 = tpu.memref_slice %arg4[%add3A_383, %dma_start3A_419] : memref<320000x64xi32, #tpu.memory_space<hbm>> -> memref<64x64xi32, #tpu.memory_space<hbm>>
          tpu.enqueue_dma source(%dma_start3A_420 : memref<64x64xi32, #tpu.memory_space<hbm>>) target(%dma_start3A_418 : memref<64x64xi32, #tpu.memory_space<vmem>>) target_semaphore(%arg15 : memref<!tpu.dma_semaphore, #tpu.memory_space<semaphore_mem>>)
        } else {
        }
        %add3A_280 = arith.constant 2 : i32
        %add3A_281 = arith.addi %add3A_260, %add3A_280 : i32
        %lt3A_282 = arith.cmpi slt, %add3A_281, %add3A_58 : i32
        %convert_element_type3A_283 = arith.extui %lt3A_282 : i1 to i32
        %cond3A_284 = arith.constant 0 : i32
        %cond3A_285 = arith.cmpi ne, %convert_element_type3A_283, %cond3A_284 : i32
        scf.if %cond3A_285 {
          %add3A_350 = arith.constant 2 : i32
          %add3A_351 = arith.addi %add3A_260, %add3A_350 : i32
          %mul3A_352 = arith.constant 16 : i32
          %mul3A_353 = arith.muli %mul3A_352, %add3A_351 : i32
          %add3A_354 = arith.addi %arg1, %mul3A_353 : i32
          %mul3A_355 = arith.constant 64 : i32
          %mul3A_356 = arith.muli %add3A_354, %mul3A_355 : i32
          %add3A_357 = arith.addi %mul3A_0, %mul3A_356 : i32
          %dma_start3A_358 = arith.constant 0 : i32
          %dma_start3A_359 = arith.constant 0 : i32
          %dma_start3A_360 = tpu.memref_slice %arg8[%dma_start3A_358, %dma_start3A_359] : memref<3x64xi32, #tpu.memory_space<vmem>> -> memref<1x64xi32, #tpu.memory_space<vmem>>
          %dma_start3A_361 = tpu.memref_squeeze %dma_start3A_360 : memref<1x64xi32, #tpu.memory_space<vmem>> -> memref<64xi32, #tpu.memory_space<vmem>>
          %dma_start3A_362 = tpu.memref_slice %arg5[%add3A_357] : memref<320000xi32, #tpu.memory_space<hbm>> -> memref<64xi32, #tpu.memory_space<hbm>>
          %dma_start3A_363 = arith.constant 0 : i32
          %dma_start3A_364 = tpu.memref_slice %arg8[%dma_start3A_358, %dma_start3A_363] : memref<3x64xi32, #tpu.memory_space<vmem>> -> memref<1x64xi32, #tpu.memory_space<vmem>>
          %dma_start3A_365 = tpu.memref_squeeze %dma_start3A_364 : memref<1x64xi32, #tpu.memory_space<vmem>> -> memref<64xi32, #tpu.memory_space<vmem>>
          %dma_start3A_366 = tpu.memref_slice %arg5[%add3A_357] : memref<320000xi32, #tpu.memory_space<hbm>> -> memref<64xi32, #tpu.memory_space<hbm>>
          tpu.enqueue_dma source(%dma_start3A_366 : memref<64xi32, #tpu.memory_space<hbm>>) target(%dma_start3A_365 : memref<64xi32, #tpu.memory_space<vmem>>) target_semaphore(%arg18 : memref<!tpu.dma_semaphore, #tpu.memory_space<semaphore_mem>>)
          %dma_start3A_367 = arith.constant 0 : i32
          %dma_start3A_368 = arith.constant 0 : i32
          %dma_start3A_369 = tpu.memref_slice %arg9[%dma_start3A_367, %dma_start3A_368] : memref<3x64xi32, #tpu.memory_space<vmem>> -> memref<1x64xi32, #tpu.memory_space<vmem>>
          %dma_start3A_370 = tpu.memref_squeeze %dma_start3A_369 : memref<1x64xi32, #tpu.memory_space<vmem>> -> memref<64xi32, #tpu.memory_space<vmem>>
          %dma_start3A_371 = tpu.memref_slice %arg6[%add3A_357] : memref<320000xi32, #tpu.memory_space<hbm>> -> memref<64xi32, #tpu.memory_space<hbm>>
          %dma_start3A_372 = arith.constant 0 : i32
          %dma_start3A_373 = tpu.memref_slice %arg9[%dma_start3A_367, %dma_start3A_372] : memref<3x64xi32, #tpu.memory_space<vmem>> -> memref<1x64xi32, #tpu.memory_space<vmem>>
          %dma_start3A_374 = tpu.memref_squeeze %dma_start3A_373 : memref<1x64xi32, #tpu.memory_space<vmem>> -> memref<64xi32, #tpu.memory_space<vmem>>
          %dma_start3A_375 = tpu.memref_slice %arg6[%add3A_357] : memref<320000xi32, #tpu.memory_space<hbm>> -> memref<64xi32, #tpu.memory_space<hbm>>
          tpu.enqueue_dma source(%dma_start3A_375 : memref<64xi32, #tpu.memory_space<hbm>>) target(%dma_start3A_374 : memref<64xi32, #tpu.memory_space<vmem>>) target_semaphore(%arg18 : memref<!tpu.dma_semaphore, #tpu.memory_space<semaphore_mem>>)
        } else {
        }
        %dma_wait3A_286 = arith.constant 0 : i32
        %dma_wait3A_287 = arith.constant 0 : i32
        %dma_wait3A_288 = arith.constant 0 : i32
        %dma_wait3A_289 = tpu.memref_slice %arg10[%dma_wait3A_286, %dma_wait3A_287, %dma_wait3A_288] : memref<2x64x128xf32, #tpu.memory_space<vmem>> -> memref<1x64x128xf32, #tpu.memory_space<vmem>>
        %dma_wait3A_290 = tpu.memref_squeeze %dma_wait3A_289 : memref<1x64x128xf32, #tpu.memory_space<vmem>> -> memref<64x128xf32, #tpu.memory_space<vmem>>
        %dma_wait3A_291 = arith.constant 0 : i32
        %dma_wait3A_292 = arith.constant 0 : i32
        %dma_wait3A_293 = tpu.memref_slice %arg2[%dma_wait3A_291, %dma_wait3A_292] : memref<10000x128xf32, #tpu.memory_space<hbm>> -> memref<64x128xf32, #tpu.memory_space<hbm>>
        %dma_wait3A_294 = arith.constant 0 : i32
        %dma_wait3A_295 = arith.constant 0 : i32
        %dma_wait3A_296 = tpu.memref_slice %arg10[%dma_wait3A_286, %dma_wait3A_294, %dma_wait3A_295] : memref<2x64x128xf32, #tpu.memory_space<vmem>> -> memref<1x64x128xf32, #tpu.memory_space<vmem>>
        %dma_wait3A_297 = tpu.memref_squeeze %dma_wait3A_296 : memref<1x64x128xf32, #tpu.memory_space<vmem>> -> memref<64x128xf32, #tpu.memory_space<vmem>>
        %dma_wait3A_298 = arith.constant 0 : i32
        %dma_wait3A_299 = arith.constant 0 : i32
        %dma_wait3A_300 = tpu.memref_slice %arg2[%dma_wait3A_298, %dma_wait3A_299] : memref<10000x128xf32, #tpu.memory_space<hbm>> -> memref<64x128xf32, #tpu.memory_space<hbm>>
        tpu.wait_dma2 semaphore(%arg14 : memref<!tpu.dma_semaphore, #tpu.memory_space<semaphore_mem>>) src(%dma_wait3A_300 : memref<64x128xf32, #tpu.memory_space<hbm>>) dst(%dma_wait3A_297 : memref<64x128xf32, #tpu.memory_space<vmem>>)
        %dma_wait3A_301 = arith.constant 0 : i32
        %dma_wait3A_302 = arith.constant 0 : i32
        %dma_wait3A_303 = arith.constant 0 : i32
        %dma_wait3A_304 = tpu.memref_slice %arg11[%dma_wait3A_301, %dma_wait3A_302, %dma_wait3A_303] : memref<2x64x128xf32, #tpu.memory_space<vmem>> -> memref<1x64x128xf32, #tpu.memory_space<vmem>>
        %dma_wait3A_305 = tpu.memref_squeeze %dma_wait3A_304 : memref<1x64x128xf32, #tpu.memory_space<vmem>> -> memref<64x128xf32, #tpu.memory_space<vmem>>
        %dma_wait3A_306 = arith.constant 0 : i32
        %dma_wait3A_307 = arith.constant 0 : i32
        %dma_wait3A_308 = tpu.memref_slice %arg2[%dma_wait3A_306, %dma_wait3A_307] : memref<10000x128xf32, #tpu.memory_space<hbm>> -> memref<64x128xf32, #tpu.memory_space<hbm>>
        %dma_wait3A_309 = arith.constant 0 : i32
        %dma_wait3A_310 = arith.constant 0 : i32
        %dma_wait3A_311 = tpu.memref_slice %arg11[%dma_wait3A_301, %dma_wait3A_309, %dma_wait3A_310] : memref<2x64x128xf32, #tpu.memory_space<vmem>> -> memref<1x64x128xf32, #tpu.memory_space<vmem>>
        %dma_wait3A_312 = tpu.memref_squeeze %dma_wait3A_311 : memref<1x64x128xf32, #tpu.memory_space<vmem>> -> memref<64x128xf32, #tpu.memory_space<vmem>>
        %dma_wait3A_313 = arith.constant 0 : i32
        %dma_wait3A_314 = arith.constant 0 : i32
        %dma_wait3A_315 = tpu.memref_slice %arg2[%dma_wait3A_313, %dma_wait3A_314] : memref<10000x128xf32, #tpu.memory_space<hbm>> -> memref<64x128xf32, #tpu.memory_space<hbm>>
        tpu.wait_dma2 semaphore(%arg14 : memref<!tpu.dma_semaphore, #tpu.memory_space<semaphore_mem>>) src(%dma_wait3A_315 : memref<64x128xf32, #tpu.memory_space<hbm>>) dst(%dma_wait3A_312 : memref<64x128xf32, #tpu.memory_space<vmem>>)
        %dma_wait3A_316 = arith.constant 0 : i32
        %dma_wait3A_317 = arith.constant 0 : i32
        %dma_wait3A_318 = arith.constant 0 : i32
        %dma_wait3A_319 = tpu.memref_slice %arg12[%dma_wait3A_316, %dma_wait3A_317, %dma_wait3A_318] : memref<2x64x64xi32, #tpu.memory_space<vmem>> -> memref<1x64x64xi32, #tpu.memory_space<vmem>>
        %dma_wait3A_320 = tpu.memref_squeeze %dma_wait3A_319 : memref<1x64x64xi32, #tpu.memory_space<vmem>> -> memref<64x64xi32, #tpu.memory_space<vmem>>
        %dma_wait3A_321 = arith.constant 0 : i32
        %dma_wait3A_322 = arith.constant 0 : i32
        %dma_wait3A_323 = tpu.memref_slice %arg4[%dma_wait3A_321, %dma_wait3A_322] : memref<320000x64xi32, #tpu.memory_space<hbm>> -> memref<64x64xi32, #tpu.memory_space<hbm>>
        %dma_wait3A_324 = arith.constant 0 : i32
        %dma_wait3A_325 = arith.constant 0 : i32
        %dma_wait3A_326 = tpu.memref_slice %arg12[%dma_wait3A_316, %dma_wait3A_324, %dma_wait3A_325] : memref<2x64x64xi32, #tpu.memory_space<vmem>> -> memref<1x64x64xi32, #tpu.memory_space<vmem>>
        %dma_wait3A_327 = tpu.memref_squeeze %dma_wait3A_326 : memref<1x64x64xi32, #tpu.memory_space<vmem>> -> memref<64x64xi32, #tpu.memory_space<vmem>>
        %dma_wait3A_328 = arith.constant 0 : i32
        %dma_wait3A_329 = arith.constant 0 : i32
        %dma_wait3A_330 = tpu.memref_slice %arg4[%dma_wait3A_328, %dma_wait3A_329] : memref<320000x64xi32, #tpu.memory_space<hbm>> -> memref<64x64xi32, #tpu.memory_space<hbm>>
        tpu.wait_dma2 semaphore(%arg14 : memref<!tpu.dma_semaphore, #tpu.memory_space<semaphore_mem>>) src(%dma_wait3A_330 : memref<64x64xi32, #tpu.memory_space<hbm>>) dst(%dma_wait3A_327 : memref<64x64xi32, #tpu.memory_space<vmem>>)
        %scan3A_331 = arith.constant 0 : i32
        %scan3A_332 = arith.constant 0 : i32
        %scan3A_333 = arith.constant 64 : i32
        %scan3A_334 = arith.addi %scan3A_332, %scan3A_333 : i32
        %scan3A_335 = arith.constant 1 : i32
        %scan3A_336 = scf.for %scan3A_350 = %scan3A_332 to %scan3A_334 step %scan3A_335 iter_args(%scan3A_351 = %scan3A_331) -> (i32)  : i32 {
          %get3A = arith.constant 0 : i32
          %get3A_352 = arith.index_cast %get3A : i32 to index
          %get3A_353 = arith.index_cast %scan3A_350 : i32 to index
          %get3A_354 = arith.constant 0 : index
          %get3A_355 = tpu.vector_load %arg12[%get3A_352, %get3A_353, %get3A_354] {strides = array<i32>} : memref<2x64x64xi32, #tpu.memory_space<vmem>>, vector<1x1x16xi32>,
          %get3A_356 = vector.shape_cast %get3A_355 : vector<1x1x16xi32> to vector<16xi32>
          %shift_left3A = arith.constant 16 : i32
          %shift_left3A_357 = vector.broadcast %shift_left3A : i32 to vector<16xi32>
          %shift_left3A_358 = arith.shli %get3A_356, %shift_left3A_357 : vector<16xi32>
          %bitcast_convert_type3A = tpu.bitcast %shift_left3A_358 : vector<16xi32> -> vector<16xf32>
          %and3A = arith.constant -65536 : i32
          %and3A_359 = vector.broadcast %and3A : i32 to vector<16xi32>
          %and3A_360 = arith.andi %get3A_356, %and3A_359 : vector<16xi32>
          %bitcast_convert_type3A_361 = tpu.bitcast %and3A_360 : vector<16xi32> -> vector<16xf32>
          %get3A_362 = arith.constant 0 : i32
          %get3A_363 = arith.index_cast %get3A_362 : i32 to index
          %get3A_364 = arith.index_cast %scan3A_350 : i32 to index
          %get3A_365 = arith.constant 0 : index
          %get3A_366 = tpu.vector_load %arg10[%get3A_363, %get3A_364, %get3A_365] {strides = array<i32>} : memref<2x64x128xf32, #tpu.memory_space<vmem>>, vector<1x1x16xf32>,
          %get3A_367 = vector.shape_cast %get3A_366 : vector<1x1x16xf32> to vector<16xf32>
          %get3A_368 = arith.constant 0 : i32
          %get3A_369 = arith.index_cast %get3A_368 : i32 to index
          %get3A_370 = arith.index_cast %scan3A_350 : i32 to index
          %get3A_371 = arith.constant 0 : index
          %get3A_372 = tpu.vector_load %arg11[%get3A_369, %get3A_370, %get3A_371] {strides = array<i32>} : memref<2x64x128xf32, #tpu.memory_space<vmem>>, vector<1x1x16xf32>,
          %get3A_373 = vector.shape_cast %get3A_372 : vector<1x1x16xf32> to vector<16xf32>
          %add3A_374 = arith.addf %get3A_367, %get3A_373 : vector<16xf32>
          %add3A_375 = arith.addf %add3A_374, %bitcast_convert_type3A : vector<16xf32>
          %get3A_376 = arith.constant 0 : i32
          %get3A_377 = arith.index_cast %get3A_376 : i32 to index
          %get3A_378 = arith.index_cast %scan3A_350 : i32 to index
          %get3A_379 = arith.constant 16 : index
          %get3A_380 = tpu.vector_load %arg10[%get3A_377, %get3A_378, %get3A_379] {strides = array<i32>} : memref<2x64x128xf32, #tpu.memory_space<vmem>>, vector<1x1x16xf32>,
          %get3A_381 = vector.shape_cast %get3A_380 : vector<1x1x16xf32> to vector<16xf32>
          %get3A_382 = arith.constant 0 : i32
          %get3A_383 = arith.index_cast %get3A_382 : i32 to index
          %get3A_384 = arith.index_cast %scan3A_350 : i32 to index
          %get3A_385 = arith.constant 16 : index
          %get3A_386 = tpu.vector_load %arg11[%get3A_383, %get3A_384, %get3A_385] {strides = array<i32>} : memref<2x64x128xf32, #tpu.memory_space<vmem>>, vector<1x1x16xf32>,
          %get3A_387 = vector.shape_cast %get3A_386 : vector<1x1x16xf32> to vector<16xf32>
          %add3A_388 = arith.addf %get3A_381, %get3A_387 : vector<16xf32>
          %add3A_389 = arith.addf %add3A_388, %bitcast_convert_type3A_361 : vector<16xf32>
          %max3A = arith.constant 0.000000e+00 : f32
          %max3A_390 = vector.broadcast %max3A : f32 to vector<16xf32>
          %max3A_391 = arith.maximumf %add3A_375, %max3A_390 : vector<16xf32>
          %swap3A = arith.constant 0 : i32
          %swap3A_392 = arith.index_cast %swap3A : i32 to index
          %swap3A_393 = arith.index_cast %scan3A_350 : i32 to index
          %swap3A_394 = arith.constant 0 : index
          %swap3A_395 = tpu.vector_load %arg10[%swap3A_392, %swap3A_393, %swap3A_394] {strides = array<i32>} : memref<2x64x128xf32, #tpu.memory_space<vmem>>, vector<1x1x16xf32>,
          %swap3A_396 = vector.shape_cast %swap3A_395 : vector<1x1x16xf32> to vector<16xf32>
          %swap3A_397 = vector.shape_cast %max3A_391 : vector<16xf32> to vector<1x1x16xf32>
          tpu.vector_store %arg10[%swap3A_392, %swap3A_393, %swap3A_394], %swap3A_397 {strides = array<i32>} : memref<2x64x128xf32, #tpu.memory_space<vmem>>, vector<1x1x16xf32>,
          %max3A_398 = arith.constant 0.000000e+00 : f32
          %max3A_399 = vector.broadcast %max3A_398 : f32 to vector<16xf32>
          %max3A_400 = arith.maximumf %add3A_389, %max3A_399 : vector<16xf32>
          %swap3A_401 = arith.constant 0 : i32
          %swap3A_402 = arith.index_cast %swap3A_401 : i32 to index
          %swap3A_403 = arith.index_cast %scan3A_350 : i32 to index
          %swap3A_404 = arith.constant 16 : index
          %swap3A_405 = tpu.vector_load %arg10[%swap3A_402, %swap3A_403, %swap3A_404] {strides = array<i32>} : memref<2x64x128xf32, #tpu.memory_space<vmem>>, vector<1x1x16xf32>,
          %swap3A_406 = vector.shape_cast %swap3A_405 : vector<1x1x16xf32> to vector<16xf32>
          %swap3A_407 = vector.shape_cast %max3A_400 : vector<16xf32> to vector<1x1x16xf32>
          tpu.vector_store %arg10[%swap3A_402, %swap3A_403, %swap3A_404], %swap3A_407 {strides = array<i32>} : memref<2x64x128xf32, #tpu.memory_space<vmem>>, vector<1x1x16xf32>,
          %get3A_408 = arith.constant 0 : i32
          %get3A_409 = arith.index_cast %get3A_408 : i32 to index
          %get3A_410 = arith.index_cast %scan3A_350 : i32 to index
          %get3A_411 = arith.constant 16 : index
          %get3A_412 = tpu.vector_load %arg12[%get3A_409, %get3A_410, %get3A_411] {strides = array<i32>} : memref<2x64x64xi32, #tpu.memory_space<vmem>>, vector<1x1x16xi32>,
          %get3A_413 = vector.shape_cast %get3A_412 : vector<1x1x16xi32> to vector<16xi32>
          %shift_left3A_414 = arith.constant 16 : i32
          %shift_left3A_415 = vector.broadcast %shift_left3A_414 : i32 to vector<16xi32>
          %shift_left3A_416 = arith.shli %get3A_413, %shift_left3A_415 : vector<16xi32>
          %bitcast_convert_type3A_417 = tpu.bitcast %shift_left3A_416 : vector<16xi32> -> vector<16xf32>
          %and3A_418 = arith.constant -65536 : i32
          %and3A_419 = vector.broadcast %and3A_418 : i32 to vector<16xi32>
          %and3A_420 = arith.andi %get3A_413, %and3A_419 : vector<16xi32>
          %bitcast_convert_type3A_421 = tpu.bitcast %and3A_420 : vector<16xi32> -> vector<16xf32>
          %get3A_422 = arith.constant 0 : i32
          %get3A_423 = arith.index_cast %get3A_422 : i32 to index
          %get3A_424 = arith.index_cast %scan3A_350 : i32 to index
          %get3A_425 = arith.constant 32 : index
          %get3A_426 = tpu.vector_load %arg10[%get3A_423, %get3A_424, %get3A_425] {strides = array<i32>} : memref<2x64x128xf32, #tpu.memory_space<vmem>>, vector<1x1x16xf32>,
          %get3A_427 = vector.shape_cast %get3A_426 : vector<1x1x16xf32> to vector<16xf32>
          %get3A_428 = arith.constant 0 : i32
          %get3A_429 = arith.index_cast %get3A_428 : i32 to index
          %get3A_430 = arith.index_cast %scan3A_350 : i32 to index
          %get3A_431 = arith.constant 32 : index
          %get3A_432 = tpu.vector_load %arg11[%get3A_429, %get3A_430, %get3A_431] {strides = array<i32>} : memref<2x64x128xf32, #tpu.memory_space<vmem>>, vector<1x1x16xf32>,
          %get3A_433 = vector.shape_cast %get3A_432 : vector<1x1x16xf32> to vector<16xf32>
          %add3A_434 = arith.addf %get3A_427, %get3A_433 : vector<16xf32>
          %add3A_435 = arith.addf %add3A_434, %bitcast_convert_type3A_417 : vector<16xf32>
          %get3A_436 = arith.constant 0 : i32
          %get3A_437 = arith.index_cast %get3A_436 : i32 to index
          %get3A_438 = arith.index_cast %scan3A_350 : i32 to index
          %get3A_439 = arith.constant 48 : index
          %get3A_440 = tpu.vector_load %arg10[%get3A_437, %get3A_438, %get3A_439] {strides = array<i32>} : memref<2x64x128xf32, #tpu.memory_space<vmem>>, vector<1x1x16xf32>,
          %get3A_441 = vector.shape_cast %get3A_440 : vector<1x1x16xf32> to vector<16xf32>
          %get3A_442 = arith.constant 0 : i32
          %get3A_443 = arith.index_cast %get3A_442 : i32 to index
          %get3A_444 = arith.index_cast %scan3A_350 : i32 to index
          %get3A_445 = arith.constant 48 : index
          %get3A_446 = tpu.vector_load %arg11[%get3A_443, %get3A_444, %get3A_445] {strides = array<i32>} : memref<2x64x128xf32, #tpu.memory_space<vmem>>, vector<1x1x16xf32>,
          %get3A_447 = vector.shape_cast %get3A_446 : vector<1x1x16xf32> to vector<16xf32>
          %add3A_448 = arith.addf %get3A_441, %get3A_447 : vector<16xf32>
          %add3A_449 = arith.addf %add3A_448, %bitcast_convert_type3A_421 : vector<16xf32>
          %max3A_450 = arith.constant 0.000000e+00 : f32
          %max3A_451 = vector.broadcast %max3A_450 : f32 to vector<16xf32>
          %max3A_452 = arith.maximumf %add3A_435, %max3A_451 : vector<16xf32>
          %swap3A_453 = arith.constant 0 : i32
          %swap3A_454 = arith.index_cast %swap3A_453 : i32 to index
          %swap3A_455 = arith.index_cast %scan3A_350 : i32 to index
          %swap3A_456 = arith.constant 32 : index
          %swap3A_457 = tpu.vector_load %arg10[%swap3A_454, %swap3A_455, %swap3A_456] {strides = array<i32>} : memref<2x64x128xf32, #tpu.memory_space<vmem>>, vector<1x1x16xf32>,
          %swap3A_458 = vector.shape_cast %swap3A_457 : vector<1x1x16xf32> to vector<16xf32>
          %swap3A_459 = vector.shape_cast %max3A_452 : vector<16xf32> to vector<1x1x16xf32>
          tpu.vector_store %arg10[%swap3A_454, %swap3A_455, %swap3A_456], %swap3A_459 {strides = array<i32>} : memref<2x64x128xf32, #tpu.memory_space<vmem>>, vector<1x1x16xf32>,
          %max3A_460 = arith.constant 0.000000e+00 : f32
          %max3A_461 = vector.broadcast %max3A_460 : f32 to vector<16xf32>
          %max3A_462 = arith.maximumf %add3A_449, %max3A_461 : vector<16xf32>
          %swap3A_463 = arith.constant 0 : i32
          %swap3A_464 = arith.index_cast %swap3A_463 : i32 to index
          %swap3A_465 = arith.index_cast %scan3A_350 : i32 to index
          %swap3A_466 = arith.constant 48 : index
          %swap3A_467 = tpu.vector_load %arg10[%swap3A_464, %swap3A_465, %swap3A_466] {strides = array<i32>} : memref<2x64x128xf32, #tpu.memory_space<vmem>>, vector<1x1x16xf32>,
          %swap3A_468 = vector.shape_cast %swap3A_467 : vector<1x1x16xf32> to vector<16xf32>
          %swap3A_469 = vector.shape_cast %max3A_462 : vector<16xf32> to vector<1x1x16xf32>
          tpu.vector_store %arg10[%swap3A_464, %swap3A_465, %swap3A_466], %swap3A_469 {strides = array<i32>} : memref<2x64x128xf32, #tpu.memory_space<vmem>>, vector<1x1x16xf32>,
          %get3A_470 = arith.constant 0 : i32
          %get3A_471 = arith.index_cast %get3A_470 : i32 to index
          %get3A_472 = arith.index_cast %scan3A_350 : i32 to index
          %get3A_473 = arith.constant 32 : index
          %get3A_474 = tpu.vector_load %arg12[%get3A_471, %get3A_472, %get3A_473] {strides = array<i32>} : memref<2x64x64xi32, #tpu.memory_space<vmem>>, vector<1x1x16xi32>,
          %get3A_475 = vector.shape_cast %get3A_474 : vector<1x1x16xi32> to vector<16xi32>
          %shift_left3A_476 = arith.constant 16 : i32
          %shift_left3A_477 = vector.broadcast %shift_left3A_476 : i32 to vector<16xi32>
          %shift_left3A_478 = arith.shli %get3A_475, %shift_left3A_477 : vector<16xi32>
          %bitcast_convert_type3A_479 = tpu.bitcast %shift_left3A_478 : vector<16xi32> -> vector<16xf32>
          %and3A_480 = arith.constant -65536 : i32
          %and3A_481 = vector.broadcast %and3A_480 : i32 to vector<16xi32>
          %and3A_482 = arith.andi %get3A_475, %and3A_481 : vector<16xi32>
          %bitcast_convert_type3A_483 = tpu.bitcast %and3A_482 : vector<16xi32> -> vector<16xf32>
          %get3A_484 = arith.constant 0 : i32
          %get3A_485 = arith.index_cast %get3A_484 : i32 to index
          %get3A_486 = arith.index_cast %scan3A_350 : i32 to index
          %get3A_487 = arith.constant 64 : index
          %get3A_488 = tpu.vector_load %arg10[%get3A_485, %get3A_486, %get3A_487] {strides = array<i32>} : memref<2x64x128xf32, #tpu.memory_space<vmem>>, vector<1x1x16xf32>,
          %get3A_489 = vector.shape_cast %get3A_488 : vector<1x1x16xf32> to vector<16xf32>
          %get3A_490 = arith.constant 0 : i32
          %get3A_491 = arith.index_cast %get3A_490 : i32 to index
          %get3A_492 = arith.index_cast %scan3A_350 : i32 to index
          %get3A_493 = arith.constant 64 : index
          %get3A_494 = tpu.vector_load %arg11[%get3A_491, %get3A_492, %get3A_493] {strides = array<i32>} : memref<2x64x128xf32, #tpu.memory_space<vmem>>, vector<1x1x16xf32>,
          %get3A_495 = vector.shape_cast %get3A_494 : vector<1x1x16xf32> to vector<16xf32>
          %add3A_496 = arith.addf %get3A_489, %get3A_495 : vector<16xf32>
          %add3A_497 = arith.addf %add3A_496, %bitcast_convert_type3A_479 : vector<16xf32>
          %get3A_498 = arith.constant 0 : i32
          %get3A_499 = arith.index_cast %get3A_498 : i32 to index
          %get3A_500 = arith.index_cast %scan3A_350 : i32 to index
          %get3A_501 = arith.constant 80 : index
          %get3A_502 = tpu.vector_load %arg10[%get3A_499, %get3A_500, %get3A_501] {strides = array<i32>} : memref<2x64x128xf32, #tpu.memory_space<vmem>>, vector<1x1x16xf32>,
          %get3A_503 = vector.shape_cast %get3A_502 : vector<1x1x16xf32> to vector<16xf32>
          %get3A_504 = arith.constant 0 : i32
          %get3A_505 = arith.index_cast %get3A_504 : i32 to index
          %get3A_506 = arith.index_cast %scan3A_350 : i32 to index
          %get3A_507 = arith.constant 80 : index
          %get3A_508 = tpu.vector_load %arg11[%get3A_505, %get3A_506, %get3A_507] {strides = array<i32>} : memref<2x64x128xf32, #tpu.memory_space<vmem>>, vector<1x1x16xf32>,
          %get3A_509 = vector.shape_cast %get3A_508 : vector<1x1x16xf32> to vector<16xf32>
          %add3A_510 = arith.addf %get3A_503, %get3A_509 : vector<16xf32>
          %add3A_511 = arith.addf %add3A_510, %bitcast_convert_type3A_483 : vector<16xf32>
          %max3A_512 = arith.constant 0.000000e+00 : f32
          %max3A_513 = vector.broadcast %max3A_512 : f32 to vector<16xf32>
          %max3A_514 = arith.maximumf %add3A_497, %max3A_513 : vector<16xf32>
          %swap3A_515 = arith.constant 0 : i32
          %swap3A_516 = arith.index_cast %swap3A_515 : i32 to index
          %swap3A_517 = arith.index_cast %scan3A_350 : i32 to index
          %swap3A_518 = arith.constant 64 : index
          %swap3A_519 = tpu.vector_load %arg10[%swap3A_516, %swap3A_517, %swap3A_518] {strides = array<i32>} : memref<2x64x128xf32, #tpu.memory_space<vmem>>, vector<1x1x16xf32>,
          %swap3A_520 = vector.shape_cast %swap3A_519 : vector<1x1x16xf32> to vector<16xf32>
          %swap3A_521 = vector.shape_cast %max3A_514 : vector<16xf32> to vector<1x1x16xf32>
          tpu.vector_store %arg10[%swap3A_516, %swap3A_517, %swap3A_518], %swap3A_521 {strides = array<i32>} : memref<2x64x128xf32, #tpu.memory_space<vmem>>, vector<1x1x16xf32>,
          %max3A_522 = arith.constant 0.000000e+00 : f32
          %max3A_523 = vector.broadcast %max3A_522 : f32 to vector<16xf32>
          %max3A_524 = arith.maximumf %add3A_511, %max3A_523 : vector<16xf32>
          %swap3A_525 = arith.constant 0 : i32
          %swap3A_526 = arith.index_cast %swap3A_525 : i32 to index
          %swap3A_527 = arith.index_cast %scan3A_350 : i32 to index
          %swap3A_528 = arith.constant 80 : index
          %swap3A_529 = tpu.vector_load %arg10[%swap3A_526, %swap3A_527, %swap3A_528] {strides = array<i32>} : memref<2x64x128xf32, #tpu.memory_space<vmem>>, vector<1x1x16xf32>,
          %swap3A_530 = vector.shape_cast %swap3A_529 : vector<1x1x16xf32> to vector<16xf32>
          %swap3A_531 = vector.shape_cast %max3A_524 : vector<16xf32> to vector<1x1x16xf32>
          tpu.vector_store %arg10[%swap3A_526, %swap3A_527, %swap3A_528], %swap3A_531 {strides = array<i32>} : memref<2x64x128xf32, #tpu.memory_space<vmem>>, vector<1x1x16xf32>,
          %get3A_532 = arith.constant 0 : i32
          %get3A_533 = arith.index_cast %get3A_532 : i32 to index
          %get3A_534 = arith.index_cast %scan3A_350 : i32 to index
          %get3A_535 = arith.constant 48 : index
          %get3A_536 = tpu.vector_load %arg12[%get3A_533, %get3A_534, %get3A_535] {strides = array<i32>} : memref<2x64x64xi32, #tpu.memory_space<vmem>>, vector<1x1x16xi32>,
          %get3A_537 = vector.shape_cast %get3A_536 : vector<1x1x16xi32> to vector<16xi32>
          %shift_left3A_538 = arith.constant 16 : i32
          %shift_left3A_539 = vector.broadcast %shift_left3A_538 : i32 to vector<16xi32>
          %shift_left3A_540 = arith.shli %get3A_537, %shift_left3A_539 : vector<16xi32>
          %bitcast_convert_type3A_541 = tpu.bitcast %shift_left3A_540 : vector<16xi32> -> vector<16xf32>
          %and3A_542 = arith.constant -65536 : i32
          %and3A_543 = vector.broadcast %and3A_542 : i32 to vector<16xi32>
          %and3A_544 = arith.andi %get3A_537, %and3A_543 : vector<16xi32>
          %bitcast_convert_type3A_545 = tpu.bitcast %and3A_544 : vector<16xi32> -> vector<16xf32>
          %get3A_546 = arith.constant 0 : i32
          %get3A_547 = arith.index_cast %get3A_546 : i32 to index
          %get3A_548 = arith.index_cast %scan3A_350 : i32 to index
          %get3A_549 = arith.constant 96 : index
          %get3A_550 = tpu.vector_load %arg10[%get3A_547, %get3A_548, %get3A_549] {strides = array<i32>} : memref<2x64x128xf32, #tpu.memory_space<vmem>>, vector<1x1x16xf32>,
          %get3A_551 = vector.shape_cast %get3A_550 : vector<1x1x16xf32> to vector<16xf32>
          %get3A_552 = arith.constant 0 : i32
          %get3A_553 = arith.index_cast %get3A_552 : i32 to index
          %get3A_554 = arith.index_cast %scan3A_350 : i32 to index
          %get3A_555 = arith.constant 96 : index
          %get3A_556 = tpu.vector_load %arg11[%get3A_553, %get3A_554, %get3A_555] {strides = array<i32>} : memref<2x64x128xf32, #tpu.memory_space<vmem>>, vector<1x1x16xf32>,
          %get3A_557 = vector.shape_cast %get3A_556 : vector<1x1x16xf32> to vector<16xf32>
          %add3A_558 = arith.addf %get3A_551, %get3A_557 : vector<16xf32>
          %add3A_559 = arith.addf %add3A_558, %bitcast_convert_type3A_541 : vector<16xf32>
          %get3A_560 = arith.constant 0 : i32
          %get3A_561 = arith.index_cast %get3A_560 : i32 to index
          %get3A_562 = arith.index_cast %scan3A_350 : i32 to index
          %get3A_563 = arith.constant 112 : index
          %get3A_564 = tpu.vector_load %arg10[%get3A_561, %get3A_562, %get3A_563] {strides = array<i32>} : memref<2x64x128xf32, #tpu.memory_space<vmem>>, vector<1x1x16xf32>,
          %get3A_565 = vector.shape_cast %get3A_564 : vector<1x1x16xf32> to vector<16xf32>
          %get3A_566 = arith.constant 0 : i32
          %get3A_567 = arith.index_cast %get3A_566 : i32 to index
          %get3A_568 = arith.index_cast %scan3A_350 : i32 to index
          %get3A_569 = arith.constant 112 : index
          %get3A_570 = tpu.vector_load %arg11[%get3A_567, %get3A_568, %get3A_569] {strides = array<i32>} : memref<2x64x128xf32, #tpu.memory_space<vmem>>, vector<1x1x16xf32>,
          %get3A_571 = vector.shape_cast %get3A_570 : vector<1x1x16xf32> to vector<16xf32>
          %add3A_572 = arith.addf %get3A_565, %get3A_571 : vector<16xf32>
          %add3A_573 = arith.addf %add3A_572, %bitcast_convert_type3A_545 : vector<16xf32>
          %max3A_574 = arith.constant 0.000000e+00 : f32
          %max3A_575 = vector.broadcast %max3A_574 : f32 to vector<16xf32>
          %max3A_576 = arith.maximumf %add3A_559, %max3A_575 : vector<16xf32>
          %swap3A_577 = arith.constant 0 : i32
          %swap3A_578 = arith.index_cast %swap3A_577 : i32 to index
          %swap3A_579 = arith.index_cast %scan3A_350 : i32 to index
          %swap3A_580 = arith.constant 96 : index
          %swap3A_581 = tpu.vector_load %arg10[%swap3A_578, %swap3A_579, %swap3A_580] {strides = array<i32>} : memref<2x64x128xf32, #tpu.memory_space<vmem>>, vector<1x1x16xf32>,
          %swap3A_582 = vector.shape_cast %swap3A_581 : vector<1x1x16xf32> to vector<16xf32>
          %swap3A_583 = vector.shape_cast %max3A_576 : vector<16xf32> to vector<1x1x16xf32>
          tpu.vector_store %arg10[%swap3A_578, %swap3A_579, %swap3A_580], %swap3A_583 {strides = array<i32>} : memref<2x64x128xf32, #tpu.memory_space<vmem>>, vector<1x1x16xf32>,
          %max3A_584 = arith.constant 0.000000e+00 : f32
          %max3A_585 = vector.broadcast %max3A_584 : f32 to vector<16xf32>
          %max3A_586 = arith.maximumf %add3A_573, %max3A_585 : vector<16xf32>
          %swap3A_587 = arith.constant 0 : i32
          %swap3A_588 = arith.index_cast %swap3A_587 : i32 to index
          %swap3A_589 = arith.index_cast %scan3A_350 : i32 to index
          %swap3A_590 = arith.constant 112 : index
          %swap3A_591 = tpu.vector_load %arg10[%swap3A_588, %swap3A_589, %swap3A_590] {strides = array<i32>} : memref<2x64x128xf32, #tpu.memory_space<vmem>>, vector<1x1x16xf32>,
          %swap3A_592 = vector.shape_cast %swap3A_591 : vector<1x1x16xf32> to vector<16xf32>
          %swap3A_593 = vector.shape_cast %max3A_586 : vector<16xf32> to vector<1x1x16xf32>
          tpu.vector_store %arg10[%swap3A_588, %swap3A_589, %swap3A_590], %swap3A_593 {strides = array<i32>} : memref<2x64x128xf32, #tpu.memory_space<vmem>>, vector<1x1x16xf32>,
          %scan3A_594 = arith.constant 0 : i32
          scf.yield %scan3A_594 : i32
        }
        %scan3A_337 = arith.constant 64 : i32
        %dma_start3A_338 = arith.constant 0 : i32
        %dma_start3A_339 = arith.constant 1 : i32
        %dma_start3A_340 = arith.constant 0 : i32
        %dma_start3A_341 = arith.constant 0 : i32
        %dma_start3A_342 = tpu.memref_slice %arg10[%dma_start3A_338, %dma_start3A_340, %dma_start3A_341] : memref<2x64x128xf32, #tpu.memory_space<vmem>> -> memref<1x64x128xf32, #tpu.memory_space<vmem>>
        %dma_start3A_343 = tpu.memref_squeeze %dma_start3A_342 : memref<1x64x128xf32, #tpu.memory_space<vmem>> -> memref<64x128xf32, #tpu.memory_space<vmem>>
        %dma_start3A_344 = arith.constant 0 : i32
        %dma_start3A_345 = tpu.memref_slice %arg9[%dma_start3A_339, %dma_start3A_344] : memref<3x64xi32, #tpu.memory_space<vmem>> -> memref<1x64xi32, #tpu.memory_space<vmem>>
        %dma_start3A_346 = tpu.memref_squeeze %dma_start3A_345 : memref<1x64xi32, #tpu.memory_space<vmem>> -> memref<64xi32, #tpu.memory_space<vmem>>
        %dma_start3A_347 = arith.constant 0 : i32
        %dma_start3A_348 = arith.constant 0 : i32
        %dma_start3A_349 = tpu.memref_slice %arg13[%dma_start3A_347, %dma_start3A_348] : memref<10112x128xf32, #tpu.memory_space<vmem_shared>> -> memref<10112x128xf32, #tpu.memory_space<vmem_shared>>
        tpu.enqueue_indirect_dma source(%dma_start3A_343 : memref<64x128xf32, #tpu.memory_space<vmem>>) target(%dma_start3A_349 : memref<10112x128xf32, #tpu.memory_space<vmem_shared>>) offsets(%dma_start3A_346 : memref<64xi32, #tpu.memory_space<vmem>>) semaphore(%arg16 : memref<!tpu.dma_semaphore, #tpu.memory_space<semaphore_mem>>) {add = true}
      } else {
      }
      %mul3A_265 = arith.constant 6 : i32
      %mul3A_266 = arith.muli %scan3A_223, %mul3A_265 : i32
      %add3A_267 = arith.constant 5 : i32
      %add3A_268 = arith.addi %mul3A_266, %add3A_267 : i32
      %lt3A_269 = arith.cmpi slt, %add3A_268, %add3A_58 : i32
      %convert_element_type3A_270 = arith.extui %lt3A_269 : i1 to i32
      %cond3A_271 = arith.constant 0 : i32
      %cond3A_272 = arith.cmpi ne, %convert_element_type3A_270, %cond3A_271 : i32
      scf.if %cond3A_272 {
        %add3A_274 = arith.constant 1 : i32
        %add3A_275 = arith.addi %add3A_268, %add3A_274 : i32
        %lt3A_276 = arith.cmpi slt, %add3A_275, %add3A_58 : i32
        %convert_element_type3A_277 = arith.extui %lt3A_276 : i1 to i32
        %cond3A_278 = arith.constant 0 : i32
        %cond3A_279 = arith.cmpi ne, %convert_element_type3A_277, %cond3A_278 : i32
        scf.if %cond3A_279 {
          %dma_wait3A_350 = arith.constant 0 : i32
          %dma_wait3A_351 = arith.constant 0 : i32
          %dma_wait3A_352 = tpu.memref_slice %arg8[%dma_wait3A_350, %dma_wait3A_351] : memref<3x64xi32, #tpu.memory_space<vmem>> -> memref<1x64xi32, #tpu.memory_space<vmem>>
          %dma_wait3A_353 = tpu.memref_squeeze %dma_wait3A_352 : memref<1x64xi32, #tpu.memory_space<vmem>> -> memref<64xi32, #tpu.memory_space<vmem>>
          %dma_wait3A_354 = arith.constant 0 : i32
          %dma_wait3A_355 = tpu.memref_slice %arg5[%dma_wait3A_354] : memref<320000xi32, #tpu.memory_space<hbm>> -> memref<64xi32, #tpu.memory_space<hbm>>
          %dma_wait3A_356 = arith.constant 0 : i32
          %dma_wait3A_357 = tpu.memref_slice %arg8[%dma_wait3A_350, %dma_wait3A_356] : memref<3x64xi32, #tpu.memory_space<vmem>> -> memref<1x64xi32, #tpu.memory_space<vmem>>
          %dma_wait3A_358 = tpu.memref_squeeze %dma_wait3A_357 : memref<1x64xi32, #tpu.memory_space<vmem>> -> memref<64xi32, #tpu.memory_space<vmem>>
          %dma_wait3A_359 = arith.constant 0 : i32
          %dma_wait3A_360 = tpu.memref_slice %arg5[%dma_wait3A_359] : memref<320000xi32, #tpu.memory_space<hbm>> -> memref<64xi32, #tpu.memory_space<hbm>>
          tpu.wait_dma2 semaphore(%arg18 : memref<!tpu.dma_semaphore, #tpu.memory_space<semaphore_mem>>) src(%dma_wait3A_360 : memref<64xi32, #tpu.memory_space<hbm>>) dst(%dma_wait3A_358 : memref<64xi32, #tpu.memory_space<vmem>>)
          %dma_wait3A_361 = arith.constant 0 : i32
          %dma_wait3A_362 = arith.constant 0 : i32
          %dma_wait3A_363 = tpu.memref_slice %arg9[%dma_wait3A_361, %dma_wait3A_362] : memref<3x64xi32, #tpu.memory_space<vmem>> -> memref<1x64xi32, #tpu.memory_space<vmem>>
          %dma_wait3A_364 = tpu.memref_squeeze %dma_wait3A_363 : memref<1x64xi32, #tpu.memory_space<vmem>> -> memref<64xi32, #tpu.memory_space<vmem>>
          %dma_wait3A_365 = arith.constant 0 : i32
          %dma_wait3A_366 = tpu.memref_slice %arg6[%dma_wait3A_365] : memref<320000xi32, #tpu.memory_space<hbm>> -> memref<64xi32, #tpu.memory_space<hbm>>
          %dma_wait3A_367 = arith.constant 0 : i32
          %dma_wait3A_368 = tpu.memref_slice %arg9[%dma_wait3A_361, %dma_wait3A_367] : memref<3x64xi32, #tpu.memory_space<vmem>> -> memref<1x64xi32, #tpu.memory_space<vmem>>
          %dma_wait3A_369 = tpu.memref_squeeze %dma_wait3A_368 : memref<1x64xi32, #tpu.memory_space<vmem>> -> memref<64xi32, #tpu.memory_space<vmem>>
          %dma_wait3A_370 = arith.constant 0 : i32
          %dma_wait3A_371 = tpu.memref_slice %arg6[%dma_wait3A_370] : memref<320000xi32, #tpu.memory_space<hbm>> -> memref<64xi32, #tpu.memory_space<hbm>>
          tpu.wait_dma2 semaphore(%arg18 : memref<!tpu.dma_semaphore, #tpu.memory_space<semaphore_mem>>) src(%dma_wait3A_371 : memref<64xi32, #tpu.memory_space<hbm>>) dst(%dma_wait3A_369 : memref<64xi32, #tpu.memory_space<vmem>>)
          %ge3A = arith.constant 1 : i32
          %ge3A_372 = arith.cmpi sge, %add3A_268, %ge3A : i32
          %convert_element_type3A_373 = arith.extui %ge3A_372 : i1 to i32
          %cond3A_374 = arith.constant 0 : i32
          %cond3A_375 = arith.cmpi ne, %convert_element_type3A_373, %cond3A_374 : i32
          scf.if %cond3A_375 {
            %dma_wait3A_421 = arith.constant 0 : i32
            %dma_wait3A_422 = arith.constant 0 : i32
            %dma_wait3A_423 = arith.constant 0 : i32
            %dma_wait3A_424 = tpu.memref_slice %arg10[%dma_wait3A_421, %dma_wait3A_422, %dma_wait3A_423] : memref<2x64x128xf32, #tpu.memory_space<vmem>> -> memref<1x64x128xf32, #tpu.memory_space<vmem>>
            %dma_wait3A_425 = tpu.memref_squeeze %dma_wait3A_424 : memref<1x64x128xf32, #tpu.memory_space<vmem>> -> memref<64x128xf32, #tpu.memory_space<vmem>>
            %dma_wait3A_426 = arith.constant 0 : i32
            %dma_wait3A_427 = arith.constant 0 : i32
            %dma_wait3A_428 = tpu.memref_slice %arg2[%dma_wait3A_426, %dma_wait3A_427] : memref<10000x128xf32, #tpu.memory_space<hbm>> -> memref<64x128xf32, #tpu.memory_space<hbm>>
            %dma_wait3A_429 = arith.constant 0 : i32
            %dma_wait3A_430 = arith.constant 0 : i32
            %dma_wait3A_431 = tpu.memref_slice %arg10[%dma_wait3A_421, %dma_wait3A_429, %dma_wait3A_430] : memref<2x64x128xf32, #tpu.memory_space<vmem>> -> memref<1x64x128xf32, #tpu.memory_space<vmem>>
            %dma_wait3A_432 = tpu.memref_squeeze %dma_wait3A_431 : memref<1x64x128xf32, #tpu.memory_space<vmem>> -> memref<64x128xf32, #tpu.memory_space<vmem>>
            %dma_wait3A_433 = arith.constant 0 : i32
            %dma_wait3A_434 = arith.constant 0 : i32
            %dma_wait3A_435 = tpu.memref_slice %arg2[%dma_wait3A_433, %dma_wait3A_434] : memref<10000x128xf32, #tpu.memory_space<hbm>> -> memref<64x128xf32, #tpu.memory_space<hbm>>
            tpu.wait_dma2 semaphore(%arg16 : memref<!tpu.dma_semaphore, #tpu.memory_space<semaphore_mem>>) src(%dma_wait3A_435 : memref<64x128xf32, #tpu.memory_space<hbm>>) dst(%dma_wait3A_432 : memref<64x128xf32, #tpu.memory_space<vmem>>)
          } else {
          }
          %add3A_376 = arith.constant 1 : i32
          %add3A_377 = arith.addi %add3A_268, %add3A_376 : i32
          %mul3A_378 = arith.constant 16 : i32
          %mul3A_379 = arith.muli %mul3A_378, %add3A_377 : i32
          %add3A_380 = arith.addi %arg1, %mul3A_379 : i32
          %mul3A_381 = arith.constant 64 : i32
          %mul3A_382 = arith.muli %add3A_380, %mul3A_381 : i32
          %add3A_383 = arith.addi %mul3A_0, %mul3A_382 : i32
          %dma_start3A_384 = arith.constant 0 : i32
          %dma_start3A_385 = arith.constant 0 : i32
          %dma_start3A_386 = arith.constant 0 : i32
          %dma_start3A_387 = arith.constant 0 : i32
          %dma_start3A_388 = tpu.memref_slice %arg10[%dma_start3A_385, %dma_start3A_386, %dma_start3A_387] : memref<2x64x128xf32, #tpu.memory_space<vmem>> -> memref<1x64x128xf32, #tpu.memory_space<vmem>>
          %dma_start3A_389 = tpu.memref_squeeze %dma_start3A_388 : memref<1x64x128xf32, #tpu.memory_space<vmem>> -> memref<64x128xf32, #tpu.memory_space<vmem>>
          %dma_start3A_390 = arith.constant 0 : i32
          %dma_start3A_391 = tpu.memref_slice %arg8[%dma_start3A_384, %dma_start3A_390] : memref<3x64xi32, #tpu.memory_space<vmem>> -> memref<1x64xi32, #tpu.memory_space<vmem>>
          %dma_start3A_392 = tpu.memref_squeeze %dma_start3A_391 : memref<1x64xi32, #tpu.memory_space<vmem>> -> memref<64xi32, #tpu.memory_space<vmem>>
          %dma_start3A_393 = arith.constant 0 : i32
          %dma_start3A_394 = arith.constant 0 : i32
          %dma_start3A_395 = tpu.memref_slice %arg2[%dma_start3A_393, %dma_start3A_394] : memref<10000x128xf32, #tpu.memory_space<hbm>> -> memref<10000x128xf32, #tpu.memory_space<hbm>>
          tpu.enqueue_indirect_dma source(%dma_start3A_395 : memref<10000x128xf32, #tpu.memory_space<hbm>>) target(%dma_start3A_389 : memref<64x128xf32, #tpu.memory_space<vmem>>) offsets(%dma_start3A_392 : memref<64xi32, #tpu.memory_space<vmem>>) semaphore(%arg14 : memref<!tpu.dma_semaphore, #tpu.memory_space<semaphore_mem>>)
          %dma_start3A_396 = arith.constant 0 : i32
          %dma_start3A_397 = arith.constant 0 : i32
          %dma_start3A_398 = arith.constant 0 : i32
          %dma_start3A_399 = arith.constant 0 : i32
          %dma_start3A_400 = tpu.memref_slice %arg11[%dma_start3A_397, %dma_start3A_398, %dma_start3A_399] : memref<2x64x128xf32, #tpu.memory_space<vmem>> -> memref<1x64x128xf32, #tpu.memory_space<vmem>>
          %dma_start3A_401 = tpu.memref_squeeze %dma_start3A_400 : memref<1x64x128xf32, #tpu.memory_space<vmem>> -> memref<64x128xf32, #tpu.memory_space<vmem>>
          %dma_start3A_402 = arith.constant 0 : i32
          %dma_start3A_403 = tpu.memref_slice %arg9[%dma_start3A_396, %dma_start3A_402] : memref<3x64xi32, #tpu.memory_space<vmem>> -> memref<1x64xi32, #tpu.memory_space<vmem>>
          %dma_start3A_404 = tpu.memref_squeeze %dma_start3A_403 : memref<1x64xi32, #tpu.memory_space<vmem>> -> memref<64xi32, #tpu.memory_space<vmem>>
          %dma_start3A_405 = arith.constant 0 : i32
          %dma_start3A_406 = arith.constant 0 : i32
          %dma_start3A_407 = tpu.memref_slice %arg3[%dma_start3A_405, %dma_start3A_406] : memref<10000x128xf32, #tpu.memory_space<hbm>> -> memref<10000x128xf32, #tpu.memory_space<hbm>>
          tpu.enqueue_indirect_dma source(%dma_start3A_407 : memref<10000x128xf32, #tpu.memory_space<hbm>>) target(%dma_start3A_401 : memref<64x128xf32, #tpu.memory_space<vmem>>) offsets(%dma_start3A_404 : memref<64xi32, #tpu.memory_space<vmem>>) semaphore(%arg14 : memref<!tpu.dma_semaphore, #tpu.memory_space<semaphore_mem>>)
          %dma_start3A_408 = arith.constant 0 : i32
          %dma_start3A_409 = arith.constant 0 : i32
          %dma_start3A_410 = arith.constant 0 : i32
          %dma_start3A_411 = tpu.memref_slice %arg12[%dma_start3A_408, %dma_start3A_409, %dma_start3A_410] : memref<2x64x64xi32, #tpu.memory_space<vmem>> -> memref<1x64x64xi32, #tpu.memory_space<vmem>>
          %dma_start3A_412 = tpu.memref_squeeze %dma_start3A_411 : memref<1x64x64xi32, #tpu.memory_space<vmem>> -> memref<64x64xi32, #tpu.memory_space<vmem>>
          %dma_start3A_413 = arith.constant 0 : i32
          %dma_start3A_414 = tpu.memref_slice %arg4[%add3A_383, %dma_start3A_413] : memref<320000x64xi32, #tpu.memory_space<hbm>> -> memref<64x64xi32, #tpu.memory_space<hbm>>
          %dma_start3A_415 = arith.constant 0 : i32
          %dma_start3A_416 = arith.constant 0 : i32
          %dma_start3A_417 = tpu.memref_slice %arg12[%dma_start3A_408, %dma_start3A_415, %dma_start3A_416] : memref<2x64x64xi32, #tpu.memory_space<vmem>> -> memref<1x64x64xi32, #tpu.memory_space<vmem>>
          %dma_start3A_418 = tpu.memref_squeeze %dma_start3A_417 : memref<1x64x64xi32, #tpu.memory_space<vmem>> -> memref<64x64xi32, #tpu.memory_space<vmem>>
          %dma_start3A_419 = arith.constant 0 : i32
          %dma_start3A_420 = tpu.memref_slice %arg4[%add3A_383, %dma_start3A_419] : memref<320000x64xi32, #tpu.memory_space<hbm>> -> memref<64x64xi32, #tpu.memory_space<hbm>>
          tpu.enqueue_dma source(%dma_start3A_420 : memref<64x64xi32, #tpu.memory_space<hbm>>) target(%dma_start3A_418 : memref<64x64xi32, #tpu.memory_space<vmem>>) target_semaphore(%arg14 : memref<!tpu.dma_semaphore, #tpu.memory_space<semaphore_mem>>)
        } else {
        }
        %add3A_280 = arith.constant 2 : i32
        %add3A_281 = arith.addi %add3A_268, %add3A_280 : i32
        %lt3A_282 = arith.cmpi slt, %add3A_281, %add3A_58 : i32
        %convert_element_type3A_283 = arith.extui %lt3A_282 : i1 to i32
        %cond3A_284 = arith.constant 0 : i32
        %cond3A_285 = arith.cmpi ne, %convert_element_type3A_283, %cond3A_284 : i32
        scf.if %cond3A_285 {
          %add3A_350 = arith.constant 2 : i32
          %add3A_351 = arith.addi %add3A_268, %add3A_350 : i32
          %mul3A_352 = arith.constant 16 : i32
          %mul3A_353 = arith.muli %mul3A_352, %add3A_351 : i32
          %add3A_354 = arith.addi %arg1, %mul3A_353 : i32
          %mul3A_355 = arith.constant 64 : i32
          %mul3A_356 = arith.muli %add3A_354, %mul3A_355 : i32
          %add3A_357 = arith.addi %mul3A_0, %mul3A_356 : i32
          %dma_start3A_358 = arith.constant 1 : i32
          %dma_start3A_359 = arith.constant 0 : i32
          %dma_start3A_360 = tpu.memref_slice %arg8[%dma_start3A_358, %dma_start3A_359] : memref<3x64xi32, #tpu.memory_space<vmem>> -> memref<1x64xi32, #tpu.memory_space<vmem>>
          %dma_start3A_361 = tpu.memref_squeeze %dma_start3A_360 : memref<1x64xi32, #tpu.memory_space<vmem>> -> memref<64xi32, #tpu.memory_space<vmem>>
          %dma_start3A_362 = tpu.memref_slice %arg5[%add3A_357] : memref<320000xi32, #tpu.memory_space<hbm>> -> memref<64xi32, #tpu.memory_space<hbm>>
          %dma_start3A_363 = arith.constant 0 : i32
          %dma_start3A_364 = tpu.memref_slice %arg8[%dma_start3A_358, %dma_start3A_363] : memref<3x64xi32, #tpu.memory_space<vmem>> -> memref<1x64xi32, #tpu.memory_space<vmem>>
          %dma_start3A_365 = tpu.memref_squeeze %dma_start3A_364 : memref<1x64xi32, #tpu.memory_space<vmem>> -> memref<64xi32, #tpu.memory_space<vmem>>
          %dma_start3A_366 = tpu.memref_slice %arg5[%add3A_357] : memref<320000xi32, #tpu.memory_space<hbm>> -> memref<64xi32, #tpu.memory_space<hbm>>
          tpu.enqueue_dma source(%dma_start3A_366 : memref<64xi32, #tpu.memory_space<hbm>>) target(%dma_start3A_365 : memref<64xi32, #tpu.memory_space<vmem>>) target_semaphore(%arg19 : memref<!tpu.dma_semaphore, #tpu.memory_space<semaphore_mem>>)
          %dma_start3A_367 = arith.constant 1 : i32
          %dma_start3A_368 = arith.constant 0 : i32
          %dma_start3A_369 = tpu.memref_slice %arg9[%dma_start3A_367, %dma_start3A_368] : memref<3x64xi32, #tpu.memory_space<vmem>> -> memref<1x64xi32, #tpu.memory_space<vmem>>
          %dma_start3A_370 = tpu.memref_squeeze %dma_start3A_369 : memref<1x64xi32, #tpu.memory_space<vmem>> -> memref<64xi32, #tpu.memory_space<vmem>>
          %dma_start3A_371 = tpu.memref_slice %arg6[%add3A_357] : memref<320000xi32, #tpu.memory_space<hbm>> -> memref<64xi32, #tpu.memory_space<hbm>>
          %dma_start3A_372 = arith.constant 0 : i32
          %dma_start3A_373 = tpu.memref_slice %arg9[%dma_start3A_367, %dma_start3A_372] : memref<3x64xi32, #tpu.memory_space<vmem>> -> memref<1x64xi32, #tpu.memory_space<vmem>>
          %dma_start3A_374 = tpu.memref_squeeze %dma_start3A_373 : memref<1x64xi32, #tpu.memory_space<vmem>> -> memref<64xi32, #tpu.memory_space<vmem>>
          %dma_start3A_375 = tpu.memref_slice %arg6[%add3A_357] : memref<320000xi32, #tpu.memory_space<hbm>> -> memref<64xi32, #tpu.memory_space<hbm>>
          tpu.enqueue_dma source(%dma_start3A_375 : memref<64xi32, #tpu.memory_space<hbm>>) target(%dma_start3A_374 : memref<64xi32, #tpu.memory_space<vmem>>) target_semaphore(%arg19 : memref<!tpu.dma_semaphore, #tpu.memory_space<semaphore_mem>>)
        } else {
        }
        %dma_wait3A_286 = arith.constant 1 : i32
        %dma_wait3A_287 = arith.constant 0 : i32
        %dma_wait3A_288 = arith.constant 0 : i32
        %dma_wait3A_289 = tpu.memref_slice %arg10[%dma_wait3A_286, %dma_wait3A_287, %dma_wait3A_288] : memref<2x64x128xf32, #tpu.memory_space<vmem>> -> memref<1x64x128xf32, #tpu.memory_space<vmem>>
        %dma_wait3A_290 = tpu.memref_squeeze %dma_wait3A_289 : memref<1x64x128xf32, #tpu.memory_space<vmem>> -> memref<64x128xf32, #tpu.memory_space<vmem>>
        %dma_wait3A_291 = arith.constant 0 : i32
        %dma_wait3A_292 = arith.constant 0 : i32
        %dma_wait3A_293 = tpu.memref_slice %arg2[%dma_wait3A_291, %dma_wait3A_292] : memref<10000x128xf32, #tpu.memory_space<hbm>> -> memref<64x128xf32, #tpu.memory_space<hbm>>
        %dma_wait3A_294 = arith.constant 0 : i32
        %dma_wait3A_295 = arith.constant 0 : i32
        %dma_wait3A_296 = tpu.memref_slice %arg10[%dma_wait3A_286, %dma_wait3A_294, %dma_wait3A_295] : memref<2x64x128xf32, #tpu.memory_space<vmem>> -> memref<1x64x128xf32, #tpu.memory_space<vmem>>
        %dma_wait3A_297 = tpu.memref_squeeze %dma_wait3A_296 : memref<1x64x128xf32, #tpu.memory_space<vmem>> -> memref<64x128xf32, #tpu.memory_space<vmem>>
        %dma_wait3A_298 = arith.constant 0 : i32
        %dma_wait3A_299 = arith.constant 0 : i32
        %dma_wait3A_300 = tpu.memref_slice %arg2[%dma_wait3A_298, %dma_wait3A_299] : memref<10000x128xf32, #tpu.memory_space<hbm>> -> memref<64x128xf32, #tpu.memory_space<hbm>>
        tpu.wait_dma2 semaphore(%arg15 : memref<!tpu.dma_semaphore, #tpu.memory_space<semaphore_mem>>) src(%dma_wait3A_300 : memref<64x128xf32, #tpu.memory_space<hbm>>) dst(%dma_wait3A_297 : memref<64x128xf32, #tpu.memory_space<vmem>>)
        %dma_wait3A_301 = arith.constant 1 : i32
        %dma_wait3A_302 = arith.constant 0 : i32
        %dma_wait3A_303 = arith.constant 0 : i32
        %dma_wait3A_304 = tpu.memref_slice %arg11[%dma_wait3A_301, %dma_wait3A_302, %dma_wait3A_303] : memref<2x64x128xf32, #tpu.memory_space<vmem>> -> memref<1x64x128xf32, #tpu.memory_space<vmem>>
        %dma_wait3A_305 = tpu.memref_squeeze %dma_wait3A_304 : memref<1x64x128xf32, #tpu.memory_space<vmem>> -> memref<64x128xf32, #tpu.memory_space<vmem>>
        %dma_wait3A_306 = arith.constant 0 : i32
        %dma_wait3A_307 = arith.constant 0 : i32
        %dma_wait3A_308 = tpu.memref_slice %arg2[%dma_wait3A_306, %dma_wait3A_307] : memref<10000x128xf32, #tpu.memory_space<hbm>> -> memref<64x128xf32, #tpu.memory_space<hbm>>
        %dma_wait3A_309 = arith.constant 0 : i32
        %dma_wait3A_310 = arith.constant 0 : i32
        %dma_wait3A_311 = tpu.memref_slice %arg11[%dma_wait3A_301, %dma_wait3A_309, %dma_wait3A_310] : memref<2x64x128xf32, #tpu.memory_space<vmem>> -> memref<1x64x128xf32, #tpu.memory_space<vmem>>
        %dma_wait3A_312 = tpu.memref_squeeze %dma_wait3A_311 : memref<1x64x128xf32, #tpu.memory_space<vmem>> -> memref<64x128xf32, #tpu.memory_space<vmem>>
        %dma_wait3A_313 = arith.constant 0 : i32
        %dma_wait3A_314 = arith.constant 0 : i32
        %dma_wait3A_315 = tpu.memref_slice %arg2[%dma_wait3A_313, %dma_wait3A_314] : memref<10000x128xf32, #tpu.memory_space<hbm>> -> memref<64x128xf32, #tpu.memory_space<hbm>>
        tpu.wait_dma2 semaphore(%arg15 : memref<!tpu.dma_semaphore, #tpu.memory_space<semaphore_mem>>) src(%dma_wait3A_315 : memref<64x128xf32, #tpu.memory_space<hbm>>) dst(%dma_wait3A_312 : memref<64x128xf32, #tpu.memory_space<vmem>>)
        %dma_wait3A_316 = arith.constant 1 : i32
        %dma_wait3A_317 = arith.constant 0 : i32
        %dma_wait3A_318 = arith.constant 0 : i32
        %dma_wait3A_319 = tpu.memref_slice %arg12[%dma_wait3A_316, %dma_wait3A_317, %dma_wait3A_318] : memref<2x64x64xi32, #tpu.memory_space<vmem>> -> memref<1x64x64xi32, #tpu.memory_space<vmem>>
        %dma_wait3A_320 = tpu.memref_squeeze %dma_wait3A_319 : memref<1x64x64xi32, #tpu.memory_space<vmem>> -> memref<64x64xi32, #tpu.memory_space<vmem>>
        %dma_wait3A_321 = arith.constant 0 : i32
        %dma_wait3A_322 = arith.constant 0 : i32
        %dma_wait3A_323 = tpu.memref_slice %arg4[%dma_wait3A_321, %dma_wait3A_322] : memref<320000x64xi32, #tpu.memory_space<hbm>> -> memref<64x64xi32, #tpu.memory_space<hbm>>
        %dma_wait3A_324 = arith.constant 0 : i32
        %dma_wait3A_325 = arith.constant 0 : i32
        %dma_wait3A_326 = tpu.memref_slice %arg12[%dma_wait3A_316, %dma_wait3A_324, %dma_wait3A_325] : memref<2x64x64xi32, #tpu.memory_space<vmem>> -> memref<1x64x64xi32, #tpu.memory_space<vmem>>
        %dma_wait3A_327 = tpu.memref_squeeze %dma_wait3A_326 : memref<1x64x64xi32, #tpu.memory_space<vmem>> -> memref<64x64xi32, #tpu.memory_space<vmem>>
        %dma_wait3A_328 = arith.constant 0 : i32
        %dma_wait3A_329 = arith.constant 0 : i32
        %dma_wait3A_330 = tpu.memref_slice %arg4[%dma_wait3A_328, %dma_wait3A_329] : memref<320000x64xi32, #tpu.memory_space<hbm>> -> memref<64x64xi32, #tpu.memory_space<hbm>>
        tpu.wait_dma2 semaphore(%arg15 : memref<!tpu.dma_semaphore, #tpu.memory_space<semaphore_mem>>) src(%dma_wait3A_330 : memref<64x64xi32, #tpu.memory_space<hbm>>) dst(%dma_wait3A_327 : memref<64x64xi32, #tpu.memory_space<vmem>>)
        %scan3A_331 = arith.constant 0 : i32
        %scan3A_332 = arith.constant 0 : i32
        %scan3A_333 = arith.constant 64 : i32
        %scan3A_334 = arith.addi %scan3A_332, %scan3A_333 : i32
        %scan3A_335 = arith.constant 1 : i32
        %scan3A_336 = scf.for %scan3A_350 = %scan3A_332 to %scan3A_334 step %scan3A_335 iter_args(%scan3A_351 = %scan3A_331) -> (i32)  : i32 {
          %get3A = arith.constant 1 : i32
          %get3A_352 = arith.index_cast %get3A : i32 to index
          %get3A_353 = arith.index_cast %scan3A_350 : i32 to index
          %get3A_354 = arith.constant 0 : index
          %get3A_355 = tpu.vector_load %arg12[%get3A_352, %get3A_353, %get3A_354] {strides = array<i32>} : memref<2x64x64xi32, #tpu.memory_space<vmem>>, vector<1x1x16xi32>,
          %get3A_356 = vector.shape_cast %get3A_355 : vector<1x1x16xi32> to vector<16xi32>
          %shift_left3A = arith.constant 16 : i32
          %shift_left3A_357 = vector.broadcast %shift_left3A : i32 to vector<16xi32>
          %shift_left3A_358 = arith.shli %get3A_356, %shift_left3A_357 : vector<16xi32>
          %bitcast_convert_type3A = tpu.bitcast %shift_left3A_358 : vector<16xi32> -> vector<16xf32>
          %and3A = arith.constant -65536 : i32
          %and3A_359 = vector.broadcast %and3A : i32 to vector<16xi32>
          %and3A_360 = arith.andi %get3A_356, %and3A_359 : vector<16xi32>
          %bitcast_convert_type3A_361 = tpu.bitcast %and3A_360 : vector<16xi32> -> vector<16xf32>
          %get3A_362 = arith.constant 1 : i32
          %get3A_363 = arith.index_cast %get3A_362 : i32 to index
          %get3A_364 = arith.index_cast %scan3A_350 : i32 to index
          %get3A_365 = arith.constant 0 : index
          %get3A_366 = tpu.vector_load %arg10[%get3A_363, %get3A_364, %get3A_365] {strides = array<i32>} : memref<2x64x128xf32, #tpu.memory_space<vmem>>, vector<1x1x16xf32>,
          %get3A_367 = vector.shape_cast %get3A_366 : vector<1x1x16xf32> to vector<16xf32>
          %get3A_368 = arith.constant 1 : i32
          %get3A_369 = arith.index_cast %get3A_368 : i32 to index
          %get3A_370 = arith.index_cast %scan3A_350 : i32 to index
          %get3A_371 = arith.constant 0 : index
          %get3A_372 = tpu.vector_load %arg11[%get3A_369, %get3A_370, %get3A_371] {strides = array<i32>} : memref<2x64x128xf32, #tpu.memory_space<vmem>>, vector<1x1x16xf32>,
          %get3A_373 = vector.shape_cast %get3A_372 : vector<1x1x16xf32> to vector<16xf32>
          %add3A_374 = arith.addf %get3A_367, %get3A_373 : vector<16xf32>
          %add3A_375 = arith.addf %add3A_374, %bitcast_convert_type3A : vector<16xf32>
          %get3A_376 = arith.constant 1 : i32
          %get3A_377 = arith.index_cast %get3A_376 : i32 to index
          %get3A_378 = arith.index_cast %scan3A_350 : i32 to index
          %get3A_379 = arith.constant 16 : index
          %get3A_380 = tpu.vector_load %arg10[%get3A_377, %get3A_378, %get3A_379] {strides = array<i32>} : memref<2x64x128xf32, #tpu.memory_space<vmem>>, vector<1x1x16xf32>,
          %get3A_381 = vector.shape_cast %get3A_380 : vector<1x1x16xf32> to vector<16xf32>
          %get3A_382 = arith.constant 1 : i32
          %get3A_383 = arith.index_cast %get3A_382 : i32 to index
          %get3A_384 = arith.index_cast %scan3A_350 : i32 to index
          %get3A_385 = arith.constant 16 : index
          %get3A_386 = tpu.vector_load %arg11[%get3A_383, %get3A_384, %get3A_385] {strides = array<i32>} : memref<2x64x128xf32, #tpu.memory_space<vmem>>, vector<1x1x16xf32>,
          %get3A_387 = vector.shape_cast %get3A_386 : vector<1x1x16xf32> to vector<16xf32>
          %add3A_388 = arith.addf %get3A_381, %get3A_387 : vector<16xf32>
          %add3A_389 = arith.addf %add3A_388, %bitcast_convert_type3A_361 : vector<16xf32>
          %max3A = arith.constant 0.000000e+00 : f32
          %max3A_390 = vector.broadcast %max3A : f32 to vector<16xf32>
          %max3A_391 = arith.maximumf %add3A_375, %max3A_390 : vector<16xf32>
          %swap3A = arith.constant 1 : i32
          %swap3A_392 = arith.index_cast %swap3A : i32 to index
          %swap3A_393 = arith.index_cast %scan3A_350 : i32 to index
          %swap3A_394 = arith.constant 0 : index
          %swap3A_395 = tpu.vector_load %arg10[%swap3A_392, %swap3A_393, %swap3A_394] {strides = array<i32>} : memref<2x64x128xf32, #tpu.memory_space<vmem>>, vector<1x1x16xf32>,
          %swap3A_396 = vector.shape_cast %swap3A_395 : vector<1x1x16xf32> to vector<16xf32>
          %swap3A_397 = vector.shape_cast %max3A_391 : vector<16xf32> to vector<1x1x16xf32>
          tpu.vector_store %arg10[%swap3A_392, %swap3A_393, %swap3A_394], %swap3A_397 {strides = array<i32>} : memref<2x64x128xf32, #tpu.memory_space<vmem>>, vector<1x1x16xf32>,
          %max3A_398 = arith.constant 0.000000e+00 : f32
          %max3A_399 = vector.broadcast %max3A_398 : f32 to vector<16xf32>
          %max3A_400 = arith.maximumf %add3A_389, %max3A_399 : vector<16xf32>
          %swap3A_401 = arith.constant 1 : i32
          %swap3A_402 = arith.index_cast %swap3A_401 : i32 to index
          %swap3A_403 = arith.index_cast %scan3A_350 : i32 to index
          %swap3A_404 = arith.constant 16 : index
          %swap3A_405 = tpu.vector_load %arg10[%swap3A_402, %swap3A_403, %swap3A_404] {strides = array<i32>} : memref<2x64x128xf32, #tpu.memory_space<vmem>>, vector<1x1x16xf32>,
          %swap3A_406 = vector.shape_cast %swap3A_405 : vector<1x1x16xf32> to vector<16xf32>
          %swap3A_407 = vector.shape_cast %max3A_400 : vector<16xf32> to vector<1x1x16xf32>
          tpu.vector_store %arg10[%swap3A_402, %swap3A_403, %swap3A_404], %swap3A_407 {strides = array<i32>} : memref<2x64x128xf32, #tpu.memory_space<vmem>>, vector<1x1x16xf32>,
          %get3A_408 = arith.constant 1 : i32
          %get3A_409 = arith.index_cast %get3A_408 : i32 to index
          %get3A_410 = arith.index_cast %scan3A_350 : i32 to index
          %get3A_411 = arith.constant 16 : index
          %get3A_412 = tpu.vector_load %arg12[%get3A_409, %get3A_410, %get3A_411] {strides = array<i32>} : memref<2x64x64xi32, #tpu.memory_space<vmem>>, vector<1x1x16xi32>,
          %get3A_413 = vector.shape_cast %get3A_412 : vector<1x1x16xi32> to vector<16xi32>
          %shift_left3A_414 = arith.constant 16 : i32
          %shift_left3A_415 = vector.broadcast %shift_left3A_414 : i32 to vector<16xi32>
          %shift_left3A_416 = arith.shli %get3A_413, %shift_left3A_415 : vector<16xi32>
          %bitcast_convert_type3A_417 = tpu.bitcast %shift_left3A_416 : vector<16xi32> -> vector<16xf32>
          %and3A_418 = arith.constant -65536 : i32
          %and3A_419 = vector.broadcast %and3A_418 : i32 to vector<16xi32>
          %and3A_420 = arith.andi %get3A_413, %and3A_419 : vector<16xi32>
          %bitcast_convert_type3A_421 = tpu.bitcast %and3A_420 : vector<16xi32> -> vector<16xf32>
          %get3A_422 = arith.constant 1 : i32
          %get3A_423 = arith.index_cast %get3A_422 : i32 to index
          %get3A_424 = arith.index_cast %scan3A_350 : i32 to index
          %get3A_425 = arith.constant 32 : index
          %get3A_426 = tpu.vector_load %arg10[%get3A_423, %get3A_424, %get3A_425] {strides = array<i32>} : memref<2x64x128xf32, #tpu.memory_space<vmem>>, vector<1x1x16xf32>,
          %get3A_427 = vector.shape_cast %get3A_426 : vector<1x1x16xf32> to vector<16xf32>
          %get3A_428 = arith.constant 1 : i32
          %get3A_429 = arith.index_cast %get3A_428 : i32 to index
          %get3A_430 = arith.index_cast %scan3A_350 : i32 to index
          %get3A_431 = arith.constant 32 : index
          %get3A_432 = tpu.vector_load %arg11[%get3A_429, %get3A_430, %get3A_431] {strides = array<i32>} : memref<2x64x128xf32, #tpu.memory_space<vmem>>, vector<1x1x16xf32>,
          %get3A_433 = vector.shape_cast %get3A_432 : vector<1x1x16xf32> to vector<16xf32>
          %add3A_434 = arith.addf %get3A_427, %get3A_433 : vector<16xf32>
          %add3A_435 = arith.addf %add3A_434, %bitcast_convert_type3A_417 : vector<16xf32>
          %get3A_436 = arith.constant 1 : i32
          %get3A_437 = arith.index_cast %get3A_436 : i32 to index
          %get3A_438 = arith.index_cast %scan3A_350 : i32 to index
          %get3A_439 = arith.constant 48 : index
          %get3A_440 = tpu.vector_load %arg10[%get3A_437, %get3A_438, %get3A_439] {strides = array<i32>} : memref<2x64x128xf32, #tpu.memory_space<vmem>>, vector<1x1x16xf32>,
          %get3A_441 = vector.shape_cast %get3A_440 : vector<1x1x16xf32> to vector<16xf32>
          %get3A_442 = arith.constant 1 : i32
          %get3A_443 = arith.index_cast %get3A_442 : i32 to index
          %get3A_444 = arith.index_cast %scan3A_350 : i32 to index
          %get3A_445 = arith.constant 48 : index
          %get3A_446 = tpu.vector_load %arg11[%get3A_443, %get3A_444, %get3A_445] {strides = array<i32>} : memref<2x64x128xf32, #tpu.memory_space<vmem>>, vector<1x1x16xf32>,
          %get3A_447 = vector.shape_cast %get3A_446 : vector<1x1x16xf32> to vector<16xf32>
          %add3A_448 = arith.addf %get3A_441, %get3A_447 : vector<16xf32>
          %add3A_449 = arith.addf %add3A_448, %bitcast_convert_type3A_421 : vector<16xf32>
          %max3A_450 = arith.constant 0.000000e+00 : f32
          %max3A_451 = vector.broadcast %max3A_450 : f32 to vector<16xf32>
          %max3A_452 = arith.maximumf %add3A_435, %max3A_451 : vector<16xf32>
          %swap3A_453 = arith.constant 1 : i32
          %swap3A_454 = arith.index_cast %swap3A_453 : i32 to index
          %swap3A_455 = arith.index_cast %scan3A_350 : i32 to index
          %swap3A_456 = arith.constant 32 : index
          %swap3A_457 = tpu.vector_load %arg10[%swap3A_454, %swap3A_455, %swap3A_456] {strides = array<i32>} : memref<2x64x128xf32, #tpu.memory_space<vmem>>, vector<1x1x16xf32>,
          %swap3A_458 = vector.shape_cast %swap3A_457 : vector<1x1x16xf32> to vector<16xf32>
          %swap3A_459 = vector.shape_cast %max3A_452 : vector<16xf32> to vector<1x1x16xf32>
          tpu.vector_store %arg10[%swap3A_454, %swap3A_455, %swap3A_456], %swap3A_459 {strides = array<i32>} : memref<2x64x128xf32, #tpu.memory_space<vmem>>, vector<1x1x16xf32>,
          %max3A_460 = arith.constant 0.000000e+00 : f32
          %max3A_461 = vector.broadcast %max3A_460 : f32 to vector<16xf32>
          %max3A_462 = arith.maximumf %add3A_449, %max3A_461 : vector<16xf32>
          %swap3A_463 = arith.constant 1 : i32
          %swap3A_464 = arith.index_cast %swap3A_463 : i32 to index
          %swap3A_465 = arith.index_cast %scan3A_350 : i32 to index
          %swap3A_466 = arith.constant 48 : index
          %swap3A_467 = tpu.vector_load %arg10[%swap3A_464, %swap3A_465, %swap3A_466] {strides = array<i32>} : memref<2x64x128xf32, #tpu.memory_space<vmem>>, vector<1x1x16xf32>,
          %swap3A_468 = vector.shape_cast %swap3A_467 : vector<1x1x16xf32> to vector<16xf32>
          %swap3A_469 = vector.shape_cast %max3A_462 : vector<16xf32> to vector<1x1x16xf32>
          tpu.vector_store %arg10[%swap3A_464, %swap3A_465, %swap3A_466], %swap3A_469 {strides = array<i32>} : memref<2x64x128xf32, #tpu.memory_space<vmem>>, vector<1x1x16xf32>,
          %get3A_470 = arith.constant 1 : i32
          %get3A_471 = arith.index_cast %get3A_470 : i32 to index
          %get3A_472 = arith.index_cast %scan3A_350 : i32 to index
          %get3A_473 = arith.constant 32 : index
          %get3A_474 = tpu.vector_load %arg12[%get3A_471, %get3A_472, %get3A_473] {strides = array<i32>} : memref<2x64x64xi32, #tpu.memory_space<vmem>>, vector<1x1x16xi32>,
          %get3A_475 = vector.shape_cast %get3A_474 : vector<1x1x16xi32> to vector<16xi32>
          %shift_left3A_476 = arith.constant 16 : i32
          %shift_left3A_477 = vector.broadcast %shift_left3A_476 : i32 to vector<16xi32>
          %shift_left3A_478 = arith.shli %get3A_475, %shift_left3A_477 : vector<16xi32>
          %bitcast_convert_type3A_479 = tpu.bitcast %shift_left3A_478 : vector<16xi32> -> vector<16xf32>
          %and3A_480 = arith.constant -65536 : i32
          %and3A_481 = vector.broadcast %and3A_480 : i32 to vector<16xi32>
          %and3A_482 = arith.andi %get3A_475, %and3A_481 : vector<16xi32>
          %bitcast_convert_type3A_483 = tpu.bitcast %and3A_482 : vector<16xi32> -> vector<16xf32>
          %get3A_484 = arith.constant 1 : i32
          %get3A_485 = arith.index_cast %get3A_484 : i32 to index
          %get3A_486 = arith.index_cast %scan3A_350 : i32 to index
          %get3A_487 = arith.constant 64 : index
          %get3A_488 = tpu.vector_load %arg10[%get3A_485, %get3A_486, %get3A_487] {strides = array<i32>} : memref<2x64x128xf32, #tpu.memory_space<vmem>>, vector<1x1x16xf32>,
          %get3A_489 = vector.shape_cast %get3A_488 : vector<1x1x16xf32> to vector<16xf32>
          %get3A_490 = arith.constant 1 : i32
          %get3A_491 = arith.index_cast %get3A_490 : i32 to index
          %get3A_492 = arith.index_cast %scan3A_350 : i32 to index
          %get3A_493 = arith.constant 64 : index
          %get3A_494 = tpu.vector_load %arg11[%get3A_491, %get3A_492, %get3A_493] {strides = array<i32>} : memref<2x64x128xf32, #tpu.memory_space<vmem>>, vector<1x1x16xf32>,
          %get3A_495 = vector.shape_cast %get3A_494 : vector<1x1x16xf32> to vector<16xf32>
          %add3A_496 = arith.addf %get3A_489, %get3A_495 : vector<16xf32>
          %add3A_497 = arith.addf %add3A_496, %bitcast_convert_type3A_479 : vector<16xf32>
          %get3A_498 = arith.constant 1 : i32
          %get3A_499 = arith.index_cast %get3A_498 : i32 to index
          %get3A_500 = arith.index_cast %scan3A_350 : i32 to index
          %get3A_501 = arith.constant 80 : index
          %get3A_502 = tpu.vector_load %arg10[%get3A_499, %get3A_500, %get3A_501] {strides = array<i32>} : memref<2x64x128xf32, #tpu.memory_space<vmem>>, vector<1x1x16xf32>,
          %get3A_503 = vector.shape_cast %get3A_502 : vector<1x1x16xf32> to vector<16xf32>
          %get3A_504 = arith.constant 1 : i32
          %get3A_505 = arith.index_cast %get3A_504 : i32 to index
          %get3A_506 = arith.index_cast %scan3A_350 : i32 to index
          %get3A_507 = arith.constant 80 : index
          %get3A_508 = tpu.vector_load %arg11[%get3A_505, %get3A_506, %get3A_507] {strides = array<i32>} : memref<2x64x128xf32, #tpu.memory_space<vmem>>, vector<1x1x16xf32>,
          %get3A_509 = vector.shape_cast %get3A_508 : vector<1x1x16xf32> to vector<16xf32>
          %add3A_510 = arith.addf %get3A_503, %get3A_509 : vector<16xf32>
          %add3A_511 = arith.addf %add3A_510, %bitcast_convert_type3A_483 : vector<16xf32>
          %max3A_512 = arith.constant 0.000000e+00 : f32
          %max3A_513 = vector.broadcast %max3A_512 : f32 to vector<16xf32>
          %max3A_514 = arith.maximumf %add3A_497, %max3A_513 : vector<16xf32>
          %swap3A_515 = arith.constant 1 : i32
          %swap3A_516 = arith.index_cast %swap3A_515 : i32 to index
          %swap3A_517 = arith.index_cast %scan3A_350 : i32 to index
          %swap3A_518 = arith.constant 64 : index
          %swap3A_519 = tpu.vector_load %arg10[%swap3A_516, %swap3A_517, %swap3A_518] {strides = array<i32>} : memref<2x64x128xf32, #tpu.memory_space<vmem>>, vector<1x1x16xf32>,
          %swap3A_520 = vector.shape_cast %swap3A_519 : vector<1x1x16xf32> to vector<16xf32>
          %swap3A_521 = vector.shape_cast %max3A_514 : vector<16xf32> to vector<1x1x16xf32>
          tpu.vector_store %arg10[%swap3A_516, %swap3A_517, %swap3A_518], %swap3A_521 {strides = array<i32>} : memref<2x64x128xf32, #tpu.memory_space<vmem>>, vector<1x1x16xf32>,
          %max3A_522 = arith.constant 0.000000e+00 : f32
          %max3A_523 = vector.broadcast %max3A_522 : f32 to vector<16xf32>
          %max3A_524 = arith.maximumf %add3A_511, %max3A_523 : vector<16xf32>
          %swap3A_525 = arith.constant 1 : i32
          %swap3A_526 = arith.index_cast %swap3A_525 : i32 to index
          %swap3A_527 = arith.index_cast %scan3A_350 : i32 to index
          %swap3A_528 = arith.constant 80 : index
          %swap3A_529 = tpu.vector_load %arg10[%swap3A_526, %swap3A_527, %swap3A_528] {strides = array<i32>} : memref<2x64x128xf32, #tpu.memory_space<vmem>>, vector<1x1x16xf32>,
          %swap3A_530 = vector.shape_cast %swap3A_529 : vector<1x1x16xf32> to vector<16xf32>
          %swap3A_531 = vector.shape_cast %max3A_524 : vector<16xf32> to vector<1x1x16xf32>
          tpu.vector_store %arg10[%swap3A_526, %swap3A_527, %swap3A_528], %swap3A_531 {strides = array<i32>} : memref<2x64x128xf32, #tpu.memory_space<vmem>>, vector<1x1x16xf32>,
          %get3A_532 = arith.constant 1 : i32
          %get3A_533 = arith.index_cast %get3A_532 : i32 to index
          %get3A_534 = arith.index_cast %scan3A_350 : i32 to index
          %get3A_535 = arith.constant 48 : index
          %get3A_536 = tpu.vector_load %arg12[%get3A_533, %get3A_534, %get3A_535] {strides = array<i32>} : memref<2x64x64xi32, #tpu.memory_space<vmem>>, vector<1x1x16xi32>,
          %get3A_537 = vector.shape_cast %get3A_536 : vector<1x1x16xi32> to vector<16xi32>
          %shift_left3A_538 = arith.constant 16 : i32
          %shift_left3A_539 = vector.broadcast %shift_left3A_538 : i32 to vector<16xi32>
          %shift_left3A_540 = arith.shli %get3A_537, %shift_left3A_539 : vector<16xi32>
          %bitcast_convert_type3A_541 = tpu.bitcast %shift_left3A_540 : vector<16xi32> -> vector<16xf32>
          %and3A_542 = arith.constant -65536 : i32
          %and3A_543 = vector.broadcast %and3A_542 : i32 to vector<16xi32>
          %and3A_544 = arith.andi %get3A_537, %and3A_543 : vector<16xi32>
          %bitcast_convert_type3A_545 = tpu.bitcast %and3A_544 : vector<16xi32> -> vector<16xf32>
          %get3A_546 = arith.constant 1 : i32
          %get3A_547 = arith.index_cast %get3A_546 : i32 to index
          %get3A_548 = arith.index_cast %scan3A_350 : i32 to index
          %get3A_549 = arith.constant 96 : index
          %get3A_550 = tpu.vector_load %arg10[%get3A_547, %get3A_548, %get3A_549] {strides = array<i32>} : memref<2x64x128xf32, #tpu.memory_space<vmem>>, vector<1x1x16xf32>,
          %get3A_551 = vector.shape_cast %get3A_550 : vector<1x1x16xf32> to vector<16xf32>
          %get3A_552 = arith.constant 1 : i32
          %get3A_553 = arith.index_cast %get3A_552 : i32 to index
          %get3A_554 = arith.index_cast %scan3A_350 : i32 to index
          %get3A_555 = arith.constant 96 : index
          %get3A_556 = tpu.vector_load %arg11[%get3A_553, %get3A_554, %get3A_555] {strides = array<i32>} : memref<2x64x128xf32, #tpu.memory_space<vmem>>, vector<1x1x16xf32>,
          %get3A_557 = vector.shape_cast %get3A_556 : vector<1x1x16xf32> to vector<16xf32>
          %add3A_558 = arith.addf %get3A_551, %get3A_557 : vector<16xf32>
          %add3A_559 = arith.addf %add3A_558, %bitcast_convert_type3A_541 : vector<16xf32>
          %get3A_560 = arith.constant 1 : i32
          %get3A_561 = arith.index_cast %get3A_560 : i32 to index
          %get3A_562 = arith.index_cast %scan3A_350 : i32 to index
          %get3A_563 = arith.constant 112 : index
          %get3A_564 = tpu.vector_load %arg10[%get3A_561, %get3A_562, %get3A_563] {strides = array<i32>} : memref<2x64x128xf32, #tpu.memory_space<vmem>>, vector<1x1x16xf32>,
          %get3A_565 = vector.shape_cast %get3A_564 : vector<1x1x16xf32> to vector<16xf32>
          %get3A_566 = arith.constant 1 : i32
          %get3A_567 = arith.index_cast %get3A_566 : i32 to index
          %get3A_568 = arith.index_cast %scan3A_350 : i32 to index
          %get3A_569 = arith.constant 112 : index
          %get3A_570 = tpu.vector_load %arg11[%get3A_567, %get3A_568, %get3A_569] {strides = array<i32>} : memref<2x64x128xf32, #tpu.memory_space<vmem>>, vector<1x1x16xf32>,
          %get3A_571 = vector.shape_cast %get3A_570 : vector<1x1x16xf32> to vector<16xf32>
          %add3A_572 = arith.addf %get3A_565, %get3A_571 : vector<16xf32>
          %add3A_573 = arith.addf %add3A_572, %bitcast_convert_type3A_545 : vector<16xf32>
          %max3A_574 = arith.constant 0.000000e+00 : f32
          %max3A_575 = vector.broadcast %max3A_574 : f32 to vector<16xf32>
          %max3A_576 = arith.maximumf %add3A_559, %max3A_575 : vector<16xf32>
          %swap3A_577 = arith.constant 1 : i32
          %swap3A_578 = arith.index_cast %swap3A_577 : i32 to index
          %swap3A_579 = arith.index_cast %scan3A_350 : i32 to index
          %swap3A_580 = arith.constant 96 : index
          %swap3A_581 = tpu.vector_load %arg10[%swap3A_578, %swap3A_579, %swap3A_580] {strides = array<i32>} : memref<2x64x128xf32, #tpu.memory_space<vmem>>, vector<1x1x16xf32>,
          %swap3A_582 = vector.shape_cast %swap3A_581 : vector<1x1x16xf32> to vector<16xf32>
          %swap3A_583 = vector.shape_cast %max3A_576 : vector<16xf32> to vector<1x1x16xf32>
          tpu.vector_store %arg10[%swap3A_578, %swap3A_579, %swap3A_580], %swap3A_583 {strides = array<i32>} : memref<2x64x128xf32, #tpu.memory_space<vmem>>, vector<1x1x16xf32>,
          %max3A_584 = arith.constant 0.000000e+00 : f32
          %max3A_585 = vector.broadcast %max3A_584 : f32 to vector<16xf32>
          %max3A_586 = arith.maximumf %add3A_573, %max3A_585 : vector<16xf32>
          %swap3A_587 = arith.constant 1 : i32
          %swap3A_588 = arith.index_cast %swap3A_587 : i32 to index
          %swap3A_589 = arith.index_cast %scan3A_350 : i32 to index
          %swap3A_590 = arith.constant 112 : index
          %swap3A_591 = tpu.vector_load %arg10[%swap3A_588, %swap3A_589, %swap3A_590] {strides = array<i32>} : memref<2x64x128xf32, #tpu.memory_space<vmem>>, vector<1x1x16xf32>,
          %swap3A_592 = vector.shape_cast %swap3A_591 : vector<1x1x16xf32> to vector<16xf32>
          %swap3A_593 = vector.shape_cast %max3A_586 : vector<16xf32> to vector<1x1x16xf32>
          tpu.vector_store %arg10[%swap3A_588, %swap3A_589, %swap3A_590], %swap3A_593 {strides = array<i32>} : memref<2x64x128xf32, #tpu.memory_space<vmem>>, vector<1x1x16xf32>,
          %scan3A_594 = arith.constant 0 : i32
          scf.yield %scan3A_594 : i32
        }
        %scan3A_337 = arith.constant 64 : i32
        %dma_start3A_338 = arith.constant 1 : i32
        %dma_start3A_339 = arith.constant 2 : i32
        %dma_start3A_340 = arith.constant 0 : i32
        %dma_start3A_341 = arith.constant 0 : i32
        %dma_start3A_342 = tpu.memref_slice %arg10[%dma_start3A_338, %dma_start3A_340, %dma_start3A_341] : memref<2x64x128xf32, #tpu.memory_space<vmem>> -> memref<1x64x128xf32, #tpu.memory_space<vmem>>
        %dma_start3A_343 = tpu.memref_squeeze %dma_start3A_342 : memref<1x64x128xf32, #tpu.memory_space<vmem>> -> memref<64x128xf32, #tpu.memory_space<vmem>>
        %dma_start3A_344 = arith.constant 0 : i32
        %dma_start3A_345 = tpu.memref_slice %arg9[%dma_start3A_339, %dma_start3A_344] : memref<3x64xi32, #tpu.memory_space<vmem>> -> memref<1x64xi32, #tpu.memory_space<vmem>>
        %dma_start3A_346 = tpu.memref_squeeze %dma_start3A_345 : memref<1x64xi32, #tpu.memory_space<vmem>> -> memref<64xi32, #tpu.memory_space<vmem>>
        %dma_start3A_347 = arith.constant 0 : i32
        %dma_start3A_348 = arith.constant 0 : i32
        %dma_start3A_349 = tpu.memref_slice %arg13[%dma_start3A_347, %dma_start3A_348] : memref<10112x128xf32, #tpu.memory_space<vmem_shared>> -> memref<10112x128xf32, #tpu.memory_space<vmem_shared>>
        tpu.enqueue_indirect_dma source(%dma_start3A_343 : memref<64x128xf32, #tpu.memory_space<vmem>>) target(%dma_start3A_349 : memref<10112x128xf32, #tpu.memory_space<vmem_shared>>) offsets(%dma_start3A_346 : memref<64xi32, #tpu.memory_space<vmem>>) semaphore(%arg17 : memref<!tpu.dma_semaphore, #tpu.memory_space<semaphore_mem>>) {add = true}
      } else {
      }
      %scan3A_273 = arith.constant 0 : i32
      scf.yield %scan3A_273 : i32
    }
    %scan3A_152 = arith.constant 27 : i32
    %gt3A_153 = arith.constant 1 : i32
    %gt3A_154 = arith.cmpi sgt, %add3A_58, %gt3A_153 : i32
    %convert_element_type3A_155 = arith.extui %gt3A_154 : i1 to i32
    %cond3A_156 = arith.constant 0 : i32
    %cond3A_157 = arith.cmpi ne, %convert_element_type3A_155, %cond3A_156 : i32
    scf.if %cond3A_157 {
      %dma_wait3A_223 = arith.constant 0 : i32
      %dma_wait3A_224 = arith.constant 0 : i32
      %dma_wait3A_225 = arith.constant 0 : i32
      %dma_wait3A_226 = tpu.memref_slice %arg10[%dma_wait3A_223, %dma_wait3A_224, %dma_wait3A_225] : memref<2x64x128xf32, #tpu.memory_space<vmem>> -> memref<1x64x128xf32, #tpu.memory_space<vmem>>
      %dma_wait3A_227 = tpu.memref_squeeze %dma_wait3A_226 : memref<1x64x128xf32, #tpu.memory_space<vmem>> -> memref<64x128xf32, #tpu.memory_space<vmem>>
      %dma_wait3A_228 = arith.constant 0 : i32
      %dma_wait3A_229 = arith.constant 0 : i32
      %dma_wait3A_230 = tpu.memref_slice %arg2[%dma_wait3A_228, %dma_wait3A_229] : memref<10000x128xf32, #tpu.memory_space<hbm>> -> memref<64x128xf32, #tpu.memory_space<hbm>>
      %dma_wait3A_231 = arith.constant 0 : i32
      %dma_wait3A_232 = arith.constant 0 : i32
      %dma_wait3A_233 = tpu.memref_slice %arg10[%dma_wait3A_223, %dma_wait3A_231, %dma_wait3A_232] : memref<2x64x128xf32, #tpu.memory_space<vmem>> -> memref<1x64x128xf32, #tpu.memory_space<vmem>>
      %dma_wait3A_234 = tpu.memref_squeeze %dma_wait3A_233 : memref<1x64x128xf32, #tpu.memory_space<vmem>> -> memref<64x128xf32, #tpu.memory_space<vmem>>
      %dma_wait3A_235 = arith.constant 0 : i32
      %dma_wait3A_236 = arith.constant 0 : i32
      %dma_wait3A_237 = tpu.memref_slice %arg2[%dma_wait3A_235, %dma_wait3A_236] : memref<10000x128xf32, #tpu.memory_space<hbm>> -> memref<64x128xf32, #tpu.memory_space<hbm>>
      tpu.wait_dma2 semaphore(%arg16 : memref<!tpu.dma_semaphore, #tpu.memory_space<semaphore_mem>>) src(%dma_wait3A_237 : memref<64x128xf32, #tpu.memory_space<hbm>>) dst(%dma_wait3A_234 : memref<64x128xf32, #tpu.memory_space<vmem>>)
      %dma_wait3A_238 = arith.constant 1 : i32
      %dma_wait3A_239 = arith.constant 0 : i32
      %dma_wait3A_240 = arith.constant 0 : i32
      %dma_wait3A_241 = tpu.memref_slice %arg10[%dma_wait3A_238, %dma_wait3A_239, %dma_wait3A_240] : memref<2x64x128xf32, #tpu.memory_space<vmem>> -> memref<1x64x128xf32, #tpu.memory_space<vmem>>
      %dma_wait3A_242 = tpu.memref_squeeze %dma_wait3A_241 : memref<1x64x128xf32, #tpu.memory_space<vmem>> -> memref<64x128xf32, #tpu.memory_space<vmem>>
      %dma_wait3A_243 = arith.constant 0 : i32
      %dma_wait3A_244 = arith.constant 0 : i32
      %dma_wait3A_245 = tpu.memref_slice %arg2[%dma_wait3A_243, %dma_wait3A_244] : memref<10000x128xf32, #tpu.memory_space<hbm>> -> memref<64x128xf32, #tpu.memory_space<hbm>>
      %dma_wait3A_246 = arith.constant 0 : i32
      %dma_wait3A_247 = arith.constant 0 : i32
      %dma_wait3A_248 = tpu.memref_slice %arg10[%dma_wait3A_238, %dma_wait3A_246, %dma_wait3A_247] : memref<2x64x128xf32, #tpu.memory_space<vmem>> -> memref<1x64x128xf32, #tpu.memory_space<vmem>>
      %dma_wait3A_249 = tpu.memref_squeeze %dma_wait3A_248 : memref<1x64x128xf32, #tpu.memory_space<vmem>> -> memref<64x128xf32, #tpu.memory_space<vmem>>
      %dma_wait3A_250 = arith.constant 0 : i32
      %dma_wait3A_251 = arith.constant 0 : i32
      %dma_wait3A_252 = tpu.memref_slice %arg2[%dma_wait3A_250, %dma_wait3A_251] : memref<10000x128xf32, #tpu.memory_space<hbm>> -> memref<64x128xf32, #tpu.memory_space<hbm>>
      tpu.wait_dma2 semaphore(%arg17 : memref<!tpu.dma_semaphore, #tpu.memory_space<semaphore_mem>>) src(%dma_wait3A_252 : memref<64x128xf32, #tpu.memory_space<hbm>>) dst(%dma_wait3A_249 : memref<64x128xf32, #tpu.memory_space<vmem>>)
    } else {
    }
    %eq3A = arith.constant 1 : i32
    %eq3A_158 = arith.cmpi eq, %add3A_58, %eq3A : i32
    %convert_element_type3A_159 = arith.extui %eq3A_158 : i1 to i32
    %cond3A_160 = arith.constant 0 : i32
    %cond3A_161 = arith.cmpi ne, %convert_element_type3A_159, %cond3A_160 : i32
    scf.if %cond3A_161 {
      %dma_wait3A_223 = arith.constant 0 : i32
      %dma_wait3A_224 = arith.constant 0 : i32
      %dma_wait3A_225 = arith.constant 0 : i32
      %dma_wait3A_226 = tpu.memref_slice %arg10[%dma_wait3A_223, %dma_wait3A_224, %dma_wait3A_225] : memref<2x64x128xf32, #tpu.memory_space<vmem>> -> memref<1x64x128xf32, #tpu.memory_space<vmem>>
      %dma_wait3A_227 = tpu.memref_squeeze %dma_wait3A_226 : memref<1x64x128xf32, #tpu.memory_space<vmem>> -> memref<64x128xf32, #tpu.memory_space<vmem>>
      %dma_wait3A_228 = arith.constant 0 : i32
      %dma_wait3A_229 = arith.constant 0 : i32
      %dma_wait3A_230 = tpu.memref_slice %arg2[%dma_wait3A_228, %dma_wait3A_229] : memref<10000x128xf32, #tpu.memory_space<hbm>> -> memref<64x128xf32, #tpu.memory_space<hbm>>
      %dma_wait3A_231 = arith.constant 0 : i32
      %dma_wait3A_232 = arith.constant 0 : i32
      %dma_wait3A_233 = tpu.memref_slice %arg10[%dma_wait3A_223, %dma_wait3A_231, %dma_wait3A_232] : memref<2x64x128xf32, #tpu.memory_space<vmem>> -> memref<1x64x128xf32, #tpu.memory_space<vmem>>
      %dma_wait3A_234 = tpu.memref_squeeze %dma_wait3A_233 : memref<1x64x128xf32, #tpu.memory_space<vmem>> -> memref<64x128xf32, #tpu.memory_space<vmem>>
      %dma_wait3A_235 = arith.constant 0 : i32
      %dma_wait3A_236 = arith.constant 0 : i32
      %dma_wait3A_237 = tpu.memref_slice %arg2[%dma_wait3A_235, %dma_wait3A_236] : memref<10000x128xf32, #tpu.memory_space<hbm>> -> memref<64x128xf32, #tpu.memory_space<hbm>>
      tpu.wait_dma2 semaphore(%arg16 : memref<!tpu.dma_semaphore, #tpu.memory_space<semaphore_mem>>) src(%dma_wait3A_237 : memref<64x128xf32, #tpu.memory_space<hbm>>) dst(%dma_wait3A_234 : memref<64x128xf32, #tpu.memory_space<vmem>>)
    } else {
    }
    %barrier3A_162 = arith.constant 0 : index
    tpu.barrier barrier_id(%barrier3A_162)
    %mul3A_163 = arith.constant 632 : i32
    %mul3A_164 = arith.muli %arg1, %mul3A_163 : i32
    %add3A_165 = arith.constant 0 : i32
    %add3A_166 = arith.addi %mul3A_164, %add3A_165 : i32
    %run_scoped3A_167 = arith.constant 0 : i32
    "tpu.region"() ({
      %run_scoped3A_223 = tpu.sem_alloc : memref<!tpu.dma_semaphore, #tpu.memory_space<semaphore_mem>>
      %dma_start3A_224 = arith.constant 0 : i32
      %dma_start3A_225 = arith.constant 0 : i32
      %dma_start3A_226 = tpu.memref_slice %arg10[%run_scoped3A_167, %dma_start3A_224, %dma_start3A_225] : memref<2x64x128xf32, #tpu.memory_space<vmem>> -> memref<1x64x128xf32, #tpu.memory_space<vmem>>
      %dma_start3A_227 = tpu.memref_squeeze %dma_start3A_226 : memref<1x64x128xf32, #tpu.memory_space<vmem>> -> memref<64x128xf32, #tpu.memory_space<vmem>>
      %dma_start3A_228 = arith.constant 0 : i32
      %dma_start3A_229 = arith.constant 0 : i32
      %dma_start3A_230 = tpu.memref_slice %dma_start3A_227[%dma_start3A_228, %dma_start3A_229] : memref<64x128xf32, #tpu.memory_space<vmem>> -> memref<64x128xf32, #tpu.memory_space<vmem>>
      %dma_start3A_231 = arith.constant 0 : i32
      %dma_start3A_232 = tpu.memref_slice %arg13[%add3A_166, %dma_start3A_231] : memref<10112x128xf32, #tpu.memory_space<vmem_shared>> -> memref<64x128xf32, #tpu.memory_space<vmem_shared>>
      %dma_start3A_233 = arith.constant 0 : i32
      %dma_start3A_234 = arith.constant 0 : i32
      %dma_start3A_235 = tpu.memref_slice %arg10[%run_scoped3A_167, %dma_start3A_233, %dma_start3A_234] : memref<2x64x128xf32, #tpu.memory_space<vmem>> -> memref<1x64x128xf32, #tpu.memory_space<vmem>>
      %dma_start3A_236 = tpu.memref_squeeze %dma_start3A_235 : memref<1x64x128xf32, #tpu.memory_space<vmem>> -> memref<64x128xf32, #tpu.memory_space<vmem>>
      %dma_start3A_237 = arith.constant 0 : i32
      %dma_start3A_238 = arith.constant 0 : i32
      %dma_start3A_239 = tpu.memref_slice %dma_start3A_236[%dma_start3A_237, %dma_start3A_238] : memref<64x128xf32, #tpu.memory_space<vmem>> -> memref<64x128xf32, #tpu.memory_space<vmem>>
      %dma_start3A_240 = arith.constant 0 : i32
      %dma_start3A_241 = tpu.memref_slice %arg13[%add3A_166, %dma_start3A_240] : memref<10112x128xf32, #tpu.memory_space<vmem_shared>> -> memref<64x128xf32, #tpu.memory_space<vmem_shared>>
      tpu.enqueue_dma source(%dma_start3A_241 : memref<64x128xf32, #tpu.memory_space<vmem_shared>>) target(%dma_start3A_239 : memref<64x128xf32, #tpu.memory_space<vmem>>) target_semaphore(%run_scoped3A_223 : memref<!tpu.dma_semaphore, #tpu.memory_space<semaphore_mem>>)
      %dma_wait3A_242 = arith.constant 0 : i32
      %dma_wait3A_243 = arith.constant 0 : i32
      %dma_wait3A_244 = tpu.memref_slice %arg10[%run_scoped3A_167, %dma_wait3A_242, %dma_wait3A_243] : memref<2x64x128xf32, #tpu.memory_space<vmem>> -> memref<1x64x128xf32, #tpu.memory_space<vmem>>
      %dma_wait3A_245 = tpu.memref_squeeze %dma_wait3A_244 : memref<1x64x128xf32, #tpu.memory_space<vmem>> -> memref<64x128xf32, #tpu.memory_space<vmem>>
      %dma_wait3A_246 = arith.constant 0 : i32
      %dma_wait3A_247 = arith.constant 0 : i32
      %dma_wait3A_248 = tpu.memref_slice %dma_wait3A_245[%dma_wait3A_246, %dma_wait3A_247] : memref<64x128xf32, #tpu.memory_space<vmem>> -> memref<64x128xf32, #tpu.memory_space<vmem>>
      %dma_wait3A_249 = arith.constant 0 : i32
      %dma_wait3A_250 = tpu.memref_slice %arg13[%add3A_166, %dma_wait3A_249] : memref<10112x128xf32, #tpu.memory_space<vmem_shared>> -> memref<64x128xf32, #tpu.memory_space<vmem_shared>>
      %dma_wait3A_251 = arith.constant 0 : i32
      %dma_wait3A_252 = arith.constant 0 : i32
      %dma_wait3A_253 = tpu.memref_slice %arg10[%run_scoped3A_167, %dma_wait3A_251, %dma_wait3A_252] : memref<2x64x128xf32, #tpu.memory_space<vmem>> -> memref<1x64x128xf32, #tpu.memory_space<vmem>>
      %dma_wait3A_254 = tpu.memref_squeeze %dma_wait3A_253 : memref<1x64x128xf32, #tpu.memory_space<vmem>> -> memref<64x128xf32, #tpu.memory_space<vmem>>
      %dma_wait3A_255 = arith.constant 0 : i32
      %dma_wait3A_256 = arith.constant 0 : i32
      %dma_wait3A_257 = tpu.memref_slice %dma_wait3A_254[%dma_wait3A_255, %dma_wait3A_256] : memref<64x128xf32, #tpu.memory_space<vmem>> -> memref<64x128xf32, #tpu.memory_space<vmem>>
      %dma_wait3A_258 = arith.constant 0 : i32
      %dma_wait3A_259 = tpu.memref_slice %arg13[%add3A_166, %dma_wait3A_258] : memref<10112x128xf32, #tpu.memory_space<vmem_shared>> -> memref<64x128xf32, #tpu.memory_space<vmem_shared>>
      tpu.wait_dma2 semaphore(%run_scoped3A_223 : memref<!tpu.dma_semaphore, #tpu.memory_space<semaphore_mem>>) src(%dma_wait3A_259 : memref<64x128xf32, #tpu.memory_space<vmem_shared>>) dst(%dma_wait3A_257 : memref<64x128xf32, #tpu.memory_space<vmem>>)
      tpu.yield
    }) : () -> ()
    %run_scoped3A_168 = arith.constant 0 : i32
    "tpu.region"() ({
      %run_scoped3A_223 = tpu.sem_alloc : memref<!tpu.dma_semaphore, #tpu.memory_space<semaphore_mem>>
      %dma_start3A_224 = arith.constant 0 : i32
      %dma_start3A_225 = arith.constant 0 : i32
      %dma_start3A_226 = tpu.memref_slice %arg10[%run_scoped3A_168, %dma_start3A_224, %dma_start3A_225] : memref<2x64x128xf32, #tpu.memory_space<vmem>> -> memref<1x64x128xf32, #tpu.memory_space<vmem>>
      %dma_start3A_227 = tpu.memref_squeeze %dma_start3A_226 : memref<1x64x128xf32, #tpu.memory_space<vmem>> -> memref<64x128xf32, #tpu.memory_space<vmem>>
      %dma_start3A_228 = arith.constant 0 : i32
      %dma_start3A_229 = arith.constant 0 : i32
      %dma_start3A_230 = tpu.memref_slice %dma_start3A_227[%dma_start3A_228, %dma_start3A_229] : memref<64x128xf32, #tpu.memory_space<vmem>> -> memref<64x128xf32, #tpu.memory_space<vmem>>
      %dma_start3A_231 = arith.constant 0 : i32
      %dma_start3A_232 = tpu.memref_slice %arg7[%arg0, %add3A_166, %dma_start3A_231] : memref<2x10112x128xf32, #tpu.memory_space<hbm>> -> memref<1x64x128xf32, #tpu.memory_space<hbm>>
      %dma_start3A_233 = tpu.memref_squeeze %dma_start3A_232 : memref<1x64x128xf32, #tpu.memory_space<hbm>> -> memref<64x128xf32, #tpu.memory_space<hbm>>
      %dma_start3A_234 = arith.constant 0 : i32
      %dma_start3A_235 = tpu.memref_slice %arg7[%arg0, %add3A_166, %dma_start3A_234] : memref<2x10112x128xf32, #tpu.memory_space<hbm>> -> memref<1x64x128xf32, #tpu.memory_space<hbm>>
      %dma_start3A_236 = tpu.memref_squeeze %dma_start3A_235 : memref<1x64x128xf32, #tpu.memory_space<hbm>> -> memref<64x128xf32, #tpu.memory_space<hbm>>
      %dma_start3A_237 = arith.constant 0 : i32
      %dma_start3A_238 = arith.constant 0 : i32
      %dma_start3A_239 = tpu.memref_slice %arg10[%run_scoped3A_168, %dma_start3A_237, %dma_start3A_238] : memref<2x64x128xf32, #tpu.memory_space<vmem>> -> memref<1x64x128xf32, #tpu.memory_space<vmem>>
      %dma_start3A_240 = tpu.memref_squeeze %dma_start3A_239 : memref<1x64x128xf32, #tpu.memory_space<vmem>> -> memref<64x128xf32, #tpu.memory_space<vmem>>
      %dma_start3A_241 = arith.constant 0 : i32
      %dma_start3A_242 = arith.constant 0 : i32
      %dma_start3A_243 = tpu.memref_slice %dma_start3A_240[%dma_start3A_241, %dma_start3A_242] : memref<64x128xf32, #tpu.memory_space<vmem>> -> memref<64x128xf32, #tpu.memory_space<vmem>>
      tpu.enqueue_dma source(%dma_start3A_243 : memref<64x128xf32, #tpu.memory_space<vmem>>) target(%dma_start3A_236 : memref<64x128xf32, #tpu.memory_space<hbm>>) target_semaphore(%run_scoped3A_223 : memref<!tpu.dma_semaphore, #tpu.memory_space<semaphore_mem>>)
      %dma_wait3A_244 = arith.constant 0 : i32
      %dma_wait3A_245 = arith.constant 0 : i32
      %dma_wait3A_246 = tpu.memref_slice %arg10[%run_scoped3A_168, %dma_wait3A_244, %dma_wait3A_245] : memref<2x64x128xf32, #tpu.memory_space<vmem>> -> memref<1x64x128xf32, #tpu.memory_space<vmem>>
      %dma_wait3A_247 = tpu.memref_squeeze %dma_wait3A_246 : memref<1x64x128xf32, #tpu.memory_space<vmem>> -> memref<64x128xf32, #tpu.memory_space<vmem>>
      %dma_wait3A_248 = arith.constant 0 : i32
      %dma_wait3A_249 = arith.constant 0 : i32
      %dma_wait3A_250 = tpu.memref_slice %dma_wait3A_247[%dma_wait3A_248, %dma_wait3A_249] : memref<64x128xf32, #tpu.memory_space<vmem>> -> memref<64x128xf32, #tpu.memory_space<vmem>>
      %dma_wait3A_251 = arith.constant 0 : i32
      %dma_wait3A_252 = tpu.memref_slice %arg7[%arg0, %add3A_166, %dma_wait3A_251] : memref<2x10112x128xf32, #tpu.memory_space<hbm>> -> memref<1x64x128xf32, #tpu.memory_space<hbm>>
      %dma_wait3A_253 = tpu.memref_squeeze %dma_wait3A_252 : memref<1x64x128xf32, #tpu.memory_space<hbm>> -> memref<64x128xf32, #tpu.memory_space<hbm>>
      %dma_wait3A_254 = arith.constant 0 : i32
      %dma_wait3A_255 = tpu.memref_slice %arg7[%arg0, %add3A_166, %dma_wait3A_254] : memref<2x10112x128xf32, #tpu.memory_space<hbm>> -> memref<1x64x128xf32, #tpu.memory_space<hbm>>
      %dma_wait3A_256 = tpu.memref_squeeze %dma_wait3A_255 : memref<1x64x128xf32, #tpu.memory_space<hbm>> -> memref<64x128xf32, #tpu.memory_space<hbm>>
      %dma_wait3A_257 = arith.constant 0 : i32
      %dma_wait3A_258 = arith.constant 0 : i32
      %dma_wait3A_259 = tpu.memref_slice %arg10[%run_scoped3A_168, %dma_wait3A_257, %dma_wait3A_258] : memref<2x64x128xf32, #tpu.memory_space<vmem>> -> memref<1x64x128xf32, #tpu.memory_space<vmem>>
      %dma_wait3A_260 = tpu.memref_squeeze %dma_wait3A_259 : memref<1x64x128xf32, #tpu.memory_space<vmem>> -> memref<64x128xf32, #tpu.memory_space<vmem>>
      %dma_wait3A_261 = arith.constant 0 : i32
      %dma_wait3A_262 = arith.constant 0 : i32
      %dma_wait3A_263 = tpu.memref_slice %dma_wait3A_260[%dma_wait3A_261, %dma_wait3A_262] : memref<64x128xf32, #tpu.memory_space<vmem>> -> memref<64x128xf32, #tpu.memory_space<vmem>>
      tpu.wait_dma2 semaphore(%run_scoped3A_223 : memref<!tpu.dma_semaphore, #tpu.memory_space<semaphore_mem>>) src(%dma_wait3A_263 : memref<64x128xf32, #tpu.memory_space<vmem>>) dst(%dma_wait3A_256 : memref<64x128xf32, #tpu.memory_space<hbm>>)
      tpu.yield
    }) : () -> ()
    %mul3A_169 = arith.constant 632 : i32
    %mul3A_170 = arith.muli %arg1, %mul3A_169 : i32
    %add3A_171 = arith.constant 64 : i32
    %add3A_172 = arith.addi %mul3A_170, %add3A_171 : i32
    %run_scoped3A_173 = arith.constant 0 : i32
    "tpu.region"() ({
      %run_scoped3A_223 = tpu.sem_alloc : memref<!tpu.dma_semaphore, #tpu.memory_space<semaphore_mem>>
      %dma_start3A_224 = arith.constant 0 : i32
      %dma_start3A_225 = arith.constant 0 : i32
      %dma_start3A_226 = tpu.memref_slice %arg10[%run_scoped3A_173, %dma_start3A_224, %dma_start3A_225] : memref<2x64x128xf32, #tpu.memory_space<vmem>> -> memref<1x64x128xf32, #tpu.memory_space<vmem>>
      %dma_start3A_227 = tpu.memref_squeeze %dma_start3A_226 : memref<1x64x128xf32, #tpu.memory_space<vmem>> -> memref<64x128xf32, #tpu.memory_space<vmem>>
      %dma_start3A_228 = arith.constant 0 : i32
      %dma_start3A_229 = arith.constant 0 : i32
      %dma_start3A_230 = tpu.memref_slice %dma_start3A_227[%dma_start3A_228, %dma_start3A_229] : memref<64x128xf32, #tpu.memory_space<vmem>> -> memref<64x128xf32, #tpu.memory_space<vmem>>
      %dma_start3A_231 = arith.constant 0 : i32
      %dma_start3A_232 = tpu.memref_slice %arg13[%add3A_172, %dma_start3A_231] : memref<10112x128xf32, #tpu.memory_space<vmem_shared>> -> memref<64x128xf32, #tpu.memory_space<vmem_shared>>
      %dma_start3A_233 = arith.constant 0 : i32
      %dma_start3A_234 = arith.constant 0 : i32
      %dma_start3A_235 = tpu.memref_slice %arg10[%run_scoped3A_173, %dma_start3A_233, %dma_start3A_234] : memref<2x64x128xf32, #tpu.memory_space<vmem>> -> memref<1x64x128xf32, #tpu.memory_space<vmem>>
      %dma_start3A_236 = tpu.memref_squeeze %dma_start3A_235 : memref<1x64x128xf32, #tpu.memory_space<vmem>> -> memref<64x128xf32, #tpu.memory_space<vmem>>
      %dma_start3A_237 = arith.constant 0 : i32
      %dma_start3A_238 = arith.constant 0 : i32
      %dma_start3A_239 = tpu.memref_slice %dma_start3A_236[%dma_start3A_237, %dma_start3A_238] : memref<64x128xf32, #tpu.memory_space<vmem>> -> memref<64x128xf32, #tpu.memory_space<vmem>>
      %dma_start3A_240 = arith.constant 0 : i32
      %dma_start3A_241 = tpu.memref_slice %arg13[%add3A_172, %dma_start3A_240] : memref<10112x128xf32, #tpu.memory_space<vmem_shared>> -> memref<64x128xf32, #tpu.memory_space<vmem_shared>>
      tpu.enqueue_dma source(%dma_start3A_241 : memref<64x128xf32, #tpu.memory_space<vmem_shared>>) target(%dma_start3A_239 : memref<64x128xf32, #tpu.memory_space<vmem>>) target_semaphore(%run_scoped3A_223 : memref<!tpu.dma_semaphore, #tpu.memory_space<semaphore_mem>>)
      %dma_wait3A_242 = arith.constant 0 : i32
      %dma_wait3A_243 = arith.constant 0 : i32
      %dma_wait3A_244 = tpu.memref_slice %arg10[%run_scoped3A_173, %dma_wait3A_242, %dma_wait3A_243] : memref<2x64x128xf32, #tpu.memory_space<vmem>> -> memref<1x64x128xf32, #tpu.memory_space<vmem>>
      %dma_wait3A_245 = tpu.memref_squeeze %dma_wait3A_244 : memref<1x64x128xf32, #tpu.memory_space<vmem>> -> memref<64x128xf32, #tpu.memory_space<vmem>>
      %dma_wait3A_246 = arith.constant 0 : i32
      %dma_wait3A_247 = arith.constant 0 : i32
      %dma_wait3A_248 = tpu.memref_slice %dma_wait3A_245[%dma_wait3A_246, %dma_wait3A_247] : memref<64x128xf32, #tpu.memory_space<vmem>> -> memref<64x128xf32, #tpu.memory_space<vmem>>
      %dma_wait3A_249 = arith.constant 0 : i32
      %dma_wait3A_250 = tpu.memref_slice %arg13[%add3A_172, %dma_wait3A_249] : memref<10112x128xf32, #tpu.memory_space<vmem_shared>> -> memref<64x128xf32, #tpu.memory_space<vmem_shared>>
      %dma_wait3A_251 = arith.constant 0 : i32
      %dma_wait3A_252 = arith.constant 0 : i32
      %dma_wait3A_253 = tpu.memref_slice %arg10[%run_scoped3A_173, %dma_wait3A_251, %dma_wait3A_252] : memref<2x64x128xf32, #tpu.memory_space<vmem>> -> memref<1x64x128xf32, #tpu.memory_space<vmem>>
      %dma_wait3A_254 = tpu.memref_squeeze %dma_wait3A_253 : memref<1x64x128xf32, #tpu.memory_space<vmem>> -> memref<64x128xf32, #tpu.memory_space<vmem>>
      %dma_wait3A_255 = arith.constant 0 : i32
      %dma_wait3A_256 = arith.constant 0 : i32
      %dma_wait3A_257 = tpu.memref_slice %dma_wait3A_254[%dma_wait3A_255, %dma_wait3A_256] : memref<64x128xf32, #tpu.memory_space<vmem>> -> memref<64x128xf32, #tpu.memory_space<vmem>>
      %dma_wait3A_258 = arith.constant 0 : i32
      %dma_wait3A_259 = tpu.memref_slice %arg13[%add3A_172, %dma_wait3A_258] : memref<10112x128xf32, #tpu.memory_space<vmem_shared>> -> memref<64x128xf32, #tpu.memory_space<vmem_shared>>
      tpu.wait_dma2 semaphore(%run_scoped3A_223 : memref<!tpu.dma_semaphore, #tpu.memory_space<semaphore_mem>>) src(%dma_wait3A_259 : memref<64x128xf32, #tpu.memory_space<vmem_shared>>) dst(%dma_wait3A_257 : memref<64x128xf32, #tpu.memory_space<vmem>>)
      tpu.yield
    }) : () -> ()
    %run_scoped3A_174 = arith.constant 0 : i32
    "tpu.region"() ({
      %run_scoped3A_223 = tpu.sem_alloc : memref<!tpu.dma_semaphore, #tpu.memory_space<semaphore_mem>>
      %dma_start3A_224 = arith.constant 0 : i32
      %dma_start3A_225 = arith.constant 0 : i32
      %dma_start3A_226 = tpu.memref_slice %arg10[%run_scoped3A_174, %dma_start3A_224, %dma_start3A_225] : memref<2x64x128xf32, #tpu.memory_space<vmem>> -> memref<1x64x128xf32, #tpu.memory_space<vmem>>
      %dma_start3A_227 = tpu.memref_squeeze %dma_start3A_226 : memref<1x64x128xf32, #tpu.memory_space<vmem>> -> memref<64x128xf32, #tpu.memory_space<vmem>>
      %dma_start3A_228 = arith.constant 0 : i32
      %dma_start3A_229 = arith.constant 0 : i32
      %dma_start3A_230 = tpu.memref_slice %dma_start3A_227[%dma_start3A_228, %dma_start3A_229] : memref<64x128xf32, #tpu.memory_space<vmem>> -> memref<64x128xf32, #tpu.memory_space<vmem>>
      %dma_start3A_231 = arith.constant 0 : i32
      %dma_start3A_232 = tpu.memref_slice %arg7[%arg0, %add3A_172, %dma_start3A_231] : memref<2x10112x128xf32, #tpu.memory_space<hbm>> -> memref<1x64x128xf32, #tpu.memory_space<hbm>>
      %dma_start3A_233 = tpu.memref_squeeze %dma_start3A_232 : memref<1x64x128xf32, #tpu.memory_space<hbm>> -> memref<64x128xf32, #tpu.memory_space<hbm>>
      %dma_start3A_234 = arith.constant 0 : i32
      %dma_start3A_235 = tpu.memref_slice %arg7[%arg0, %add3A_172, %dma_start3A_234] : memref<2x10112x128xf32, #tpu.memory_space<hbm>> -> memref<1x64x128xf32, #tpu.memory_space<hbm>>
      %dma_start3A_236 = tpu.memref_squeeze %dma_start3A_235 : memref<1x64x128xf32, #tpu.memory_space<hbm>> -> memref<64x128xf32, #tpu.memory_space<hbm>>
      %dma_start3A_237 = arith.constant 0 : i32
      %dma_start3A_238 = arith.constant 0 : i32
      %dma_start3A_239 = tpu.memref_slice %arg10[%run_scoped3A_174, %dma_start3A_237, %dma_start3A_238] : memref<2x64x128xf32, #tpu.memory_space<vmem>> -> memref<1x64x128xf32, #tpu.memory_space<vmem>>
      %dma_start3A_240 = tpu.memref_squeeze %dma_start3A_239 : memref<1x64x128xf32, #tpu.memory_space<vmem>> -> memref<64x128xf32, #tpu.memory_space<vmem>>
      %dma_start3A_241 = arith.constant 0 : i32
      %dma_start3A_242 = arith.constant 0 : i32
      %dma_start3A_243 = tpu.memref_slice %dma_start3A_240[%dma_start3A_241, %dma_start3A_242] : memref<64x128xf32, #tpu.memory_space<vmem>> -> memref<64x128xf32, #tpu.memory_space<vmem>>
      tpu.enqueue_dma source(%dma_start3A_243 : memref<64x128xf32, #tpu.memory_space<vmem>>) target(%dma_start3A_236 : memref<64x128xf32, #tpu.memory_space<hbm>>) target_semaphore(%run_scoped3A_223 : memref<!tpu.dma_semaphore, #tpu.memory_space<semaphore_mem>>)
      %dma_wait3A_244 = arith.constant 0 : i32
      %dma_wait3A_245 = arith.constant 0 : i32
      %dma_wait3A_246 = tpu.memref_slice %arg10[%run_scoped3A_174, %dma_wait3A_244, %dma_wait3A_245] : memref<2x64x128xf32, #tpu.memory_space<vmem>> -> memref<1x64x128xf32, #tpu.memory_space<vmem>>
      %dma_wait3A_247 = tpu.memref_squeeze %dma_wait3A_246 : memref<1x64x128xf32, #tpu.memory_space<vmem>> -> memref<64x128xf32, #tpu.memory_space<vmem>>
      %dma_wait3A_248 = arith.constant 0 : i32
      %dma_wait3A_249 = arith.constant 0 : i32
      %dma_wait3A_250 = tpu.memref_slice %dma_wait3A_247[%dma_wait3A_248, %dma_wait3A_249] : memref<64x128xf32, #tpu.memory_space<vmem>> -> memref<64x128xf32, #tpu.memory_space<vmem>>
      %dma_wait3A_251 = arith.constant 0 : i32
      %dma_wait3A_252 = tpu.memref_slice %arg7[%arg0, %add3A_172, %dma_wait3A_251] : memref<2x10112x128xf32, #tpu.memory_space<hbm>> -> memref<1x64x128xf32, #tpu.memory_space<hbm>>
      %dma_wait3A_253 = tpu.memref_squeeze %dma_wait3A_252 : memref<1x64x128xf32, #tpu.memory_space<hbm>> -> memref<64x128xf32, #tpu.memory_space<hbm>>
      %dma_wait3A_254 = arith.constant 0 : i32
      %dma_wait3A_255 = tpu.memref_slice %arg7[%arg0, %add3A_172, %dma_wait3A_254] : memref<2x10112x128xf32, #tpu.memory_space<hbm>> -> memref<1x64x128xf32, #tpu.memory_space<hbm>>
      %dma_wait3A_256 = tpu.memref_squeeze %dma_wait3A_255 : memref<1x64x128xf32, #tpu.memory_space<hbm>> -> memref<64x128xf32, #tpu.memory_space<hbm>>
      %dma_wait3A_257 = arith.constant 0 : i32
      %dma_wait3A_258 = arith.constant 0 : i32
      %dma_wait3A_259 = tpu.memref_slice %arg10[%run_scoped3A_174, %dma_wait3A_257, %dma_wait3A_258] : memref<2x64x128xf32, #tpu.memory_space<vmem>> -> memref<1x64x128xf32, #tpu.memory_space<vmem>>
      %dma_wait3A_260 = tpu.memref_squeeze %dma_wait3A_259 : memref<1x64x128xf32, #tpu.memory_space<vmem>> -> memref<64x128xf32, #tpu.memory_space<vmem>>
      %dma_wait3A_261 = arith.constant 0 : i32
      %dma_wait3A_262 = arith.constant 0 : i32
      %dma_wait3A_263 = tpu.memref_slice %dma_wait3A_260[%dma_wait3A_261, %dma_wait3A_262] : memref<64x128xf32, #tpu.memory_space<vmem>> -> memref<64x128xf32, #tpu.memory_space<vmem>>
      tpu.wait_dma2 semaphore(%run_scoped3A_223 : memref<!tpu.dma_semaphore, #tpu.memory_space<semaphore_mem>>) src(%dma_wait3A_263 : memref<64x128xf32, #tpu.memory_space<vmem>>) dst(%dma_wait3A_256 : memref<64x128xf32, #tpu.memory_space<hbm>>)
      tpu.yield
    }) : () -> ()
    %mul3A_175 = arith.constant 632 : i32
    %mul3A_176 = arith.muli %arg1, %mul3A_175 : i32
    %add3A_177 = arith.constant 128 : i32
    %add3A_178 = arith.addi %mul3A_176, %add3A_177 : i32
    %run_scoped3A_179 = arith.constant 0 : i32
    "tpu.region"() ({
      %run_scoped3A_223 = tpu.sem_alloc : memref<!tpu.dma_semaphore, #tpu.memory_space<semaphore_mem>>
      %dma_start3A_224 = arith.constant 0 : i32
      %dma_start3A_225 = arith.constant 0 : i32
      %dma_start3A_226 = tpu.memref_slice %arg10[%run_scoped3A_179, %dma_start3A_224, %dma_start3A_225] : memref<2x64x128xf32, #tpu.memory_space<vmem>> -> memref<1x64x128xf32, #tpu.memory_space<vmem>>
      %dma_start3A_227 = tpu.memref_squeeze %dma_start3A_226 : memref<1x64x128xf32, #tpu.memory_space<vmem>> -> memref<64x128xf32, #tpu.memory_space<vmem>>
      %dma_start3A_228 = arith.constant 0 : i32
      %dma_start3A_229 = arith.constant 0 : i32
      %dma_start3A_230 = tpu.memref_slice %dma_start3A_227[%dma_start3A_228, %dma_start3A_229] : memref<64x128xf32, #tpu.memory_space<vmem>> -> memref<64x128xf32, #tpu.memory_space<vmem>>
      %dma_start3A_231 = arith.constant 0 : i32
      %dma_start3A_232 = tpu.memref_slice %arg13[%add3A_178, %dma_start3A_231] : memref<10112x128xf32, #tpu.memory_space<vmem_shared>> -> memref<64x128xf32, #tpu.memory_space<vmem_shared>>
      %dma_start3A_233 = arith.constant 0 : i32
      %dma_start3A_234 = arith.constant 0 : i32
      %dma_start3A_235 = tpu.memref_slice %arg10[%run_scoped3A_179, %dma_start3A_233, %dma_start3A_234] : memref<2x64x128xf32, #tpu.memory_space<vmem>> -> memref<1x64x128xf32, #tpu.memory_space<vmem>>
      %dma_start3A_236 = tpu.memref_squeeze %dma_start3A_235 : memref<1x64x128xf32, #tpu.memory_space<vmem>> -> memref<64x128xf32, #tpu.memory_space<vmem>>
      %dma_start3A_237 = arith.constant 0 : i32
      %dma_start3A_238 = arith.constant 0 : i32
      %dma_start3A_239 = tpu.memref_slice %dma_start3A_236[%dma_start3A_237, %dma_start3A_238] : memref<64x128xf32, #tpu.memory_space<vmem>> -> memref<64x128xf32, #tpu.memory_space<vmem>>
      %dma_start3A_240 = arith.constant 0 : i32
      %dma_start3A_241 = tpu.memref_slice %arg13[%add3A_178, %dma_start3A_240] : memref<10112x128xf32, #tpu.memory_space<vmem_shared>> -> memref<64x128xf32, #tpu.memory_space<vmem_shared>>
      tpu.enqueue_dma source(%dma_start3A_241 : memref<64x128xf32, #tpu.memory_space<vmem_shared>>) target(%dma_start3A_239 : memref<64x128xf32, #tpu.memory_space<vmem>>) target_semaphore(%run_scoped3A_223 : memref<!tpu.dma_semaphore, #tpu.memory_space<semaphore_mem>>)
      %dma_wait3A_242 = arith.constant 0 : i32
      %dma_wait3A_243 = arith.constant 0 : i32
      %dma_wait3A_244 = tpu.memref_slice %arg10[%run_scoped3A_179, %dma_wait3A_242, %dma_wait3A_243] : memref<2x64x128xf32, #tpu.memory_space<vmem>> -> memref<1x64x128xf32, #tpu.memory_space<vmem>>
      %dma_wait3A_245 = tpu.memref_squeeze %dma_wait3A_244 : memref<1x64x128xf32, #tpu.memory_space<vmem>> -> memref<64x128xf32, #tpu.memory_space<vmem>>
      %dma_wait3A_246 = arith.constant 0 : i32
      %dma_wait3A_247 = arith.constant 0 : i32
      %dma_wait3A_248 = tpu.memref_slice %dma_wait3A_245[%dma_wait3A_246, %dma_wait3A_247] : memref<64x128xf32, #tpu.memory_space<vmem>> -> memref<64x128xf32, #tpu.memory_space<vmem>>
      %dma_wait3A_249 = arith.constant 0 : i32
      %dma_wait3A_250 = tpu.memref_slice %arg13[%add3A_178, %dma_wait3A_249] : memref<10112x128xf32, #tpu.memory_space<vmem_shared>> -> memref<64x128xf32, #tpu.memory_space<vmem_shared>>
      %dma_wait3A_251 = arith.constant 0 : i32
      %dma_wait3A_252 = arith.constant 0 : i32
      %dma_wait3A_253 = tpu.memref_slice %arg10[%run_scoped3A_179, %dma_wait3A_251, %dma_wait3A_252] : memref<2x64x128xf32, #tpu.memory_space<vmem>> -> memref<1x64x128xf32, #tpu.memory_space<vmem>>
      %dma_wait3A_254 = tpu.memref_squeeze %dma_wait3A_253 : memref<1x64x128xf32, #tpu.memory_space<vmem>> -> memref<64x128xf32, #tpu.memory_space<vmem>>
      %dma_wait3A_255 = arith.constant 0 : i32
      %dma_wait3A_256 = arith.constant 0 : i32
      %dma_wait3A_257 = tpu.memref_slice %dma_wait3A_254[%dma_wait3A_255, %dma_wait3A_256] : memref<64x128xf32, #tpu.memory_space<vmem>> -> memref<64x128xf32, #tpu.memory_space<vmem>>
      %dma_wait3A_258 = arith.constant 0 : i32
      %dma_wait3A_259 = tpu.memref_slice %arg13[%add3A_178, %dma_wait3A_258] : memref<10112x128xf32, #tpu.memory_space<vmem_shared>> -> memref<64x128xf32, #tpu.memory_space<vmem_shared>>
      tpu.wait_dma2 semaphore(%run_scoped3A_223 : memref<!tpu.dma_semaphore, #tpu.memory_space<semaphore_mem>>) src(%dma_wait3A_259 : memref<64x128xf32, #tpu.memory_space<vmem_shared>>) dst(%dma_wait3A_257 : memref<64x128xf32, #tpu.memory_space<vmem>>)
      tpu.yield
    }) : () -> ()
    %run_scoped3A_180 = arith.constant 0 : i32
    "tpu.region"() ({
      %run_scoped3A_223 = tpu.sem_alloc : memref<!tpu.dma_semaphore, #tpu.memory_space<semaphore_mem>>
      %dma_start3A_224 = arith.constant 0 : i32
      %dma_start3A_225 = arith.constant 0 : i32
      %dma_start3A_226 = tpu.memref_slice %arg10[%run_scoped3A_180, %dma_start3A_224, %dma_start3A_225] : memref<2x64x128xf32, #tpu.memory_space<vmem>> -> memref<1x64x128xf32, #tpu.memory_space<vmem>>
      %dma_start3A_227 = tpu.memref_squeeze %dma_start3A_226 : memref<1x64x128xf32, #tpu.memory_space<vmem>> -> memref<64x128xf32, #tpu.memory_space<vmem>>
      %dma_start3A_228 = arith.constant 0 : i32
      %dma_start3A_229 = arith.constant 0 : i32
      %dma_start3A_230 = tpu.memref_slice %dma_start3A_227[%dma_start3A_228, %dma_start3A_229] : memref<64x128xf32, #tpu.memory_space<vmem>> -> memref<64x128xf32, #tpu.memory_space<vmem>>
      %dma_start3A_231 = arith.constant 0 : i32
      %dma_start3A_232 = tpu.memref_slice %arg7[%arg0, %add3A_178, %dma_start3A_231] : memref<2x10112x128xf32, #tpu.memory_space<hbm>> -> memref<1x64x128xf32, #tpu.memory_space<hbm>>
      %dma_start3A_233 = tpu.memref_squeeze %dma_start3A_232 : memref<1x64x128xf32, #tpu.memory_space<hbm>> -> memref<64x128xf32, #tpu.memory_space<hbm>>
      %dma_start3A_234 = arith.constant 0 : i32
      %dma_start3A_235 = tpu.memref_slice %arg7[%arg0, %add3A_178, %dma_start3A_234] : memref<2x10112x128xf32, #tpu.memory_space<hbm>> -> memref<1x64x128xf32, #tpu.memory_space<hbm>>
      %dma_start3A_236 = tpu.memref_squeeze %dma_start3A_235 : memref<1x64x128xf32, #tpu.memory_space<hbm>> -> memref<64x128xf32, #tpu.memory_space<hbm>>
      %dma_start3A_237 = arith.constant 0 : i32
      %dma_start3A_238 = arith.constant 0 : i32
      %dma_start3A_239 = tpu.memref_slice %arg10[%run_scoped3A_180, %dma_start3A_237, %dma_start3A_238] : memref<2x64x128xf32, #tpu.memory_space<vmem>> -> memref<1x64x128xf32, #tpu.memory_space<vmem>>
      %dma_start3A_240 = tpu.memref_squeeze %dma_start3A_239 : memref<1x64x128xf32, #tpu.memory_space<vmem>> -> memref<64x128xf32, #tpu.memory_space<vmem>>
      %dma_start3A_241 = arith.constant 0 : i32
      %dma_start3A_242 = arith.constant 0 : i32
      %dma_start3A_243 = tpu.memref_slice %dma_start3A_240[%dma_start3A_241, %dma_start3A_242] : memref<64x128xf32, #tpu.memory_space<vmem>> -> memref<64x128xf32, #tpu.memory_space<vmem>>
      tpu.enqueue_dma source(%dma_start3A_243 : memref<64x128xf32, #tpu.memory_space<vmem>>) target(%dma_start3A_236 : memref<64x128xf32, #tpu.memory_space<hbm>>) target_semaphore(%run_scoped3A_223 : memref<!tpu.dma_semaphore, #tpu.memory_space<semaphore_mem>>)
      %dma_wait3A_244 = arith.constant 0 : i32
      %dma_wait3A_245 = arith.constant 0 : i32
      %dma_wait3A_246 = tpu.memref_slice %arg10[%run_scoped3A_180, %dma_wait3A_244, %dma_wait3A_245] : memref<2x64x128xf32, #tpu.memory_space<vmem>> -> memref<1x64x128xf32, #tpu.memory_space<vmem>>
      %dma_wait3A_247 = tpu.memref_squeeze %dma_wait3A_246 : memref<1x64x128xf32, #tpu.memory_space<vmem>> -> memref<64x128xf32, #tpu.memory_space<vmem>>
      %dma_wait3A_248 = arith.constant 0 : i32
      %dma_wait3A_249 = arith.constant 0 : i32
      %dma_wait3A_250 = tpu.memref_slice %dma_wait3A_247[%dma_wait3A_248, %dma_wait3A_249] : memref<64x128xf32, #tpu.memory_space<vmem>> -> memref<64x128xf32, #tpu.memory_space<vmem>>
      %dma_wait3A_251 = arith.constant 0 : i32
      %dma_wait3A_252 = tpu.memref_slice %arg7[%arg0, %add3A_178, %dma_wait3A_251] : memref<2x10112x128xf32, #tpu.memory_space<hbm>> -> memref<1x64x128xf32, #tpu.memory_space<hbm>>
      %dma_wait3A_253 = tpu.memref_squeeze %dma_wait3A_252 : memref<1x64x128xf32, #tpu.memory_space<hbm>> -> memref<64x128xf32, #tpu.memory_space<hbm>>
      %dma_wait3A_254 = arith.constant 0 : i32
      %dma_wait3A_255 = tpu.memref_slice %arg7[%arg0, %add3A_178, %dma_wait3A_254] : memref<2x10112x128xf32, #tpu.memory_space<hbm>> -> memref<1x64x128xf32, #tpu.memory_space<hbm>>
      %dma_wait3A_256 = tpu.memref_squeeze %dma_wait3A_255 : memref<1x64x128xf32, #tpu.memory_space<hbm>> -> memref<64x128xf32, #tpu.memory_space<hbm>>
      %dma_wait3A_257 = arith.constant 0 : i32
      %dma_wait3A_258 = arith.constant 0 : i32
      %dma_wait3A_259 = tpu.memref_slice %arg10[%run_scoped3A_180, %dma_wait3A_257, %dma_wait3A_258] : memref<2x64x128xf32, #tpu.memory_space<vmem>> -> memref<1x64x128xf32, #tpu.memory_space<vmem>>
      %dma_wait3A_260 = tpu.memref_squeeze %dma_wait3A_259 : memref<1x64x128xf32, #tpu.memory_space<vmem>> -> memref<64x128xf32, #tpu.memory_space<vmem>>
      %dma_wait3A_261 = arith.constant 0 : i32
      %dma_wait3A_262 = arith.constant 0 : i32
      %dma_wait3A_263 = tpu.memref_slice %dma_wait3A_260[%dma_wait3A_261, %dma_wait3A_262] : memref<64x128xf32, #tpu.memory_space<vmem>> -> memref<64x128xf32, #tpu.memory_space<vmem>>
      tpu.wait_dma2 semaphore(%run_scoped3A_223 : memref<!tpu.dma_semaphore, #tpu.memory_space<semaphore_mem>>) src(%dma_wait3A_263 : memref<64x128xf32, #tpu.memory_space<vmem>>) dst(%dma_wait3A_256 : memref<64x128xf32, #tpu.memory_space<hbm>>)
      tpu.yield
    }) : () -> ()
    %mul3A_181 = arith.constant 632 : i32
    %mul3A_182 = arith.muli %arg1, %mul3A_181 : i32
    %add3A_183 = arith.constant 192 : i32
    %add3A_184 = arith.addi %mul3A_182, %add3A_183 : i32
    %run_scoped3A_185 = arith.constant 0 : i32
    "tpu.region"() ({
      %run_scoped3A_223 = tpu.sem_alloc : memref<!tpu.dma_semaphore, #tpu.memory_space<semaphore_mem>>
      %dma_start3A_224 = arith.constant 0 : i32
      %dma_start3A_225 = arith.constant 0 : i32
      %dma_start3A_226 = tpu.memref_slice %arg10[%run_scoped3A_185, %dma_start3A_224, %dma_start3A_225] : memref<2x64x128xf32, #tpu.memory_space<vmem>> -> memref<1x64x128xf32, #tpu.memory_space<vmem>>
      %dma_start3A_227 = tpu.memref_squeeze %dma_start3A_226 : memref<1x64x128xf32, #tpu.memory_space<vmem>> -> memref<64x128xf32, #tpu.memory_space<vmem>>
      %dma_start3A_228 = arith.constant 0 : i32
      %dma_start3A_229 = arith.constant 0 : i32
      %dma_start3A_230 = tpu.memref_slice %dma_start3A_227[%dma_start3A_228, %dma_start3A_229] : memref<64x128xf32, #tpu.memory_space<vmem>> -> memref<64x128xf32, #tpu.memory_space<vmem>>
      %dma_start3A_231 = arith.constant 0 : i32
      %dma_start3A_232 = tpu.memref_slice %arg13[%add3A_184, %dma_start3A_231] : memref<10112x128xf32, #tpu.memory_space<vmem_shared>> -> memref<64x128xf32, #tpu.memory_space<vmem_shared>>
      %dma_start3A_233 = arith.constant 0 : i32
      %dma_start3A_234 = arith.constant 0 : i32
      %dma_start3A_235 = tpu.memref_slice %arg10[%run_scoped3A_185, %dma_start3A_233, %dma_start3A_234] : memref<2x64x128xf32, #tpu.memory_space<vmem>> -> memref<1x64x128xf32, #tpu.memory_space<vmem>>
      %dma_start3A_236 = tpu.memref_squeeze %dma_start3A_235 : memref<1x64x128xf32, #tpu.memory_space<vmem>> -> memref<64x128xf32, #tpu.memory_space<vmem>>
      %dma_start3A_237 = arith.constant 0 : i32
      %dma_start3A_238 = arith.constant 0 : i32
      %dma_start3A_239 = tpu.memref_slice %dma_start3A_236[%dma_start3A_237, %dma_start3A_238] : memref<64x128xf32, #tpu.memory_space<vmem>> -> memref<64x128xf32, #tpu.memory_space<vmem>>
      %dma_start3A_240 = arith.constant 0 : i32
      %dma_start3A_241 = tpu.memref_slice %arg13[%add3A_184, %dma_start3A_240] : memref<10112x128xf32, #tpu.memory_space<vmem_shared>> -> memref<64x128xf32, #tpu.memory_space<vmem_shared>>
      tpu.enqueue_dma source(%dma_start3A_241 : memref<64x128xf32, #tpu.memory_space<vmem_shared>>) target(%dma_start3A_239 : memref<64x128xf32, #tpu.memory_space<vmem>>) target_semaphore(%run_scoped3A_223 : memref<!tpu.dma_semaphore, #tpu.memory_space<semaphore_mem>>)
      %dma_wait3A_242 = arith.constant 0 : i32
      %dma_wait3A_243 = arith.constant 0 : i32
      %dma_wait3A_244 = tpu.memref_slice %arg10[%run_scoped3A_185, %dma_wait3A_242, %dma_wait3A_243] : memref<2x64x128xf32, #tpu.memory_space<vmem>> -> memref<1x64x128xf32, #tpu.memory_space<vmem>>
      %dma_wait3A_245 = tpu.memref_squeeze %dma_wait3A_244 : memref<1x64x128xf32, #tpu.memory_space<vmem>> -> memref<64x128xf32, #tpu.memory_space<vmem>>
      %dma_wait3A_246 = arith.constant 0 : i32
      %dma_wait3A_247 = arith.constant 0 : i32
      %dma_wait3A_248 = tpu.memref_slice %dma_wait3A_245[%dma_wait3A_246, %dma_wait3A_247] : memref<64x128xf32, #tpu.memory_space<vmem>> -> memref<64x128xf32, #tpu.memory_space<vmem>>
      %dma_wait3A_249 = arith.constant 0 : i32
      %dma_wait3A_250 = tpu.memref_slice %arg13[%add3A_184, %dma_wait3A_249] : memref<10112x128xf32, #tpu.memory_space<vmem_shared>> -> memref<64x128xf32, #tpu.memory_space<vmem_shared>>
      %dma_wait3A_251 = arith.constant 0 : i32
      %dma_wait3A_252 = arith.constant 0 : i32
      %dma_wait3A_253 = tpu.memref_slice %arg10[%run_scoped3A_185, %dma_wait3A_251, %dma_wait3A_252] : memref<2x64x128xf32, #tpu.memory_space<vmem>> -> memref<1x64x128xf32, #tpu.memory_space<vmem>>
      %dma_wait3A_254 = tpu.memref_squeeze %dma_wait3A_253 : memref<1x64x128xf32, #tpu.memory_space<vmem>> -> memref<64x128xf32, #tpu.memory_space<vmem>>
      %dma_wait3A_255 = arith.constant 0 : i32
      %dma_wait3A_256 = arith.constant 0 : i32
      %dma_wait3A_257 = tpu.memref_slice %dma_wait3A_254[%dma_wait3A_255, %dma_wait3A_256] : memref<64x128xf32, #tpu.memory_space<vmem>> -> memref<64x128xf32, #tpu.memory_space<vmem>>
      %dma_wait3A_258 = arith.constant 0 : i32
      %dma_wait3A_259 = tpu.memref_slice %arg13[%add3A_184, %dma_wait3A_258] : memref<10112x128xf32, #tpu.memory_space<vmem_shared>> -> memref<64x128xf32, #tpu.memory_space<vmem_shared>>
      tpu.wait_dma2 semaphore(%run_scoped3A_223 : memref<!tpu.dma_semaphore, #tpu.memory_space<semaphore_mem>>) src(%dma_wait3A_259 : memref<64x128xf32, #tpu.memory_space<vmem_shared>>) dst(%dma_wait3A_257 : memref<64x128xf32, #tpu.memory_space<vmem>>)
      tpu.yield
    }) : () -> ()
    %run_scoped3A_186 = arith.constant 0 : i32
    "tpu.region"() ({
      %run_scoped3A_223 = tpu.sem_alloc : memref<!tpu.dma_semaphore, #tpu.memory_space<semaphore_mem>>
      %dma_start3A_224 = arith.constant 0 : i32
      %dma_start3A_225 = arith.constant 0 : i32
      %dma_start3A_226 = tpu.memref_slice %arg10[%run_scoped3A_186, %dma_start3A_224, %dma_start3A_225] : memref<2x64x128xf32, #tpu.memory_space<vmem>> -> memref<1x64x128xf32, #tpu.memory_space<vmem>>
      %dma_start3A_227 = tpu.memref_squeeze %dma_start3A_226 : memref<1x64x128xf32, #tpu.memory_space<vmem>> -> memref<64x128xf32, #tpu.memory_space<vmem>>
      %dma_start3A_228 = arith.constant 0 : i32
      %dma_start3A_229 = arith.constant 0 : i32
      %dma_start3A_230 = tpu.memref_slice %dma_start3A_227[%dma_start3A_228, %dma_start3A_229] : memref<64x128xf32, #tpu.memory_space<vmem>> -> memref<64x128xf32, #tpu.memory_space<vmem>>
      %dma_start3A_231 = arith.constant 0 : i32
      %dma_start3A_232 = tpu.memref_slice %arg7[%arg0, %add3A_184, %dma_start3A_231] : memref<2x10112x128xf32, #tpu.memory_space<hbm>> -> memref<1x64x128xf32, #tpu.memory_space<hbm>>
      %dma_start3A_233 = tpu.memref_squeeze %dma_start3A_232 : memref<1x64x128xf32, #tpu.memory_space<hbm>> -> memref<64x128xf32, #tpu.memory_space<hbm>>
      %dma_start3A_234 = arith.constant 0 : i32
      %dma_start3A_235 = tpu.memref_slice %arg7[%arg0, %add3A_184, %dma_start3A_234] : memref<2x10112x128xf32, #tpu.memory_space<hbm>> -> memref<1x64x128xf32, #tpu.memory_space<hbm>>
      %dma_start3A_236 = tpu.memref_squeeze %dma_start3A_235 : memref<1x64x128xf32, #tpu.memory_space<hbm>> -> memref<64x128xf32, #tpu.memory_space<hbm>>
      %dma_start3A_237 = arith.constant 0 : i32
      %dma_start3A_238 = arith.constant 0 : i32
      %dma_start3A_239 = tpu.memref_slice %arg10[%run_scoped3A_186, %dma_start3A_237, %dma_start3A_238] : memref<2x64x128xf32, #tpu.memory_space<vmem>> -> memref<1x64x128xf32, #tpu.memory_space<vmem>>
      %dma_start3A_240 = tpu.memref_squeeze %dma_start3A_239 : memref<1x64x128xf32, #tpu.memory_space<vmem>> -> memref<64x128xf32, #tpu.memory_space<vmem>>
      %dma_start3A_241 = arith.constant 0 : i32
      %dma_start3A_242 = arith.constant 0 : i32
      %dma_start3A_243 = tpu.memref_slice %dma_start3A_240[%dma_start3A_241, %dma_start3A_242] : memref<64x128xf32, #tpu.memory_space<vmem>> -> memref<64x128xf32, #tpu.memory_space<vmem>>
      tpu.enqueue_dma source(%dma_start3A_243 : memref<64x128xf32, #tpu.memory_space<vmem>>) target(%dma_start3A_236 : memref<64x128xf32, #tpu.memory_space<hbm>>) target_semaphore(%run_scoped3A_223 : memref<!tpu.dma_semaphore, #tpu.memory_space<semaphore_mem>>)
      %dma_wait3A_244 = arith.constant 0 : i32
      %dma_wait3A_245 = arith.constant 0 : i32
      %dma_wait3A_246 = tpu.memref_slice %arg10[%run_scoped3A_186, %dma_wait3A_244, %dma_wait3A_245] : memref<2x64x128xf32, #tpu.memory_space<vmem>> -> memref<1x64x128xf32, #tpu.memory_space<vmem>>
      %dma_wait3A_247 = tpu.memref_squeeze %dma_wait3A_246 : memref<1x64x128xf32, #tpu.memory_space<vmem>> -> memref<64x128xf32, #tpu.memory_space<vmem>>
      %dma_wait3A_248 = arith.constant 0 : i32
      %dma_wait3A_249 = arith.constant 0 : i32
      %dma_wait3A_250 = tpu.memref_slice %dma_wait3A_247[%dma_wait3A_248, %dma_wait3A_249] : memref<64x128xf32, #tpu.memory_space<vmem>> -> memref<64x128xf32, #tpu.memory_space<vmem>>
      %dma_wait3A_251 = arith.constant 0 : i32
      %dma_wait3A_252 = tpu.memref_slice %arg7[%arg0, %add3A_184, %dma_wait3A_251] : memref<2x10112x128xf32, #tpu.memory_space<hbm>> -> memref<1x64x128xf32, #tpu.memory_space<hbm>>
      %dma_wait3A_253 = tpu.memref_squeeze %dma_wait3A_252 : memref<1x64x128xf32, #tpu.memory_space<hbm>> -> memref<64x128xf32, #tpu.memory_space<hbm>>
      %dma_wait3A_254 = arith.constant 0 : i32
      %dma_wait3A_255 = tpu.memref_slice %arg7[%arg0, %add3A_184, %dma_wait3A_254] : memref<2x10112x128xf32, #tpu.memory_space<hbm>> -> memref<1x64x128xf32, #tpu.memory_space<hbm>>
      %dma_wait3A_256 = tpu.memref_squeeze %dma_wait3A_255 : memref<1x64x128xf32, #tpu.memory_space<hbm>> -> memref<64x128xf32, #tpu.memory_space<hbm>>
      %dma_wait3A_257 = arith.constant 0 : i32
      %dma_wait3A_258 = arith.constant 0 : i32
      %dma_wait3A_259 = tpu.memref_slice %arg10[%run_scoped3A_186, %dma_wait3A_257, %dma_wait3A_258] : memref<2x64x128xf32, #tpu.memory_space<vmem>> -> memref<1x64x128xf32, #tpu.memory_space<vmem>>
      %dma_wait3A_260 = tpu.memref_squeeze %dma_wait3A_259 : memref<1x64x128xf32, #tpu.memory_space<vmem>> -> memref<64x128xf32, #tpu.memory_space<vmem>>
      %dma_wait3A_261 = arith.constant 0 : i32
      %dma_wait3A_262 = arith.constant 0 : i32
      %dma_wait3A_263 = tpu.memref_slice %dma_wait3A_260[%dma_wait3A_261, %dma_wait3A_262] : memref<64x128xf32, #tpu.memory_space<vmem>> -> memref<64x128xf32, #tpu.memory_space<vmem>>
      tpu.wait_dma2 semaphore(%run_scoped3A_223 : memref<!tpu.dma_semaphore, #tpu.memory_space<semaphore_mem>>) src(%dma_wait3A_263 : memref<64x128xf32, #tpu.memory_space<vmem>>) dst(%dma_wait3A_256 : memref<64x128xf32, #tpu.memory_space<hbm>>)
      tpu.yield
    }) : () -> ()
    %mul3A_187 = arith.constant 632 : i32
    %mul3A_188 = arith.muli %arg1, %mul3A_187 : i32
    %add3A_189 = arith.constant 256 : i32
    %add3A_190 = arith.addi %mul3A_188, %add3A_189 : i32
    %run_scoped3A_191 = arith.constant 0 : i32
    "tpu.region"() ({
      %run_scoped3A_223 = tpu.sem_alloc : memref<!tpu.dma_semaphore, #tpu.memory_space<semaphore_mem>>
      %dma_start3A_224 = arith.constant 0 : i32
      %dma_start3A_225 = arith.constant 0 : i32
      %dma_start3A_226 = tpu.memref_slice %arg10[%run_scoped3A_191, %dma_start3A_224, %dma_start3A_225] : memref<2x64x128xf32, #tpu.memory_space<vmem>> -> memref<1x64x128xf32, #tpu.memory_space<vmem>>
      %dma_start3A_227 = tpu.memref_squeeze %dma_start3A_226 : memref<1x64x128xf32, #tpu.memory_space<vmem>> -> memref<64x128xf32, #tpu.memory_space<vmem>>
      %dma_start3A_228 = arith.constant 0 : i32
      %dma_start3A_229 = arith.constant 0 : i32
      %dma_start3A_230 = tpu.memref_slice %dma_start3A_227[%dma_start3A_228, %dma_start3A_229] : memref<64x128xf32, #tpu.memory_space<vmem>> -> memref<64x128xf32, #tpu.memory_space<vmem>>
      %dma_start3A_231 = arith.constant 0 : i32
      %dma_start3A_232 = tpu.memref_slice %arg13[%add3A_190, %dma_start3A_231] : memref<10112x128xf32, #tpu.memory_space<vmem_shared>> -> memref<64x128xf32, #tpu.memory_space<vmem_shared>>
      %dma_start3A_233 = arith.constant 0 : i32
      %dma_start3A_234 = arith.constant 0 : i32
      %dma_start3A_235 = tpu.memref_slice %arg10[%run_scoped3A_191, %dma_start3A_233, %dma_start3A_234] : memref<2x64x128xf32, #tpu.memory_space<vmem>> -> memref<1x64x128xf32, #tpu.memory_space<vmem>>
      %dma_start3A_236 = tpu.memref_squeeze %dma_start3A_235 : memref<1x64x128xf32, #tpu.memory_space<vmem>> -> memref<64x128xf32, #tpu.memory_space<vmem>>
      %dma_start3A_237 = arith.constant 0 : i32
      %dma_start3A_238 = arith.constant 0 : i32
      %dma_start3A_239 = tpu.memref_slice %dma_start3A_236[%dma_start3A_237, %dma_start3A_238] : memref<64x128xf32, #tpu.memory_space<vmem>> -> memref<64x128xf32, #tpu.memory_space<vmem>>
      %dma_start3A_240 = arith.constant 0 : i32
      %dma_start3A_241 = tpu.memref_slice %arg13[%add3A_190, %dma_start3A_240] : memref<10112x128xf32, #tpu.memory_space<vmem_shared>> -> memref<64x128xf32, #tpu.memory_space<vmem_shared>>
      tpu.enqueue_dma source(%dma_start3A_241 : memref<64x128xf32, #tpu.memory_space<vmem_shared>>) target(%dma_start3A_239 : memref<64x128xf32, #tpu.memory_space<vmem>>) target_semaphore(%run_scoped3A_223 : memref<!tpu.dma_semaphore, #tpu.memory_space<semaphore_mem>>)
      %dma_wait3A_242 = arith.constant 0 : i32
      %dma_wait3A_243 = arith.constant 0 : i32
      %dma_wait3A_244 = tpu.memref_slice %arg10[%run_scoped3A_191, %dma_wait3A_242, %dma_wait3A_243] : memref<2x64x128xf32, #tpu.memory_space<vmem>> -> memref<1x64x128xf32, #tpu.memory_space<vmem>>
      %dma_wait3A_245 = tpu.memref_squeeze %dma_wait3A_244 : memref<1x64x128xf32, #tpu.memory_space<vmem>> -> memref<64x128xf32, #tpu.memory_space<vmem>>
      %dma_wait3A_246 = arith.constant 0 : i32
      %dma_wait3A_247 = arith.constant 0 : i32
      %dma_wait3A_248 = tpu.memref_slice %dma_wait3A_245[%dma_wait3A_246, %dma_wait3A_247] : memref<64x128xf32, #tpu.memory_space<vmem>> -> memref<64x128xf32, #tpu.memory_space<vmem>>
      %dma_wait3A_249 = arith.constant 0 : i32
      %dma_wait3A_250 = tpu.memref_slice %arg13[%add3A_190, %dma_wait3A_249] : memref<10112x128xf32, #tpu.memory_space<vmem_shared>> -> memref<64x128xf32, #tpu.memory_space<vmem_shared>>
      %dma_wait3A_251 = arith.constant 0 : i32
      %dma_wait3A_252 = arith.constant 0 : i32
      %dma_wait3A_253 = tpu.memref_slice %arg10[%run_scoped3A_191, %dma_wait3A_251, %dma_wait3A_252] : memref<2x64x128xf32, #tpu.memory_space<vmem>> -> memref<1x64x128xf32, #tpu.memory_space<vmem>>
      %dma_wait3A_254 = tpu.memref_squeeze %dma_wait3A_253 : memref<1x64x128xf32, #tpu.memory_space<vmem>> -> memref<64x128xf32, #tpu.memory_space<vmem>>
      %dma_wait3A_255 = arith.constant 0 : i32
      %dma_wait3A_256 = arith.constant 0 : i32
      %dma_wait3A_257 = tpu.memref_slice %dma_wait3A_254[%dma_wait3A_255, %dma_wait3A_256] : memref<64x128xf32, #tpu.memory_space<vmem>> -> memref<64x128xf32, #tpu.memory_space<vmem>>
      %dma_wait3A_258 = arith.constant 0 : i32
      %dma_wait3A_259 = tpu.memref_slice %arg13[%add3A_190, %dma_wait3A_258] : memref<10112x128xf32, #tpu.memory_space<vmem_shared>> -> memref<64x128xf32, #tpu.memory_space<vmem_shared>>
      tpu.wait_dma2 semaphore(%run_scoped3A_223 : memref<!tpu.dma_semaphore, #tpu.memory_space<semaphore_mem>>) src(%dma_wait3A_259 : memref<64x128xf32, #tpu.memory_space<vmem_shared>>) dst(%dma_wait3A_257 : memref<64x128xf32, #tpu.memory_space<vmem>>)
      tpu.yield
    }) : () -> ()
    %run_scoped3A_192 = arith.constant 0 : i32
    "tpu.region"() ({
      %run_scoped3A_223 = tpu.sem_alloc : memref<!tpu.dma_semaphore, #tpu.memory_space<semaphore_mem>>
      %dma_start3A_224 = arith.constant 0 : i32
      %dma_start3A_225 = arith.constant 0 : i32
      %dma_start3A_226 = tpu.memref_slice %arg10[%run_scoped3A_192, %dma_start3A_224, %dma_start3A_225] : memref<2x64x128xf32, #tpu.memory_space<vmem>> -> memref<1x64x128xf32, #tpu.memory_space<vmem>>
      %dma_start3A_227 = tpu.memref_squeeze %dma_start3A_226 : memref<1x64x128xf32, #tpu.memory_space<vmem>> -> memref<64x128xf32, #tpu.memory_space<vmem>>
      %dma_start3A_228 = arith.constant 0 : i32
      %dma_start3A_229 = arith.constant 0 : i32
      %dma_start3A_230 = tpu.memref_slice %dma_start3A_227[%dma_start3A_228, %dma_start3A_229] : memref<64x128xf32, #tpu.memory_space<vmem>> -> memref<64x128xf32, #tpu.memory_space<vmem>>
      %dma_start3A_231 = arith.constant 0 : i32
      %dma_start3A_232 = tpu.memref_slice %arg7[%arg0, %add3A_190, %dma_start3A_231] : memref<2x10112x128xf32, #tpu.memory_space<hbm>> -> memref<1x64x128xf32, #tpu.memory_space<hbm>>
      %dma_start3A_233 = tpu.memref_squeeze %dma_start3A_232 : memref<1x64x128xf32, #tpu.memory_space<hbm>> -> memref<64x128xf32, #tpu.memory_space<hbm>>
      %dma_start3A_234 = arith.constant 0 : i32
      %dma_start3A_235 = tpu.memref_slice %arg7[%arg0, %add3A_190, %dma_start3A_234] : memref<2x10112x128xf32, #tpu.memory_space<hbm>> -> memref<1x64x128xf32, #tpu.memory_space<hbm>>
      %dma_start3A_236 = tpu.memref_squeeze %dma_start3A_235 : memref<1x64x128xf32, #tpu.memory_space<hbm>> -> memref<64x128xf32, #tpu.memory_space<hbm>>
      %dma_start3A_237 = arith.constant 0 : i32
      %dma_start3A_238 = arith.constant 0 : i32
      %dma_start3A_239 = tpu.memref_slice %arg10[%run_scoped3A_192, %dma_start3A_237, %dma_start3A_238] : memref<2x64x128xf32, #tpu.memory_space<vmem>> -> memref<1x64x128xf32, #tpu.memory_space<vmem>>
      %dma_start3A_240 = tpu.memref_squeeze %dma_start3A_239 : memref<1x64x128xf32, #tpu.memory_space<vmem>> -> memref<64x128xf32, #tpu.memory_space<vmem>>
      %dma_start3A_241 = arith.constant 0 : i32
      %dma_start3A_242 = arith.constant 0 : i32
      %dma_start3A_243 = tpu.memref_slice %dma_start3A_240[%dma_start3A_241, %dma_start3A_242] : memref<64x128xf32, #tpu.memory_space<vmem>> -> memref<64x128xf32, #tpu.memory_space<vmem>>
      tpu.enqueue_dma source(%dma_start3A_243 : memref<64x128xf32, #tpu.memory_space<vmem>>) target(%dma_start3A_236 : memref<64x128xf32, #tpu.memory_space<hbm>>) target_semaphore(%run_scoped3A_223 : memref<!tpu.dma_semaphore, #tpu.memory_space<semaphore_mem>>)
      %dma_wait3A_244 = arith.constant 0 : i32
      %dma_wait3A_245 = arith.constant 0 : i32
      %dma_wait3A_246 = tpu.memref_slice %arg10[%run_scoped3A_192, %dma_wait3A_244, %dma_wait3A_245] : memref<2x64x128xf32, #tpu.memory_space<vmem>> -> memref<1x64x128xf32, #tpu.memory_space<vmem>>
      %dma_wait3A_247 = tpu.memref_squeeze %dma_wait3A_246 : memref<1x64x128xf32, #tpu.memory_space<vmem>> -> memref<64x128xf32, #tpu.memory_space<vmem>>
      %dma_wait3A_248 = arith.constant 0 : i32
      %dma_wait3A_249 = arith.constant 0 : i32
      %dma_wait3A_250 = tpu.memref_slice %dma_wait3A_247[%dma_wait3A_248, %dma_wait3A_249] : memref<64x128xf32, #tpu.memory_space<vmem>> -> memref<64x128xf32, #tpu.memory_space<vmem>>
      %dma_wait3A_251 = arith.constant 0 : i32
      %dma_wait3A_252 = tpu.memref_slice %arg7[%arg0, %add3A_190, %dma_wait3A_251] : memref<2x10112x128xf32, #tpu.memory_space<hbm>> -> memref<1x64x128xf32, #tpu.memory_space<hbm>>
      %dma_wait3A_253 = tpu.memref_squeeze %dma_wait3A_252 : memref<1x64x128xf32, #tpu.memory_space<hbm>> -> memref<64x128xf32, #tpu.memory_space<hbm>>
      %dma_wait3A_254 = arith.constant 0 : i32
      %dma_wait3A_255 = tpu.memref_slice %arg7[%arg0, %add3A_190, %dma_wait3A_254] : memref<2x10112x128xf32, #tpu.memory_space<hbm>> -> memref<1x64x128xf32, #tpu.memory_space<hbm>>
      %dma_wait3A_256 = tpu.memref_squeeze %dma_wait3A_255 : memref<1x64x128xf32, #tpu.memory_space<hbm>> -> memref<64x128xf32, #tpu.memory_space<hbm>>
      %dma_wait3A_257 = arith.constant 0 : i32
      %dma_wait3A_258 = arith.constant 0 : i32
      %dma_wait3A_259 = tpu.memref_slice %arg10[%run_scoped3A_192, %dma_wait3A_257, %dma_wait3A_258] : memref<2x64x128xf32, #tpu.memory_space<vmem>> -> memref<1x64x128xf32, #tpu.memory_space<vmem>>
      %dma_wait3A_260 = tpu.memref_squeeze %dma_wait3A_259 : memref<1x64x128xf32, #tpu.memory_space<vmem>> -> memref<64x128xf32, #tpu.memory_space<vmem>>
      %dma_wait3A_261 = arith.constant 0 : i32
      %dma_wait3A_262 = arith.constant 0 : i32
      %dma_wait3A_263 = tpu.memref_slice %dma_wait3A_260[%dma_wait3A_261, %dma_wait3A_262] : memref<64x128xf32, #tpu.memory_space<vmem>> -> memref<64x128xf32, #tpu.memory_space<vmem>>
      tpu.wait_dma2 semaphore(%run_scoped3A_223 : memref<!tpu.dma_semaphore, #tpu.memory_space<semaphore_mem>>) src(%dma_wait3A_263 : memref<64x128xf32, #tpu.memory_space<vmem>>) dst(%dma_wait3A_256 : memref<64x128xf32, #tpu.memory_space<hbm>>)
      tpu.yield
    }) : () -> ()
    %mul3A_193 = arith.constant 632 : i32
    %mul3A_194 = arith.muli %arg1, %mul3A_193 : i32
    %add3A_195 = arith.constant 320 : i32
    %add3A_196 = arith.addi %mul3A_194, %add3A_195 : i32
    %run_scoped3A_197 = arith.constant 0 : i32
    "tpu.region"() ({
      %run_scoped3A_223 = tpu.sem_alloc : memref<!tpu.dma_semaphore, #tpu.memory_space<semaphore_mem>>
      %dma_start3A_224 = arith.constant 0 : i32
      %dma_start3A_225 = arith.constant 0 : i32
      %dma_start3A_226 = tpu.memref_slice %arg10[%run_scoped3A_197, %dma_start3A_224, %dma_start3A_225] : memref<2x64x128xf32, #tpu.memory_space<vmem>> -> memref<1x64x128xf32, #tpu.memory_space<vmem>>
      %dma_start3A_227 = tpu.memref_squeeze %dma_start3A_226 : memref<1x64x128xf32, #tpu.memory_space<vmem>> -> memref<64x128xf32, #tpu.memory_space<vmem>>
      %dma_start3A_228 = arith.constant 0 : i32
      %dma_start3A_229 = arith.constant 0 : i32
      %dma_start3A_230 = tpu.memref_slice %dma_start3A_227[%dma_start3A_228, %dma_start3A_229] : memref<64x128xf32, #tpu.memory_space<vmem>> -> memref<64x128xf32, #tpu.memory_space<vmem>>
      %dma_start3A_231 = arith.constant 0 : i32
      %dma_start3A_232 = tpu.memref_slice %arg13[%add3A_196, %dma_start3A_231] : memref<10112x128xf32, #tpu.memory_space<vmem_shared>> -> memref<64x128xf32, #tpu.memory_space<vmem_shared>>
      %dma_start3A_233 = arith.constant 0 : i32
      %dma_start3A_234 = arith.constant 0 : i32
      %dma_start3A_235 = tpu.memref_slice %arg10[%run_scoped3A_197, %dma_start3A_233, %dma_start3A_234] : memref<2x64x128xf32, #tpu.memory_space<vmem>> -> memref<1x64x128xf32, #tpu.memory_space<vmem>>
      %dma_start3A_236 = tpu.memref_squeeze %dma_start3A_235 : memref<1x64x128xf32, #tpu.memory_space<vmem>> -> memref<64x128xf32, #tpu.memory_space<vmem>>
      %dma_start3A_237 = arith.constant 0 : i32
      %dma_start3A_238 = arith.constant 0 : i32
      %dma_start3A_239 = tpu.memref_slice %dma_start3A_236[%dma_start3A_237, %dma_start3A_238] : memref<64x128xf32, #tpu.memory_space<vmem>> -> memref<64x128xf32, #tpu.memory_space<vmem>>
      %dma_start3A_240 = arith.constant 0 : i32
      %dma_start3A_241 = tpu.memref_slice %arg13[%add3A_196, %dma_start3A_240] : memref<10112x128xf32, #tpu.memory_space<vmem_shared>> -> memref<64x128xf32, #tpu.memory_space<vmem_shared>>
      tpu.enqueue_dma source(%dma_start3A_241 : memref<64x128xf32, #tpu.memory_space<vmem_shared>>) target(%dma_start3A_239 : memref<64x128xf32, #tpu.memory_space<vmem>>) target_semaphore(%run_scoped3A_223 : memref<!tpu.dma_semaphore, #tpu.memory_space<semaphore_mem>>)
      %dma_wait3A_242 = arith.constant 0 : i32
      %dma_wait3A_243 = arith.constant 0 : i32
      %dma_wait3A_244 = tpu.memref_slice %arg10[%run_scoped3A_197, %dma_wait3A_242, %dma_wait3A_243] : memref<2x64x128xf32, #tpu.memory_space<vmem>> -> memref<1x64x128xf32, #tpu.memory_space<vmem>>
      %dma_wait3A_245 = tpu.memref_squeeze %dma_wait3A_244 : memref<1x64x128xf32, #tpu.memory_space<vmem>> -> memref<64x128xf32, #tpu.memory_space<vmem>>
      %dma_wait3A_246 = arith.constant 0 : i32
      %dma_wait3A_247 = arith.constant 0 : i32
      %dma_wait3A_248 = tpu.memref_slice %dma_wait3A_245[%dma_wait3A_246, %dma_wait3A_247] : memref<64x128xf32, #tpu.memory_space<vmem>> -> memref<64x128xf32, #tpu.memory_space<vmem>>
      %dma_wait3A_249 = arith.constant 0 : i32
      %dma_wait3A_250 = tpu.memref_slice %arg13[%add3A_196, %dma_wait3A_249] : memref<10112x128xf32, #tpu.memory_space<vmem_shared>> -> memref<64x128xf32, #tpu.memory_space<vmem_shared>>
      %dma_wait3A_251 = arith.constant 0 : i32
      %dma_wait3A_252 = arith.constant 0 : i32
      %dma_wait3A_253 = tpu.memref_slice %arg10[%run_scoped3A_197, %dma_wait3A_251, %dma_wait3A_252] : memref<2x64x128xf32, #tpu.memory_space<vmem>> -> memref<1x64x128xf32, #tpu.memory_space<vmem>>
      %dma_wait3A_254 = tpu.memref_squeeze %dma_wait3A_253 : memref<1x64x128xf32, #tpu.memory_space<vmem>> -> memref<64x128xf32, #tpu.memory_space<vmem>>
      %dma_wait3A_255 = arith.constant 0 : i32
      %dma_wait3A_256 = arith.constant 0 : i32
      %dma_wait3A_257 = tpu.memref_slice %dma_wait3A_254[%dma_wait3A_255, %dma_wait3A_256] : memref<64x128xf32, #tpu.memory_space<vmem>> -> memref<64x128xf32, #tpu.memory_space<vmem>>
      %dma_wait3A_258 = arith.constant 0 : i32
      %dma_wait3A_259 = tpu.memref_slice %arg13[%add3A_196, %dma_wait3A_258] : memref<10112x128xf32, #tpu.memory_space<vmem_shared>> -> memref<64x128xf32, #tpu.memory_space<vmem_shared>>
      tpu.wait_dma2 semaphore(%run_scoped3A_223 : memref<!tpu.dma_semaphore, #tpu.memory_space<semaphore_mem>>) src(%dma_wait3A_259 : memref<64x128xf32, #tpu.memory_space<vmem_shared>>) dst(%dma_wait3A_257 : memref<64x128xf32, #tpu.memory_space<vmem>>)
      tpu.yield
    }) : () -> ()
    %run_scoped3A_198 = arith.constant 0 : i32
    "tpu.region"() ({
      %run_scoped3A_223 = tpu.sem_alloc : memref<!tpu.dma_semaphore, #tpu.memory_space<semaphore_mem>>
      %dma_start3A_224 = arith.constant 0 : i32
      %dma_start3A_225 = arith.constant 0 : i32
      %dma_start3A_226 = tpu.memref_slice %arg10[%run_scoped3A_198, %dma_start3A_224, %dma_start3A_225] : memref<2x64x128xf32, #tpu.memory_space<vmem>> -> memref<1x64x128xf32, #tpu.memory_space<vmem>>
      %dma_start3A_227 = tpu.memref_squeeze %dma_start3A_226 : memref<1x64x128xf32, #tpu.memory_space<vmem>> -> memref<64x128xf32, #tpu.memory_space<vmem>>
      %dma_start3A_228 = arith.constant 0 : i32
      %dma_start3A_229 = arith.constant 0 : i32
      %dma_start3A_230 = tpu.memref_slice %dma_start3A_227[%dma_start3A_228, %dma_start3A_229] : memref<64x128xf32, #tpu.memory_space<vmem>> -> memref<64x128xf32, #tpu.memory_space<vmem>>
      %dma_start3A_231 = arith.constant 0 : i32
      %dma_start3A_232 = tpu.memref_slice %arg7[%arg0, %add3A_196, %dma_start3A_231] : memref<2x10112x128xf32, #tpu.memory_space<hbm>> -> memref<1x64x128xf32, #tpu.memory_space<hbm>>
      %dma_start3A_233 = tpu.memref_squeeze %dma_start3A_232 : memref<1x64x128xf32, #tpu.memory_space<hbm>> -> memref<64x128xf32, #tpu.memory_space<hbm>>
      %dma_start3A_234 = arith.constant 0 : i32
      %dma_start3A_235 = tpu.memref_slice %arg7[%arg0, %add3A_196, %dma_start3A_234] : memref<2x10112x128xf32, #tpu.memory_space<hbm>> -> memref<1x64x128xf32, #tpu.memory_space<hbm>>
      %dma_start3A_236 = tpu.memref_squeeze %dma_start3A_235 : memref<1x64x128xf32, #tpu.memory_space<hbm>> -> memref<64x128xf32, #tpu.memory_space<hbm>>
      %dma_start3A_237 = arith.constant 0 : i32
      %dma_start3A_238 = arith.constant 0 : i32
      %dma_start3A_239 = tpu.memref_slice %arg10[%run_scoped3A_198, %dma_start3A_237, %dma_start3A_238] : memref<2x64x128xf32, #tpu.memory_space<vmem>> -> memref<1x64x128xf32, #tpu.memory_space<vmem>>
      %dma_start3A_240 = tpu.memref_squeeze %dma_start3A_239 : memref<1x64x128xf32, #tpu.memory_space<vmem>> -> memref<64x128xf32, #tpu.memory_space<vmem>>
      %dma_start3A_241 = arith.constant 0 : i32
      %dma_start3A_242 = arith.constant 0 : i32
      %dma_start3A_243 = tpu.memref_slice %dma_start3A_240[%dma_start3A_241, %dma_start3A_242] : memref<64x128xf32, #tpu.memory_space<vmem>> -> memref<64x128xf32, #tpu.memory_space<vmem>>
      tpu.enqueue_dma source(%dma_start3A_243 : memref<64x128xf32, #tpu.memory_space<vmem>>) target(%dma_start3A_236 : memref<64x128xf32, #tpu.memory_space<hbm>>) target_semaphore(%run_scoped3A_223 : memref<!tpu.dma_semaphore, #tpu.memory_space<semaphore_mem>>)
      %dma_wait3A_244 = arith.constant 0 : i32
      %dma_wait3A_245 = arith.constant 0 : i32
      %dma_wait3A_246 = tpu.memref_slice %arg10[%run_scoped3A_198, %dma_wait3A_244, %dma_wait3A_245] : memref<2x64x128xf32, #tpu.memory_space<vmem>> -> memref<1x64x128xf32, #tpu.memory_space<vmem>>
      %dma_wait3A_247 = tpu.memref_squeeze %dma_wait3A_246 : memref<1x64x128xf32, #tpu.memory_space<vmem>> -> memref<64x128xf32, #tpu.memory_space<vmem>>
      %dma_wait3A_248 = arith.constant 0 : i32
      %dma_wait3A_249 = arith.constant 0 : i32
      %dma_wait3A_250 = tpu.memref_slice %dma_wait3A_247[%dma_wait3A_248, %dma_wait3A_249] : memref<64x128xf32, #tpu.memory_space<vmem>> -> memref<64x128xf32, #tpu.memory_space<vmem>>
      %dma_wait3A_251 = arith.constant 0 : i32
      %dma_wait3A_252 = tpu.memref_slice %arg7[%arg0, %add3A_196, %dma_wait3A_251] : memref<2x10112x128xf32, #tpu.memory_space<hbm>> -> memref<1x64x128xf32, #tpu.memory_space<hbm>>
      %dma_wait3A_253 = tpu.memref_squeeze %dma_wait3A_252 : memref<1x64x128xf32, #tpu.memory_space<hbm>> -> memref<64x128xf32, #tpu.memory_space<hbm>>
      %dma_wait3A_254 = arith.constant 0 : i32
      %dma_wait3A_255 = tpu.memref_slice %arg7[%arg0, %add3A_196, %dma_wait3A_254] : memref<2x10112x128xf32, #tpu.memory_space<hbm>> -> memref<1x64x128xf32, #tpu.memory_space<hbm>>
      %dma_wait3A_256 = tpu.memref_squeeze %dma_wait3A_255 : memref<1x64x128xf32, #tpu.memory_space<hbm>> -> memref<64x128xf32, #tpu.memory_space<hbm>>
      %dma_wait3A_257 = arith.constant 0 : i32
      %dma_wait3A_258 = arith.constant 0 : i32
      %dma_wait3A_259 = tpu.memref_slice %arg10[%run_scoped3A_198, %dma_wait3A_257, %dma_wait3A_258] : memref<2x64x128xf32, #tpu.memory_space<vmem>> -> memref<1x64x128xf32, #tpu.memory_space<vmem>>
      %dma_wait3A_260 = tpu.memref_squeeze %dma_wait3A_259 : memref<1x64x128xf32, #tpu.memory_space<vmem>> -> memref<64x128xf32, #tpu.memory_space<vmem>>
      %dma_wait3A_261 = arith.constant 0 : i32
      %dma_wait3A_262 = arith.constant 0 : i32
      %dma_wait3A_263 = tpu.memref_slice %dma_wait3A_260[%dma_wait3A_261, %dma_wait3A_262] : memref<64x128xf32, #tpu.memory_space<vmem>> -> memref<64x128xf32, #tpu.memory_space<vmem>>
      tpu.wait_dma2 semaphore(%run_scoped3A_223 : memref<!tpu.dma_semaphore, #tpu.memory_space<semaphore_mem>>) src(%dma_wait3A_263 : memref<64x128xf32, #tpu.memory_space<vmem>>) dst(%dma_wait3A_256 : memref<64x128xf32, #tpu.memory_space<hbm>>)
      tpu.yield
    }) : () -> ()
    %mul3A_199 = arith.constant 632 : i32
    %mul3A_200 = arith.muli %arg1, %mul3A_199 : i32
    %add3A_201 = arith.constant 384 : i32
    %add3A_202 = arith.addi %mul3A_200, %add3A_201 : i32
    %run_scoped3A_203 = arith.constant 0 : i32
    "tpu.region"() ({
      %run_scoped3A_223 = tpu.sem_alloc : memref<!tpu.dma_semaphore, #tpu.memory_space<semaphore_mem>>
      %dma_start3A_224 = arith.constant 0 : i32
      %dma_start3A_225 = arith.constant 0 : i32
      %dma_start3A_226 = tpu.memref_slice %arg10[%run_scoped3A_203, %dma_start3A_224, %dma_start3A_225] : memref<2x64x128xf32, #tpu.memory_space<vmem>> -> memref<1x64x128xf32, #tpu.memory_space<vmem>>
      %dma_start3A_227 = tpu.memref_squeeze %dma_start3A_226 : memref<1x64x128xf32, #tpu.memory_space<vmem>> -> memref<64x128xf32, #tpu.memory_space<vmem>>
      %dma_start3A_228 = arith.constant 0 : i32
      %dma_start3A_229 = arith.constant 0 : i32
      %dma_start3A_230 = tpu.memref_slice %dma_start3A_227[%dma_start3A_228, %dma_start3A_229] : memref<64x128xf32, #tpu.memory_space<vmem>> -> memref<64x128xf32, #tpu.memory_space<vmem>>
      %dma_start3A_231 = arith.constant 0 : i32
      %dma_start3A_232 = tpu.memref_slice %arg13[%add3A_202, %dma_start3A_231] : memref<10112x128xf32, #tpu.memory_space<vmem_shared>> -> memref<64x128xf32, #tpu.memory_space<vmem_shared>>
      %dma_start3A_233 = arith.constant 0 : i32
      %dma_start3A_234 = arith.constant 0 : i32
      %dma_start3A_235 = tpu.memref_slice %arg10[%run_scoped3A_203, %dma_start3A_233, %dma_start3A_234] : memref<2x64x128xf32, #tpu.memory_space<vmem>> -> memref<1x64x128xf32, #tpu.memory_space<vmem>>
      %dma_start3A_236 = tpu.memref_squeeze %dma_start3A_235 : memref<1x64x128xf32, #tpu.memory_space<vmem>> -> memref<64x128xf32, #tpu.memory_space<vmem>>
      %dma_start3A_237 = arith.constant 0 : i32
      %dma_start3A_238 = arith.constant 0 : i32
      %dma_start3A_239 = tpu.memref_slice %dma_start3A_236[%dma_start3A_237, %dma_start3A_238] : memref<64x128xf32, #tpu.memory_space<vmem>> -> memref<64x128xf32, #tpu.memory_space<vmem>>
      %dma_start3A_240 = arith.constant 0 : i32
      %dma_start3A_241 = tpu.memref_slice %arg13[%add3A_202, %dma_start3A_240] : memref<10112x128xf32, #tpu.memory_space<vmem_shared>> -> memref<64x128xf32, #tpu.memory_space<vmem_shared>>
      tpu.enqueue_dma source(%dma_start3A_241 : memref<64x128xf32, #tpu.memory_space<vmem_shared>>) target(%dma_start3A_239 : memref<64x128xf32, #tpu.memory_space<vmem>>) target_semaphore(%run_scoped3A_223 : memref<!tpu.dma_semaphore, #tpu.memory_space<semaphore_mem>>)
      %dma_wait3A_242 = arith.constant 0 : i32
      %dma_wait3A_243 = arith.constant 0 : i32
      %dma_wait3A_244 = tpu.memref_slice %arg10[%run_scoped3A_203, %dma_wait3A_242, %dma_wait3A_243] : memref<2x64x128xf32, #tpu.memory_space<vmem>> -> memref<1x64x128xf32, #tpu.memory_space<vmem>>
      %dma_wait3A_245 = tpu.memref_squeeze %dma_wait3A_244 : memref<1x64x128xf32, #tpu.memory_space<vmem>> -> memref<64x128xf32, #tpu.memory_space<vmem>>
      %dma_wait3A_246 = arith.constant 0 : i32
      %dma_wait3A_247 = arith.constant 0 : i32
      %dma_wait3A_248 = tpu.memref_slice %dma_wait3A_245[%dma_wait3A_246, %dma_wait3A_247] : memref<64x128xf32, #tpu.memory_space<vmem>> -> memref<64x128xf32, #tpu.memory_space<vmem>>
      %dma_wait3A_249 = arith.constant 0 : i32
      %dma_wait3A_250 = tpu.memref_slice %arg13[%add3A_202, %dma_wait3A_249] : memref<10112x128xf32, #tpu.memory_space<vmem_shared>> -> memref<64x128xf32, #tpu.memory_space<vmem_shared>>
      %dma_wait3A_251 = arith.constant 0 : i32
      %dma_wait3A_252 = arith.constant 0 : i32
      %dma_wait3A_253 = tpu.memref_slice %arg10[%run_scoped3A_203, %dma_wait3A_251, %dma_wait3A_252] : memref<2x64x128xf32, #tpu.memory_space<vmem>> -> memref<1x64x128xf32, #tpu.memory_space<vmem>>
      %dma_wait3A_254 = tpu.memref_squeeze %dma_wait3A_253 : memref<1x64x128xf32, #tpu.memory_space<vmem>> -> memref<64x128xf32, #tpu.memory_space<vmem>>
      %dma_wait3A_255 = arith.constant 0 : i32
      %dma_wait3A_256 = arith.constant 0 : i32
      %dma_wait3A_257 = tpu.memref_slice %dma_wait3A_254[%dma_wait3A_255, %dma_wait3A_256] : memref<64x128xf32, #tpu.memory_space<vmem>> -> memref<64x128xf32, #tpu.memory_space<vmem>>
      %dma_wait3A_258 = arith.constant 0 : i32
      %dma_wait3A_259 = tpu.memref_slice %arg13[%add3A_202, %dma_wait3A_258] : memref<10112x128xf32, #tpu.memory_space<vmem_shared>> -> memref<64x128xf32, #tpu.memory_space<vmem_shared>>
      tpu.wait_dma2 semaphore(%run_scoped3A_223 : memref<!tpu.dma_semaphore, #tpu.memory_space<semaphore_mem>>) src(%dma_wait3A_259 : memref<64x128xf32, #tpu.memory_space<vmem_shared>>) dst(%dma_wait3A_257 : memref<64x128xf32, #tpu.memory_space<vmem>>)
      tpu.yield
    }) : () -> ()
    %run_scoped3A_204 = arith.constant 0 : i32
    "tpu.region"() ({
      %run_scoped3A_223 = tpu.sem_alloc : memref<!tpu.dma_semaphore, #tpu.memory_space<semaphore_mem>>
      %dma_start3A_224 = arith.constant 0 : i32
      %dma_start3A_225 = arith.constant 0 : i32
      %dma_start3A_226 = tpu.memref_slice %arg10[%run_scoped3A_204, %dma_start3A_224, %dma_start3A_225] : memref<2x64x128xf32, #tpu.memory_space<vmem>> -> memref<1x64x128xf32, #tpu.memory_space<vmem>>
      %dma_start3A_227 = tpu.memref_squeeze %dma_start3A_226 : memref<1x64x128xf32, #tpu.memory_space<vmem>> -> memref<64x128xf32, #tpu.memory_space<vmem>>
      %dma_start3A_228 = arith.constant 0 : i32
      %dma_start3A_229 = arith.constant 0 : i32
      %dma_start3A_230 = tpu.memref_slice %dma_start3A_227[%dma_start3A_228, %dma_start3A_229] : memref<64x128xf32, #tpu.memory_space<vmem>> -> memref<64x128xf32, #tpu.memory_space<vmem>>
      %dma_start3A_231 = arith.constant 0 : i32
      %dma_start3A_232 = tpu.memref_slice %arg7[%arg0, %add3A_202, %dma_start3A_231] : memref<2x10112x128xf32, #tpu.memory_space<hbm>> -> memref<1x64x128xf32, #tpu.memory_space<hbm>>
      %dma_start3A_233 = tpu.memref_squeeze %dma_start3A_232 : memref<1x64x128xf32, #tpu.memory_space<hbm>> -> memref<64x128xf32, #tpu.memory_space<hbm>>
      %dma_start3A_234 = arith.constant 0 : i32
      %dma_start3A_235 = tpu.memref_slice %arg7[%arg0, %add3A_202, %dma_start3A_234] : memref<2x10112x128xf32, #tpu.memory_space<hbm>> -> memref<1x64x128xf32, #tpu.memory_space<hbm>>
      %dma_start3A_236 = tpu.memref_squeeze %dma_start3A_235 : memref<1x64x128xf32, #tpu.memory_space<hbm>> -> memref<64x128xf32, #tpu.memory_space<hbm>>
      %dma_start3A_237 = arith.constant 0 : i32
      %dma_start3A_238 = arith.constant 0 : i32
      %dma_start3A_239 = tpu.memref_slice %arg10[%run_scoped3A_204, %dma_start3A_237, %dma_start3A_238] : memref<2x64x128xf32, #tpu.memory_space<vmem>> -> memref<1x64x128xf32, #tpu.memory_space<vmem>>
      %dma_start3A_240 = tpu.memref_squeeze %dma_start3A_239 : memref<1x64x128xf32, #tpu.memory_space<vmem>> -> memref<64x128xf32, #tpu.memory_space<vmem>>
      %dma_start3A_241 = arith.constant 0 : i32
      %dma_start3A_242 = arith.constant 0 : i32
      %dma_start3A_243 = tpu.memref_slice %dma_start3A_240[%dma_start3A_241, %dma_start3A_242] : memref<64x128xf32, #tpu.memory_space<vmem>> -> memref<64x128xf32, #tpu.memory_space<vmem>>
      tpu.enqueue_dma source(%dma_start3A_243 : memref<64x128xf32, #tpu.memory_space<vmem>>) target(%dma_start3A_236 : memref<64x128xf32, #tpu.memory_space<hbm>>) target_semaphore(%run_scoped3A_223 : memref<!tpu.dma_semaphore, #tpu.memory_space<semaphore_mem>>)
      %dma_wait3A_244 = arith.constant 0 : i32
      %dma_wait3A_245 = arith.constant 0 : i32
      %dma_wait3A_246 = tpu.memref_slice %arg10[%run_scoped3A_204, %dma_wait3A_244, %dma_wait3A_245] : memref<2x64x128xf32, #tpu.memory_space<vmem>> -> memref<1x64x128xf32, #tpu.memory_space<vmem>>
      %dma_wait3A_247 = tpu.memref_squeeze %dma_wait3A_246 : memref<1x64x128xf32, #tpu.memory_space<vmem>> -> memref<64x128xf32, #tpu.memory_space<vmem>>
      %dma_wait3A_248 = arith.constant 0 : i32
      %dma_wait3A_249 = arith.constant 0 : i32
      %dma_wait3A_250 = tpu.memref_slice %dma_wait3A_247[%dma_wait3A_248, %dma_wait3A_249] : memref<64x128xf32, #tpu.memory_space<vmem>> -> memref<64x128xf32, #tpu.memory_space<vmem>>
      %dma_wait3A_251 = arith.constant 0 : i32
      %dma_wait3A_252 = tpu.memref_slice %arg7[%arg0, %add3A_202, %dma_wait3A_251] : memref<2x10112x128xf32, #tpu.memory_space<hbm>> -> memref<1x64x128xf32, #tpu.memory_space<hbm>>
      %dma_wait3A_253 = tpu.memref_squeeze %dma_wait3A_252 : memref<1x64x128xf32, #tpu.memory_space<hbm>> -> memref<64x128xf32, #tpu.memory_space<hbm>>
      %dma_wait3A_254 = arith.constant 0 : i32
      %dma_wait3A_255 = tpu.memref_slice %arg7[%arg0, %add3A_202, %dma_wait3A_254] : memref<2x10112x128xf32, #tpu.memory_space<hbm>> -> memref<1x64x128xf32, #tpu.memory_space<hbm>>
      %dma_wait3A_256 = tpu.memref_squeeze %dma_wait3A_255 : memref<1x64x128xf32, #tpu.memory_space<hbm>> -> memref<64x128xf32, #tpu.memory_space<hbm>>
      %dma_wait3A_257 = arith.constant 0 : i32
      %dma_wait3A_258 = arith.constant 0 : i32
      %dma_wait3A_259 = tpu.memref_slice %arg10[%run_scoped3A_204, %dma_wait3A_257, %dma_wait3A_258] : memref<2x64x128xf32, #tpu.memory_space<vmem>> -> memref<1x64x128xf32, #tpu.memory_space<vmem>>
      %dma_wait3A_260 = tpu.memref_squeeze %dma_wait3A_259 : memref<1x64x128xf32, #tpu.memory_space<vmem>> -> memref<64x128xf32, #tpu.memory_space<vmem>>
      %dma_wait3A_261 = arith.constant 0 : i32
      %dma_wait3A_262 = arith.constant 0 : i32
      %dma_wait3A_263 = tpu.memref_slice %dma_wait3A_260[%dma_wait3A_261, %dma_wait3A_262] : memref<64x128xf32, #tpu.memory_space<vmem>> -> memref<64x128xf32, #tpu.memory_space<vmem>>
      tpu.wait_dma2 semaphore(%run_scoped3A_223 : memref<!tpu.dma_semaphore, #tpu.memory_space<semaphore_mem>>) src(%dma_wait3A_263 : memref<64x128xf32, #tpu.memory_space<vmem>>) dst(%dma_wait3A_256 : memref<64x128xf32, #tpu.memory_space<hbm>>)
      tpu.yield
    }) : () -> ()
    %mul3A_205 = arith.constant 632 : i32
    %mul3A_206 = arith.muli %arg1, %mul3A_205 : i32
    %add3A_207 = arith.constant 448 : i32
    %add3A_208 = arith.addi %mul3A_206, %add3A_207 : i32
    %run_scoped3A_209 = arith.constant 0 : i32
    "tpu.region"() ({
      %run_scoped3A_223 = tpu.sem_alloc : memref<!tpu.dma_semaphore, #tpu.memory_space<semaphore_mem>>
      %dma_start3A_224 = arith.constant 0 : i32
      %dma_start3A_225 = arith.constant 0 : i32
      %dma_start3A_226 = tpu.memref_slice %arg10[%run_scoped3A_209, %dma_start3A_224, %dma_start3A_225] : memref<2x64x128xf32, #tpu.memory_space<vmem>> -> memref<1x64x128xf32, #tpu.memory_space<vmem>>
      %dma_start3A_227 = tpu.memref_squeeze %dma_start3A_226 : memref<1x64x128xf32, #tpu.memory_space<vmem>> -> memref<64x128xf32, #tpu.memory_space<vmem>>
      %dma_start3A_228 = arith.constant 0 : i32
      %dma_start3A_229 = arith.constant 0 : i32
      %dma_start3A_230 = tpu.memref_slice %dma_start3A_227[%dma_start3A_228, %dma_start3A_229] : memref<64x128xf32, #tpu.memory_space<vmem>> -> memref<64x128xf32, #tpu.memory_space<vmem>>
      %dma_start3A_231 = arith.constant 0 : i32
      %dma_start3A_232 = tpu.memref_slice %arg13[%add3A_208, %dma_start3A_231] : memref<10112x128xf32, #tpu.memory_space<vmem_shared>> -> memref<64x128xf32, #tpu.memory_space<vmem_shared>>
      %dma_start3A_233 = arith.constant 0 : i32
      %dma_start3A_234 = arith.constant 0 : i32
      %dma_start3A_235 = tpu.memref_slice %arg10[%run_scoped3A_209, %dma_start3A_233, %dma_start3A_234] : memref<2x64x128xf32, #tpu.memory_space<vmem>> -> memref<1x64x128xf32, #tpu.memory_space<vmem>>
      %dma_start3A_236 = tpu.memref_squeeze %dma_start3A_235 : memref<1x64x128xf32, #tpu.memory_space<vmem>> -> memref<64x128xf32, #tpu.memory_space<vmem>>
      %dma_start3A_237 = arith.constant 0 : i32
      %dma_start3A_238 = arith.constant 0 : i32
      %dma_start3A_239 = tpu.memref_slice %dma_start3A_236[%dma_start3A_237, %dma_start3A_238] : memref<64x128xf32, #tpu.memory_space<vmem>> -> memref<64x128xf32, #tpu.memory_space<vmem>>
      %dma_start3A_240 = arith.constant 0 : i32
      %dma_start3A_241 = tpu.memref_slice %arg13[%add3A_208, %dma_start3A_240] : memref<10112x128xf32, #tpu.memory_space<vmem_shared>> -> memref<64x128xf32, #tpu.memory_space<vmem_shared>>
      tpu.enqueue_dma source(%dma_start3A_241 : memref<64x128xf32, #tpu.memory_space<vmem_shared>>) target(%dma_start3A_239 : memref<64x128xf32, #tpu.memory_space<vmem>>) target_semaphore(%run_scoped3A_223 : memref<!tpu.dma_semaphore, #tpu.memory_space<semaphore_mem>>)
      %dma_wait3A_242 = arith.constant 0 : i32
      %dma_wait3A_243 = arith.constant 0 : i32
      %dma_wait3A_244 = tpu.memref_slice %arg10[%run_scoped3A_209, %dma_wait3A_242, %dma_wait3A_243] : memref<2x64x128xf32, #tpu.memory_space<vmem>> -> memref<1x64x128xf32, #tpu.memory_space<vmem>>
      %dma_wait3A_245 = tpu.memref_squeeze %dma_wait3A_244 : memref<1x64x128xf32, #tpu.memory_space<vmem>> -> memref<64x128xf32, #tpu.memory_space<vmem>>
      %dma_wait3A_246 = arith.constant 0 : i32
      %dma_wait3A_247 = arith.constant 0 : i32
      %dma_wait3A_248 = tpu.memref_slice %dma_wait3A_245[%dma_wait3A_246, %dma_wait3A_247] : memref<64x128xf32, #tpu.memory_space<vmem>> -> memref<64x128xf32, #tpu.memory_space<vmem>>
      %dma_wait3A_249 = arith.constant 0 : i32
      %dma_wait3A_250 = tpu.memref_slice %arg13[%add3A_208, %dma_wait3A_249] : memref<10112x128xf32, #tpu.memory_space<vmem_shared>> -> memref<64x128xf32, #tpu.memory_space<vmem_shared>>
      %dma_wait3A_251 = arith.constant 0 : i32
      %dma_wait3A_252 = arith.constant 0 : i32
      %dma_wait3A_253 = tpu.memref_slice %arg10[%run_scoped3A_209, %dma_wait3A_251, %dma_wait3A_252] : memref<2x64x128xf32, #tpu.memory_space<vmem>> -> memref<1x64x128xf32, #tpu.memory_space<vmem>>
      %dma_wait3A_254 = tpu.memref_squeeze %dma_wait3A_253 : memref<1x64x128xf32, #tpu.memory_space<vmem>> -> memref<64x128xf32, #tpu.memory_space<vmem>>
      %dma_wait3A_255 = arith.constant 0 : i32
      %dma_wait3A_256 = arith.constant 0 : i32
      %dma_wait3A_257 = tpu.memref_slice %dma_wait3A_254[%dma_wait3A_255, %dma_wait3A_256] : memref<64x128xf32, #tpu.memory_space<vmem>> -> memref<64x128xf32, #tpu.memory_space<vmem>>
      %dma_wait3A_258 = arith.constant 0 : i32
      %dma_wait3A_259 = tpu.memref_slice %arg13[%add3A_208, %dma_wait3A_258] : memref<10112x128xf32, #tpu.memory_space<vmem_shared>> -> memref<64x128xf32, #tpu.memory_space<vmem_shared>>
      tpu.wait_dma2 semaphore(%run_scoped3A_223 : memref<!tpu.dma_semaphore, #tpu.memory_space<semaphore_mem>>) src(%dma_wait3A_259 : memref<64x128xf32, #tpu.memory_space<vmem_shared>>) dst(%dma_wait3A_257 : memref<64x128xf32, #tpu.memory_space<vmem>>)
      tpu.yield
    }) : () -> ()
    %run_scoped3A_210 = arith.constant 0 : i32
    "tpu.region"() ({
      %run_scoped3A_223 = tpu.sem_alloc : memref<!tpu.dma_semaphore, #tpu.memory_space<semaphore_mem>>
      %dma_start3A_224 = arith.constant 0 : i32
      %dma_start3A_225 = arith.constant 0 : i32
      %dma_start3A_226 = tpu.memref_slice %arg10[%run_scoped3A_210, %dma_start3A_224, %dma_start3A_225] : memref<2x64x128xf32, #tpu.memory_space<vmem>> -> memref<1x64x128xf32, #tpu.memory_space<vmem>>
      %dma_start3A_227 = tpu.memref_squeeze %dma_start3A_226 : memref<1x64x128xf32, #tpu.memory_space<vmem>> -> memref<64x128xf32, #tpu.memory_space<vmem>>
      %dma_start3A_228 = arith.constant 0 : i32
      %dma_start3A_229 = arith.constant 0 : i32
      %dma_start3A_230 = tpu.memref_slice %dma_start3A_227[%dma_start3A_228, %dma_start3A_229] : memref<64x128xf32, #tpu.memory_space<vmem>> -> memref<64x128xf32, #tpu.memory_space<vmem>>
      %dma_start3A_231 = arith.constant 0 : i32
      %dma_start3A_232 = tpu.memref_slice %arg7[%arg0, %add3A_208, %dma_start3A_231] : memref<2x10112x128xf32, #tpu.memory_space<hbm>> -> memref<1x64x128xf32, #tpu.memory_space<hbm>>
      %dma_start3A_233 = tpu.memref_squeeze %dma_start3A_232 : memref<1x64x128xf32, #tpu.memory_space<hbm>> -> memref<64x128xf32, #tpu.memory_space<hbm>>
      %dma_start3A_234 = arith.constant 0 : i32
      %dma_start3A_235 = tpu.memref_slice %arg7[%arg0, %add3A_208, %dma_start3A_234] : memref<2x10112x128xf32, #tpu.memory_space<hbm>> -> memref<1x64x128xf32, #tpu.memory_space<hbm>>
      %dma_start3A_236 = tpu.memref_squeeze %dma_start3A_235 : memref<1x64x128xf32, #tpu.memory_space<hbm>> -> memref<64x128xf32, #tpu.memory_space<hbm>>
      %dma_start3A_237 = arith.constant 0 : i32
      %dma_start3A_238 = arith.constant 0 : i32
      %dma_start3A_239 = tpu.memref_slice %arg10[%run_scoped3A_210, %dma_start3A_237, %dma_start3A_238] : memref<2x64x128xf32, #tpu.memory_space<vmem>> -> memref<1x64x128xf32, #tpu.memory_space<vmem>>
      %dma_start3A_240 = tpu.memref_squeeze %dma_start3A_239 : memref<1x64x128xf32, #tpu.memory_space<vmem>> -> memref<64x128xf32, #tpu.memory_space<vmem>>
      %dma_start3A_241 = arith.constant 0 : i32
      %dma_start3A_242 = arith.constant 0 : i32
      %dma_start3A_243 = tpu.memref_slice %dma_start3A_240[%dma_start3A_241, %dma_start3A_242] : memref<64x128xf32, #tpu.memory_space<vmem>> -> memref<64x128xf32, #tpu.memory_space<vmem>>
      tpu.enqueue_dma source(%dma_start3A_243 : memref<64x128xf32, #tpu.memory_space<vmem>>) target(%dma_start3A_236 : memref<64x128xf32, #tpu.memory_space<hbm>>) target_semaphore(%run_scoped3A_223 : memref<!tpu.dma_semaphore, #tpu.memory_space<semaphore_mem>>)
      %dma_wait3A_244 = arith.constant 0 : i32
      %dma_wait3A_245 = arith.constant 0 : i32
      %dma_wait3A_246 = tpu.memref_slice %arg10[%run_scoped3A_210, %dma_wait3A_244, %dma_wait3A_245] : memref<2x64x128xf32, #tpu.memory_space<vmem>> -> memref<1x64x128xf32, #tpu.memory_space<vmem>>
      %dma_wait3A_247 = tpu.memref_squeeze %dma_wait3A_246 : memref<1x64x128xf32, #tpu.memory_space<vmem>> -> memref<64x128xf32, #tpu.memory_space<vmem>>
      %dma_wait3A_248 = arith.constant 0 : i32
      %dma_wait3A_249 = arith.constant 0 : i32
      %dma_wait3A_250 = tpu.memref_slice %dma_wait3A_247[%dma_wait3A_248, %dma_wait3A_249] : memref<64x128xf32, #tpu.memory_space<vmem>> -> memref<64x128xf32, #tpu.memory_space<vmem>>
      %dma_wait3A_251 = arith.constant 0 : i32
      %dma_wait3A_252 = tpu.memref_slice %arg7[%arg0, %add3A_208, %dma_wait3A_251] : memref<2x10112x128xf32, #tpu.memory_space<hbm>> -> memref<1x64x128xf32, #tpu.memory_space<hbm>>
      %dma_wait3A_253 = tpu.memref_squeeze %dma_wait3A_252 : memref<1x64x128xf32, #tpu.memory_space<hbm>> -> memref<64x128xf32, #tpu.memory_space<hbm>>
      %dma_wait3A_254 = arith.constant 0 : i32
      %dma_wait3A_255 = tpu.memref_slice %arg7[%arg0, %add3A_208, %dma_wait3A_254] : memref<2x10112x128xf32, #tpu.memory_space<hbm>> -> memref<1x64x128xf32, #tpu.memory_space<hbm>>
      %dma_wait3A_256 = tpu.memref_squeeze %dma_wait3A_255 : memref<1x64x128xf32, #tpu.memory_space<hbm>> -> memref<64x128xf32, #tpu.memory_space<hbm>>
      %dma_wait3A_257 = arith.constant 0 : i32
      %dma_wait3A_258 = arith.constant 0 : i32
      %dma_wait3A_259 = tpu.memref_slice %arg10[%run_scoped3A_210, %dma_wait3A_257, %dma_wait3A_258] : memref<2x64x128xf32, #tpu.memory_space<vmem>> -> memref<1x64x128xf32, #tpu.memory_space<vmem>>
      %dma_wait3A_260 = tpu.memref_squeeze %dma_wait3A_259 : memref<1x64x128xf32, #tpu.memory_space<vmem>> -> memref<64x128xf32, #tpu.memory_space<vmem>>
      %dma_wait3A_261 = arith.constant 0 : i32
      %dma_wait3A_262 = arith.constant 0 : i32
      %dma_wait3A_263 = tpu.memref_slice %dma_wait3A_260[%dma_wait3A_261, %dma_wait3A_262] : memref<64x128xf32, #tpu.memory_space<vmem>> -> memref<64x128xf32, #tpu.memory_space<vmem>>
      tpu.wait_dma2 semaphore(%run_scoped3A_223 : memref<!tpu.dma_semaphore, #tpu.memory_space<semaphore_mem>>) src(%dma_wait3A_263 : memref<64x128xf32, #tpu.memory_space<vmem>>) dst(%dma_wait3A_256 : memref<64x128xf32, #tpu.memory_space<hbm>>)
      tpu.yield
    }) : () -> ()
    %mul3A_211 = arith.constant 632 : i32
    %mul3A_212 = arith.muli %arg1, %mul3A_211 : i32
    %add3A_213 = arith.constant 512 : i32
    %add3A_214 = arith.addi %mul3A_212, %add3A_213 : i32
    %run_scoped3A_215 = arith.constant 0 : i32
    "tpu.region"() ({
      %run_scoped3A_223 = tpu.sem_alloc : memref<!tpu.dma_semaphore, #tpu.memory_space<semaphore_mem>>
      %dma_start3A_224 = arith.constant 0 : i32
      %dma_start3A_225 = arith.constant 0 : i32
      %dma_start3A_226 = tpu.memref_slice %arg10[%run_scoped3A_215, %dma_start3A_224, %dma_start3A_225] : memref<2x64x128xf32, #tpu.memory_space<vmem>> -> memref<1x64x128xf32, #tpu.memory_space<vmem>>
      %dma_start3A_227 = tpu.memref_squeeze %dma_start3A_226 : memref<1x64x128xf32, #tpu.memory_space<vmem>> -> memref<64x128xf32, #tpu.memory_space<vmem>>
      %dma_start3A_228 = arith.constant 0 : i32
      %dma_start3A_229 = arith.constant 0 : i32
      %dma_start3A_230 = tpu.memref_slice %dma_start3A_227[%dma_start3A_228, %dma_start3A_229] : memref<64x128xf32, #tpu.memory_space<vmem>> -> memref<64x128xf32, #tpu.memory_space<vmem>>
      %dma_start3A_231 = arith.constant 0 : i32
      %dma_start3A_232 = tpu.memref_slice %arg13[%add3A_214, %dma_start3A_231] : memref<10112x128xf32, #tpu.memory_space<vmem_shared>> -> memref<64x128xf32, #tpu.memory_space<vmem_shared>>
      %dma_start3A_233 = arith.constant 0 : i32
      %dma_start3A_234 = arith.constant 0 : i32
      %dma_start3A_235 = tpu.memref_slice %arg10[%run_scoped3A_215, %dma_start3A_233, %dma_start3A_234] : memref<2x64x128xf32, #tpu.memory_space<vmem>> -> memref<1x64x128xf32, #tpu.memory_space<vmem>>
      %dma_start3A_236 = tpu.memref_squeeze %dma_start3A_235 : memref<1x64x128xf32, #tpu.memory_space<vmem>> -> memref<64x128xf32, #tpu.memory_space<vmem>>
      %dma_start3A_237 = arith.constant 0 : i32
      %dma_start3A_238 = arith.constant 0 : i32
      %dma_start3A_239 = tpu.memref_slice %dma_start3A_236[%dma_start3A_237, %dma_start3A_238] : memref<64x128xf32, #tpu.memory_space<vmem>> -> memref<64x128xf32, #tpu.memory_space<vmem>>
      %dma_start3A_240 = arith.constant 0 : i32
      %dma_start3A_241 = tpu.memref_slice %arg13[%add3A_214, %dma_start3A_240] : memref<10112x128xf32, #tpu.memory_space<vmem_shared>> -> memref<64x128xf32, #tpu.memory_space<vmem_shared>>
      tpu.enqueue_dma source(%dma_start3A_241 : memref<64x128xf32, #tpu.memory_space<vmem_shared>>) target(%dma_start3A_239 : memref<64x128xf32, #tpu.memory_space<vmem>>) target_semaphore(%run_scoped3A_223 : memref<!tpu.dma_semaphore, #tpu.memory_space<semaphore_mem>>)
      %dma_wait3A_242 = arith.constant 0 : i32
      %dma_wait3A_243 = arith.constant 0 : i32
      %dma_wait3A_244 = tpu.memref_slice %arg10[%run_scoped3A_215, %dma_wait3A_242, %dma_wait3A_243] : memref<2x64x128xf32, #tpu.memory_space<vmem>> -> memref<1x64x128xf32, #tpu.memory_space<vmem>>
      %dma_wait3A_245 = tpu.memref_squeeze %dma_wait3A_244 : memref<1x64x128xf32, #tpu.memory_space<vmem>> -> memref<64x128xf32, #tpu.memory_space<vmem>>
      %dma_wait3A_246 = arith.constant 0 : i32
      %dma_wait3A_247 = arith.constant 0 : i32
      %dma_wait3A_248 = tpu.memref_slice %dma_wait3A_245[%dma_wait3A_246, %dma_wait3A_247] : memref<64x128xf32, #tpu.memory_space<vmem>> -> memref<64x128xf32, #tpu.memory_space<vmem>>
      %dma_wait3A_249 = arith.constant 0 : i32
      %dma_wait3A_250 = tpu.memref_slice %arg13[%add3A_214, %dma_wait3A_249] : memref<10112x128xf32, #tpu.memory_space<vmem_shared>> -> memref<64x128xf32, #tpu.memory_space<vmem_shared>>
      %dma_wait3A_251 = arith.constant 0 : i32
      %dma_wait3A_252 = arith.constant 0 : i32
      %dma_wait3A_253 = tpu.memref_slice %arg10[%run_scoped3A_215, %dma_wait3A_251, %dma_wait3A_252] : memref<2x64x128xf32, #tpu.memory_space<vmem>> -> memref<1x64x128xf32, #tpu.memory_space<vmem>>
      %dma_wait3A_254 = tpu.memref_squeeze %dma_wait3A_253 : memref<1x64x128xf32, #tpu.memory_space<vmem>> -> memref<64x128xf32, #tpu.memory_space<vmem>>
      %dma_wait3A_255 = arith.constant 0 : i32
      %dma_wait3A_256 = arith.constant 0 : i32
      %dma_wait3A_257 = tpu.memref_slice %dma_wait3A_254[%dma_wait3A_255, %dma_wait3A_256] : memref<64x128xf32, #tpu.memory_space<vmem>> -> memref<64x128xf32, #tpu.memory_space<vmem>>
      %dma_wait3A_258 = arith.constant 0 : i32
      %dma_wait3A_259 = tpu.memref_slice %arg13[%add3A_214, %dma_wait3A_258] : memref<10112x128xf32, #tpu.memory_space<vmem_shared>> -> memref<64x128xf32, #tpu.memory_space<vmem_shared>>
      tpu.wait_dma2 semaphore(%run_scoped3A_223 : memref<!tpu.dma_semaphore, #tpu.memory_space<semaphore_mem>>) src(%dma_wait3A_259 : memref<64x128xf32, #tpu.memory_space<vmem_shared>>) dst(%dma_wait3A_257 : memref<64x128xf32, #tpu.memory_space<vmem>>)
      tpu.yield
    }) : () -> ()
    %run_scoped3A_216 = arith.constant 0 : i32
    "tpu.region"() ({
      %run_scoped3A_223 = tpu.sem_alloc : memref<!tpu.dma_semaphore, #tpu.memory_space<semaphore_mem>>
      %dma_start3A_224 = arith.constant 0 : i32
      %dma_start3A_225 = arith.constant 0 : i32
      %dma_start3A_226 = tpu.memref_slice %arg10[%run_scoped3A_216, %dma_start3A_224, %dma_start3A_225] : memref<2x64x128xf32, #tpu.memory_space<vmem>> -> memref<1x64x128xf32, #tpu.memory_space<vmem>>
      %dma_start3A_227 = tpu.memref_squeeze %dma_start3A_226 : memref<1x64x128xf32, #tpu.memory_space<vmem>> -> memref<64x128xf32, #tpu.memory_space<vmem>>
      %dma_start3A_228 = arith.constant 0 : i32
      %dma_start3A_229 = arith.constant 0 : i32
      %dma_start3A_230 = tpu.memref_slice %dma_start3A_227[%dma_start3A_228, %dma_start3A_229] : memref<64x128xf32, #tpu.memory_space<vmem>> -> memref<64x128xf32, #tpu.memory_space<vmem>>
      %dma_start3A_231 = arith.constant 0 : i32
      %dma_start3A_232 = tpu.memref_slice %arg7[%arg0, %add3A_214, %dma_start3A_231] : memref<2x10112x128xf32, #tpu.memory_space<hbm>> -> memref<1x64x128xf32, #tpu.memory_space<hbm>>
      %dma_start3A_233 = tpu.memref_squeeze %dma_start3A_232 : memref<1x64x128xf32, #tpu.memory_space<hbm>> -> memref<64x128xf32, #tpu.memory_space<hbm>>
      %dma_start3A_234 = arith.constant 0 : i32
      %dma_start3A_235 = tpu.memref_slice %arg7[%arg0, %add3A_214, %dma_start3A_234] : memref<2x10112x128xf32, #tpu.memory_space<hbm>> -> memref<1x64x128xf32, #tpu.memory_space<hbm>>
      %dma_start3A_236 = tpu.memref_squeeze %dma_start3A_235 : memref<1x64x128xf32, #tpu.memory_space<hbm>> -> memref<64x128xf32, #tpu.memory_space<hbm>>
      %dma_start3A_237 = arith.constant 0 : i32
      %dma_start3A_238 = arith.constant 0 : i32
      %dma_start3A_239 = tpu.memref_slice %arg10[%run_scoped3A_216, %dma_start3A_237, %dma_start3A_238] : memref<2x64x128xf32, #tpu.memory_space<vmem>> -> memref<1x64x128xf32, #tpu.memory_space<vmem>>
      %dma_start3A_240 = tpu.memref_squeeze %dma_start3A_239 : memref<1x64x128xf32, #tpu.memory_space<vmem>> -> memref<64x128xf32, #tpu.memory_space<vmem>>
      %dma_start3A_241 = arith.constant 0 : i32
      %dma_start3A_242 = arith.constant 0 : i32
      %dma_start3A_243 = tpu.memref_slice %dma_start3A_240[%dma_start3A_241, %dma_start3A_242] : memref<64x128xf32, #tpu.memory_space<vmem>> -> memref<64x128xf32, #tpu.memory_space<vmem>>
      tpu.enqueue_dma source(%dma_start3A_243 : memref<64x128xf32, #tpu.memory_space<vmem>>) target(%dma_start3A_236 : memref<64x128xf32, #tpu.memory_space<hbm>>) target_semaphore(%run_scoped3A_223 : memref<!tpu.dma_semaphore, #tpu.memory_space<semaphore_mem>>)
      %dma_wait3A_244 = arith.constant 0 : i32
      %dma_wait3A_245 = arith.constant 0 : i32
      %dma_wait3A_246 = tpu.memref_slice %arg10[%run_scoped3A_216, %dma_wait3A_244, %dma_wait3A_245] : memref<2x64x128xf32, #tpu.memory_space<vmem>> -> memref<1x64x128xf32, #tpu.memory_space<vmem>>
      %dma_wait3A_247 = tpu.memref_squeeze %dma_wait3A_246 : memref<1x64x128xf32, #tpu.memory_space<vmem>> -> memref<64x128xf32, #tpu.memory_space<vmem>>
      %dma_wait3A_248 = arith.constant 0 : i32
      %dma_wait3A_249 = arith.constant 0 : i32
      %dma_wait3A_250 = tpu.memref_slice %dma_wait3A_247[%dma_wait3A_248, %dma_wait3A_249] : memref<64x128xf32, #tpu.memory_space<vmem>> -> memref<64x128xf32, #tpu.memory_space<vmem>>
      %dma_wait3A_251 = arith.constant 0 : i32
      %dma_wait3A_252 = tpu.memref_slice %arg7[%arg0, %add3A_214, %dma_wait3A_251] : memref<2x10112x128xf32, #tpu.memory_space<hbm>> -> memref<1x64x128xf32, #tpu.memory_space<hbm>>
      %dma_wait3A_253 = tpu.memref_squeeze %dma_wait3A_252 : memref<1x64x128xf32, #tpu.memory_space<hbm>> -> memref<64x128xf32, #tpu.memory_space<hbm>>
      %dma_wait3A_254 = arith.constant 0 : i32
      %dma_wait3A_255 = tpu.memref_slice %arg7[%arg0, %add3A_214, %dma_wait3A_254] : memref<2x10112x128xf32, #tpu.memory_space<hbm>> -> memref<1x64x128xf32, #tpu.memory_space<hbm>>
      %dma_wait3A_256 = tpu.memref_squeeze %dma_wait3A_255 : memref<1x64x128xf32, #tpu.memory_space<hbm>> -> memref<64x128xf32, #tpu.memory_space<hbm>>
      %dma_wait3A_257 = arith.constant 0 : i32
      %dma_wait3A_258 = arith.constant 0 : i32
      %dma_wait3A_259 = tpu.memref_slice %arg10[%run_scoped3A_216, %dma_wait3A_257, %dma_wait3A_258] : memref<2x64x128xf32, #tpu.memory_space<vmem>> -> memref<1x64x128xf32, #tpu.memory_space<vmem>>
      %dma_wait3A_260 = tpu.memref_squeeze %dma_wait3A_259 : memref<1x64x128xf32, #tpu.memory_space<vmem>> -> memref<64x128xf32, #tpu.memory_space<vmem>>
      %dma_wait3A_261 = arith.constant 0 : i32
      %dma_wait3A_262 = arith.constant 0 : i32
      %dma_wait3A_263 = tpu.memref_slice %dma_wait3A_260[%dma_wait3A_261, %dma_wait3A_262] : memref<64x128xf32, #tpu.memory_space<vmem>> -> memref<64x128xf32, #tpu.memory_space<vmem>>
      tpu.wait_dma2 semaphore(%run_scoped3A_223 : memref<!tpu.dma_semaphore, #tpu.memory_space<semaphore_mem>>) src(%dma_wait3A_263 : memref<64x128xf32, #tpu.memory_space<vmem>>) dst(%dma_wait3A_256 : memref<64x128xf32, #tpu.memory_space<hbm>>)
      tpu.yield
    }) : () -> ()
    %mul3A_217 = arith.constant 632 : i32
    %mul3A_218 = arith.muli %arg1, %mul3A_217 : i32
    %add3A_219 = arith.constant 576 : i32
    %add3A_220 = arith.addi %mul3A_218, %add3A_219 : i32
    %run_scoped3A_221 = arith.constant 0 : i32
    "tpu.region"() ({
      %run_scoped3A_223 = tpu.sem_alloc : memref<!tpu.dma_semaphore, #tpu.memory_space<semaphore_mem>>
      %dma_start3A_224 = arith.constant 0 : i32
      %dma_start3A_225 = arith.constant 0 : i32
      %dma_start3A_226 = tpu.memref_slice %arg10[%run_scoped3A_221, %dma_start3A_224, %dma_start3A_225] : memref<2x64x128xf32, #tpu.memory_space<vmem>> -> memref<1x64x128xf32, #tpu.memory_space<vmem>>
      %dma_start3A_227 = tpu.memref_squeeze %dma_start3A_226 : memref<1x64x128xf32, #tpu.memory_space<vmem>> -> memref<64x128xf32, #tpu.memory_space<vmem>>
      %dma_start3A_228 = arith.constant 0 : i32
      %dma_start3A_229 = arith.constant 0 : i32
      %dma_start3A_230 = tpu.memref_slice %dma_start3A_227[%dma_start3A_228, %dma_start3A_229] : memref<64x128xf32, #tpu.memory_space<vmem>> -> memref<56x128xf32, #tpu.memory_space<vmem>>
      %dma_start3A_231 = arith.constant 0 : i32
      %dma_start3A_232 = tpu.memref_slice %arg13[%add3A_220, %dma_start3A_231] : memref<10112x128xf32, #tpu.memory_space<vmem_shared>> -> memref<56x128xf32, #tpu.memory_space<vmem_shared>>
      %dma_start3A_233 = arith.constant 0 : i32
      %dma_start3A_234 = arith.constant 0 : i32
      %dma_start3A_235 = tpu.memref_slice %arg10[%run_scoped3A_221, %dma_start3A_233, %dma_start3A_234] : memref<2x64x128xf32, #tpu.memory_space<vmem>> -> memref<1x64x128xf32, #tpu.memory_space<vmem>>
      %dma_start3A_236 = tpu.memref_squeeze %dma_start3A_235 : memref<1x64x128xf32, #tpu.memory_space<vmem>> -> memref<64x128xf32, #tpu.memory_space<vmem>>
      %dma_start3A_237 = arith.constant 0 : i32
      %dma_start3A_238 = arith.constant 0 : i32
      %dma_start3A_239 = tpu.memref_slice %dma_start3A_236[%dma_start3A_237, %dma_start3A_238] : memref<64x128xf32, #tpu.memory_space<vmem>> -> memref<56x128xf32, #tpu.memory_space<vmem>>
      %dma_start3A_240 = arith.constant 0 : i32
      %dma_start3A_241 = tpu.memref_slice %arg13[%add3A_220, %dma_start3A_240] : memref<10112x128xf32, #tpu.memory_space<vmem_shared>> -> memref<56x128xf32, #tpu.memory_space<vmem_shared>>
      tpu.enqueue_dma source(%dma_start3A_241 : memref<56x128xf32, #tpu.memory_space<vmem_shared>>) target(%dma_start3A_239 : memref<56x128xf32, #tpu.memory_space<vmem>>) target_semaphore(%run_scoped3A_223 : memref<!tpu.dma_semaphore, #tpu.memory_space<semaphore_mem>>)
      %dma_wait3A_242 = arith.constant 0 : i32
      %dma_wait3A_243 = arith.constant 0 : i32
      %dma_wait3A_244 = tpu.memref_slice %arg10[%run_scoped3A_221, %dma_wait3A_242, %dma_wait3A_243] : memref<2x64x128xf32, #tpu.memory_space<vmem>> -> memref<1x64x128xf32, #tpu.memory_space<vmem>>
      %dma_wait3A_245 = tpu.memref_squeeze %dma_wait3A_244 : memref<1x64x128xf32, #tpu.memory_space<vmem>> -> memref<64x128xf32, #tpu.memory_space<vmem>>
      %dma_wait3A_246 = arith.constant 0 : i32
      %dma_wait3A_247 = arith.constant 0 : i32
      %dma_wait3A_248 = tpu.memref_slice %dma_wait3A_245[%dma_wait3A_246, %dma_wait3A_247] : memref<64x128xf32, #tpu.memory_space<vmem>> -> memref<56x128xf32, #tpu.memory_space<vmem>>
      %dma_wait3A_249 = arith.constant 0 : i32
      %dma_wait3A_250 = tpu.memref_slice %arg13[%add3A_220, %dma_wait3A_249] : memref<10112x128xf32, #tpu.memory_space<vmem_shared>> -> memref<56x128xf32, #tpu.memory_space<vmem_shared>>
      %dma_wait3A_251 = arith.constant 0 : i32
      %dma_wait3A_252 = arith.constant 0 : i32
      %dma_wait3A_253 = tpu.memref_slice %arg10[%run_scoped3A_221, %dma_wait3A_251, %dma_wait3A_252] : memref<2x64x128xf32, #tpu.memory_space<vmem>> -> memref<1x64x128xf32, #tpu.memory_space<vmem>>
      %dma_wait3A_254 = tpu.memref_squeeze %dma_wait3A_253 : memref<1x64x128xf32, #tpu.memory_space<vmem>> -> memref<64x128xf32, #tpu.memory_space<vmem>>
      %dma_wait3A_255 = arith.constant 0 : i32
      %dma_wait3A_256 = arith.constant 0 : i32
      %dma_wait3A_257 = tpu.memref_slice %dma_wait3A_254[%dma_wait3A_255, %dma_wait3A_256] : memref<64x128xf32, #tpu.memory_space<vmem>> -> memref<56x128xf32, #tpu.memory_space<vmem>>
      %dma_wait3A_258 = arith.constant 0 : i32
      %dma_wait3A_259 = tpu.memref_slice %arg13[%add3A_220, %dma_wait3A_258] : memref<10112x128xf32, #tpu.memory_space<vmem_shared>> -> memref<56x128xf32, #tpu.memory_space<vmem_shared>>
      tpu.wait_dma2 semaphore(%run_scoped3A_223 : memref<!tpu.dma_semaphore, #tpu.memory_space<semaphore_mem>>) src(%dma_wait3A_259 : memref<56x128xf32, #tpu.memory_space<vmem_shared>>) dst(%dma_wait3A_257 : memref<56x128xf32, #tpu.memory_space<vmem>>)
      tpu.yield
    }) : () -> ()
    %run_scoped3A_222 = arith.constant 0 : i32
    "tpu.region"() ({
      %run_scoped3A_223 = tpu.sem_alloc : memref<!tpu.dma_semaphore, #tpu.memory_space<semaphore_mem>>
      %dma_start3A_224 = arith.constant 0 : i32
      %dma_start3A_225 = arith.constant 0 : i32
      %dma_start3A_226 = tpu.memref_slice %arg10[%run_scoped3A_222, %dma_start3A_224, %dma_start3A_225] : memref<2x64x128xf32, #tpu.memory_space<vmem>> -> memref<1x64x128xf32, #tpu.memory_space<vmem>>
      %dma_start3A_227 = tpu.memref_squeeze %dma_start3A_226 : memref<1x64x128xf32, #tpu.memory_space<vmem>> -> memref<64x128xf32, #tpu.memory_space<vmem>>
      %dma_start3A_228 = arith.constant 0 : i32
      %dma_start3A_229 = arith.constant 0 : i32
      %dma_start3A_230 = tpu.memref_slice %dma_start3A_227[%dma_start3A_228, %dma_start3A_229] : memref<64x128xf32, #tpu.memory_space<vmem>> -> memref<56x128xf32, #tpu.memory_space<vmem>>
      %dma_start3A_231 = arith.constant 0 : i32
      %dma_start3A_232 = tpu.memref_slice %arg7[%arg0, %add3A_220, %dma_start3A_231] : memref<2x10112x128xf32, #tpu.memory_space<hbm>> -> memref<1x56x128xf32, #tpu.memory_space<hbm>>
      %dma_start3A_233 = tpu.memref_squeeze %dma_start3A_232 : memref<1x56x128xf32, #tpu.memory_space<hbm>> -> memref<56x128xf32, #tpu.memory_space<hbm>>
      %dma_start3A_234 = arith.constant 0 : i32
      %dma_start3A_235 = tpu.memref_slice %arg7[%arg0, %add3A_220, %dma_start3A_234] : memref<2x10112x128xf32, #tpu.memory_space<hbm>> -> memref<1x56x128xf32, #tpu.memory_space<hbm>>
      %dma_start3A_236 = tpu.memref_squeeze %dma_start3A_235 : memref<1x56x128xf32, #tpu.memory_space<hbm>> -> memref<56x128xf32, #tpu.memory_space<hbm>>
      %dma_start3A_237 = arith.constant 0 : i32
      %dma_start3A_238 = arith.constant 0 : i32
      %dma_start3A_239 = tpu.memref_slice %arg10[%run_scoped3A_222, %dma_start3A_237, %dma_start3A_238] : memref<2x64x128xf32, #tpu.memory_space<vmem>> -> memref<1x64x128xf32, #tpu.memory_space<vmem>>
      %dma_start3A_240 = tpu.memref_squeeze %dma_start3A_239 : memref<1x64x128xf32, #tpu.memory_space<vmem>> -> memref<64x128xf32, #tpu.memory_space<vmem>>
      %dma_start3A_241 = arith.constant 0 : i32
      %dma_start3A_242 = arith.constant 0 : i32
      %dma_start3A_243 = tpu.memref_slice %dma_start3A_240[%dma_start3A_241, %dma_start3A_242] : memref<64x128xf32, #tpu.memory_space<vmem>> -> memref<56x128xf32, #tpu.memory_space<vmem>>
      tpu.enqueue_dma source(%dma_start3A_243 : memref<56x128xf32, #tpu.memory_space<vmem>>) target(%dma_start3A_236 : memref<56x128xf32, #tpu.memory_space<hbm>>) target_semaphore(%run_scoped3A_223 : memref<!tpu.dma_semaphore, #tpu.memory_space<semaphore_mem>>)
      %dma_wait3A_244 = arith.constant 0 : i32
      %dma_wait3A_245 = arith.constant 0 : i32
      %dma_wait3A_246 = tpu.memref_slice %arg10[%run_scoped3A_222, %dma_wait3A_244, %dma_wait3A_245] : memref<2x64x128xf32, #tpu.memory_space<vmem>> -> memref<1x64x128xf32, #tpu.memory_space<vmem>>
      %dma_wait3A_247 = tpu.memref_squeeze %dma_wait3A_246 : memref<1x64x128xf32, #tpu.memory_space<vmem>> -> memref<64x128xf32, #tpu.memory_space<vmem>>
      %dma_wait3A_248 = arith.constant 0 : i32
      %dma_wait3A_249 = arith.constant 0 : i32
      %dma_wait3A_250 = tpu.memref_slice %dma_wait3A_247[%dma_wait3A_248, %dma_wait3A_249] : memref<64x128xf32, #tpu.memory_space<vmem>> -> memref<56x128xf32, #tpu.memory_space<vmem>>
      %dma_wait3A_251 = arith.constant 0 : i32
      %dma_wait3A_252 = tpu.memref_slice %arg7[%arg0, %add3A_220, %dma_wait3A_251] : memref<2x10112x128xf32, #tpu.memory_space<hbm>> -> memref<1x56x128xf32, #tpu.memory_space<hbm>>
      %dma_wait3A_253 = tpu.memref_squeeze %dma_wait3A_252 : memref<1x56x128xf32, #tpu.memory_space<hbm>> -> memref<56x128xf32, #tpu.memory_space<hbm>>
      %dma_wait3A_254 = arith.constant 0 : i32
      %dma_wait3A_255 = tpu.memref_slice %arg7[%arg0, %add3A_220, %dma_wait3A_254] : memref<2x10112x128xf32, #tpu.memory_space<hbm>> -> memref<1x56x128xf32, #tpu.memory_space<hbm>>
      %dma_wait3A_256 = tpu.memref_squeeze %dma_wait3A_255 : memref<1x56x128xf32, #tpu.memory_space<hbm>> -> memref<56x128xf32, #tpu.memory_space<hbm>>
      %dma_wait3A_257 = arith.constant 0 : i32
      %dma_wait3A_258 = arith.constant 0 : i32
      %dma_wait3A_259 = tpu.memref_slice %arg10[%run_scoped3A_222, %dma_wait3A_257, %dma_wait3A_258] : memref<2x64x128xf32, #tpu.memory_space<vmem>> -> memref<1x64x128xf32, #tpu.memory_space<vmem>>
      %dma_wait3A_260 = tpu.memref_squeeze %dma_wait3A_259 : memref<1x64x128xf32, #tpu.memory_space<vmem>> -> memref<64x128xf32, #tpu.memory_space<vmem>>
      %dma_wait3A_261 = arith.constant 0 : i32
      %dma_wait3A_262 = arith.constant 0 : i32
      %dma_wait3A_263 = tpu.memref_slice %dma_wait3A_260[%dma_wait3A_261, %dma_wait3A_262] : memref<64x128xf32, #tpu.memory_space<vmem>> -> memref<56x128xf32, #tpu.memory_space<vmem>>
      tpu.wait_dma2 semaphore(%run_scoped3A_223 : memref<!tpu.dma_semaphore, #tpu.memory_space<semaphore_mem>>) src(%dma_wait3A_263 : memref<56x128xf32, #tpu.memory_space<vmem>>) dst(%dma_wait3A_256 : memref<56x128xf32, #tpu.memory_space<hbm>>)
      tpu.yield
    }) : () -> ()
    return
  }
}

module attributes {stable_mosaic.version = 14 : i64} {
  func.func @_update_body(%arg0: i32, %arg1: memref<2000x128xf32, #tpu.memory_space<vmem>>, %arg2: memref<2x2000x128xf32, #tpu.memory_space<vmem>>, %arg3: memref<128x128xf32, #tpu.memory_space<vmem>>, %arg4: memref<128x128xf32, #tpu.memory_space<vmem>>, %arg5: memref<1x128xf32, #tpu.memory_space<vmem>>, %arg6: memref<2000x128xf32, #tpu.memory_space<vmem>>) attributes {dimension_semantics = [#tpu.dimension_semantics<arbitrary>], iteration_bounds = array<i64: 5>, scalar_prefetch = 0 : i64, scratch_operands = 0 : i64, tpu.core_type = #tpu.core_type<tc>, window_params = [{transform_indices = @transform_0, window_bounds = array<i64: 2000, 128>}, {transform_indices = @transform_1, window_bounds = array<i64: 2, 2000, 128>}, {pipeline_mode = #tpu.pipeline_mode<synchronous>, transform_indices = @transform_2, window_bounds = array<i64: 128, 128>}, {pipeline_mode = #tpu.pipeline_mode<synchronous>, transform_indices = @transform_3, window_bounds = array<i64: 128, 128>}, {pipeline_mode = #tpu.pipeline_mode<synchronous>, transform_indices = @transform_4, window_bounds = array<i64: 1, 128>}, {transform_indices = @transform_5, window_bounds = array<i64: 2000, 128>}]} {
    %get3A = arith.constant 0 : index
    %get3A_0 = arith.constant 0 : index
    %get3A_1 = arith.constant 0 : index
    %get3A_2 = vector.load %arg2[%get3A, %get3A_0, %get3A_1] : memref<2x2000x128xf32, #tpu.memory_space<vmem>>, vector<1x2000x128xf32>
    %get3A_3 = vector.shape_cast %get3A_2 : vector<1x2000x128xf32> to vector<2000x128xf32>
    %get3A_4 = arith.constant 1 : index
    %get3A_5 = arith.constant 0 : index
    %get3A_6 = arith.constant 0 : index
    %get3A_7 = vector.load %arg2[%get3A_4, %get3A_5, %get3A_6] : memref<2x2000x128xf32, #tpu.memory_space<vmem>>, vector<1x2000x128xf32>
    %get3A_8 = vector.shape_cast %get3A_7 : vector<1x2000x128xf32> to vector<2000x128xf32>
    %add3A = arith.addf %get3A_3, %get3A_8 : vector<2000x128xf32>
    %get3A_9 = arith.constant 0 : index
    %get3A_10 = arith.constant 0 : index
    %get3A_11 = vector.load %arg1[%get3A_9, %get3A_10] : memref<2000x128xf32, #tpu.memory_space<vmem>>, vector<2000x128xf32>
    %get3A_12 = arith.constant 0 : index
    %get3A_13 = arith.constant 0 : index
    %get3A_14 = vector.load %arg3[%get3A_12, %get3A_13] : memref<128x128xf32, #tpu.memory_space<vmem>>, vector<128x128xf32>
    %dot_general3A = arith.constant dense<0.000000e+00> : vector<2000x128xf32>
    %dot_general3A_15 = tpu.matmul %get3A_11, %get3A_14, %dot_general3A {dimension_numbers = #tpu.dot_dimension_numbers<[1], [0], [0], [1], [0, 0, 1, 1], [], []>, transpose_lhs_hint = false} : vector<2000x128xf32>, vector<128x128xf32>, vector<2000x128xf32> -> vector<2000x128xf32>
    %get3A_16 = arith.constant 0 : index
    %get3A_17 = arith.constant 0 : index
    %get3A_18 = vector.load %arg4[%get3A_16, %get3A_17] : memref<128x128xf32, #tpu.memory_space<vmem>>, vector<128x128xf32>
    %dot_general3A_19 = arith.constant dense<0.000000e+00> : vector<2000x128xf32>
    %dot_general3A_20 = tpu.matmul %add3A, %get3A_18, %dot_general3A_19 {dimension_numbers = #tpu.dot_dimension_numbers<[1], [0], [0], [1], [0, 0, 1, 1], [], []>, transpose_lhs_hint = false} : vector<2000x128xf32>, vector<128x128xf32>, vector<2000x128xf32> -> vector<2000x128xf32>
    %add3A_21 = arith.addf %dot_general3A_15, %dot_general3A_20 : vector<2000x128xf32>
    %get3A_22 = arith.constant 0 : index
    %get3A_23 = arith.constant 0 : index
    %get3A_24 = vector.load %arg5[%get3A_22, %get3A_23] : memref<1x128xf32, #tpu.memory_space<vmem>>, vector<1x128xf32>
    %add3A_25 = vector.broadcast %get3A_24 : vector<1x128xf32> to vector<2000x128xf32>
    %add3A_26 = arith.addf %add3A_21, %add3A_25 : vector<2000x128xf32>
    %max3A = arith.constant 0.000000e+00 : f32
    %max3A_27 = vector.broadcast %max3A : f32 to vector<2000x128xf32>
    %max3A_28 = arith.maximumf %add3A_26, %max3A_27 : vector<2000x128xf32>
    %swap3A = arith.constant 0 : index
    %swap3A_29 = arith.constant 0 : index
    %swap3A_30 = vector.load %arg6[%swap3A, %swap3A_29] : memref<2000x128xf32, #tpu.memory_space<vmem>>, vector<2000x128xf32>
    tpu.vector_store %arg6[%swap3A, %swap3A_29], %max3A_28 {strides = array<i32>} : memref<2000x128xf32, #tpu.memory_space<vmem>>, vector<2000x128xf32>,
    return
  }
  func.func @transform_0(%arg0: i32) -> (i32, i32) {
    %c0_i32 = arith.constant 0 : i32
    %c0_i32_0 = arith.constant 0 : i32
    return %arg0, %c0_i32 : i32, i32
  }
  func.func @transform_1(%arg0: i32) -> (i32, i32, i32) {
    %c0_i32 = arith.constant 0 : i32
    %c0_i32_0 = arith.constant 0 : i32
    %c0_i32_1 = arith.constant 0 : i32
    return %c0_i32, %arg0, %c0_i32_0 : i32, i32, i32
  }
  func.func @transform_2(%arg0: i32) -> (i32, i32) {
    %c0_i32 = arith.constant 0 : i32
    %c0_i32_0 = arith.constant 0 : i32
    %c0_i32_1 = arith.constant 0 : i32
    return %c0_i32, %c0_i32_0 : i32, i32
  }
  func.func @transform_3(%arg0: i32) -> (i32, i32) {
    %c0_i32 = arith.constant 0 : i32
    %c0_i32_0 = arith.constant 0 : i32
    %c0_i32_1 = arith.constant 0 : i32
    return %c0_i32, %c0_i32_0 : i32, i32
  }
  func.func @transform_4(%arg0: i32) -> (i32, i32) {
    %c0_i32 = arith.constant 0 : i32
    %c0_i32_0 = arith.constant 0 : i32
    %c0_i32_1 = arith.constant 0 : i32
    return %c0_i32, %c0_i32_0 : i32, i32
  }
  func.func @transform_5(%arg0: i32) -> (i32, i32) {
    %c0_i32 = arith.constant 0 : i32
    %c0_i32_0 = arith.constant 0 : i32
    return %arg0, %c0_i32 : i32, i32
  }
}

module attributes {stable_mosaic.version = 14 : i64} {
  func.func @_proj_body(%arg0: i32, %arg1: memref<400x128xf32, #tpu.memory_space<vmem>>, %arg2: memref<128x128xf32, #tpu.memory_space<vmem>>, %arg3: memref<128x128xf32, #tpu.memory_space<vmem>>, %arg4: memref<12800x16xf32, #tpu.memory_space<vmem>>, %arg5: memref<16x128xf32, #tpu.memory_space<vmem>>, %arg6: memref<1x128xf32, #tpu.memory_space<vmem>>, %arg7: memref<400x128xf32, #tpu.memory_space<vmem>>, %arg8: memref<400x128xf32, #tpu.memory_space<vmem>>, %arg9: memref<12800x64xi32, #tpu.memory_space<vmem>>) attributes {dimension_semantics = [#tpu.dimension_semantics<arbitrary>], iteration_bounds = array<i64: 25>, scalar_prefetch = 0 : i64, scratch_operands = 0 : i64, tpu.core_type = #tpu.core_type<tc>, window_params = [{transform_indices = @transform_0, window_bounds = array<i64: 400, 128>}, {pipeline_mode = #tpu.pipeline_mode<synchronous>, transform_indices = @transform_1, window_bounds = array<i64: 128, 128>}, {pipeline_mode = #tpu.pipeline_mode<synchronous>, transform_indices = @transform_2, window_bounds = array<i64: 128, 128>}, {transform_indices = @transform_3, window_bounds = array<i64: 12800, 16>}, {pipeline_mode = #tpu.pipeline_mode<synchronous>, transform_indices = @transform_4, window_bounds = array<i64: 16, 128>}, {pipeline_mode = #tpu.pipeline_mode<synchronous>, transform_indices = @transform_5, window_bounds = array<i64: 1, 128>}, {transform_indices = @transform_6, window_bounds = array<i64: 400, 128>}, {transform_indices = @transform_7, window_bounds = array<i64: 400, 128>}, {transform_indices = @transform_8, window_bounds = array<i64: 12800, 64>}]} {
    %get3A = arith.constant 0 : index
    %get3A_0 = arith.constant 0 : index
    %get3A_1 = vector.load %arg1[%get3A, %get3A_0] : memref<400x128xf32, #tpu.memory_space<vmem>>, vector<400x128xf32>
    %get3A_2 = arith.constant 0 : index
    %get3A_3 = arith.constant 0 : index
    %get3A_4 = vector.load %arg2[%get3A_2, %get3A_3] : memref<128x128xf32, #tpu.memory_space<vmem>>, vector<128x128xf32>
    %dot_general3A = arith.constant dense<0.000000e+00> : vector<400x128xf32>
    %dot_general3A_5 = tpu.matmul %get3A_1, %get3A_4, %dot_general3A {dimension_numbers = #tpu.dot_dimension_numbers<[1], [0], [0], [1], [0, 0, 1, 1], [], []>, transpose_lhs_hint = false} : vector<400x128xf32>, vector<128x128xf32>, vector<400x128xf32> -> vector<400x128xf32>
    %swap3A = arith.constant 0 : index
    %swap3A_6 = arith.constant 0 : index
    %swap3A_7 = vector.load %arg7[%swap3A, %swap3A_6] : memref<400x128xf32, #tpu.memory_space<vmem>>, vector<400x128xf32>
    tpu.vector_store %arg7[%swap3A, %swap3A_6], %dot_general3A_5 {strides = array<i32>} : memref<400x128xf32, #tpu.memory_space<vmem>>, vector<400x128xf32>,
    %get3A_8 = arith.constant 0 : index
    %get3A_9 = arith.constant 0 : index
    %get3A_10 = vector.load %arg3[%get3A_8, %get3A_9] : memref<128x128xf32, #tpu.memory_space<vmem>>, vector<128x128xf32>
    %dot_general3A_11 = arith.constant dense<0.000000e+00> : vector<400x128xf32>
    %dot_general3A_12 = tpu.matmul %get3A_1, %get3A_10, %dot_general3A_11 {dimension_numbers = #tpu.dot_dimension_numbers<[1], [0], [0], [1], [0, 0, 1, 1], [], []>, transpose_lhs_hint = false} : vector<400x128xf32>, vector<128x128xf32>, vector<400x128xf32> -> vector<400x128xf32>
    %swap3A_13 = arith.constant 0 : index
    %swap3A_14 = arith.constant 0 : index
    %swap3A_15 = vector.load %arg8[%swap3A_13, %swap3A_14] : memref<400x128xf32, #tpu.memory_space<vmem>>, vector<400x128xf32>
    tpu.vector_store %arg8[%swap3A_13, %swap3A_14], %dot_general3A_12 {strides = array<i32>} : memref<400x128xf32, #tpu.memory_space<vmem>>, vector<400x128xf32>,
    %get3A_16 = arith.constant 0 : index
    %get3A_17 = arith.constant 0 : index
    %get3A_18 = vector.load %arg4[%get3A_16, %get3A_17] : memref<12800x16xf32, #tpu.memory_space<vmem>>, vector<12800x16xf32>
    %get3A_19 = arith.constant 0 : index
    %get3A_20 = arith.constant 0 : index
    %get3A_21 = vector.load %arg5[%get3A_19, %get3A_20] : memref<16x128xf32, #tpu.memory_space<vmem>>, vector<16x128xf32>
    %dot_general3A_22 = arith.constant dense<0.000000e+00> : vector<12800x128xf32>
    %dot_general3A_23 = tpu.matmul %get3A_18, %get3A_21, %dot_general3A_22 {dimension_numbers = #tpu.dot_dimension_numbers<[1], [0], [0], [1], [0, 0, 1, 1], [], []>, transpose_lhs_hint = false} : vector<12800x16xf32>, vector<16x128xf32>, vector<12800x128xf32> -> vector<12800x128xf32>
    %get3A_24 = arith.constant 0 : index
    %get3A_25 = arith.constant 0 : index
    %get3A_26 = vector.load %arg6[%get3A_24, %get3A_25] : memref<1x128xf32, #tpu.memory_space<vmem>>, vector<1x128xf32>
    %add3A = vector.broadcast %get3A_26 : vector<1x128xf32> to vector<12800x128xf32>
    %add3A_27 = arith.addf %dot_general3A_23, %add3A : vector<12800x128xf32>
    %slice3A = vector.extract_strided_slice %add3A_27 {offsets = [0, 0], sizes = [12800, 64], strides = [1, 1]} : vector<12800x128xf32> to vector<12800x64xf32>
    %bitcast_convert_type3A = tpu.bitcast %slice3A : vector<12800x64xf32> -> vector<12800x64xi32>
    %slice3A_28 = vector.extract_strided_slice %add3A_27 {offsets = [0, 64], sizes = [12800, 64], strides = [1, 1]} : vector<12800x128xf32> to vector<12800x64xf32>
    %bitcast_convert_type3A_29 = tpu.bitcast %slice3A_28 : vector<12800x64xf32> -> vector<12800x64xi32>
    %add3A_30 = arith.constant 32767 : i32
    %add3A_31 = vector.broadcast %add3A_30 : i32 to vector<12800x64xi32>
    %add3A_32 = arith.addi %bitcast_convert_type3A, %add3A_31 : vector<12800x64xi32>
    %shift_right_arithmetic3A = arith.constant 16 : i32
    %shift_right_arithmetic3A_33 = vector.broadcast %shift_right_arithmetic3A : i32 to vector<12800x64xi32>
    %shift_right_arithmetic3A_34 = arith.shrsi %bitcast_convert_type3A, %shift_right_arithmetic3A_33 : vector<12800x64xi32>
    %and3A = arith.constant 1 : i32
    %and3A_35 = vector.broadcast %and3A : i32 to vector<12800x64xi32>
    %and3A_36 = arith.andi %shift_right_arithmetic3A_34, %and3A_35 : vector<12800x64xi32>
    %add3A_37 = arith.addi %add3A_32, %and3A_36 : vector<12800x64xi32>
    %shift_right_arithmetic3A_38 = arith.constant 16 : i32
    %shift_right_arithmetic3A_39 = vector.broadcast %shift_right_arithmetic3A_38 : i32 to vector<12800x64xi32>
    %shift_right_arithmetic3A_40 = arith.shrsi %add3A_37, %shift_right_arithmetic3A_39 : vector<12800x64xi32>
    %and3A_41 = arith.constant 65535 : i32
    %and3A_42 = vector.broadcast %and3A_41 : i32 to vector<12800x64xi32>
    %and3A_43 = arith.andi %shift_right_arithmetic3A_40, %and3A_42 : vector<12800x64xi32>
    %add3A_44 = arith.constant 32767 : i32
    %add3A_45 = vector.broadcast %add3A_44 : i32 to vector<12800x64xi32>
    %add3A_46 = arith.addi %bitcast_convert_type3A_29, %add3A_45 : vector<12800x64xi32>
    %shift_right_arithmetic3A_47 = arith.constant 16 : i32
    %shift_right_arithmetic3A_48 = vector.broadcast %shift_right_arithmetic3A_47 : i32 to vector<12800x64xi32>
    %shift_right_arithmetic3A_49 = arith.shrsi %bitcast_convert_type3A_29, %shift_right_arithmetic3A_48 : vector<12800x64xi32>
    %and3A_50 = arith.constant 1 : i32
    %and3A_51 = vector.broadcast %and3A_50 : i32 to vector<12800x64xi32>
    %and3A_52 = arith.andi %shift_right_arithmetic3A_49, %and3A_51 : vector<12800x64xi32>
    %add3A_53 = arith.addi %add3A_46, %and3A_52 : vector<12800x64xi32>
    %shift_right_arithmetic3A_54 = arith.constant 16 : i32
    %shift_right_arithmetic3A_55 = vector.broadcast %shift_right_arithmetic3A_54 : i32 to vector<12800x64xi32>
    %shift_right_arithmetic3A_56 = arith.shrsi %add3A_53, %shift_right_arithmetic3A_55 : vector<12800x64xi32>
    %and3A_57 = arith.constant 65535 : i32
    %and3A_58 = vector.broadcast %and3A_57 : i32 to vector<12800x64xi32>
    %and3A_59 = arith.andi %shift_right_arithmetic3A_56, %and3A_58 : vector<12800x64xi32>
    %shift_left3A = arith.constant 16 : i32
    %shift_left3A_60 = vector.broadcast %shift_left3A : i32 to vector<12800x64xi32>
    %shift_left3A_61 = arith.shli %and3A_59, %shift_left3A_60 : vector<12800x64xi32>
    %or3A = arith.ori %and3A_43, %shift_left3A_61 : vector<12800x64xi32>
    %swap3A_62 = arith.constant 0 : index
    %swap3A_63 = arith.constant 0 : index
    %swap3A_64 = vector.load %arg9[%swap3A_62, %swap3A_63] : memref<12800x64xi32, #tpu.memory_space<vmem>>, vector<12800x64xi32>
    tpu.vector_store %arg9[%swap3A_62, %swap3A_63], %or3A {strides = array<i32>} : memref<12800x64xi32, #tpu.memory_space<vmem>>, vector<12800x64xi32>,
    return
  }
  func.func @transform_0(%arg0: i32) -> (i32, i32) {
    %c0_i32 = arith.constant 0 : i32
    %c0_i32_0 = arith.constant 0 : i32
    return %arg0, %c0_i32 : i32, i32
  }
  func.func @transform_1(%arg0: i32) -> (i32, i32) {
    %c0_i32 = arith.constant 0 : i32
    %c0_i32_0 = arith.constant 0 : i32
    %c0_i32_1 = arith.constant 0 : i32
    return %c0_i32, %c0_i32_0 : i32, i32
  }
  func.func @transform_2(%arg0: i32) -> (i32, i32) {
    %c0_i32 = arith.constant 0 : i32
    %c0_i32_0 = arith.constant 0 : i32
    %c0_i32_1 = arith.constant 0 : i32
    return %c0_i32, %c0_i32_0 : i32, i32
  }
  func.func @transform_3(%arg0: i32) -> (i32, i32) {
    %c0_i32 = arith.constant 0 : i32
    %c0_i32_0 = arith.constant 0 : i32
    return %arg0, %c0_i32 : i32, i32
  }
  func.func @transform_4(%arg0: i32) -> (i32, i32) {
    %c0_i32 = arith.constant 0 : i32
    %c0_i32_0 = arith.constant 0 : i32
    %c0_i32_1 = arith.constant 0 : i32
    return %c0_i32, %c0_i32_0 : i32, i32
  }
  func.func @transform_5(%arg0: i32) -> (i32, i32) {
    %c0_i32 = arith.constant 0 : i32
    %c0_i32_0 = arith.constant 0 : i32
    %c0_i32_1 = arith.constant 0 : i32
    return %c0_i32, %c0_i32_0 : i32, i32
  }
  func.func @transform_6(%arg0: i32) -> (i32, i32) {
    %c0_i32 = arith.constant 0 : i32
    %c0_i32_0 = arith.constant 0 : i32
    return %arg0, %c0_i32 : i32, i32
  }
  func.func @transform_7(%arg0: i32) -> (i32, i32) {
    %c0_i32 = arith.constant 0 : i32
    %c0_i32_0 = arith.constant 0 : i32
    return %arg0, %c0_i32 : i32, i32
  }
  func.func @transform_8(%arg0: i32) -> (i32, i32) {
    %c0_i32 = arith.constant 0 : i32
    %c0_i32_0 = arith.constant 0 : i32
    return %arg0, %c0_i32 : i32, i32
  }
}

</mosaic_0001>

<sc_bundles>
// kernel: kernel.5.cloned.1.call-start
scs
__scs_entry_jumppad:
0x0: {  	(pc) =	sbr.rel $0x88, $3  }
0x1: {  	(tag) =	ssettag $0x0;
	lr =	simm.s32 $0x1  }
0x2: {  	[smem:$0x3F9A] =	sst lr;
	_ =	strace $0xD0000000  }
0x3: {  	_ = 	snop  }
0x4: {  	_ = 	snop  }
0x5: {  	_ = 	snop  }
0x6: {  	_ = 	snop  }
0x7: {  	_ = 	snop  }
__scs_overlays_trampoline_lowered:
0x8: {  	[smem:$0x3FA9] =	sst s0  }
0x9: {  	[smem:$0x3FAA] =	sst s1  }
0xa: {  	[smem:$0x3FAB] =	sst s2  }
0xb: {  	[smem:$0x3FAC] =	sst s3  }
0xc: {  	[smem:$0x3FAD] =	sst s4  }
0xd: {  	[smem:$0x3FAE] =	sst s5  }
0xe: {  	[smem:$0x3FAF] =	sst s6  }
0xf: {  	[smem:$0x3FB0] =	sst s7  }
0x10: {  	[smem:$0x3FB1] =	sst s8  }
0x11: {  	[smem:$0x3FB2] =	sst s9;
	s0 =	simm.s32 @!p0 $0x0  }
0x12: {  	s1 =	sld [smem:$0x3F98];
	s0 =	simm.s32 @p0 $0x1  }
0x13: {  	[smem:$0x3FB3] =	sst s0;
	s0 =	simm.s32 @!p1 $0x0  }
0x14: {  	s2 =	sld [smem:$0x3F97];
	s0 =	simm.s32 @p1 $0x1  }
0x15: {  	[smem:$0x3FB4] =	sst s0;
	s0 =	simm.s32 @!p2 $0x0  }
0x16: {  	s3 =	sld [smem:$0x3FDB];
	s0 =	simm.s32 @p2 $0x1  }
0x17: {  	s4 =	simm.s32 $0x1BF5;
	[smem:$0x3FB6] =	sst s0  }
0x18: {  	s0 =	sld [smem:$0x3F99];
	_ =	swait.ge [sflag:s4], $0x0  }
0x19: {  	s7 =	sld [smem:$0x3F9A]  }
0x1a: {  	s8 =	sadd.s32 $0xFFFFE003, lr  }
0x1b: {  	s9 =	sadd.s32 $0xFFFFFEF7, lr;
	s5 =	simm.s32 $0xFFFFFFFF;
	p2 =	slt.u32 s8, $0xFFFFF086  }
0x1c: {  	p1 =	slt.u32 s9, $0xF7A;
	s5 =	simm.s32 @!p2 $0x0  }
0x1d: {  	s5 =	simm.s32 @p1 $0x1;
	p0 =	seq.s32 s7, s2  }
0x1e: {  	s7 =	smul.u32 @!p0 $0xF7A, s2;
	p2 =	seq.s32 @!p0 s5, $0x0  }
0x1f: {  	s9 =	smul.u32 $0xF7A, s1;
	s8 =	simm.s32 @!p0 $0x1BF5;
	p2 =	por !p2, p0  }
0x20: {  	[sflag:s8] =	ssyncset.s32 @!p0 $0xFFFFF086;
	s6 =	sadd.s32 @!p0 s3, s7;
	s7 =	simm.s32 @!p0 $0x108  }
0x21: {  	s3 =	sadd.s32 s3, s9;
	s6 =	sadd.s32 @!p0 $0x88, s6;
	s7 =	simm.s32 @p2 $0x1082  }
0x22: {  	[simem:s7], [sflag:s8] =	dma.local @!p0 [hbm:s6], $0xF7A  }
0x23: {  	s9 =	sor.u32 $0xD0000000, s2;
	s6 =	simm.s32 $0x108;
	_ =	swait.ge @!p0 [sflag:s8], $0x0  }
0x24: {  	s3 =	sadd.s32 $0x88, s3;
	s6 =	simm.s32 @!p1 $0x1082;
	[sflag:s4] =	ssyncset.s32 $0xFFFFF086  }
0x25: {  	[simem:s6], [sflag:s4] =	dma.local [hbm:s3], $0xF7A  }
0x26: {  	[smem:$0x3F9A] =	sst s1;
	(tag) =	ssettag s2;
	_ =	strace s9  }
0x27: {  	s1 =	sld [smem:$0x3FAA]  }
0x28: {  	s2 =	sld [smem:$0x3FAB]  }
0x29: {  	s4 =	sld [smem:$0x3FAD]  }
0x2a: {  	p0 =	seq.s32 s5, $0x0;
	s5 =	sld [smem:$0x3FAE]  }
0x2b: {  	s6 =	sld [smem:$0x3FAF]  }
0x2c: {  	s7 =	sld [smem:$0x3FB0]  }
0x2d: {  	s3 =	simm.s32 $0x108;
	s8 =	sld [smem:$0x3FB1]  }
0x2e: {  	s3 =	simm.s32 @!p0 $0x1082;
	s9 =	sld [smem:$0x3FB2]  }
0x2f: {  	lr =	sadd.s32 s0, s3;
	s0 =	sld [smem:$0x3FA9]  }
0x30: {  	s3 =	sld [smem:$0x3FAC]  }
0x31: {  	[smem:$0x3FB5] =	sst s10  }
0x32: {  	s10 =	sld [smem:$0x3FB3];
	_ =	sdelay $0x3  }
0x33: {  	p0 =	seq.s32 s10, $0x1;
	s10 =	sld [smem:$0x3FB5];
	_ =	sdelay $0x3  }
0x34: {  	[smem:$0x3FB5] =	sst s10  }
0x35: {  	s10 =	sld [smem:$0x3FB4];
	_ =	sdelay $0x3  }
0x36: {  	p1 =	seq.s32 s10, $0x1;
	s10 =	sld [smem:$0x3FB5];
	_ =	sdelay $0x3  }
0x37: {  	[smem:$0x3FB5] =	sst s10  }
0x38: {  	s10 =	sld [smem:$0x3FB6]  }
0x39: {  	_ = 	snop;
	(pc) =	sbr.ind lr, $3  }
0x3a: {  	_ = 	snop  }
0x3b: {  	_ = 	snop  }
0x3c: {  	p2 =	seq.s32 s10, $0x1;
	s10 =	sld [smem:$0x3FB5]  }
0x3d: {  	_ =	shalt  }
0x3e: {  	_ =	shalt  }
0x3f: {  	_ =	shalt  }
0x40: {  	_ =	shalt  }
0x41: {  	_ =	shalt  }
0x42: {  	_ =	shalt  }
0x43: {  	_ =	shalt  }
0x44: {  	_ =	shalt  }
0x45: {  	_ =	shalt  }
0x46: {  	_ =	shalt  }
0x47: {  	_ =	shalt  }
0x48: {  	_ =	shalt  }
0x49: {  	_ =	shalt  }
0x4a: {  	_ =	shalt  }
0x4b: {  	_ =	shalt  }
0x4c: {  	_ =	shalt  }
0x4d: {  	_ =	shalt  }
0x4e: {  	_ =	shalt  }
0x4f: {  	_ =	shalt  }
0x50: {  	_ =	shalt  }
0x51: {  	_ =	shalt  }
0x52: {  	_ =	shalt  }
0x53: {  	_ =	shalt  }
0x54: {  	_ =	shalt  }
0x55: {  	_ =	shalt  }
0x56: {  	_ =	shalt  }
0x57: {  	_ =	shalt  }
0x58: {  	_ =	shalt  }
0x59: {  	_ =	shalt  }
0x5a: {  	_ =	shalt  }
0x5b: {  	_ =	shalt  }
0x5c: {  	_ =	shalt  }
0x5d: {  	_ =	shalt  }
0x5e: {  	_ =	shalt  }
0x5f: {  	_ =	shalt  }
0x60: {  	_ =	shalt  }
0x61: {  	_ =	shalt  }
0x62: {  	_ =	shalt  }
0x63: {  	_ =	shalt  }
0x64: {  	_ =	shalt  }
0x65: {  	_ =	shalt  }
0x66: {  	_ =	shalt  }
0x67: {  	_ =	shalt  }
0x68: {  	_ =	shalt  }
0x69: {  	_ =	shalt  }
0x6a: {  	_ =	shalt  }
0x6b: {  	_ =	shalt  }
0x6c: {  	_ =	shalt  }
0x6d: {  	_ =	shalt  }
0x6e: {  	_ =	shalt  }
0x6f: {  	_ =	shalt  }
0x70: {  	_ =	shalt  }
0x71: {  	_ =	shalt  }
0x72: {  	_ =	shalt  }
0x73: {  	_ =	shalt  }
0x74: {  	_ =	shalt  }
0x75: {  	_ =	shalt  }
0x76: {  	_ =	shalt  }
0x77: {  	_ =	shalt  }
0x78: {  	_ =	shalt  }
0x79: {  	_ =	shalt  }
0x7a: {  	_ =	shalt  }
0x7b: {  	_ =	shalt  }
0x7c: {  	_ =	shalt  }
0x7d: {  	_ =	shalt  }
0x7e: {  	_ =	shalt  }
0x7f: {  	_ =	shalt  }
0x80: {  	_ =	shalt  }
0x81: {  	_ =	shalt  }
0x82: {  	_ =	shalt  }
0x83: {  	_ =	shalt  }
0x84: {  	_ =	shalt  }
0x85: {  	_ =	shalt  }
0x86: {  	_ =	shalt  }
0x87: {  	_ =	shalt  }
.Lfunc_end0:
.L_simem_size_0:
called_computation_lowered:
.L_overlay_start_0:
0x88: {  	s2 =	sld [smem:$0x3FD9]  }
0x89: {  	s3 =	sld [smem:$0x3FFE];
	_ =	sdelay $0x1  }
0x8a: {  	s1 =	srdreg.scid  }
0x8b: {  	s0 =	sand.u32 $0x1, s1  }
0x8c: {  	s17 =	sshll.u32 s0, $0xA;
	s2 =	sadd.s32 s3, s2  }
0x8d: {  	s2 =	sadd.s32 s2, s17  }
0x8e: {  	[smem:$0x3FC1] =	sst s2  }
0x8f: {  	_ = 	snop  }
0x90: {  	s2 =	sld [smem:$0x3FD0];
	(tm) =	ssettm $0x1  }
0x91: {  	s18 =	sld [smem:$0x3FFB];
	_ =	sdelay $0x3  }
0x92: {  	_ =	strace s18  }
0x93: {  	s3 =	sld [smem:$0x3FFC];
	_ =	sdelay $0x3  }
0x94: {  	_ =	strace s3  }
0x95: {  	s3 =	sld [smem:$0x3FFD];
	_ =	sdelay $0x3  }
0x96: {  	_ =	strace s3  }
0x97: {  	_ =	strace $0x8FFFFFFF  }
0x98: {  	s19 =	sld [smem:$0x3FDB];
	_ =	sdelay $0x1  }
0x99: {  	s4 =	simm.s32 $_scs_section_size  }
0x9a: {  	s5 =	simm.s32 $_size__tile_overlayer_lowered;
	s6 =	simm.s32 $_tile_overlayer_lowered  }
0x9b: {  	s22 =	simm.s32 $0x1BFF;
	s21 =	sshll.u32 s6, $0x1;
	s3 =	sadd.s32 s4, s19  }
0x9c: {  	s7 =	simm.s32 $0x0;
	s20 =	sshll.u32 s5, $0x1;
	s5 =	sadd.s32 s21, s3  }
0x9d: {  	[timem:s7], [sflag:s22] =	dma.local [hbm:s5], s20  }
0x9e: {  	_ =	swait.ge [sflag:s22], s20  }
0x9f: {  	s4 =	ssub.s32 $0x0, s20;
	[sflag:s22] =	ssyncset.done $0x0  }
0xa0: {  	[sflag:s22] =	ssyncadd.s32 s4;
	_ =	sdelay $0x1  }
0xa1: {  	s23 =	simm.s32 $0x1B8B  }
0xa2: {  	_ =	swait.ge [sflag:s23], $0x1  }
0xa3: {  	[sflag:s23] =	ssyncset.done $0x0  }
0xa4: {  	s25 =	simm.s32 $0x1B8E;
	s24 =	sld [smem:$0x3FFE];
	[sflag:s23] =	ssyncadd.s32 $0xFFFFFFFF  }
0xa5: {  	s26 =	simm.s32 $execute0_lowered;
	[smem:$0x3FD2] =	sst s25  }
0xa6: {  	s5 =	sshll.u32 s26, $0x1;
	_ =	strace $0x80000046;
	[dreg:$0x1] =	wrdreg $0xFFFFFFFF  }
0xa7: {  	s28 =	simm.s32 $_size_execute0_lowered;
	s3 =	sadd.s32 s3, s5;
	[dreg:$0x0] =	wrdreg $0x0  }
0xa8: {  	s5 =	sshll.u32 s28, $0x1;
	[dreg:$0x2] =	wrdreg s3  }
0xa9: {  	[dreg:$0x3] =	wrdreg s5  }
0xaa: {  	[dreg:$0x4] =	wrdreg $0xC0  }
0xab: {  	_ =	task [dreg:s7], $0x5FFFF  }
0xac: {  	[dreg:$0x1] =	wrdreg $0xFFFFFFFF  }
0xad: {  	[dreg:$0x0] =	wrdreg $0x60  }
0xae: {  	[dreg:$0x2] =	wrdreg s2  }
0xaf: {  	[dreg:$0x3] =	wrdreg s24  }
0xb0: {  	[dreg:$0x4] =	wrdreg $0xC4000  }
0xb1: {  	[dreg:$0x5] =	wrdreg $0x9  }
0xb2: {  	_ =	task.clear_ibuf [dreg:s7], $0x6FFFF;
	_ =	strace $0x90000046  }
0xb3: {  	s29 =	simm.s32 $0x9;
	_ =	strace $0x80000048  }
0xb4: {  	_ =	swait.ge [sflag:s29], $0x1  }
0xb5: {  	[sflag:s29] =	ssyncadd.s32 $0xFFFFFFFF  }
0xb6: {  	_ =	strace $0x90000048  }
0xb7: {  	_ =	sfence  }
0xb8: {  	s30 =	sld [smem:$0x0];
	_ =	sdelay $0x2  }
0xb9: {  	s31 =	sshll.u32 s1, $0xD;
	s1 =	sshrl.u32 s1, $0x2  }
0xba: {  	s3 =	sand.u32 $0x4000, s31;
	s1 =	sadd.s32 s1, s30  }
0xbb: {  	s0 =	sor.u32 s3, s0;
	s1 =	sshll.u32 s1, $0x11  }
0xbc: {  	s0 =	sor.u32 s1, s0  }
0xbd: {  	s0 =	sadd.s32 $0x8F2B, s0  }
0xbe: {  	[sflag:s0] =	ssyncadd.remote.s32 $0x1  }
0xbf: {  	_ =	sfence.sel $0xFFFF  }
0xc0: {  	[dreg:$0x0] =	wrdreg $0xFFFFFFFF;
	(pc) =	sbr.abs _section_cstart, $3  }
0xc1: {  	[dreg:$0x1] =	wrdreg $0xFFFFFFFF  }
0xc2: {  	_ =	task.clear_ibuf [dreg:s7], $0x2FFFF;
	_ =	strace $0x9FFFFFFF  }
0xc3: {  	(tm) =	ssettm $0x7FFFFFFF  }
tec
execute0_lowered:
.L_overlay_start_1:
0x0: {  	(tag) =	ssettag $0x1  }
0x1: {  	s0 =	rddreg [dreg:$0x0]  }
0x2: {  	s4 =	rddreg [dreg:$0x1];
	s2 =	simm.s32 $0x0;
	s1 =	srdreg.scid  }
0x3: {  	s21 =	stileid.u32;
	s30 =	simm.s32 $0x9D;
	s31 =	simm.s32 $0x200  }
0x4: {  	[smem:$0x7FF] =	sst s2;
	s5 =	sand.u32 $0x1, s1;
	s8 =	smul.u32 $0x13C00, s21  }
0x5: {  	s3 =	sshll.u32 s21, $0x6;
	s9 =	sadd.s32 $0x28600, s4;
	s1 =	smul.u32 $0x27100, s5  }
0x6: {  	p0 =	slt.u32 s21, $0x4;
	s6 =	ssub.s32 $0x2, s5;
	s5 =	smul.u32 $0x13C000, s5  }
0x7: {  	s30 =	simm.s32 @!p0 $0x9C;
	s7 =	sshrl.u32 s6, $0x1;
	s10 =	sadd.s32 $0x6000, s8  }
0x8: {  	s11 =	sadd.s32 $0x8000, s8;
	s12 =	sadd.s32 $0xA000, s8;
	s13 =	sadd.s32 $0xC000, s8  }
0x9: {  	s15 =	sadd.s32 $0xE000, s8;
	s19 =	sadd.s32 $0x10000, s8;
	s20 =	sadd.s32 $0x12000, s8  }
0xa: {  	s3 =	sadd.s32 s3, s1;
	s1 =	ssub.s32 s6, s7;
	s6 =	sadd.s32 $0x2000, s8  }
0xb: {  	s7 =	sadd.s32 $0x4000, s8;
	s8 =	sadd.s32 s8, s5;
	s26 =	sadd.s32 s5, s10  }
0xc: {  	s28 =	sadd.s32 s5, s11;
	s29 =	sadd.s32 s5, s12;
	s18 =	sadd.s32 s5, s13  }
0xd: {  	s22 =	sadd.s32 s5, s15;
	s23 =	sadd.s32 s5, s19;
	s14 =	sadd.s32 s5, s6  }
0xe: {  	s8 =	sshrl.u32 s8, $0x3;
	s16 =	sadd.s32 s5, s7;
	s17 =	sshrl.u32 s29, $0x3  }
0xf: {  	s5 =	sadd.s32 s5, s20;
	s1 =	smax.u32 s1, $0x1;
	s14 =	sshrl.u32 s14, $0x3  }
0x10: {  	s8 =	sadd.s32 s9, s8;
	s25 =	sshrl.u32 s16, $0x3;
	s5 =	sshrl.u32 s5, $0x3  }
0x11: {  	s16 =	sadd.s32 $0x1400, s4;
	[dreg:$0x4] =	wrdreg s8;
	s24 =	sadd.s32 s9, s14  }
0x12: {  	s8 =	sadd.s32 s9, s25;
	s14 =	sshrl.u32 s28, $0x3;
	s25 =	sshrl.u32 s23, $0x3  }
0x13: {  	s5 =	sadd.s32 s9, s5;
	s28 =	sshll.u32 s3, $0x4;
	[dreg:$0x5] =	wrdreg s24  }
0x14: {  	[dreg:$0x6] =	wrdreg s8;
	s8 =	sshrl.u32 s26, $0x3;
	s14 =	sadd.s32 s9, s14  }
0x15: {  	s26 =	smul.u32 $0x4F000, s21;
	[dreg:$0xd] =	wrdreg s5;
	s5 =	sadd.s32 s28, s4  }
0x16: {  	s21 =	simm.s32 $0x300;
	s8 =	sadd.s32 s9, s8;
	[dreg:$0x8] =	wrdreg s14  }
0x17: {  	s14 =	sshrl.u32 s22, $0x3;
	s5 =	sadd.s32 $0x4F7000, s5;
	[dreg:$0x7] =	wrdreg s8  }
0x18: {  	s8 =	sadd.s32 s9, s17;
	s24 =	sadd.s32 s9, s14;
	s14 =	rddreg [dreg:$0x2]  }
0x19: {  	s17 =	sadd.s32 $0x4ED200, s4;
	[dreg:$0x9] =	wrdreg s8;
	s8 =	sshrl.u32 s18, $0x3  }
0x1a: {  	[dreg:$0xb] =	wrdreg s24;
	s18 =	sadd.s32 $0x4E3400, s4;
	s8 =	sadd.s32 s9, s8  }
0x1b: {  	s10 =	sadd.s32 s10, s14;
	[dreg:$0xa] =	wrdreg s8;
	s8 =	sadd.s32 s9, s25  }
0x1c: {  	s11 =	sadd.s32 s11, s14;
	s9 =	sadd.s32 s7, s14;
	[dreg:$0xc] =	wrdreg s8  }
0x1d: {  	s12 =	sadd.s32 s12, s14;
	_ =	strace $0x80000047;
	[dreg:$0x10] =	wrdreg s9  }
0x1e: {  	s13 =	sadd.s32 s13, s14;
	s22 =	sadd.s32 s15, s14;
	[dreg:$0x11] =	wrdreg s10  }
0x1f: {  	s23 =	sadd.s32 s19, s14;
	s24 =	sadd.s32 s20, s14;
	[dreg:$0x12] =	wrdreg s11  }
0x20: {  	s15 =	simm.s32 $0x8;
	s19 =	simm.s32 $0x2;
	[dreg:$0x13] =	wrdreg s12  }
0x21: {  	s20 =	simm.s32 $0x2400;
	s25 =	sadd.s32 $0x400, s3;
	[dreg:$0x14] =	wrdreg s13  }
0x22: {  	s7 =	sadd.s32 $0xFFFFFFFF, s30;
	s8 =	sshrl.u32 s26, $0x2;
	[dreg:$0x15] =	wrdreg s22  }
0x23: {  	s4 =	sshrl.u32 s25, $0x3;
	s26 =	sshrl.u32 s3, $0x3;
	[dreg:$0x16] =	wrdreg s23  }
0x24: {  	s29 =	sadd.s32 s8, s14;
	s8 =	sadd.s32 s6, s14;
	[dreg:$0x17] =	wrdreg s24  }
0x25: {  	s28 =	sadd.s32 s17, s26;
	s6 =	sadd.s32 s18, s26;
	[dreg:$0x1c] =	wrdreg s1  }
0x26: {  	s9 =	sadd.s32 $0xFFFFFFFD, s30;
	s10 =	sadd.s32 $0xFFFFFFFC, s30;
	[dreg:$0xe] =	wrdreg s29  }
.Ltmp0:
0x27: {  	s12 =	sadd.s32 $0xFFFFFFFB, s30;
	[dreg:$0xf] =	wrdreg s8;
	(pc) =	sbr.rel .LBB2_1-.Ltmp0, $4  }
0x28: {  	s13 =	simm.s32 $0x400;
	s11 =	simm.s32 $0x280;
	[dreg:$0x18] =	wrdreg s28  }
0x29: {  	s22 =	simm.s32 $0x0;
	[dreg:$0x19] =	wrdreg s6;
	s29 =	sadd.s32 s17, s4  }
0x2a: {  	s4 =	sadd.s32 s18, s4;
	s8 =	sadd.s32 $0xFFFFFFFE, s30;
	[dreg:$0x1a] =	wrdreg s29  }
0x2b: {  	v0 =	vimm.f32 $0.0e+00;
	s6 =	simm.s32 $0x1;
	[dreg:$0x1b] =	wrdreg s4;
	s4 =	simm.s32 $0x40  }
.LBB2_29:
0x2c: {  	s1 =	simm.s32 $0x3  }
0x2d: {  	_ =	swait.ge [sflag:s1], $0x2000  }
0x2e: {  	[sflag:s1] =	ssyncset.done $0x0  }
0x2f: {  	s25 =	simm.s32 $0x4;
	[sflag:s1] =	ssyncadd.s32 $0xFFFFE000  }
0x30: {  	_ =	swait.ge [sflag:s25], $0x2000  }
0x31: {  	[sflag:s25] =	ssyncset.done $0x0  }
0x32: {  	[sflag:s25] =	ssyncadd.s32 $0xFFFFE000  }
0x33: {  	[bflag:$0x0] =	sbarrier.arrive $0xFFFF  }
0x34: {  	s26 =	rddreg [dreg:$0xe]  }
0x35: {  	[tilespmem:s13], [sflag:$0x8] =	stream.linear.gather [spmem:s26], $0x2000, $0x38;
	v63 =	vld [tilespmem:$0x0]  }
0x36: {  	_ =	swait.ge [sflag:s15], $0x2000  }
0x37: {  	[sflag:s15] =	ssyncset.done $0x0  }
0x38: {  	s28 =	rddreg [dreg:$0x4];
	[sflag:s15] =	ssyncadd.s32 $0xFFFFE000  }
0x39: {  	[hbm4b:s28+s2] =	stream.linear.scatter [tilespmem:s13], [sflag:$0x8], $0x2000, $0x38;
	v63 =	vld [tilespmem:$0x0]  }
0x3a: {  	_ =	swait.ge [sflag:s15], $0x2000  }
0x3b: {  	[sflag:s15] =	ssyncset.done $0x0  }
0x3c: {  	s29 =	rddreg [dreg:$0xf];
	[sflag:s15] =	ssyncadd.s32 $0xFFFFE000  }
0x3d: {  	[tilespmem:s13], [sflag:$0x8] =	stream.linear.gather [spmem:s29], $0x2000, $0x38;
	v63 =	vld [tilespmem:$0x0]  }
0x3e: {  	_ =	swait.ge [sflag:s15], $0x2000  }
0x3f: {  	[sflag:s15] =	ssyncset.done $0x0  }
0x40: {  	s23 =	rddreg [dreg:$0x5];
	[sflag:s15] =	ssyncadd.s32 $0xFFFFE000  }
0x41: {  	[hbm4b:s23+s2] =	stream.linear.scatter [tilespmem:s13], [sflag:$0x8], $0x2000, $0x38;
	v63 =	vld [tilespmem:$0x0]  }
0x42: {  	_ =	swait.ge [sflag:s15], $0x2000  }
0x43: {  	[sflag:s15] =	ssyncset.done $0x0  }
0x44: {  	s24 =	rddreg [dreg:$0x10];
	[sflag:s15] =	ssyncadd.s32 $0xFFFFE000  }
0x45: {  	[tilespmem:s13], [sflag:$0x8] =	stream.linear.gather [spmem:s24], $0x2000, $0x38;
	v63 =	vld [tilespmem:$0x0]  }
0x46: {  	_ =	swait.ge [sflag:s15], $0x2000  }
0x47: {  	[sflag:s15] =	ssyncset.done $0x0  }
0x48: {  	s25 =	rddreg [dreg:$0x6];
	[sflag:s15] =	ssyncadd.s32 $0xFFFFE000  }
0x49: {  	[hbm4b:s25+s2] =	stream.linear.scatter [tilespmem:s13], [sflag:$0x8], $0x2000, $0x38;
	v63 =	vld [tilespmem:$0x0]  }
0x4a: {  	_ =	swait.ge [sflag:s15], $0x2000  }
0x4b: {  	[sflag:s15] =	ssyncset.done $0x0  }
0x4c: {  	s26 =	rddreg [dreg:$0x11];
	[sflag:s15] =	ssyncadd.s32 $0xFFFFE000  }
0x4d: {  	[tilespmem:s13], [sflag:$0x8] =	stream.linear.gather [spmem:s26], $0x2000, $0x38;
	v63 =	vld [tilespmem:$0x0]  }
0x4e: {  	_ =	swait.ge [sflag:s15], $0x2000  }
0x4f: {  	[sflag:s15] =	ssyncset.done $0x0  }
0x50: {  	s28 =	rddreg [dreg:$0x7];
	[sflag:s15] =	ssyncadd.s32 $0xFFFFE000  }
0x51: {  	[hbm4b:s28+s2] =	stream.linear.scatter [tilespmem:s13], [sflag:$0x8], $0x2000, $0x38;
	v63 =	vld [tilespmem:$0x0]  }
0x52: {  	_ =	swait.ge [sflag:s15], $0x2000  }
0x53: {  	[sflag:s15] =	ssyncset.done $0x0  }
0x54: {  	s29 =	rddreg [dreg:$0x12];
	[sflag:s15] =	ssyncadd.s32 $0xFFFFE000  }
0x55: {  	[tilespmem:s13], [sflag:$0x8] =	stream.linear.gather [spmem:s29], $0x2000, $0x38;
	v63 =	vld [tilespmem:$0x0]  }
0x56: {  	_ =	swait.ge [sflag:s15], $0x2000  }
0x57: {  	[sflag:s15] =	ssyncset.done $0x0  }
0x58: {  	s23 =	rddreg [dreg:$0x8];
	[sflag:s15] =	ssyncadd.s32 $0xFFFFE000  }
0x59: {  	[hbm4b:s23+s2] =	stream.linear.scatter [tilespmem:s13], [sflag:$0x8], $0x2000, $0x38;
	v63 =	vld [tilespmem:$0x0]  }
0x5a: {  	_ =	swait.ge [sflag:s15], $0x2000  }
0x5b: {  	[sflag:s15] =	ssyncset.done $0x0  }
0x5c: {  	s24 =	rddreg [dreg:$0x13];
	[sflag:s15] =	ssyncadd.s32 $0xFFFFE000  }
0x5d: {  	[tilespmem:s13], [sflag:$0x8] =	stream.linear.gather [spmem:s24], $0x2000, $0x38;
	v63 =	vld [tilespmem:$0x0]  }
0x5e: {  	_ =	swait.ge [sflag:s15], $0x2000  }
0x5f: {  	[sflag:s15] =	ssyncset.done $0x0  }
0x60: {  	s25 =	rddreg [dreg:$0x9];
	[sflag:s15] =	ssyncadd.s32 $0xFFFFE000  }
0x61: {  	[hbm4b:s25+s2] =	stream.linear.scatter [tilespmem:s13], [sflag:$0x8], $0x2000, $0x38;
	v63 =	vld [tilespmem:$0x0]  }
0x62: {  	_ =	swait.ge [sflag:s15], $0x2000  }
0x63: {  	[sflag:s15] =	ssyncset.done $0x0  }
0x64: {  	s26 =	rddreg [dreg:$0x14];
	[sflag:s15] =	ssyncadd.s32 $0xFFFFE000  }
0x65: {  	[tilespmem:s13], [sflag:$0x8] =	stream.linear.gather [spmem:s26], $0x2000, $0x38;
	v63 =	vld [tilespmem:$0x0]  }
0x66: {  	_ =	swait.ge [sflag:s15], $0x2000  }
0x67: {  	[sflag:s15] =	ssyncset.done $0x0  }
0x68: {  	s28 =	rddreg [dreg:$0xa];
	[sflag:s15] =	ssyncadd.s32 $0xFFFFE000  }
0x69: {  	[hbm4b:s28+s2] =	stream.linear.scatter [tilespmem:s13], [sflag:$0x8], $0x2000, $0x38;
	v63 =	vld [tilespmem:$0x0]  }
0x6a: {  	_ =	swait.ge [sflag:s15], $0x2000  }
0x6b: {  	[sflag:s15] =	ssyncset.done $0x0  }
0x6c: {  	s29 =	rddreg [dreg:$0x15];
	[sflag:s15] =	ssyncadd.s32 $0xFFFFE000  }
0x6d: {  	[tilespmem:s13], [sflag:$0x8] =	stream.linear.gather [spmem:s29], $0x2000, $0x38;
	v63 =	vld [tilespmem:$0x0]  }
0x6e: {  	_ =	swait.ge [sflag:s15], $0x2000  }
0x6f: {  	[sflag:s15] =	ssyncset.done $0x0  }
0x70: {  	s23 =	rddreg [dreg:$0xb];
	[sflag:s15] =	ssyncadd.s32 $0xFFFFE000  }
0x71: {  	[hbm4b:s23+s2] =	stream.linear.scatter [tilespmem:s13], [sflag:$0x8], $0x2000, $0x38;
	v63 =	vld [tilespmem:$0x0]  }
0x72: {  	_ =	swait.ge [sflag:s15], $0x2000  }
0x73: {  	[sflag:s15] =	ssyncset.done $0x0  }
0x74: {  	s24 =	rddreg [dreg:$0x16];
	[sflag:s15] =	ssyncadd.s32 $0xFFFFE000  }
0x75: {  	[tilespmem:s13], [sflag:$0x8] =	stream.linear.gather [spmem:s24], $0x2000, $0x38;
	v63 =	vld [tilespmem:$0x0]  }
0x76: {  	_ =	swait.ge [sflag:s15], $0x2000  }
0x77: {  	[sflag:s15] =	ssyncset.done $0x0  }
0x78: {  	s25 =	rddreg [dreg:$0xc];
	[sflag:s15] =	ssyncadd.s32 $0xFFFFE000  }
0x79: {  	[hbm4b:s25+s2] =	stream.linear.scatter [tilespmem:s13], [sflag:$0x8], $0x2000, $0x38;
	v63 =	vld [tilespmem:$0x0]  }
0x7a: {  	_ =	swait.ge [sflag:s15], $0x2000  }
0x7b: {  	[sflag:s15] =	ssyncset.done $0x0  }
0x7c: {  	s26 =	rddreg [dreg:$0x17];
	[sflag:s15] =	ssyncadd.s32 $0xFFFFE000  }
0x7d: {  	[tilespmem:s13], [sflag:$0x8] =	stream.linear.gather [spmem:s26], $0x1C00, $0x38;
	v63 =	vld [tilespmem:$0x0]  }
0x7e: {  	_ =	swait.ge [sflag:s15], $0x1C00  }
0x7f: {  	[sflag:s15] =	ssyncset.done $0x0  }
0x80: {  	s28 =	rddreg [dreg:$0xd];
	[sflag:s15] =	ssyncadd.s32 $0xFFFFE400  }
0x81: {  	[hbm4b:s28+s2] =	stream.linear.scatter [tilespmem:s13], [sflag:$0x8], $0x1C00, $0x38;
	v63 =	vld [tilespmem:$0x0]  }
0x82: {  	_ =	swait.ge [sflag:s15], $0x1C00  }
0x83: {  	s22 =	sadd.s32 $0x1, s22;
	s29 =	rddreg [dreg:$0x1c]  }
0x84: {  	p0 =	sne.s32 s22, s29  }
.Ltmp1:
0x85: {  	_ = 	snop;
	(pc) =	sbr.rel @!p0 .LBB2_30-.Ltmp1, $3  }
0x86: {  	_ =	sdelay $0x1  }
0x87: {  	[sflag:s15] =	ssyncset.done $0x0  }
0x88: {  	[sflag:s15] =	ssyncadd.s32 $0xFFFFE400  }
.LBB2_1:
0x89: {  	s23 =	simm.s32 $0x0;
	s24 =	simm.s32 $0x200  }
.LBB2_2:
0x8a: {  	p0 =	sne.s32 s24, $0x7E00;
	[tilespmem:s23+$0x470] =	vst v0  }
0x8b: {  	[tilespmem:s23+$0x400] =	vst v0  }
0x8c: {  	[tilespmem:s23+$0x410] =	vst v0  }
.Ltmp2:
0x8d: {  	[tilespmem:s23+$0x420] =	vst v0;
	(pc) =	sbr.rel @p0 .LBB2_2-.Ltmp2, $4  }
0x8e: {  	[tilespmem:s23+$0x430] =	vst v0  }
0x8f: {  	[tilespmem:s23+$0x440] =	vst v0  }
0x90: {  	[tilespmem:s23+$0x450] =	vst v0  }
0x91: {  	[tilespmem:s23+$0x460] =	vst v0;
	s23 =	sshra.s32 s24, $0x2;
	s24 =	sadd.s32 $0x200, s24  }
0x92: {  	[tilespmem:s23+$0x470] =	vst v0  }
0x93: {  	[tilespmem:s23+$0x400] =	vst v0  }
0x94: {  	[tilespmem:s23+$0x410] =	vst v0  }
0x95: {  	[tilespmem:s23+$0x420] =	vst v0  }
0x96: {  	[tilespmem:s23+$0x430] =	vst v0  }
0x97: {  	[tilespmem:s23+$0x440] =	vst v0  }
0x98: {  	[tilespmem:s23+$0x450] =	vst v0  }
0x99: {  	[tilespmem:s23+$0x460] =	vst v0;
	s1 =	rddreg [dreg:$0xe]  }
0x9a: {  	[spmem:s1] =	stream.linear.scatter [tilespmem:s13], [sflag:$0x8], $0x2000, $0x38;
	v63 =	vld [tilespmem:$0x0]  }
0x9b: {  	_ =	swait.ge [sflag:s15], $0x2000  }
0x9c: {  	[sflag:s15] =	ssyncset.done $0x0  }
0x9d: {  	s23 =	rddreg [dreg:$0xf];
	[sflag:s15] =	ssyncadd.s32 $0xFFFFE000  }
0x9e: {  	[spmem:s23] =	stream.linear.scatter [tilespmem:s13], [sflag:$0x8], $0x2000, $0x38;
	v63 =	vld [tilespmem:$0x0]  }
0x9f: {  	_ =	swait.ge [sflag:s15], $0x2000  }
0xa0: {  	[sflag:s15] =	ssyncset.done $0x0  }
0xa1: {  	s24 =	rddreg [dreg:$0x10];
	[sflag:s15] =	ssyncadd.s32 $0xFFFFE000  }
0xa2: {  	[spmem:s24] =	stream.linear.scatter [tilespmem:s13], [sflag:$0x8], $0x2000, $0x38;
	v63 =	vld [tilespmem:$0x0]  }
0xa3: {  	_ =	swait.ge [sflag:s15], $0x2000  }
0xa4: {  	[sflag:s15] =	ssyncset.done $0x0  }
0xa5: {  	s25 =	rddreg [dreg:$0x11];
	[sflag:s15] =	ssyncadd.s32 $0xFFFFE000  }
0xa6: {  	[spmem:s25] =	stream.linear.scatter [tilespmem:s13], [sflag:$0x8], $0x2000, $0x38;
	v63 =	vld [tilespmem:$0x0]  }
0xa7: {  	_ =	swait.ge [sflag:s15], $0x2000  }
0xa8: {  	[sflag:s15] =	ssyncset.done $0x0  }
0xa9: {  	s26 =	rddreg [dreg:$0x12];
	[sflag:s15] =	ssyncadd.s32 $0xFFFFE000  }
0xaa: {  	[spmem:s26] =	stream.linear.scatter [tilespmem:s13], [sflag:$0x8], $0x2000, $0x38;
	v63 =	vld [tilespmem:$0x0]  }
0xab: {  	_ =	swait.ge [sflag:s15], $0x2000  }
0xac: {  	[sflag:s15] =	ssyncset.done $0x0  }
0xad: {  	s28 =	rddreg [dreg:$0x13];
	[sflag:s15] =	ssyncadd.s32 $0xFFFFE000  }
0xae: {  	[spmem:s28] =	stream.linear.scatter [tilespmem:s13], [sflag:$0x8], $0x2000, $0x38;
	v63 =	vld [tilespmem:$0x0]  }
0xaf: {  	_ =	swait.ge [sflag:s15], $0x2000  }
0xb0: {  	[sflag:s15] =	ssyncset.done $0x0  }
0xb1: {  	s29 =	rddreg [dreg:$0x14];
	[sflag:s15] =	ssyncadd.s32 $0xFFFFE000  }
0xb2: {  	[spmem:s29] =	stream.linear.scatter [tilespmem:s13], [sflag:$0x8], $0x2000, $0x38;
	v63 =	vld [tilespmem:$0x0]  }
0xb3: {  	_ =	swait.ge [sflag:s15], $0x2000  }
0xb4: {  	[sflag:s15] =	ssyncset.done $0x0  }
0xb5: {  	s23 =	rddreg [dreg:$0x15];
	[sflag:s15] =	ssyncadd.s32 $0xFFFFE000  }
0xb6: {  	[spmem:s23] =	stream.linear.scatter [tilespmem:s13], [sflag:$0x8], $0x2000, $0x38;
	v63 =	vld [tilespmem:$0x0]  }
0xb7: {  	_ =	swait.ge [sflag:s15], $0x2000  }
0xb8: {  	[sflag:s15] =	ssyncset.done $0x0  }
0xb9: {  	s24 =	rddreg [dreg:$0x16];
	[sflag:s15] =	ssyncadd.s32 $0xFFFFE000  }
0xba: {  	[spmem:s24] =	stream.linear.scatter [tilespmem:s13], [sflag:$0x8], $0x2000, $0x38;
	v63 =	vld [tilespmem:$0x0]  }
0xbb: {  	_ =	swait.ge [sflag:s15], $0x2000  }
0xbc: {  	[sflag:s15] =	ssyncset.done $0x0  }
0xbd: {  	s25 =	rddreg [dreg:$0x17];
	[sflag:s15] =	ssyncadd.s32 $0xFFFFE000  }
0xbe: {  	[spmem:s25] =	stream.linear.scatter [tilespmem:s13], [sflag:$0x8], $0x1C00, $0x38;
	v63 =	vld [tilespmem:$0x0]  }
0xbf: {  	_ =	swait.ge [sflag:s15], $0x1C00  }
0xc0: {  	[sflag:s15] =	ssyncset.done $0x0  }
0xc1: {  	[sflag:s15] =	ssyncadd.s32 $0xFFFFE400  }
0xc2: {  	[bflag:$0x0] =	sbarrier.arrive $0xFFFF  }
0xc3: {  	s23 =	simm.s32 $0x0;
	s26 =	rddreg [dreg:$0x18]  }
0xc4: {  	[tilespmem:s23], [sflag:$0x5] =	stream.linear.gather [hbm4b:s26+s23], $0x40, $0x38;
	v63 =	vld [tilespmem:$0x0]  }
0xc5: {  	s28 =	rddreg [dreg:$0x19]  }
0xc6: {  	[tilespmem:s31], [sflag:$0x5] =	stream.linear.gather [hbm4b:s28+s23], $0x40, $0x38;
	v63 =	vld [tilespmem:$0x0]  }
0xc7: {  	s24 =	simm.s32 $0x80;
	s29 =	rddreg [dreg:$0x1a]  }
0xc8: {  	[tilespmem:s24], [sflag:$0x6] =	stream.linear.gather [hbm4b:s29+s23], $0x40, $0x38;
	v63 =	vld [tilespmem:$0x0]  }
0xc9: {  	s25 =	rddreg [dreg:$0x1b];
	s26 =	simm.s32 $0x5  }
0xca: {  	[tilespmem:s11], [sflag:$0x6] =	stream.linear.gather [hbm4b:s25+s23], $0x40, $0x38;
	v63 =	vld [tilespmem:$0x0]  }
0xcb: {  	_ =	swait.ge [sflag:s26], $0x40  }
0xcc: {  	[sflag:s26] =	ssyncset.done $0x0  }
0xcd: {  	[sflag:s26] =	ssyncadd.s32 $0xFFFFFFC0  }
0xce: {  	_ =	swait.ge [sflag:s26], $0x40  }
0xcf: {  	[sflag:s26] =	ssyncset.done $0x0  }
0xd0: {  	[sflag:s26] =	ssyncadd.s32 $0xFFFFFFC0  }
0xd1: {  	[tilespmem:s13], [sflag:$0x1] =	stream.indirect.gather [hbm4b:s0+s4], $0x80, s23, s4, $0xb8;
	v63 =	vld [tilespmem:$0x0]  }
.Ltmp3:
0xd2: {  	_ = 	snop;
	(pc) =	sbr.rel .LBB2_4-.Ltmp3, $4  }
0xd3: {  	s28 =	simm.s32 $0x4400  }
0xd4: {  	[tilespmem:s28], [sflag:$0x1] =	stream.indirect.gather [hbm4b:s16+s4], $0x80, s31, s4, $0xb8;
	v63 =	vld [tilespmem:$0x0]  }
0xd5: {  	s29 =	simm.s32 $0x8400  }
0xd6: {  	[tilespmem:s29], [sflag:$0x1] =	stream.linear.gather [hbm4b:s5+s23], $0x2000, $0x38;
	v63 =	vld [tilespmem:$0x0]  }
.LBB2_28:
0xd7: {  	s23 =	sadd.s32 $0x1, s23  }
0xd8: {  	p0 =	sne.s32 s23, $0x1B  }
.Ltmp4:
0xd9: {  	_ = 	snop;
	(pc) =	sbr.rel @!p0 .LBB2_29-.Ltmp4, $1  }
0xda: {  	_ =	sdelay $0x3  }
.LBB2_4:
0xdb: {  	s24 =	smul.u32 $0x6, s23;
	_ =	sdelay $0x1  }
0xdc: {  	p0 =	sge.u32 s24, s30  }
.Ltmp5:
0xdd: {  	_ = 	snop;
	(pc) =	sbr.rel @p0 .LBB2_8-.Ltmp5, $1  }
0xde: {  	_ =	sdelay $0x3  }
0xdf: {  	s25 =	sor.u32 $0x1, s24  }
0xe0: {  	p0 =	sge.u32 s25, s30  }
0xe1: {  	s26 =	simm.s32 @!p0 $0x6  }
0xe2: {  	_ =	swait.ge @!p0 [sflag:s26], $0x40  }
0xe3: {  	[sflag:s26] =	ssyncset.done @!p0 $0x0  }
0xe4: {  	[sflag:s26] =	ssyncadd.s32 @!p0 $0xFFFFFFC0  }
0xe5: {  	p1 =	seq.s32 @!p0 s23, $0x0;
	_ =	swait.ge @!p0 [sflag:s26], $0x40  }
0xe6: {  	p1 =	por p1, p0;
	[sflag:s26] =	ssyncset.done @!p0 $0x0  }
0xe7: {  	[sflag:s26] =	ssyncadd.s32 @!p0 $0xFFFFFFC0;
	s26 =	simm.s32 @!p1 $0x4  }
0xe8: {  	_ =	swait.ge @!p1 [sflag:s26], $0x2000  }
0xe9: {  	s28 =	simm.s32 @!p0 $0x80;
	[sflag:s26] =	ssyncset.done @!p1 $0x0  }
0xea: {  	s29 =	simm.s32 @!p0 $0x2400;
	[sflag:s26] =	ssyncadd.s32 @!p1 $0xFFFFE000;
	s26 =	simm.s32 @!p0 $0x40  }
0xeb: {  	[tilespmem:s29], [sflag:$0x2] =	stream.indirect.gather @!p0 [hbm4b:s0+s26], $0x80, s28, s26, $0xb8;
	v63 =	vld [tilespmem:$0x0]  }
0xec: {  	s25 =	sshll.u32 @!p0 s25, $0xE;
	s28 =	simm.s32 @!p0 $0x280;
	s29 =	simm.s32 @!p0 $0x6400  }
0xed: {  	[tilespmem:s29], [sflag:$0x2] =	stream.indirect.gather @!p0 [hbm4b:s16+s26], $0x80, s28, s26, $0xb8;
	v63 =	vld [tilespmem:$0x0]  }
0xee: {  	s25 =	sadd.s32 @!p0 s5, s25;
	s26 =	simm.s32 @!p0 $0x0;
	s28 =	simm.s32 @!p0 $0xA400  }
0xef: {  	[tilespmem:s28], [sflag:$0x2] =	stream.linear.gather @!p0 [hbm4b:s25+s26], $0x2000, $0x38;
	v63 =	vld [tilespmem:$0x0]  }
0xf0: {  	s25 =	sadd.s32 $0x2, s24  }
0xf1: {  	p0 =	sge.u32 s25, s30  }
0xf2: {  	s25 =	sshll.u32 @!p0 s25, $0xA  }
0xf3: {  	s25 =	sadd.s32 @!p0 s25, s3  }
0xf4: {  	s25 =	sshrl.u32 @!p0 s25, $0x3  }
0xf5: {  	s28 =	simm.s32 @!p0 $0x0;
	s29 =	simm.s32 @!p0 $0x100;
	s26 =	sadd.s32 @!p0 s17, s25  }
0xf6: {  	[tilespmem:s29], [sflag:$0x7] =	stream.linear.gather @!p0 [hbm4b:s26+s28], $0x40, $0x38;
	v63 =	vld [tilespmem:$0x0]  }
0xf7: {  	s25 =	sadd.s32 @!p0 s18, s25;
	s26 =	simm.s32 @!p0 $0x300  }
0xf8: {  	[tilespmem:s26], [sflag:$0x7] =	stream.linear.gather @!p0 [hbm4b:s25+s28], $0x40, $0x38;
	v63 =	vld [tilespmem:$0x0]  }
0xf9: {  	_ =	swait.ge [sflag:s6], $0x2000  }
0xfa: {  	[sflag:s6] =	ssyncset.done $0x0  }
0xfb: {  	[sflag:s6] =	ssyncadd.s32 $0xFFFFE000  }
0xfc: {  	_ =	swait.ge [sflag:s6], $0x2000  }
0xfd: {  	[sflag:s6] =	ssyncset.done $0x0  }
0xfe: {  	[sflag:s6] =	ssyncadd.s32 $0xFFFFE000  }
0xff: {  	_ =	swait.ge [sflag:s6], $0x2000  }
0x100: {  	[sflag:s6] =	ssyncset.done $0x0  }
0x101: {  	s25 =	simm.s32 $0x0;
	[sflag:s6] =	ssyncadd.s32 $0xFFFFE000  }
0x102: {  	v9 =	vld [tilespmem:s25+$0x8400]  }
0x103: {  	v10 =	vld [tilespmem:s25+$0x8410]  }
0x104: {  	v2 =	vld [tilespmem:s25+$0x8420]  }
0x105: {  	v1 =	vld [tilespmem:s25+$0x8430]  }
0x106: {  	v11 =	vld [tilespmem:s25+$0x4400]  }
0x107: {  	v14 =	vld [tilespmem:s25+$0x4410]  }
0x108: {  	v8 =	vld [tilespmem:s25+$0x4420]  }
0x109: {  	v7 =	vld [tilespmem:s25+$0x4430]  }
0x10a: {  	v6 =	vld [tilespmem:s25+$0x4440]  }
0x10b: {  	v5 =	vld [tilespmem:s25+$0x4450]  }
0x10c: {  	v4 =	vld [tilespmem:s25+$0x4460]  }
0x10d: {  	v3 =	vld [tilespmem:s25+$0x4470]  }
0x10e: {  	v15 =	vld [tilespmem:s25+$0x400]  }
0x10f: {  	v19 =	vld [tilespmem:s25+$0x410]  }
0x110: {  	v16 =	vld [tilespmem:s25+$0x420]  }
0x111: {  	v13 =	vld [tilespmem:s25+$0x430]  }
0x112: {  	v12 =	vld [tilespmem:s25+$0x440];
	v18 =	vshll.u32 v9, $0x10  }
0x113: {  	v17 =	vand.u32 $0xFFFF0000, v9;
	v20 =	vadd.f32 v11, v15;
	v15 =	vshll.u32 v10, $0x10;
	v11 =	vld [tilespmem:s25+$0x450]  }
0x114: {  	s26 =	simm.s32 $0x200;
	v19 =	vadd.f32 v14, v19;
	v14 =	vand.u32 $0xFFFF0000, v10;
	v9 =	vshll.u32 v2, $0x10;
	v10 =	vld [tilespmem:s25+$0x460]  }
.LBB2_6:
0x115: {  	s28 =	sshra.s32 s26, $0x2;
	p0 =	sne.s32 s26, $0x7E00;
	v18 =	vadd.f32 v18, v20;
	v8 =	vadd.f32 v8, v16;
	v16 =	vand.u32 $0xFFFF0000, v2;
	v20 =	vld [tilespmem:s25+$0x470]  }
0x116: {  	v21 =	vld [tilespmem:s28+$0x8400];
	v17 =	vadd.f32 v17, v19;
	v7 =	vadd.f32 v7, v13;
	v13 =	vshll.u32 v1, $0x10  }
0x117: {  	v22 =	vld [tilespmem:s28+$0x8410];
	v18 =	vmax.f32 v18, $0.0e+00;
	v8 =	vadd.f32 v15, v8;
	v6 =	vadd.f32 v6, v12  }
0x118: {  	v2 =	vld [tilespmem:s28+$0x8420];
	[tilespmem:s25+$0x400] =	vst v18;
	v12 =	vmax.f32 v17, $0.0e+00;
	v7 =	vadd.f32 v14, v7;
	v5 =	vadd.f32 v5, v11  }
0x119: {  	v11 =	vld [tilespmem:s28+$0x8430];
	[tilespmem:s25+$0x410] =	vst v12;
	v8 =	vmax.f32 v8, $0.0e+00;
	v6 =	vadd.f32 v9, v6;
	v4 =	vadd.f32 v4, v10  }
0x11a: {  	v9 =	vld [tilespmem:s28+$0x4400];
	[tilespmem:s25+$0x420] =	vst v8;
	v7 =	vmax.f32 v7, $0.0e+00;
	v5 =	vadd.f32 v16, v5;
	v3 =	vadd.f32 v3, v20  }
0x11b: {  	v1 =	vand.u32 $0xFFFF0000, v1;
	v10 =	vld [tilespmem:s28+$0x4410];
	[tilespmem:s25+$0x430] =	vst v7;
	v6 =	vmax.f32 v6, $0.0e+00;
	v4 =	vadd.f32 v13, v4  }
0x11c: {  	v8 =	vld [tilespmem:s28+$0x4420];
	[tilespmem:s25+$0x440] =	vst v6;
	v5 =	vmax.f32 v5, $0.0e+00;
	v12 =	vadd.f32 v1, v3  }
0x11d: {  	v7 =	vld [tilespmem:s28+$0x4430];
	[tilespmem:s25+$0x450] =	vst v5;
	v3 =	vmax.f32 v4, $0.0e+00  }
0x11e: {  	v6 =	vld [tilespmem:s28+$0x4440];
	[tilespmem:s25+$0x460] =	vst v3;
	v3 =	vmax.f32 v12, $0.0e+00;
	v1 =	vmov v11  }
0x11f: {  	v5 =	vld [tilespmem:s28+$0x4450];
	[tilespmem:s25+$0x470] =	vst v3;
	s25 =	smov.u32 s28  }
0x120: {  	v4 =	vld [tilespmem:s25+$0x4460]  }
0x121: {  	v3 =	vld [tilespmem:s25+$0x4470]  }
0x122: {  	v11 =	vld [tilespmem:s25+$0x400]  }
0x123: {  	v14 =	vld [tilespmem:s25+$0x410]  }
.Ltmp6:
0x124: {  	v16 =	vld [tilespmem:s25+$0x420];
	(pc) =	sbr.rel @p0 .LBB2_6-.Ltmp6, $4  }
0x125: {  	v13 =	vld [tilespmem:s25+$0x430]  }
0x126: {  	v18 =	vshll.u32 v21, $0x10;
	v12 =	vld [tilespmem:s25+$0x440]  }
0x127: {  	v17 =	vand.u32 $0xFFFF0000, v21;
	v15 =	vshll.u32 v22, $0x10;
	v20 =	vadd.f32 v9, v11;
	v11 =	vld [tilespmem:s25+$0x450]  }
0x128: {  	s26 =	sadd.s32 $0x200, s26;
	v9 =	vshll.u32 v2, $0x10;
	v19 =	vadd.f32 v10, v14;
	v14 =	vand.u32 $0xFFFF0000, v22;
	v10 =	vld [tilespmem:s25+$0x460]  }
0x129: {  	v18 =	vadd.f32 v18, v20;
	v8 =	vadd.f32 v8, v16;
	v2 =	vand.u32 $0xFFFF0000, v2;
	v59 =	vld [tilespmem:s25+$0x470]  }
0x12a: {  	v60 =	vshll.u32 v1, $0x10;
	v17 =	vadd.f32 v17, v19;
	v7 =	vadd.f32 v7, v13  }
0x12b: {  	v18 =	vmax.f32 v18, $0.0e+00;
	v8 =	vadd.f32 v15, v8;
	v6 =	vadd.f32 v6, v12  }
0x12c: {  	[tilespmem:s25+$0x400] =	vst v18;
	v61 =	vmax.f32 v17, $0.0e+00;
	v7 =	vadd.f32 v14, v7;
	v5 =	vadd.f32 v5, v11  }
0x12d: {  	[tilespmem:s25+$0x410] =	vst v61;
	v8 =	vmax.f32 v8, $0.0e+00;
	v6 =	vadd.f32 v9, v6;
	v4 =	vadd.f32 v4, v10  }
0x12e: {  	[tilespmem:s25+$0x420] =	vst v8;
	v7 =	vmax.f32 v7, $0.0e+00;
	v2 =	vadd.f32 v2, v5;
	v3 =	vadd.f32 v3, v59  }
0x12f: {  	v1 =	vand.u32 $0xFFFF0000, v1;
	[tilespmem:s25+$0x430] =	vst v7;
	v62 =	vmax.f32 v6, $0.0e+00;
	v4 =	vadd.f32 v60, v4  }
0x130: {  	[tilespmem:s25+$0x440] =	vst v62;
	v2 =	vmax.f32 v2, $0.0e+00;
	v1 =	vadd.f32 v1, v3  }
0x131: {  	[tilespmem:s25+$0x450] =	vst v2;
	v2 =	vmax.f32 v4, $0.0e+00  }
0x132: {  	[tilespmem:s25+$0x460] =	vst v2;
	v1 =	vmax.f32 v1, $0.0e+00  }
0x133: {  	[tilespmem:s25+$0x470] =	vst v1  }
0x134: {  	[spmem:s14] =	stream.indirect.scatter.add.f32 [tilespmem:s13], [sflag:$0x3], $0x80, s31, s4, $0xb8;
	v63 =	vld [tilespmem:$0x0]  }
.LBB2_8:
0x135: {  	p0 =	sge.u32 s24, s7  }
.Ltmp7:
0x136: {  	_ = 	snop;
	(pc) =	sbr.rel @p0 .LBB2_12-.Ltmp7, $1  }
0x137: {  	_ =	sdelay $0x3  }
0x138: {  	s25 =	sadd.s32 $0x2, s24  }
0x139: {  	p0 =	sge.u32 s25, s30  }
0x13a: {  	s26 =	simm.s32 @!p0 $0x7  }
0x13b: {  	_ =	swait.ge @!p0 [sflag:s26], $0x40  }
0x13c: {  	[sflag:s26] =	ssyncset.done @!p0 $0x0  }
0x13d: {  	[sflag:s26] =	ssyncadd.s32 @!p0 $0xFFFFFFC0  }
0x13e: {  	_ =	swait.ge @!p0 [sflag:s26], $0x40  }
0x13f: {  	[sflag:s26] =	ssyncset.done @!p0 $0x0  }
0x140: {  	[sflag:s26] =	ssyncadd.s32 @!p0 $0xFFFFFFC0;
	s26 =	simm.s32 @!p0 $0x3  }
0x141: {  	_ =	swait.ge @!p0 [sflag:s26], $0x2000  }
0x142: {  	s28 =	simm.s32 @!p0 $0x100;
	[sflag:s26] =	ssyncset.done @!p0 $0x0  }
0x143: {  	s29 =	simm.s32 @!p0 $0x400;
	[sflag:s26] =	ssyncadd.s32 @!p0 $0xFFFFE000;
	s26 =	simm.s32 @!p0 $0x40  }
0x144: {  	[tilespmem:s29], [sflag:$0x1] =	stream.indirect.gather @!p0 [hbm4b:s0+s26], $0x80, s28, s26, $0xb8;
	v63 =	vld [tilespmem:$0x0]  }
0x145: {  	s25 =	sshll.u32 @!p0 s25, $0xE;
	s28 =	simm.s32 @!p0 $0x300;
	s29 =	simm.s32 @!p0 $0x4400  }
0x146: {  	[tilespmem:s29], [sflag:$0x1] =	stream.indirect.gather @!p0 [hbm4b:s16+s26], $0x80, s28, s26, $0xb8;
	v63 =	vld [tilespmem:$0x0]  }
0x147: {  	s25 =	sadd.s32 @!p0 s5, s25;
	s26 =	simm.s32 @!p0 $0x0;
	s28 =	simm.s32 @!p0 $0x8400  }
0x148: {  	[tilespmem:s28], [sflag:$0x1] =	stream.linear.gather @!p0 [hbm4b:s25+s26], $0x2000, $0x38;
	v63 =	vld [tilespmem:$0x0]  }
0x149: {  	s25 =	sadd.s32 $0x3, s24  }
0x14a: {  	p0 =	sge.u32 s25, s30  }
0x14b: {  	s25 =	sshll.u32 @!p0 s25, $0xA  }
0x14c: {  	s25 =	sadd.s32 @!p0 s25, s3  }
0x14d: {  	s25 =	sshrl.u32 @!p0 s25, $0x3  }
0x14e: {  	s28 =	simm.s32 @!p0 $0x0;
	s26 =	sadd.s32 @!p0 s17, s25  }
0x14f: {  	[tilespmem:s28], [sflag:$0x5] =	stream.linear.gather @!p0 [hbm4b:s26+s28], $0x40, $0x38;
	v63 =	vld [tilespmem:$0x0]  }
0x150: {  	s25 =	sadd.s32 @!p0 s18, s25;
	s26 =	simm.s32 @!p0 $0x200  }
0x151: {  	[tilespmem:s26], [sflag:$0x5] =	stream.linear.gather @!p0 [hbm4b:s25+s28], $0x40, $0x38;
	v63 =	vld [tilespmem:$0x0]  }
0x152: {  	_ =	swait.ge [sflag:s19], $0x2000  }
0x153: {  	[sflag:s19] =	ssyncset.done $0x0  }
0x154: {  	[sflag:s19] =	ssyncadd.s32 $0xFFFFE000  }
0x155: {  	_ =	swait.ge [sflag:s19], $0x2000  }
0x156: {  	[sflag:s19] =	ssyncset.done $0x0  }
0x157: {  	[sflag:s19] =	ssyncadd.s32 $0xFFFFE000  }
0x158: {  	_ =	swait.ge [sflag:s19], $0x2000  }
0x159: {  	[sflag:s19] =	ssyncset.done $0x0  }
0x15a: {  	s25 =	simm.s32 $0x0;
	[sflag:s19] =	ssyncadd.s32 $0xFFFFE000  }
0x15b: {  	v9 =	vld [tilespmem:s25+$0xA400]  }
0x15c: {  	v10 =	vld [tilespmem:s25+$0xA410]  }
0x15d: {  	v2 =	vld [tilespmem:s25+$0xA420]  }
0x15e: {  	v1 =	vld [tilespmem:s25+$0xA430]  }
0x15f: {  	v11 =	vld [tilespmem:s25+$0x6400]  }
0x160: {  	v14 =	vld [tilespmem:s25+$0x6410]  }
0x161: {  	v8 =	vld [tilespmem:s25+$0x6420]  }
0x162: {  	v7 =	vld [tilespmem:s25+$0x6430]  }
0x163: {  	v6 =	vld [tilespmem:s25+$0x6440]  }
0x164: {  	v5 =	vld [tilespmem:s25+$0x6450]  }
0x165: {  	v4 =	vld [tilespmem:s25+$0x6460]  }
0x166: {  	v3 =	vld [tilespmem:s25+$0x6470]  }
0x167: {  	v15 =	vld [tilespmem:s25+$0x2400]  }
0x168: {  	v19 =	vld [tilespmem:s25+$0x2410]  }
0x169: {  	v16 =	vld [tilespmem:s25+$0x2420]  }
0x16a: {  	v13 =	vld [tilespmem:s25+$0x2430]  }
0x16b: {  	v12 =	vld [tilespmem:s25+$0x2440];
	v18 =	vshll.u32 v9, $0x10  }
0x16c: {  	v17 =	vand.u32 $0xFFFF0000, v9;
	v20 =	vadd.f32 v11, v15;
	v15 =	vshll.u32 v10, $0x10;
	v11 =	vld [tilespmem:s25+$0x2450]  }
0x16d: {  	s26 =	simm.s32 $0x200;
	v19 =	vadd.f32 v14, v19;
	v14 =	vand.u32 $0xFFFF0000, v10;
	v9 =	vshll.u32 v2, $0x10;
	v10 =	vld [tilespmem:s25+$0x2460]  }
.LBB2_10:
0x16e: {  	s28 =	sshra.s32 s26, $0x2;
	p0 =	sne.s32 s26, $0x7E00;
	v18 =	vadd.f32 v18, v20;
	v8 =	vadd.f32 v8, v16;
	v16 =	vand.u32 $0xFFFF0000, v2;
	v20 =	vld [tilespmem:s25+$0x2470]  }
0x16f: {  	v21 =	vld [tilespmem:s28+$0xA400];
	v17 =	vadd.f32 v17, v19;
	v7 =	vadd.f32 v7, v13;
	v13 =	vshll.u32 v1, $0x10  }
0x170: {  	v22 =	vld [tilespmem:s28+$0xA410];
	v18 =	vmax.f32 v18, $0.0e+00;
	v8 =	vadd.f32 v15, v8;
	v6 =	vadd.f32 v6, v12  }
0x171: {  	v2 =	vld [tilespmem:s28+$0xA420];
	[tilespmem:s25+$0x2400] =	vst v18;
	v12 =	vmax.f32 v17, $0.0e+00;
	v7 =	vadd.f32 v14, v7;
	v5 =	vadd.f32 v5, v11  }
0x172: {  	v11 =	vld [tilespmem:s28+$0xA430];
	[tilespmem:s25+$0x2410] =	vst v12;
	v8 =	vmax.f32 v8, $0.0e+00;
	v6 =	vadd.f32 v9, v6;
	v4 =	vadd.f32 v4, v10  }
0x173: {  	v9 =	vld [tilespmem:s28+$0x6400];
	[tilespmem:s25+$0x2420] =	vst v8;
	v7 =	vmax.f32 v7, $0.0e+00;
	v5 =	vadd.f32 v16, v5;
	v3 =	vadd.f32 v3, v20  }
0x174: {  	v1 =	vand.u32 $0xFFFF0000, v1;
	v10 =	vld [tilespmem:s28+$0x6410];
	[tilespmem:s25+$0x2430] =	vst v7;
	v6 =	vmax.f32 v6, $0.0e+00;
	v4 =	vadd.f32 v13, v4  }
0x175: {  	v8 =	vld [tilespmem:s28+$0x6420];
	[tilespmem:s25+$0x2440] =	vst v6;
	v5 =	vmax.f32 v5, $0.0e+00;
	v12 =	vadd.f32 v1, v3  }
0x176: {  	v7 =	vld [tilespmem:s28+$0x6430];
	[tilespmem:s25+$0x2450] =	vst v5;
	v3 =	vmax.f32 v4, $0.0e+00  }
0x177: {  	v6 =	vld [tilespmem:s28+$0x6440];
	[tilespmem:s25+$0x2460] =	vst v3;
	v3 =	vmax.f32 v12, $0.0e+00;
	v1 =	vmov v11  }
0x178: {  	v5 =	vld [tilespmem:s28+$0x6450];
	[tilespmem:s25+$0x2470] =	vst v3;
	s25 =	smov.u32 s28  }
0x179: {  	v4 =	vld [tilespmem:s25+$0x6460]  }
0x17a: {  	v3 =	vld [tilespmem:s25+$0x6470]  }
0x17b: {  	v11 =	vld [tilespmem:s25+$0x2400]  }
0x17c: {  	v14 =	vld [tilespmem:s25+$0x2410]  }
.Ltmp8:
0x17d: {  	v16 =	vld [tilespmem:s25+$0x2420];
	(pc) =	sbr.rel @p0 .LBB2_10-.Ltmp8, $4  }
0x17e: {  	v13 =	vld [tilespmem:s25+$0x2430]  }
0x17f: {  	v18 =	vshll.u32 v21, $0x10;
	v12 =	vld [tilespmem:s25+$0x2440]  }
0x180: {  	v17 =	vand.u32 $0xFFFF0000, v21;
	v15 =	vshll.u32 v22, $0x10;
	v20 =	vadd.f32 v9, v11;
	v11 =	vld [tilespmem:s25+$0x2450]  }
0x181: {  	s26 =	sadd.s32 $0x200, s26;
	v9 =	vshll.u32 v2, $0x10;
	v19 =	vadd.f32 v10, v14;
	v14 =	vand.u32 $0xFFFF0000, v22;
	v10 =	vld [tilespmem:s25+$0x2460]  }
0x182: {  	v18 =	vadd.f32 v18, v20;
	v8 =	vadd.f32 v8, v16;
	v2 =	vand.u32 $0xFFFF0000, v2;
	v59 =	vld [tilespmem:s25+$0x2470]  }
0x183: {  	v60 =	vshll.u32 v1, $0x10;
	v17 =	vadd.f32 v17, v19;
	v7 =	vadd.f32 v7, v13  }
0x184: {  	v18 =	vmax.f32 v18, $0.0e+00;
	v8 =	vadd.f32 v15, v8;
	v6 =	vadd.f32 v6, v12  }
0x185: {  	[tilespmem:s25+$0x2400] =	vst v18;
	v61 =	vmax.f32 v17, $0.0e+00;
	v7 =	vadd.f32 v14, v7;
	v5 =	vadd.f32 v5, v11  }
0x186: {  	[tilespmem:s25+$0x2410] =	vst v61;
	v8 =	vmax.f32 v8, $0.0e+00;
	v6 =	vadd.f32 v9, v6;
	v4 =	vadd.f32 v4, v10  }
0x187: {  	[tilespmem:s25+$0x2420] =	vst v8;
	v7 =	vmax.f32 v7, $0.0e+00;
	v2 =	vadd.f32 v2, v5;
	v3 =	vadd.f32 v3, v59  }
0x188: {  	v1 =	vand.u32 $0xFFFF0000, v1;
	[tilespmem:s25+$0x2430] =	vst v7;
	v62 =	vmax.f32 v6, $0.0e+00;
	v4 =	vadd.f32 v60, v4  }
0x189: {  	[tilespmem:s25+$0x2440] =	vst v62;
	v2 =	vmax.f32 v2, $0.0e+00;
	v1 =	vadd.f32 v1, v3  }
0x18a: {  	[tilespmem:s25+$0x2450] =	vst v2;
	v2 =	vmax.f32 v4, $0.0e+00  }
0x18b: {  	[tilespmem:s25+$0x2460] =	vst v2;
	v1 =	vmax.f32 v1, $0.0e+00  }
0x18c: {  	[tilespmem:s25+$0x2470] =	vst v1  }
0x18d: {  	[spmem:s14] =	stream.indirect.scatter.add.f32 [tilespmem:s20], [sflag:$0x4], $0x80, s11, s4, $0xb8;
	v63 =	vld [tilespmem:$0x0]  }
.LBB2_12:
0x18e: {  	p0 =	sge.u32 s24, s8  }
.Ltmp9:
0x18f: {  	_ = 	snop;
	(pc) =	sbr.rel @p0 .LBB2_16-.Ltmp9, $1  }
0x190: {  	_ =	sdelay $0x3  }
0x191: {  	s25 =	sadd.s32 $0x3, s24  }
0x192: {  	p0 =	sge.u32 s25, s30  }
0x193: {  	s26 =	simm.s32 @!p0 $0x5  }
0x194: {  	_ =	swait.ge @!p0 [sflag:s26], $0x40  }
0x195: {  	[sflag:s26] =	ssyncset.done @!p0 $0x0  }
0x196: {  	[sflag:s26] =	ssyncadd.s32 @!p0 $0xFFFFFFC0  }
0x197: {  	_ =	swait.ge @!p0 [sflag:s26], $0x40  }
0x198: {  	[sflag:s26] =	ssyncset.done @!p0 $0x0  }
0x199: {  	[sflag:s26] =	ssyncadd.s32 @!p0 $0xFFFFFFC0;
	s26 =	simm.s32 @!p0 $0x4  }
0x19a: {  	_ =	swait.ge @!p0 [sflag:s26], $0x2000  }
0x19b: {  	s28 =	simm.s32 @!p0 $0x0;
	[sflag:s26] =	ssyncset.done @!p0 $0x0  }
0x19c: {  	s29 =	simm.s32 @!p0 $0x2400;
	[sflag:s26] =	ssyncadd.s32 @!p0 $0xFFFFE000;
	s26 =	simm.s32 @!p0 $0x40  }
0x19d: {  	[tilespmem:s29], [sflag:$0x2] =	stream.indirect.gather @!p0 [hbm4b:s0+s26], $0x80, s28, s26, $0xb8;
	v63 =	vld [tilespmem:$0x0]  }
0x19e: {  	s1 =	simm.s32 @!p0 $0x6400;
	s29 =	simm.s32 @!p0 $0x200  }
0x19f: {  	[tilespmem:s1], [sflag:$0x2] =	stream.indirect.gather @!p0 [hbm4b:s16+s26], $0x80, s29, s26, $0xb8;
	v63 =	vld [tilespmem:$0x0]  }
0x1a0: {  	s1 =	sshll.u32 @!p0 s25, $0xE  }
0x1a1: {  	s25 =	simm.s32 @!p0 $0xA400;
	s1 =	sadd.s32 @!p0 s5, s1  }
0x1a2: {  	[tilespmem:s25], [sflag:$0x2] =	stream.linear.gather @!p0 [hbm4b:s1+s28], $0x2000, $0x38;
	v63 =	vld [tilespmem:$0x0]  }
0x1a3: {  	s1 =	sadd.s32 $0x4, s24  }
0x1a4: {  	p0 =	sge.u32 s1, s30  }
0x1a5: {  	s1 =	sshll.u32 @!p0 s1, $0xA  }
0x1a6: {  	s1 =	sadd.s32 @!p0 s1, s3  }
0x1a7: {  	s1 =	sshrl.u32 @!p0 s1, $0x3  }
0x1a8: {  	s26 =	simm.s32 @!p0 $0x0;
	s28 =	simm.s32 @!p0 $0x80;
	s25 =	sadd.s32 @!p0 s17, s1  }
0x1a9: {  	[tilespmem:s28], [sflag:$0x6] =	stream.linear.gather @!p0 [hbm4b:s25+s26], $0x40, $0x38;
	v63 =	vld [tilespmem:$0x0]  }
0x1aa: {  	s1 =	sadd.s32 @!p0 s18, s1;
	s25 =	simm.s32 @!p0 $0x280  }
0x1ab: {  	[tilespmem:s25], [sflag:$0x6] =	stream.linear.gather @!p0 [hbm4b:s1+s26], $0x40, $0x38;
	v63 =	vld [tilespmem:$0x0]  }
0x1ac: {  	_ =	swait.ge [sflag:s6], $0x2000  }
0x1ad: {  	[sflag:s6] =	ssyncset.done $0x0  }
0x1ae: {  	[sflag:s6] =	ssyncadd.s32 $0xFFFFE000  }
0x1af: {  	_ =	swait.ge [sflag:s6], $0x2000  }
0x1b0: {  	[sflag:s6] =	ssyncset.done $0x0  }
0x1b1: {  	[sflag:s6] =	ssyncadd.s32 $0xFFFFE000  }
0x1b2: {  	_ =	swait.ge [sflag:s6], $0x2000  }
0x1b3: {  	[sflag:s6] =	ssyncset.done $0x0  }
0x1b4: {  	s25 =	simm.s32 $0x0;
	[sflag:s6] =	ssyncadd.s32 $0xFFFFE000  }
0x1b5: {  	v9 =	vld [tilespmem:s25+$0x8400]  }
0x1b6: {  	v10 =	vld [tilespmem:s25+$0x8410]  }
0x1b7: {  	v2 =	vld [tilespmem:s25+$0x8420]  }
0x1b8: {  	v1 =	vld [tilespmem:s25+$0x8430]  }
0x1b9: {  	v11 =	vld [tilespmem:s25+$0x4400]  }
0x1ba: {  	v14 =	vld [tilespmem:s25+$0x4410]  }
0x1bb: {  	v8 =	vld [tilespmem:s25+$0x4420]  }
0x1bc: {  	v7 =	vld [tilespmem:s25+$0x4430]  }
0x1bd: {  	v6 =	vld [tilespmem:s25+$0x4440]  }
0x1be: {  	v5 =	vld [tilespmem:s25+$0x4450]  }
0x1bf: {  	v4 =	vld [tilespmem:s25+$0x4460]  }
0x1c0: {  	v3 =	vld [tilespmem:s25+$0x4470]  }
0x1c1: {  	v15 =	vld [tilespmem:s25+$0x400]  }
0x1c2: {  	v19 =	vld [tilespmem:s25+$0x410]  }
0x1c3: {  	v16 =	vld [tilespmem:s25+$0x420]  }
0x1c4: {  	v13 =	vld [tilespmem:s25+$0x430]  }
0x1c5: {  	v12 =	vld [tilespmem:s25+$0x440];
	v18 =	vshll.u32 v9, $0x10  }
0x1c6: {  	v17 =	vand.u32 $0xFFFF0000, v9;
	v20 =	vadd.f32 v11, v15;
	v15 =	vshll.u32 v10, $0x10;
	v11 =	vld [tilespmem:s25+$0x450]  }
0x1c7: {  	s26 =	simm.s32 $0x200;
	v19 =	vadd.f32 v14, v19;
	v14 =	vand.u32 $0xFFFF0000, v10;
	v9 =	vshll.u32 v2, $0x10;
	v10 =	vld [tilespmem:s25+$0x460]  }
.LBB2_14:
0x1c8: {  	s1 =	sshra.s32 s26, $0x2;
	p0 =	sne.s32 s26, $0x7E00;
	v18 =	vadd.f32 v18, v20;
	v8 =	vadd.f32 v8, v16;
	v16 =	vand.u32 $0xFFFF0000, v2;
	v20 =	vld [tilespmem:s25+$0x470]  }
0x1c9: {  	v21 =	vld [tilespmem:s1+$0x8400];
	v17 =	vadd.f32 v17, v19;
	v7 =	vadd.f32 v7, v13;
	v13 =	vshll.u32 v1, $0x10  }
0x1ca: {  	v22 =	vld [tilespmem:s1+$0x8410];
	v18 =	vmax.f32 v18, $0.0e+00;
	v8 =	vadd.f32 v15, v8;
	v6 =	vadd.f32 v6, v12  }
0x1cb: {  	v2 =	vld [tilespmem:s1+$0x8420];
	[tilespmem:s25+$0x400] =	vst v18;
	v12 =	vmax.f32 v17, $0.0e+00;
	v7 =	vadd.f32 v14, v7;
	v5 =	vadd.f32 v5, v11  }
0x1cc: {  	v11 =	vld [tilespmem:s1+$0x8430];
	[tilespmem:s25+$0x410] =	vst v12;
	v8 =	vmax.f32 v8, $0.0e+00;
	v6 =	vadd.f32 v9, v6;
	v4 =	vadd.f32 v4, v10  }
0x1cd: {  	v9 =	vld [tilespmem:s1+$0x4400];
	[tilespmem:s25+$0x420] =	vst v8;
	v7 =	vmax.f32 v7, $0.0e+00;
	v5 =	vadd.f32 v16, v5;
	v3 =	vadd.f32 v3, v20  }
0x1ce: {  	v1 =	vand.u32 $0xFFFF0000, v1;
	v10 =	vld [tilespmem:s1+$0x4410];
	[tilespmem:s25+$0x430] =	vst v7;
	v6 =	vmax.f32 v6, $0.0e+00;
	v4 =	vadd.f32 v13, v4  }
0x1cf: {  	v8 =	vld [tilespmem:s1+$0x4420];
	[tilespmem:s25+$0x440] =	vst v6;
	v5 =	vmax.f32 v5, $0.0e+00;
	v12 =	vadd.f32 v1, v3  }
0x1d0: {  	v7 =	vld [tilespmem:s1+$0x4430];
	[tilespmem:s25+$0x450] =	vst v5;
	v3 =	vmax.f32 v4, $0.0e+00  }
0x1d1: {  	v6 =	vld [tilespmem:s1+$0x4440];
	[tilespmem:s25+$0x460] =	vst v3;
	v3 =	vmax.f32 v12, $0.0e+00;
	v1 =	vmov v11  }
0x1d2: {  	v5 =	vld [tilespmem:s1+$0x4450];
	[tilespmem:s25+$0x470] =	vst v3;
	s25 =	smov.u32 s1  }
0x1d3: {  	v4 =	vld [tilespmem:s25+$0x4460]  }
0x1d4: {  	v3 =	vld [tilespmem:s25+$0x4470]  }
0x1d5: {  	v11 =	vld [tilespmem:s25+$0x400]  }
0x1d6: {  	v14 =	vld [tilespmem:s25+$0x410]  }
.Ltmp10:
0x1d7: {  	v16 =	vld [tilespmem:s25+$0x420];
	(pc) =	sbr.rel @p0 .LBB2_14-.Ltmp10, $4  }
0x1d8: {  	v13 =	vld [tilespmem:s25+$0x430]  }
0x1d9: {  	v18 =	vshll.u32 v21, $0x10;
	v12 =	vld [tilespmem:s25+$0x440]  }
0x1da: {  	v17 =	vand.u32 $0xFFFF0000, v21;
	v15 =	vshll.u32 v22, $0x10;
	v20 =	vadd.f32 v9, v11;
	v11 =	vld [tilespmem:s25+$0x450]  }
0x1db: {  	s26 =	sadd.s32 $0x200, s26;
	v9 =	vshll.u32 v2, $0x10;
	v19 =	vadd.f32 v10, v14;
	v14 =	vand.u32 $0xFFFF0000, v22;
	v10 =	vld [tilespmem:s25+$0x460]  }
0x1dc: {  	v18 =	vadd.f32 v18, v20;
	v8 =	vadd.f32 v8, v16;
	v2 =	vand.u32 $0xFFFF0000, v2;
	v59 =	vld [tilespmem:s25+$0x470]  }
0x1dd: {  	v60 =	vshll.u32 v1, $0x10;
	v17 =	vadd.f32 v17, v19;
	v7 =	vadd.f32 v7, v13  }
0x1de: {  	v18 =	vmax.f32 v18, $0.0e+00;
	v8 =	vadd.f32 v15, v8;
	v6 =	vadd.f32 v6, v12  }
0x1df: {  	[tilespmem:s25+$0x400] =	vst v18;
	v61 =	vmax.f32 v17, $0.0e+00;
	v7 =	vadd.f32 v14, v7;
	v5 =	vadd.f32 v5, v11  }
0x1e0: {  	[tilespmem:s25+$0x410] =	vst v61;
	v8 =	vmax.f32 v8, $0.0e+00;
	v6 =	vadd.f32 v9, v6;
	v4 =	vadd.f32 v4, v10  }
0x1e1: {  	[tilespmem:s25+$0x420] =	vst v8;
	v7 =	vmax.f32 v7, $0.0e+00;
	v2 =	vadd.f32 v2, v5;
	v3 =	vadd.f32 v3, v59  }
0x1e2: {  	v1 =	vand.u32 $0xFFFF0000, v1;
	[tilespmem:s25+$0x430] =	vst v7;
	v62 =	vmax.f32 v6, $0.0e+00;
	v4 =	vadd.f32 v60, v4  }
0x1e3: {  	[tilespmem:s25+$0x440] =	vst v62;
	v2 =	vmax.f32 v2, $0.0e+00;
	v1 =	vadd.f32 v1, v3  }
0x1e4: {  	[tilespmem:s25+$0x450] =	vst v2;
	v2 =	vmax.f32 v4, $0.0e+00  }
0x1e5: {  	[tilespmem:s25+$0x460] =	vst v2;
	v1 =	vmax.f32 v1, $0.0e+00  }
0x1e6: {  	[tilespmem:s25+$0x470] =	vst v1  }
0x1e7: {  	[spmem:s14] =	stream.indirect.scatter.add.f32 [tilespmem:s13], [sflag:$0x3], $0x80, s21, s4, $0xb8;
	v63 =	vld [tilespmem:$0x0]  }
.LBB2_16:
0x1e8: {  	p0 =	sge.u32 s24, s9  }
.Ltmp11:
0x1e9: {  	_ = 	snop;
	(pc) =	sbr.rel @p0 .LBB2_20-.Ltmp11, $1  }
0x1ea: {  	_ =	sdelay $0x3  }
0x1eb: {  	s1 =	sadd.s32 $0x4, s24  }
0x1ec: {  	p0 =	sge.u32 s1, s30  }
0x1ed: {  	s25 =	simm.s32 @!p0 $0x6  }
0x1ee: {  	_ =	swait.ge @!p0 [sflag:s25], $0x40  }
0x1ef: {  	[sflag:s25] =	ssyncset.done @!p0 $0x0  }
0x1f0: {  	[sflag:s25] =	ssyncadd.s32 @!p0 $0xFFFFFFC0  }
0x1f1: {  	_ =	swait.ge @!p0 [sflag:s25], $0x40  }
0x1f2: {  	[sflag:s25] =	ssyncset.done @!p0 $0x0  }
0x1f3: {  	[sflag:s25] =	ssyncadd.s32 @!p0 $0xFFFFFFC0;
	s25 =	simm.s32 @!p0 $0x3  }
0x1f4: {  	_ =	swait.ge @!p0 [sflag:s25], $0x2000  }
0x1f5: {  	s26 =	simm.s32 @!p0 $0x80;
	[sflag:s25] =	ssyncset.done @!p0 $0x0  }
0x1f6: {  	s28 =	simm.s32 @!p0 $0x400;
	[sflag:s25] =	ssyncadd.s32 @!p0 $0xFFFFE000;
	s25 =	simm.s32 @!p0 $0x40  }
0x1f7: {  	[tilespmem:s28], [sflag:$0x1] =	stream.indirect.gather @!p0 [hbm4b:s0+s25], $0x80, s26, s25, $0xb8;
	v63 =	vld [tilespmem:$0x0]  }
0x1f8: {  	s1 =	sshll.u32 @!p0 s1, $0xE;
	s26 =	simm.s32 @!p0 $0x280;
	s28 =	simm.s32 @!p0 $0x4400  }
0x1f9: {  	[tilespmem:s28], [sflag:$0x1] =	stream.indirect.gather @!p0 [hbm4b:s16+s25], $0x80, s26, s25, $0xb8;
	v63 =	vld [tilespmem:$0x0]  }
0x1fa: {  	s1 =	sadd.s32 @!p0 s5, s1;
	s25 =	simm.s32 @!p0 $0x0;
	s26 =	simm.s32 @!p0 $0x8400  }
0x1fb: {  	[tilespmem:s26], [sflag:$0x1] =	stream.linear.gather @!p0 [hbm4b:s1+s25], $0x2000, $0x38;
	v63 =	vld [tilespmem:$0x0]  }
0x1fc: {  	s1 =	sadd.s32 $0x5, s24  }
0x1fd: {  	p0 =	sge.u32 s1, s30  }
0x1fe: {  	s1 =	sshll.u32 @!p0 s1, $0xA  }
0x1ff: {  	s1 =	sadd.s32 @!p0 s1, s3  }
0x200: {  	s1 =	sshrl.u32 @!p0 s1, $0x3  }
0x201: {  	s26 =	simm.s32 @!p0 $0x0;
	s28 =	simm.s32 @!p0 $0x100;
	s25 =	sadd.s32 @!p0 s17, s1  }
0x202: {  	[tilespmem:s28], [sflag:$0x7] =	stream.linear.gather @!p0 [hbm4b:s25+s26], $0x40, $0x38;
	v63 =	vld [tilespmem:$0x0]  }
0x203: {  	s1 =	sadd.s32 @!p0 s18, s1;
	s25 =	simm.s32 @!p0 $0x300  }
0x204: {  	[tilespmem:s25], [sflag:$0x7] =	stream.linear.gather @!p0 [hbm4b:s1+s26], $0x40, $0x38;
	v63 =	vld [tilespmem:$0x0]  }
0x205: {  	_ =	swait.ge [sflag:s19], $0x2000  }
0x206: {  	[sflag:s19] =	ssyncset.done $0x0  }
0x207: {  	[sflag:s19] =	ssyncadd.s32 $0xFFFFE000  }
0x208: {  	_ =	swait.ge [sflag:s19], $0x2000  }
0x209: {  	[sflag:s19] =	ssyncset.done $0x0  }
0x20a: {  	[sflag:s19] =	ssyncadd.s32 $0xFFFFE000  }
0x20b: {  	_ =	swait.ge [sflag:s19], $0x2000  }
0x20c: {  	[sflag:s19] =	ssyncset.done $0x0  }
0x20d: {  	s25 =	simm.s32 $0x0;
	[sflag:s19] =	ssyncadd.s32 $0xFFFFE000  }
0x20e: {  	v9 =	vld [tilespmem:s25+$0xA400]  }
0x20f: {  	v10 =	vld [tilespmem:s25+$0xA410]  }
0x210: {  	v2 =	vld [tilespmem:s25+$0xA420]  }
0x211: {  	v1 =	vld [tilespmem:s25+$0xA430]  }
0x212: {  	v11 =	vld [tilespmem:s25+$0x6400]  }
0x213: {  	v14 =	vld [tilespmem:s25+$0x6410]  }
0x214: {  	v8 =	vld [tilespmem:s25+$0x6420]  }
0x215: {  	v7 =	vld [tilespmem:s25+$0x6430]  }
0x216: {  	v6 =	vld [tilespmem:s25+$0x6440]  }
0x217: {  	v5 =	vld [tilespmem:s25+$0x6450]  }
0x218: {  	v4 =	vld [tilespmem:s25+$0x6460]  }
0x219: {  	v3 =	vld [tilespmem:s25+$0x6470]  }
0x21a: {  	v15 =	vld [tilespmem:s25+$0x2400]  }
0x21b: {  	v19 =	vld [tilespmem:s25+$0x2410]  }
0x21c: {  	v16 =	vld [tilespmem:s25+$0x2420]  }
0x21d: {  	v13 =	vld [tilespmem:s25+$0x2430]  }
0x21e: {  	v12 =	vld [tilespmem:s25+$0x2440];
	v18 =	vshll.u32 v9, $0x10  }
0x21f: {  	v17 =	vand.u32 $0xFFFF0000, v9;
	v20 =	vadd.f32 v11, v15;
	v15 =	vshll.u32 v10, $0x10;
	v11 =	vld [tilespmem:s25+$0x2450]  }
0x220: {  	s26 =	simm.s32 $0x200;
	v19 =	vadd.f32 v14, v19;
	v14 =	vand.u32 $0xFFFF0000, v10;
	v9 =	vshll.u32 v2, $0x10;
	v10 =	vld [tilespmem:s25+$0x2460]  }
.LBB2_18:
0x221: {  	s1 =	sshra.s32 s26, $0x2;
	p0 =	sne.s32 s26, $0x7E00;
	v18 =	vadd.f32 v18, v20;
	v8 =	vadd.f32 v8, v16;
	v16 =	vand.u32 $0xFFFF0000, v2;
	v20 =	vld [tilespmem:s25+$0x2470]  }
0x222: {  	v21 =	vld [tilespmem:s1+$0xA400];
	v17 =	vadd.f32 v17, v19;
	v7 =	vadd.f32 v7, v13;
	v13 =	vshll.u32 v1, $0x10  }
0x223: {  	v22 =	vld [tilespmem:s1+$0xA410];
	v18 =	vmax.f32 v18, $0.0e+00;
	v8 =	vadd.f32 v15, v8;
	v6 =	vadd.f32 v6, v12  }
0x224: {  	v2 =	vld [tilespmem:s1+$0xA420];
	[tilespmem:s25+$0x2400] =	vst v18;
	v12 =	vmax.f32 v17, $0.0e+00;
	v7 =	vadd.f32 v14, v7;
	v5 =	vadd.f32 v5, v11  }
0x225: {  	v11 =	vld [tilespmem:s1+$0xA430];
	[tilespmem:s25+$0x2410] =	vst v12;
	v8 =	vmax.f32 v8, $0.0e+00;
	v6 =	vadd.f32 v9, v6;
	v4 =	vadd.f32 v4, v10  }
0x226: {  	v9 =	vld [tilespmem:s1+$0x6400];
	[tilespmem:s25+$0x2420] =	vst v8;
	v7 =	vmax.f32 v7, $0.0e+00;
	v5 =	vadd.f32 v16, v5;
	v3 =	vadd.f32 v3, v20  }
0x227: {  	v1 =	vand.u32 $0xFFFF0000, v1;
	v10 =	vld [tilespmem:s1+$0x6410];
	[tilespmem:s25+$0x2430] =	vst v7;
	v6 =	vmax.f32 v6, $0.0e+00;
	v4 =	vadd.f32 v13, v4  }
0x228: {  	v8 =	vld [tilespmem:s1+$0x6420];
	[tilespmem:s25+$0x2440] =	vst v6;
	v5 =	vmax.f32 v5, $0.0e+00;
	v12 =	vadd.f32 v1, v3  }
0x229: {  	v7 =	vld [tilespmem:s1+$0x6430];
	[tilespmem:s25+$0x2450] =	vst v5;
	v3 =	vmax.f32 v4, $0.0e+00  }
0x22a: {  	v6 =	vld [tilespmem:s1+$0x6440];
	[tilespmem:s25+$0x2460] =	vst v3;
	v3 =	vmax.f32 v12, $0.0e+00;
	v1 =	vmov v11  }
0x22b: {  	v5 =	vld [tilespmem:s1+$0x6450];
	[tilespmem:s25+$0x2470] =	vst v3;
	s25 =	smov.u32 s1  }
0x22c: {  	v4 =	vld [tilespmem:s25+$0x6460]  }
0x22d: {  	v3 =	vld [tilespmem:s25+$0x6470]  }
0x22e: {  	v11 =	vld [tilespmem:s25+$0x2400]  }
0x22f: {  	v14 =	vld [tilespmem:s25+$0x2410]  }
.Ltmp12:
0x230: {  	v16 =	vld [tilespmem:s25+$0x2420];
	(pc) =	sbr.rel @p0 .LBB2_18-.Ltmp12, $4  }
0x231: {  	v13 =	vld [tilespmem:s25+$0x2430]  }
0x232: {  	v18 =	vshll.u32 v21, $0x10;
	v12 =	vld [tilespmem:s25+$0x2440]  }
0x233: {  	v17 =	vand.u32 $0xFFFF0000, v21;
	v15 =	vshll.u32 v22, $0x10;
	v20 =	vadd.f32 v9, v11;
	v11 =	vld [tilespmem:s25+$0x2450]  }
0x234: {  	s26 =	sadd.s32 $0x200, s26;
	v9 =	vshll.u32 v2, $0x10;
	v19 =	vadd.f32 v10, v14;
	v14 =	vand.u32 $0xFFFF0000, v22;
	v10 =	vld [tilespmem:s25+$0x2460]  }
0x235: {  	v18 =	vadd.f32 v18, v20;
	v8 =	vadd.f32 v8, v16;
	v2 =	vand.u32 $0xFFFF0000, v2;
	v59 =	vld [tilespmem:s25+$0x2470]  }
0x236: {  	v60 =	vshll.u32 v1, $0x10;
	v17 =	vadd.f32 v17, v19;
	v7 =	vadd.f32 v7, v13  }
0x237: {  	v18 =	vmax.f32 v18, $0.0e+00;
	v8 =	vadd.f32 v15, v8;
	v6 =	vadd.f32 v6, v12  }
0x238: {  	[tilespmem:s25+$0x2400] =	vst v18;
	v61 =	vmax.f32 v17, $0.0e+00;
	v7 =	vadd.f32 v14, v7;
	v5 =	vadd.f32 v5, v11  }
0x239: {  	[tilespmem:s25+$0x2410] =	vst v61;
	v8 =	vmax.f32 v8, $0.0e+00;
	v6 =	vadd.f32 v9, v6;
	v4 =	vadd.f32 v4, v10  }
0x23a: {  	[tilespmem:s25+$0x2420] =	vst v8;
	v7 =	vmax.f32 v7, $0.0e+00;
	v2 =	vadd.f32 v2, v5;
	v3 =	vadd.f32 v3, v59  }
0x23b: {  	v1 =	vand.u32 $0xFFFF0000, v1;
	[tilespmem:s25+$0x2430] =	vst v7;
	v62 =	vmax.f32 v6, $0.0e+00;
	v4 =	vadd.f32 v60, v4  }
0x23c: {  	[tilespmem:s25+$0x2440] =	vst v62;
	v2 =	vmax.f32 v2, $0.0e+00;
	v1 =	vadd.f32 v1, v3  }
0x23d: {  	[tilespmem:s25+$0x2450] =	vst v2;
	v2 =	vmax.f32 v4, $0.0e+00  }
0x23e: {  	[tilespmem:s25+$0x2460] =	vst v2;
	v1 =	vmax.f32 v1, $0.0e+00  }
0x23f: {  	[tilespmem:s25+$0x2470] =	vst v1  }
0x240: {  	[spmem:s14] =	stream.indirect.scatter.add.f32 [tilespmem:s20], [sflag:$0x4], $0x80, s31, s4, $0xb8;
	v63 =	vld [tilespmem:$0x0]  }
.LBB2_20:
0x241: {  	p0 =	sge.u32 s24, s10  }
.Ltmp13:
0x242: {  	_ = 	snop;
	(pc) =	sbr.rel @p0 .LBB2_24-.Ltmp13, $1  }
0x243: {  	_ =	sdelay $0x3  }
0x244: {  	s1 =	sadd.s32 $0x5, s24  }
0x245: {  	p0 =	sge.u32 s1, s30  }
0x246: {  	s25 =	simm.s32 @!p0 $0x7  }
0x247: {  	_ =	swait.ge @!p0 [sflag:s25], $0x40  }
0x248: {  	[sflag:s25] =	ssyncset.done @!p0 $0x0  }
0x249: {  	[sflag:s25] =	ssyncadd.s32 @!p0 $0xFFFFFFC0  }
0x24a: {  	_ =	swait.ge @!p0 [sflag:s25], $0x40  }
0x24b: {  	[sflag:s25] =	ssyncset.done @!p0 $0x0  }
0x24c: {  	[sflag:s25] =	ssyncadd.s32 @!p0 $0xFFFFFFC0;
	s25 =	simm.s32 @!p0 $0x4  }
0x24d: {  	_ =	swait.ge @!p0 [sflag:s25], $0x2000  }
0x24e: {  	s26 =	simm.s32 @!p0 $0x100;
	[sflag:s25] =	ssyncset.done @!p0 $0x0  }
0x24f: {  	s28 =	simm.s32 @!p0 $0x2400;
	[sflag:s25] =	ssyncadd.s32 @!p0 $0xFFFFE000;
	s25 =	simm.s32 @!p0 $0x40  }
0x250: {  	[tilespmem:s28], [sflag:$0x2] =	stream.indirect.gather @!p0 [hbm4b:s0+s25], $0x80, s26, s25, $0xb8;
	v63 =	vld [tilespmem:$0x0]  }
0x251: {  	s1 =	sshll.u32 @!p0 s1, $0xE;
	s26 =	simm.s32 @!p0 $0x300;
	s28 =	simm.s32 @!p0 $0x6400  }
0x252: {  	[tilespmem:s28], [sflag:$0x2] =	stream.indirect.gather @!p0 [hbm4b:s16+s25], $0x80, s26, s25, $0xb8;
	v63 =	vld [tilespmem:$0x0]  }
0x253: {  	s1 =	sadd.s32 @!p0 s5, s1;
	s25 =	simm.s32 @!p0 $0x0;
	s26 =	simm.s32 @!p0 $0xA400  }
0x254: {  	[tilespmem:s26], [sflag:$0x2] =	stream.linear.gather @!p0 [hbm4b:s1+s25], $0x2000, $0x38;
	v63 =	vld [tilespmem:$0x0]  }
0x255: {  	s1 =	sadd.s32 $0x6, s24  }
0x256: {  	p0 =	sge.u32 s1, s30  }
0x257: {  	s1 =	sshll.u32 @!p0 s1, $0xA  }
0x258: {  	s1 =	sadd.s32 @!p0 s1, s3  }
0x259: {  	s1 =	sshrl.u32 @!p0 s1, $0x3  }
0x25a: {  	s26 =	simm.s32 @!p0 $0x0;
	s25 =	sadd.s32 @!p0 s17, s1  }
0x25b: {  	[tilespmem:s26], [sflag:$0x5] =	stream.linear.gather @!p0 [hbm4b:s25+s26], $0x40, $0x38;
	v63 =	vld [tilespmem:$0x0]  }
0x25c: {  	s1 =	sadd.s32 @!p0 s18, s1;
	s25 =	simm.s32 @!p0 $0x200  }
0x25d: {  	[tilespmem:s25], [sflag:$0x5] =	stream.linear.gather @!p0 [hbm4b:s1+s26], $0x40, $0x38;
	v63 =	vld [tilespmem:$0x0]  }
0x25e: {  	_ =	swait.ge [sflag:s6], $0x2000  }
0x25f: {  	[sflag:s6] =	ssyncset.done $0x0  }
0x260: {  	[sflag:s6] =	ssyncadd.s32 $0xFFFFE000  }
0x261: {  	_ =	swait.ge [sflag:s6], $0x2000  }
0x262: {  	[sflag:s6] =	ssyncset.done $0x0  }
0x263: {  	[sflag:s6] =	ssyncadd.s32 $0xFFFFE000  }
0x264: {  	_ =	swait.ge [sflag:s6], $0x2000  }
0x265: {  	[sflag:s6] =	ssyncset.done $0x0  }
0x266: {  	s25 =	simm.s32 $0x0;
	[sflag:s6] =	ssyncadd.s32 $0xFFFFE000  }
0x267: {  	v9 =	vld [tilespmem:s25+$0x8400]  }
0x268: {  	v10 =	vld [tilespmem:s25+$0x8410]  }
0x269: {  	v2 =	vld [tilespmem:s25+$0x8420]  }
0x26a: {  	v1 =	vld [tilespmem:s25+$0x8430]  }
0x26b: {  	v11 =	vld [tilespmem:s25+$0x4400]  }
0x26c: {  	v14 =	vld [tilespmem:s25+$0x4410]  }
0x26d: {  	v8 =	vld [tilespmem:s25+$0x4420]  }
0x26e: {  	v7 =	vld [tilespmem:s25+$0x4430]  }
0x26f: {  	v6 =	vld [tilespmem:s25+$0x4440]  }
0x270: {  	v5 =	vld [tilespmem:s25+$0x4450]  }
0x271: {  	v4 =	vld [tilespmem:s25+$0x4460]  }
0x272: {  	v3 =	vld [tilespmem:s25+$0x4470]  }
0x273: {  	v15 =	vld [tilespmem:s25+$0x400]  }
0x274: {  	v19 =	vld [tilespmem:s25+$0x410]  }
0x275: {  	v16 =	vld [tilespmem:s25+$0x420]  }
0x276: {  	v13 =	vld [tilespmem:s25+$0x430]  }
0x277: {  	v12 =	vld [tilespmem:s25+$0x440];
	v18 =	vshll.u32 v9, $0x10  }
0x278: {  	v17 =	vand.u32 $0xFFFF0000, v9;
	v20 =	vadd.f32 v11, v15;
	v15 =	vshll.u32 v10, $0x10;
	v11 =	vld [tilespmem:s25+$0x450]  }
0x279: {  	s26 =	simm.s32 $0x200;
	v19 =	vadd.f32 v14, v19;
	v14 =	vand.u32 $0xFFFF0000, v10;
	v9 =	vshll.u32 v2, $0x10;
	v10 =	vld [tilespmem:s25+$0x460]  }
.LBB2_22:
0x27a: {  	s1 =	sshra.s32 s26, $0x2;
	p0 =	sne.s32 s26, $0x7E00;
	v18 =	vadd.f32 v18, v20;
	v8 =	vadd.f32 v8, v16;
	v16 =	vand.u32 $0xFFFF0000, v2;
	v20 =	vld [tilespmem:s25+$0x470]  }
0x27b: {  	v21 =	vld [tilespmem:s1+$0x8400];
	v17 =	vadd.f32 v17, v19;
	v7 =	vadd.f32 v7, v13;
	v13 =	vshll.u32 v1, $0x10  }
0x27c: {  	v22 =	vld [tilespmem:s1+$0x8410];
	v18 =	vmax.f32 v18, $0.0e+00;
	v8 =	vadd.f32 v15, v8;
	v6 =	vadd.f32 v6, v12  }
0x27d: {  	v2 =	vld [tilespmem:s1+$0x8420];
	[tilespmem:s25+$0x400] =	vst v18;
	v12 =	vmax.f32 v17, $0.0e+00;
	v7 =	vadd.f32 v14, v7;
	v5 =	vadd.f32 v5, v11  }
0x27e: {  	v11 =	vld [tilespmem:s1+$0x8430];
	[tilespmem:s25+$0x410] =	vst v12;
	v8 =	vmax.f32 v8, $0.0e+00;
	v6 =	vadd.f32 v9, v6;
	v4 =	vadd.f32 v4, v10  }
0x27f: {  	v9 =	vld [tilespmem:s1+$0x4400];
	[tilespmem:s25+$0x420] =	vst v8;
	v7 =	vmax.f32 v7, $0.0e+00;
	v5 =	vadd.f32 v16, v5;
	v3 =	vadd.f32 v3, v20  }
0x280: {  	v1 =	vand.u32 $0xFFFF0000, v1;
	v10 =	vld [tilespmem:s1+$0x4410];
	[tilespmem:s25+$0x430] =	vst v7;
	v6 =	vmax.f32 v6, $0.0e+00;
	v4 =	vadd.f32 v13, v4  }
0x281: {  	v8 =	vld [tilespmem:s1+$0x4420];
	[tilespmem:s25+$0x440] =	vst v6;
	v5 =	vmax.f32 v5, $0.0e+00;
	v12 =	vadd.f32 v1, v3  }
0x282: {  	v7 =	vld [tilespmem:s1+$0x4430];
	[tilespmem:s25+$0x450] =	vst v5;
	v3 =	vmax.f32 v4, $0.0e+00  }
0x283: {  	v6 =	vld [tilespmem:s1+$0x4440];
	[tilespmem:s25+$0x460] =	vst v3;
	v3 =	vmax.f32 v12, $0.0e+00;
	v1 =	vmov v11  }
0x284: {  	v5 =	vld [tilespmem:s1+$0x4450];
	[tilespmem:s25+$0x470] =	vst v3;
	s25 =	smov.u32 s1  }
0x285: {  	v4 =	vld [tilespmem:s25+$0x4460]  }
0x286: {  	v3 =	vld [tilespmem:s25+$0x4470]  }
0x287: {  	v11 =	vld [tilespmem:s25+$0x400]  }
0x288: {  	v14 =	vld [tilespmem:s25+$0x410]  }
.Ltmp14:
0x289: {  	v16 =	vld [tilespmem:s25+$0x420];
	(pc) =	sbr.rel @p0 .LBB2_22-.Ltmp14, $4  }
0x28a: {  	v13 =	vld [tilespmem:s25+$0x430]  }
0x28b: {  	v18 =	vshll.u32 v21, $0x10;
	v12 =	vld [tilespmem:s25+$0x440]  }
0x28c: {  	v17 =	vand.u32 $0xFFFF0000, v21;
	v15 =	vshll.u32 v22, $0x10;
	v20 =	vadd.f32 v9, v11;
	v11 =	vld [tilespmem:s25+$0x450]  }
0x28d: {  	s26 =	sadd.s32 $0x200, s26;
	v9 =	vshll.u32 v2, $0x10;
	v19 =	vadd.f32 v10, v14;
	v14 =	vand.u32 $0xFFFF0000, v22;
	v10 =	vld [tilespmem:s25+$0x460]  }
0x28e: {  	v18 =	vadd.f32 v18, v20;
	v8 =	vadd.f32 v8, v16;
	v2 =	vand.u32 $0xFFFF0000, v2;
	v59 =	vld [tilespmem:s25+$0x470]  }
0x28f: {  	v60 =	vshll.u32 v1, $0x10;
	v17 =	vadd.f32 v17, v19;
	v7 =	vadd.f32 v7, v13  }
0x290: {  	v18 =	vmax.f32 v18, $0.0e+00;
	v8 =	vadd.f32 v15, v8;
	v6 =	vadd.f32 v6, v12  }
0x291: {  	[tilespmem:s25+$0x400] =	vst v18;
	v61 =	vmax.f32 v17, $0.0e+00;
	v7 =	vadd.f32 v14, v7;
	v5 =	vadd.f32 v5, v11  }
0x292: {  	[tilespmem:s25+$0x410] =	vst v61;
	v8 =	vmax.f32 v8, $0.0e+00;
	v6 =	vadd.f32 v9, v6;
	v4 =	vadd.f32 v4, v10  }
0x293: {  	[tilespmem:s25+$0x420] =	vst v8;
	v7 =	vmax.f32 v7, $0.0e+00;
	v2 =	vadd.f32 v2, v5;
	v3 =	vadd.f32 v3, v59  }
0x294: {  	v1 =	vand.u32 $0xFFFF0000, v1;
	[tilespmem:s25+$0x430] =	vst v7;
	v62 =	vmax.f32 v6, $0.0e+00;
	v4 =	vadd.f32 v60, v4  }
0x295: {  	[tilespmem:s25+$0x440] =	vst v62;
	v2 =	vmax.f32 v2, $0.0e+00;
	v1 =	vadd.f32 v1, v3  }
0x296: {  	[tilespmem:s25+$0x450] =	vst v2;
	v2 =	vmax.f32 v4, $0.0e+00  }
0x297: {  	[tilespmem:s25+$0x460] =	vst v2;
	v1 =	vmax.f32 v1, $0.0e+00  }
0x298: {  	[tilespmem:s25+$0x470] =	vst v1  }
0x299: {  	[spmem:s14] =	stream.indirect.scatter.add.f32 [tilespmem:s13], [sflag:$0x3], $0x80, s11, s4, $0xb8;
	v63 =	vld [tilespmem:$0x0]  }
.LBB2_24:
0x29a: {  	p0 =	sge.u32 s24, s12  }
.Ltmp15:
0x29b: {  	_ = 	snop;
	(pc) =	sbr.rel @p0 .LBB2_28-.Ltmp15, $1  }
0x29c: {  	_ =	sdelay $0x3  }
0x29d: {  	s1 =	sadd.s32 $0x6, s24  }
0x29e: {  	p0 =	sge.u32 s1, s30  }
0x29f: {  	s25 =	simm.s32 @!p0 $0x5  }
0x2a0: {  	_ =	swait.ge @!p0 [sflag:s25], $0x40  }
0x2a1: {  	[sflag:s25] =	ssyncset.done @!p0 $0x0  }
0x2a2: {  	[sflag:s25] =	ssyncadd.s32 @!p0 $0xFFFFFFC0  }
0x2a3: {  	_ =	swait.ge @!p0 [sflag:s25], $0x40  }
0x2a4: {  	[sflag:s25] =	ssyncset.done @!p0 $0x0  }
0x2a5: {  	[sflag:s25] =	ssyncadd.s32 @!p0 $0xFFFFFFC0;
	s25 =	simm.s32 @!p0 $0x3  }
0x2a6: {  	_ =	swait.ge @!p0 [sflag:s25], $0x2000  }
0x2a7: {  	s26 =	simm.s32 @!p0 $0x0;
	[sflag:s25] =	ssyncset.done @!p0 $0x0  }
0x2a8: {  	s28 =	simm.s32 @!p0 $0x400;
	[sflag:s25] =	ssyncadd.s32 @!p0 $0xFFFFE000;
	s25 =	simm.s32 @!p0 $0x40  }
0x2a9: {  	[tilespmem:s28], [sflag:$0x1] =	stream.indirect.gather @!p0 [hbm4b:s0+s25], $0x80, s26, s25, $0xb8;
	v63 =	vld [tilespmem:$0x0]  }
0x2aa: {  	s29 =	simm.s32 @!p0 $0x4400;
	s1 =	sshll.u32 @!p0 s1, $0xE;
	s28 =	simm.s32 @!p0 $0x200  }
0x2ab: {  	[tilespmem:s29], [sflag:$0x1] =	stream.indirect.gather @!p0 [hbm4b:s16+s25], $0x80, s28, s25, $0xb8;
	v63 =	vld [tilespmem:$0x0]  }
0x2ac: {  	s1 =	sadd.s32 @!p0 s5, s1;
	s25 =	simm.s32 @!p0 $0x8400  }
0x2ad: {  	[tilespmem:s25], [sflag:$0x1] =	stream.linear.gather @!p0 [hbm4b:s1+s26], $0x2000, $0x38;
	v63 =	vld [tilespmem:$0x0]  }
0x2ae: {  	s1 =	sadd.s32 $0x7, s24  }
0x2af: {  	p0 =	sge.u32 s1, s30  }
0x2b0: {  	s1 =	sshll.u32 @!p0 s1, $0xA  }
0x2b1: {  	s1 =	sadd.s32 @!p0 s1, s3  }
0x2b2: {  	s1 =	sshrl.u32 @!p0 s1, $0x3  }
0x2b3: {  	s25 =	simm.s32 @!p0 $0x0;
	s26 =	simm.s32 @!p0 $0x80;
	s24 =	sadd.s32 @!p0 s17, s1  }
0x2b4: {  	[tilespmem:s26], [sflag:$0x6] =	stream.linear.gather @!p0 [hbm4b:s24+s25], $0x40, $0x38;
	v63 =	vld [tilespmem:$0x0]  }
0x2b5: {  	s1 =	sadd.s32 @!p0 s18, s1;
	s24 =	simm.s32 @!p0 $0x280  }
0x2b6: {  	[tilespmem:s24], [sflag:$0x6] =	stream.linear.gather @!p0 [hbm4b:s1+s25], $0x40, $0x38;
	v63 =	vld [tilespmem:$0x0]  }
0x2b7: {  	_ =	swait.ge [sflag:s19], $0x2000  }
0x2b8: {  	[sflag:s19] =	ssyncset.done $0x0  }
0x2b9: {  	[sflag:s19] =	ssyncadd.s32 $0xFFFFE000  }
0x2ba: {  	_ =	swait.ge [sflag:s19], $0x2000  }
0x2bb: {  	[sflag:s19] =	ssyncset.done $0x0  }
0x2bc: {  	[sflag:s19] =	ssyncadd.s32 $0xFFFFE000  }
0x2bd: {  	_ =	swait.ge [sflag:s19], $0x2000  }
0x2be: {  	[sflag:s19] =	ssyncset.done $0x0  }
0x2bf: {  	s24 =	simm.s32 $0x0;
	[sflag:s19] =	ssyncadd.s32 $0xFFFFE000  }
0x2c0: {  	v9 =	vld [tilespmem:s24+$0xA400]  }
0x2c1: {  	v10 =	vld [tilespmem:s24+$0xA410]  }
0x2c2: {  	v2 =	vld [tilespmem:s24+$0xA420]  }
0x2c3: {  	v1 =	vld [tilespmem:s24+$0xA430]  }
0x2c4: {  	v11 =	vld [tilespmem:s24+$0x6400]  }
0x2c5: {  	v14 =	vld [tilespmem:s24+$0x6410]  }
0x2c6: {  	v8 =	vld [tilespmem:s24+$0x6420]  }
0x2c7: {  	v7 =	vld [tilespmem:s24+$0x6430]  }
0x2c8: {  	v6 =	vld [tilespmem:s24+$0x6440]  }
0x2c9: {  	v5 =	vld [tilespmem:s24+$0x6450]  }
0x2ca: {  	v4 =	vld [tilespmem:s24+$0x6460]  }
0x2cb: {  	v3 =	vld [tilespmem:s24+$0x6470]  }
0x2cc: {  	v15 =	vld [tilespmem:s24+$0x2400]  }
0x2cd: {  	v19 =	vld [tilespmem:s24+$0x2410]  }
0x2ce: {  	v16 =	vld [tilespmem:s24+$0x2420]  }
0x2cf: {  	v13 =	vld [tilespmem:s24+$0x2430]  }
0x2d0: {  	v12 =	vld [tilespmem:s24+$0x2440];
	v18 =	vshll.u32 v9, $0x10  }
0x2d1: {  	v17 =	vand.u32 $0xFFFF0000, v9;
	v20 =	vadd.f32 v11, v15;
	v15 =	vshll.u32 v10, $0x10;
	v11 =	vld [tilespmem:s24+$0x2450]  }
0x2d2: {  	s25 =	simm.s32 $0x200;
	v19 =	vadd.f32 v14, v19;
	v14 =	vand.u32 $0xFFFF0000, v10;
	v9 =	vshll.u32 v2, $0x10;
	v10 =	vld [tilespmem:s24+$0x2460]  }
.LBB2_26:
0x2d3: {  	s1 =	sshra.s32 s25, $0x2;
	p0 =	sne.s32 s25, $0x7E00;
	v18 =	vadd.f32 v18, v20;
	v8 =	vadd.f32 v8, v16;
	v16 =	vand.u32 $0xFFFF0000, v2;
	v20 =	vld [tilespmem:s24+$0x2470]  }
0x2d4: {  	v21 =	vld [tilespmem:s1+$0xA400];
	v17 =	vadd.f32 v17, v19;
	v7 =	vadd.f32 v7, v13;
	v13 =	vshll.u32 v1, $0x10  }
0x2d5: {  	v22 =	vld [tilespmem:s1+$0xA410];
	v18 =	vmax.f32 v18, $0.0e+00;
	v8 =	vadd.f32 v15, v8;
	v6 =	vadd.f32 v6, v12  }
0x2d6: {  	v2 =	vld [tilespmem:s1+$0xA420];
	[tilespmem:s24+$0x2400] =	vst v18;
	v12 =	vmax.f32 v17, $0.0e+00;
	v7 =	vadd.f32 v14, v7;
	v5 =	vadd.f32 v5, v11  }
0x2d7: {  	v11 =	vld [tilespmem:s1+$0xA430];
	[tilespmem:s24+$0x2410] =	vst v12;
	v8 =	vmax.f32 v8, $0.0e+00;
	v6 =	vadd.f32 v9, v6;
	v4 =	vadd.f32 v4, v10  }
0x2d8: {  	v9 =	vld [tilespmem:s1+$0x6400];
	[tilespmem:s24+$0x2420] =	vst v8;
	v7 =	vmax.f32 v7, $0.0e+00;
	v5 =	vadd.f32 v16, v5;
	v3 =	vadd.f32 v3, v20  }
0x2d9: {  	v1 =	vand.u32 $0xFFFF0000, v1;
	v10 =	vld [tilespmem:s1+$0x6410];
	[tilespmem:s24+$0x2430] =	vst v7;
	v6 =	vmax.f32 v6, $0.0e+00;
	v4 =	vadd.f32 v13, v4  }
0x2da: {  	v8 =	vld [tilespmem:s1+$0x6420];
	[tilespmem:s24+$0x2440] =	vst v6;
	v5 =	vmax.f32 v5, $0.0e+00;
	v12 =	vadd.f32 v1, v3  }
0x2db: {  	v7 =	vld [tilespmem:s1+$0x6430];
	[tilespmem:s24+$0x2450] =	vst v5;
	v3 =	vmax.f32 v4, $0.0e+00  }
0x2dc: {  	v6 =	vld [tilespmem:s1+$0x6440];
	[tilespmem:s24+$0x2460] =	vst v3;
	v3 =	vmax.f32 v12, $0.0e+00;
	v1 =	vmov v11  }
0x2dd: {  	v5 =	vld [tilespmem:s1+$0x6450];
	[tilespmem:s24+$0x2470] =	vst v3;
	s24 =	smov.u32 s1  }
0x2de: {  	v4 =	vld [tilespmem:s24+$0x6460]  }
0x2df: {  	v3 =	vld [tilespmem:s24+$0x6470]  }
0x2e0: {  	v11 =	vld [tilespmem:s24+$0x2400]  }
0x2e1: {  	v14 =	vld [tilespmem:s24+$0x2410]  }
.Ltmp16:
0x2e2: {  	v16 =	vld [tilespmem:s24+$0x2420];
	(pc) =	sbr.rel @p0 .LBB2_26-.Ltmp16, $4  }
0x2e3: {  	v13 =	vld [tilespmem:s24+$0x2430]  }
0x2e4: {  	v18 =	vshll.u32 v21, $0x10;
	v12 =	vld [tilespmem:s24+$0x2440]  }
0x2e5: {  	v17 =	vand.u32 $0xFFFF0000, v21;
	v15 =	vshll.u32 v22, $0x10;
	v20 =	vadd.f32 v9, v11;
	v11 =	vld [tilespmem:s24+$0x2450]  }
0x2e6: {  	s25 =	sadd.s32 $0x200, s25;
	v9 =	vshll.u32 v2, $0x10;
	v19 =	vadd.f32 v10, v14;
	v14 =	vand.u32 $0xFFFF0000, v22;
	v10 =	vld [tilespmem:s24+$0x2460]  }
0x2e7: {  	v18 =	vadd.f32 v18, v20;
	v8 =	vadd.f32 v8, v16;
	v2 =	vand.u32 $0xFFFF0000, v2;
	v59 =	vld [tilespmem:s24+$0x2470]  }
0x2e8: {  	v60 =	vshll.u32 v1, $0x10;
	v17 =	vadd.f32 v17, v19;
	v7 =	vadd.f32 v7, v13  }
0x2e9: {  	v18 =	vmax.f32 v18, $0.0e+00;
	v8 =	vadd.f32 v15, v8;
	v6 =	vadd.f32 v6, v12  }
0x2ea: {  	[tilespmem:s24+$0x2400] =	vst v18;
	v61 =	vmax.f32 v17, $0.0e+00;
	v7 =	vadd.f32 v14, v7;
	v5 =	vadd.f32 v5, v11  }
0x2eb: {  	[tilespmem:s24+$0x2410] =	vst v61;
	v8 =	vmax.f32 v8, $0.0e+00;
	v6 =	vadd.f32 v9, v6;
	v4 =	vadd.f32 v4, v10  }
0x2ec: {  	[tilespmem:s24+$0x2420] =	vst v8;
	v7 =	vmax.f32 v7, $0.0e+00;
	v2 =	vadd.f32 v2, v5;
	v3 =	vadd.f32 v3, v59  }
0x2ed: {  	v1 =	vand.u32 $0xFFFF0000, v1;
	[tilespmem:s24+$0x2430] =	vst v7;
	v62 =	vmax.f32 v6, $0.0e+00;
	v4 =	vadd.f32 v60, v4  }
.Ltmp17:
0x2ee: {  	[tilespmem:s24+$0x2440] =	vst v62;
	v2 =	vmax.f32 v2, $0.0e+00;
	v1 =	vadd.f32 v1, v3;
	(pc) =	sbr.rel .LBB2_28-.Ltmp17, $4  }
0x2ef: {  	[tilespmem:s24+$0x2450] =	vst v2;
	v2 =	vmax.f32 v4, $0.0e+00  }
0x2f0: {  	[tilespmem:s24+$0x2460] =	vst v2;
	v1 =	vmax.f32 v1, $0.0e+00  }
0x2f1: {  	[tilespmem:s24+$0x2470] =	vst v1  }
0x2f2: {  	[spmem:s14] =	stream.indirect.scatter.add.f32 [tilespmem:s20], [sflag:$0x4], $0x80, s21, s4, $0xb8;
	v63 =	vld [tilespmem:$0x0]  }
.LBB2_30:
0x2f3: {  	_ =	sfence.sel $0x180000  }
0x2f4: {  	[bflag:$0x0] =	sbarrier.arrive $0xFFFF  }
0x2f5: {  	_ =	strace $0x90000047  }
0x2f6: {  	s0 =	stileid.u32;
	[bflag:$0x2] =	sbarrier.arrive $0xFFFF  }
0x2f7: {  	p0 =	sne.s32 s0, $0x0;
	s0 =	rddreg [dreg:$0x3]  }
0x2f8: {  	s0 =	sadd.s32 @!p0 $0x100000, s0  }
0x2f9: {  	[sflag:s0] =	ssyncadd.tile.s32 @!p0 $0x1;
	_ =	shalt  }
.Lfunc_end2:
_tile_overlayer_lowered:
.L_overlay_start_2:
0x2fa: {  	(tag) =	ssettag $0x2  }
0x2fb: {  	s0 =	rddreg [dreg:$0x0];
	s2 =	stileid.u32  }
0x2fc: {  	s1 =	rddreg [dreg:$0x1];
	p0 =	sne.s32 s2, $0x0  }
0x2fd: {  	s3 =	rddreg [dreg:$0x2];
	[bflag:$0x3] =	sbarrier.arrive $0xFFFF;
	s2 =	simm.s32 @!p0 $0x1C08  }
0x2fe: {  	[timem:s3], [sflag:s2] =	dma.local @!p0 [hbm:s0], s1  }
0x2ff: {  	s0 =	simm.s32 @!p0 $0x8  }
0x300: {  	_ =	swait.ge @!p0 [sflag:s0], s1  }
0x301: {  	s1 =	ssub.s32 @!p0 $0x0, s1;
	[sflag:s0] =	ssyncset.done @!p0 $0x0  }
0x302: {  	[sflag:s0] =	ssyncadd.s32 @!p0 s1  }
0x303: {  	[bflag:$0x3] =	sbarrier.arrive $0xFFFF  }
0x304: {  	_ =	shalt  }

</sc_bundles>
